<compile_context>
chip_gen: v7x
topology: tpu7x:2x2x1
jax: 0.10.2.dev20260603
libtpu: 0.0.44.dev20260713+nightly
codegen_flags: <defaults>
</compile_context>

<pallas_src>
import functools

import jax
import jax.numpy as jnp
from jax import lax
from jax.experimental import pallas as pl
from jax.experimental.pallas import tpu as pltpu
from jax.experimental.pallas import tpu_sc as plsc

NC = 2
NS = 16
NW = NC * NS
D = 128
BPC = 256
IB = 128


def _phase(idx_hbm, table_hbm, out_hbm, *, bag, total, bpc, wid, slots):
    ns = -(-bpc // IB)
    n = max(-(-total // (NW * bpc)), 3)
    tile0 = wid * n * bpc
    last = total - bpc
    K = 16

    def start_of(c):
        s0 = tile0 + c * bpc
        over = s0 - last
        k = jnp.where(over > 0, ((over + bpc - 1) // bpc) % K, 0)
        return jnp.where(over > 0, last - k * bpc, s0)

    def stage(c, idxb, sem):
        s0 = start_of(c)
        for j in range(bag):
            pltpu.async_copy(idx_hbm.at[pl.ds(j * total + s0, bpc)],
                             idxb.at[pl.ds(j * bpc, bpc)], sem)

    def stage_wait(c, idxb, sem):
        s0 = start_of(c)
        for j in range(bag):
            pltpu.make_async_copy(idx_hbm.at[pl.ds(j * total + s0, bpc)],
                                  idxb.at[pl.ds(j * bpc, bpc)], sem).wait()

    def fire_base(idxb, rowsb, sem):
        for b in range(ns):
            pltpu.async_copy(table_hbm.at[idxb.at[pl.ds(b * IB, IB)]],
                             rowsb.at[pl.ds(b * IB, IB)], sem)

    def drain_base(idxb, rowsb, sem):
        for b in range(ns):
            pltpu.make_async_copy(table_hbm.at[idxb.at[pl.ds(b * IB, IB)]],
                                  rowsb.at[pl.ds(b * IB, IB)], sem).wait()

    def fire_add(idxb, rowsb, sem):
        for j in range(1, bag):
            for b in range(ns):
                pltpu.async_copy(
                    table_hbm.at[idxb.at[pl.ds(j * bpc + b * IB, IB)]],
                    rowsb.at[pl.ds(b * IB, IB)], sem, add=True)

    def drain_add(idxb, rowsb, sem):
        for j in range(1, bag):
            for b in range(ns):
                pltpu.make_async_copy(
                    table_hbm.at[idxb.at[pl.ds(j * bpc + b * IB, IB)]],
                    rowsb.at[pl.ds(b * IB, IB)], sem).wait()

    def put(c, rowsb, sem):
        pltpu.async_copy(rowsb.at[pl.ds(0, bpc)],
                         out_hbm.at[pl.ds(start_of(c), bpc)], sem)

    def put_wait(c, rowsb, sem):
        pltpu.make_async_copy(rowsb.at[pl.ds(0, bpc)],
                              out_hbm.at[pl.ds(start_of(c), bpc)], sem).wait()

    for k in range(3):
        stage(k, slots[k][0], slots[k][3])
    stage_wait(0, slots[0][0], slots[0][3])
    fire_base(slots[0][0], slots[0][1], slots[0][2])

    def step(c, X, Y):
        idxX, rowsX, sgX, siX, soX = X
        idxY, rowsY, sgY, siY, soY = Y
        drain_base(idxX, rowsX, sgX)
        fire_add(idxX, rowsX, sgX)

        @pl.when(c + 1 < n)
        def _():
            stage_wait(c + 1, idxY, siY)

            @pl.when(c >= 2)
            def _():
                put_wait(c - 2, rowsY, soY)

            fire_base(idxY, rowsY, sgY)

        drain_add(idxX, rowsX, sgX)

        @pl.when(c + 3 < n)
        def _():
            stage(c + 3, idxX, siX)

        put(c, rowsX, soX)

    def outer(cc, _):
        c0 = 3 * cc
        for k in range(3):
            step(c0 + k, slots[k], slots[(k + 1) % 3])
        return 0

    lax.fori_loop(0, n // 3, outer, 0, unroll=False)
    for c in range(n - n % 3, n):
        step(c, slots[c % 3], slots[(c + 1) % 3])
    for c in (n - 3, n - 2, n - 1):
        put_wait(c, slots[c % 3][1], slots[c % 3][4])


def _sc_kernel(nv, ne):
    mesh = plsc.VectorSubcoreMesh(core_axis_name="c", subcore_axis_name="s")

    @functools.partial(
        pl.kernel,
        out_type=(
            jax.ShapeDtypeStruct((nv, D), jnp.float32),
            jax.ShapeDtypeStruct((ne, D), jnp.float32),
        ),
        mesh=mesh,
        compiler_params=pltpu.CompilerParams(use_tc_tiling_on_sc=True),
        scratch_types=[
            pltpu.VMEM((4 * BPC,), jnp.int32),
            pltpu.VMEM((4 * BPC,), jnp.int32),
            pltpu.VMEM((4 * BPC,), jnp.int32),
            pltpu.VMEM((BPC, D), jnp.float32),
            pltpu.VMEM((BPC, D), jnp.float32),
            pltpu.VMEM((BPC, D), jnp.float32),
            pltpu.SemaphoreType.DMA,
            pltpu.SemaphoreType.DMA,
            pltpu.SemaphoreType.DMA,
            pltpu.SemaphoreType.DMA,
            pltpu.SemaphoreType.DMA,
            pltpu.SemaphoreType.DMA,
            pltpu.SemaphoreType.DMA,
            pltpu.SemaphoreType.DMA,
            pltpu.SemaphoreType.DMA,
            pltpu.VMEM_SHARED((1000, D), jnp.float32),
        ],
    )
    def k(vidx_hbm, eidx_hbm, node_hbm, edge_hbm, vout_hbm, eout_hbm,
          idx0, idx1, idx2, rows0, rows1, rows2,
          sg0, sg1, sg2, si0, si1, si2, so0, so1, so2, etab_sp):
        wid = lax.axis_index("s") * NC + lax.axis_index("c")
        sid = lax.axis_index("s")
        slots = ((idx0, rows0, sg0, si0, so0),
                 (idx1, rows1, sg1, si1, so1),
                 (idx2, rows2, sg2, si2, so2))

        @pl.when(sid < 7)
        def _():
            pltpu.sync_copy(edge_hbm.at[pl.ds(sid * 128, 128)],
                            etab_sp.at[pl.ds(sid * 128, 128)])

        @pl.when(sid == 7)
        def _():
            pltpu.sync_copy(edge_hbm.at[pl.ds(896, 104)],
                            etab_sp.at[pl.ds(896, 104)])

        _phase(vidx_hbm, node_hbm, vout_hbm, bag=4, total=nv, bpc=256,
               wid=wid, slots=slots)
        plsc.subcore_barrier()
        _phase(eidx_hbm, etab_sp, eout_hbm, bag=2, total=ne, bpc=256,
               wid=wid, slots=slots)

    return k


def kernel(V, E, node_table, edge_table):
    nv, bag_v = V.shape
    ne, bag_e = E.shape
    assert bag_v == 4 and bag_e == 2 and nv % 8 == 0 and ne % 8 == 0
    vflat = jnp.concatenate([V[:, j].astype(jnp.int32) for j in range(bag_v)])
    eflat = jnp.concatenate([E[:, j].astype(jnp.int32) for j in range(bag_e)])
    return _sc_kernel(nv, ne)(vflat, eflat, node_table, edge_table)

# --- scband reference (transcript-rebuilt; emitter-appended) ---
"""Pipeline reference for scband-graph-embedding-31825707664104 (READ-ONLY COPY).

The authoritative reference and input builder live on the scoring server;
editing this copy changes nothing except your own understanding.
"""

import jax, jax.numpy as jnp
import numpy as np

NUM_NODE_TYPES = 100000
NUM_EDGE_TYPES = 1000
HIDDEN_DIM = 128


def setup_inputs(seed: int = 0) -> dict:
    key = jax.random.key(seed)
    k1, k2, k3, k4 = jax.random.split(key, 4)
    V = jax.random.randint(k1, (50000, 4), 0, NUM_NODE_TYPES)
    E = jax.random.randint(k2, (800000, 2), 0, NUM_EDGE_TYPES)
    node_table = jax.random.normal(k3, (NUM_NODE_TYPES, HIDDEN_DIM), dtype=jnp.float32) * 0.02
    edge_table = jax.random.normal(k4, (NUM_EDGE_TYPES, HIDDEN_DIM), dtype=jnp.float32) * 0.02
    return {"V": V, "E": E, "node_table": node_table, "edge_table": edge_table}


def reference(V, E, node_table, edge_table):
    # nn.EmbeddingBag(mode='sum') with 2D input [B, bag]: gather then sum over bag dim
    V_emb = jnp.take(node_table, V, axis=0).sum(axis=1)
    E_emb = jnp.take(edge_table, E, axis=0).sum(axis=1)
    # Graph copy with embedded V and E -> return the two embedded tensors
    return (V_emb, E_emb)

if __name__ == "__main__":
    import jax
    _d = setup_inputs()
    print(jax.jit(kernel)(*tuple(_d.values())))

</pallas_src>

<mosaic_0001>
#map = affine_map<(d0, d1) -> (0)>
#map1 = affine_map<(d0, d1) -> (0, 0)>
module attributes {stable_mosaic.version = 14 : i64} {
  func.func @k(%arg0: i32, %arg1: i32, %arg2: memref<200000xi32, #tpu.memory_space<hbm>>, %arg3: memref<1600000xi32, #tpu.memory_space<hbm>>, %arg4: memref<100000x128xf32, #tpu.memory_space<hbm>>, %arg5: memref<1000x128xf32, #tpu.memory_space<hbm>>, %arg6: memref<50000x128xf32, #tpu.memory_space<hbm>>, %arg7: memref<800000x128xf32, #tpu.memory_space<hbm>>, %arg8: memref<1024xi32, #tpu.memory_space<vmem>>, %arg9: memref<1024xi32, #tpu.memory_space<vmem>>, %arg10: memref<1024xi32, #tpu.memory_space<vmem>>, %arg11: memref<256x128xf32, #tpu.memory_space<vmem>>, %arg12: memref<256x128xf32, #tpu.memory_space<vmem>>, %arg13: memref<256x128xf32, #tpu.memory_space<vmem>>, %arg14: memref<!tpu.dma_semaphore, #tpu.memory_space<semaphore_mem>>, %arg15: memref<!tpu.dma_semaphore, #tpu.memory_space<semaphore_mem>>, %arg16: memref<!tpu.dma_semaphore, #tpu.memory_space<semaphore_mem>>, %arg17: memref<!tpu.dma_semaphore, #tpu.memory_space<semaphore_mem>>, %arg18: memref<!tpu.dma_semaphore, #tpu.memory_space<semaphore_mem>>, %arg19: memref<!tpu.dma_semaphore, #tpu.memory_space<semaphore_mem>>, %arg20: memref<!tpu.dma_semaphore, #tpu.memory_space<semaphore_mem>>, %arg21: memref<!tpu.dma_semaphore, #tpu.memory_space<semaphore_mem>>, %arg22: memref<!tpu.dma_semaphore, #tpu.memory_space<semaphore_mem>>, %arg23: memref<1000x128xf32, #tpu.memory_space<vmem_shared>>) attributes {dimension_semantics = [#tpu.dimension_semantics<core_parallel>, #tpu.dimension_semantics<subcore_parallel>], iteration_bounds = array<i64: 2, 16>, scalar_prefetch = 0 : i64, scratch_operands = 16 : i64, tpu.core_type = #tpu.core_type<sc_vector_subcore>, window_params = [{transform_indices = #map}, {transform_indices = #map}, {transform_indices = #map1}, {transform_indices = #map1}, {transform_indices = #map1}, {transform_indices = #map1}]} {
    %mul3A = arith.constant 2 : i32
    %mul3A_0 = arith.muli %arg1, %mul3A : i32
    %add3A = arith.addi %mul3A_0, %arg0 : i32
    %lt3A = arith.constant 7 : i32
    %lt3A_1 = arith.cmpi slt, %arg1, %lt3A : i32
    %convert_element_type3A = arith.extui %lt3A_1 : i1 to i32
    %cond3A = arith.constant 0 : i32
    %cond3A_2 = arith.cmpi ne, %convert_element_type3A, %cond3A : i32
    scf.if %cond3A_2 {
      %mul3A_1702 = arith.constant 128 : i32
      %mul3A_1703 = arith.muli %arg1, %mul3A_1702 : i32
      %mul3A_1704 = arith.constant 128 : i32
      %mul3A_1705 = arith.muli %arg1, %mul3A_1704 : i32
      "tpu.region"() ({
        %run_scoped3A = tpu.sem_alloc : memref<!tpu.dma_semaphore, #tpu.memory_space<semaphore_mem>>
        %dma_start3A_1706 = arith.constant 0 : i32
        %dma_start3A_1707 = tpu.memref_slice %arg23[%mul3A_1705, %dma_start3A_1706] : memref<1000x128xf32, #tpu.memory_space<vmem_shared>> -> memref<128x128xf32, #tpu.memory_space<vmem_shared>>
        %dma_start3A_1708 = arith.constant 0 : i32
        %dma_start3A_1709 = tpu.memref_slice %arg5[%mul3A_1703, %dma_start3A_1708] : memref<1000x128xf32, #tpu.memory_space<hbm>> -> memref<128x128xf32, #tpu.memory_space<hbm>>
        tpu.enqueue_dma source(%dma_start3A_1709 : memref<128x128xf32, #tpu.memory_space<hbm>>) target(%dma_start3A_1707 : memref<128x128xf32, #tpu.memory_space<vmem_shared>>) target_semaphore(%run_scoped3A : memref<!tpu.dma_semaphore, #tpu.memory_space<semaphore_mem>>)
        %dma_wait3A_1710 = arith.constant 0 : i32
        %dma_wait3A_1711 = tpu.memref_slice %arg23[%mul3A_1705, %dma_wait3A_1710] : memref<1000x128xf32, #tpu.memory_space<vmem_shared>> -> memref<128x128xf32, #tpu.memory_space<vmem_shared>>
        %dma_wait3A_1712 = arith.constant 0 : i32
        %dma_wait3A_1713 = tpu.memref_slice %arg5[%mul3A_1703, %dma_wait3A_1712] : memref<1000x128xf32, #tpu.memory_space<hbm>> -> memref<128x128xf32, #tpu.memory_space<hbm>>
        tpu.wait_dma2 semaphore(%run_scoped3A : memref<!tpu.dma_semaphore, #tpu.memory_space<semaphore_mem>>) src(%dma_wait3A_1713 : memref<128x128xf32, #tpu.memory_space<hbm>>) dst(%dma_wait3A_1711 : memref<128x128xf32, #tpu.memory_space<vmem_shared>>)
        tpu.yield
      }) : () -> ()
    } else {
    }
    %eq3A = arith.constant 7 : i32
    %eq3A_3 = arith.cmpi eq, %arg1, %eq3A : i32
    %convert_element_type3A_4 = arith.extui %eq3A_3 : i1 to i32
    %cond3A_5 = arith.constant 0 : i32
    %cond3A_6 = arith.cmpi ne, %convert_element_type3A_4, %cond3A_5 : i32
    scf.if %cond3A_6 {
      "tpu.region"() ({
        %run_scoped3A = tpu.sem_alloc : memref<!tpu.dma_semaphore, #tpu.memory_space<semaphore_mem>>
        %dma_start3A_1702 = arith.constant 896 : i32
        %dma_start3A_1703 = arith.constant 0 : i32
        %dma_start3A_1704 = tpu.memref_slice %arg23[%dma_start3A_1702, %dma_start3A_1703] : memref<1000x128xf32, #tpu.memory_space<vmem_shared>> -> memref<104x128xf32, #tpu.memory_space<vmem_shared>>
        %dma_start3A_1705 = arith.constant 896 : i32
        %dma_start3A_1706 = arith.constant 0 : i32
        %dma_start3A_1707 = tpu.memref_slice %arg5[%dma_start3A_1705, %dma_start3A_1706] : memref<1000x128xf32, #tpu.memory_space<hbm>> -> memref<104x128xf32, #tpu.memory_space<hbm>>
        tpu.enqueue_dma source(%dma_start3A_1707 : memref<104x128xf32, #tpu.memory_space<hbm>>) target(%dma_start3A_1704 : memref<104x128xf32, #tpu.memory_space<vmem_shared>>) target_semaphore(%run_scoped3A : memref<!tpu.dma_semaphore, #tpu.memory_space<semaphore_mem>>)
        %dma_wait3A_1708 = arith.constant 896 : i32
        %dma_wait3A_1709 = arith.constant 0 : i32
        %dma_wait3A_1710 = tpu.memref_slice %arg23[%dma_wait3A_1708, %dma_wait3A_1709] : memref<1000x128xf32, #tpu.memory_space<vmem_shared>> -> memref<104x128xf32, #tpu.memory_space<vmem_shared>>
        %dma_wait3A_1711 = arith.constant 896 : i32
        %dma_wait3A_1712 = arith.constant 0 : i32
        %dma_wait3A_1713 = tpu.memref_slice %arg5[%dma_wait3A_1711, %dma_wait3A_1712] : memref<1000x128xf32, #tpu.memory_space<hbm>> -> memref<104x128xf32, #tpu.memory_space<hbm>>
        tpu.wait_dma2 semaphore(%run_scoped3A : memref<!tpu.dma_semaphore, #tpu.memory_space<semaphore_mem>>) src(%dma_wait3A_1713 : memref<104x128xf32, #tpu.memory_space<hbm>>) dst(%dma_wait3A_1710 : memref<104x128xf32, #tpu.memory_space<vmem_shared>>)
        tpu.yield
      }) : () -> ()
    } else {
    }
    %mul3A_7 = arith.constant 7 : i32
    %mul3A_8 = arith.muli %add3A, %mul3A_7 : i32
    %mul3A_9 = arith.constant 256 : i32
    %mul3A_10 = arith.muli %mul3A_8, %mul3A_9 : i32
    %add3A_11 = arith.constant 0 : i32
    %add3A_12 = arith.addi %mul3A_10, %add3A_11 : i32
    %sub3A = arith.constant 49744 : i32
    %sub3A_13 = arith.subi %add3A_12, %sub3A : i32
    %gt3A = arith.constant 0 : i32
    %gt3A_14 = arith.cmpi sgt, %sub3A_13, %gt3A : i32
    %add3A_15 = arith.constant 256 : i32
    %add3A_16 = arith.addi %sub3A_13, %add3A_15 : i32
    %sub3A_17 = arith.constant 1 : i32
    %sub3A_18 = arith.subi %add3A_16, %sub3A_17 : i32
    %jit3A = arith.constant 256 : i32
    %div3A = arith.divsi %sub3A_18, %jit3A : i32
    %sign3A = arith.constant 0 : i32
    %sign3A_19 = arith.cmpi sgt, %sub3A_18, %sign3A : i32
    %sign3A_20 = arith.extui %sign3A_19 : i1 to i32
    %sign3A_21 = arith.constant 0 : i32
    %sign3A_22 = arith.cmpi slt, %sub3A_18, %sign3A_21 : i32
    %sign3A_23 = arith.extui %sign3A_22 : i1 to i32
    %sign3A_24 = arith.subi %sign3A_20, %sign3A_23 : i32
    %sign3A_25 = arith.constant 0 : i32
    %sign3A_26 = arith.cmpi sgt, %jit3A, %sign3A_25 : i32
    %sign3A_27 = arith.extui %sign3A_26 : i1 to i32
    %sign3A_28 = arith.constant 0 : i32
    %sign3A_29 = arith.cmpi slt, %jit3A, %sign3A_28 : i32
    %sign3A_30 = arith.extui %sign3A_29 : i1 to i32
    %sign3A_31 = arith.subi %sign3A_27, %sign3A_30 : i32
    %ne3A = arith.cmpi ne, %sign3A_24, %sign3A_31 : i32
    %rem3A = arith.remsi %sub3A_18, %jit3A : i32
    %ne3A_32 = arith.constant 0 : i32
    %ne3A_33 = arith.cmpi ne, %rem3A, %ne3A_32 : i32
    %and3A = arith.andi %ne3A, %ne3A_33 : i1
    %sub3A_34 = arith.constant 1 : i32
    %sub3A_35 = arith.subi %div3A, %sub3A_34 : i32
    %select_n3A = arith.select %and3A, %sub3A_35, %div3A : i32
    %jit3A_36 = arith.constant 16 : i32
    %eq3A_37 = arith.constant 0 : i32
    %eq3A_38 = arith.cmpi eq, %jit3A_36, %eq3A_37 : i32
    %jit3A_39 = arith.constant 1 : i32
    %select_n3A_40 = arith.select %eq3A_38, %jit3A_39, %jit3A_36 : i32
    %rem3A_41 = arith.remsi %select_n3A, %select_n3A_40 : i32
    %ne3A_42 = arith.constant 0 : i32
    %ne3A_43 = arith.cmpi ne, %rem3A_41, %ne3A_42 : i32
    %lt3A_44 = arith.constant 0 : i32
    %lt3A_45 = arith.cmpi slt, %rem3A_41, %lt3A_44 : i32
    %lt3A_46 = arith.constant 0 : i32
    %lt3A_47 = arith.cmpi slt, %select_n3A_40, %lt3A_46 : i32
    %ne3A_48 = arith.xori %lt3A_45, %lt3A_47 : i1
    %and3A_49 = arith.andi %ne3A_48, %ne3A_43 : i1
    %add3A_50 = arith.addi %rem3A_41, %select_n3A_40 : i32
    %select_n3A_51 = arith.select %and3A_49, %add3A_50, %rem3A_41 : i32
    %jit3A_52 = arith.constant 0 : i32
    %select_n3A_53 = arith.select %gt3A_14, %select_n3A_51, %jit3A_52 : i32
    %gt3A_54 = arith.constant 0 : i32
    %gt3A_55 = arith.cmpi sgt, %sub3A_13, %gt3A_54 : i32
    %mul3A_56 = arith.constant 256 : i32
    %mul3A_57 = arith.muli %select_n3A_53, %mul3A_56 : i32
    %sub3A_58 = arith.constant 49744 : i32
    %sub3A_59 = arith.subi %sub3A_58, %mul3A_57 : i32
    %select_n3A_60 = arith.select %gt3A_55, %sub3A_59, %add3A_12 : i32
    %add3A_61 = arith.constant 0 : i32
    %add3A_62 = arith.addi %add3A_61, %select_n3A_60 : i32
    %dma_start3A = arith.constant 0 : i32
    %dma_start3A_63 = tpu.memref_slice %arg8[%dma_start3A] : memref<1024xi32, #tpu.memory_space<vmem>> -> memref<256xi32, #tpu.memory_space<vmem>>
    %dma_start3A_64 = tpu.memref_slice %arg2[%add3A_62] : memref<200000xi32, #tpu.memory_space<hbm>> -> memref<256xi32, #tpu.memory_space<hbm>>
    %dma_start3A_65 = arith.constant 0 : i32
    %dma_start3A_66 = tpu.memref_slice %arg8[%dma_start3A_65] : memref<1024xi32, #tpu.memory_space<vmem>> -> memref<256xi32, #tpu.memory_space<vmem>>
    %dma_start3A_67 = tpu.memref_slice %arg2[%add3A_62] : memref<200000xi32, #tpu.memory_space<hbm>> -> memref<256xi32, #tpu.memory_space<hbm>>
    tpu.enqueue_dma source(%dma_start3A_67 : memref<256xi32, #tpu.memory_space<hbm>>) target(%dma_start3A_66 : memref<256xi32, #tpu.memory_space<vmem>>) target_semaphore(%arg17 : memref<!tpu.dma_semaphore, #tpu.memory_space<semaphore_mem>>)
    %add3A_68 = arith.constant 50000 : i32
    %add3A_69 = arith.addi %add3A_68, %select_n3A_60 : i32
    %dma_start3A_70 = arith.constant 256 : i32
    %dma_start3A_71 = tpu.memref_slice %arg8[%dma_start3A_70] : memref<1024xi32, #tpu.memory_space<vmem>> -> memref<256xi32, #tpu.memory_space<vmem>>
    %dma_start3A_72 = tpu.memref_slice %arg2[%add3A_69] : memref<200000xi32, #tpu.memory_space<hbm>> -> memref<256xi32, #tpu.memory_space<hbm>>
    %dma_start3A_73 = arith.constant 256 : i32
    %dma_start3A_74 = tpu.memref_slice %arg8[%dma_start3A_73] : memref<1024xi32, #tpu.memory_space<vmem>> -> memref<256xi32, #tpu.memory_space<vmem>>
    %dma_start3A_75 = tpu.memref_slice %arg2[%add3A_69] : memref<200000xi32, #tpu.memory_space<hbm>> -> memref<256xi32, #tpu.memory_space<hbm>>
    tpu.enqueue_dma source(%dma_start3A_75 : memref<256xi32, #tpu.memory_space<hbm>>) target(%dma_start3A_74 : memref<256xi32, #tpu.memory_space<vmem>>) target_semaphore(%arg17 : memref<!tpu.dma_semaphore, #tpu.memory_space<semaphore_mem>>)
    %add3A_76 = arith.constant 100000 : i32
    %add3A_77 = arith.addi %add3A_76, %select_n3A_60 : i32
    %dma_start3A_78 = arith.constant 512 : i32
    %dma_start3A_79 = tpu.memref_slice %arg8[%dma_start3A_78] : memref<1024xi32, #tpu.memory_space<vmem>> -> memref<256xi32, #tpu.memory_space<vmem>>
    %dma_start3A_80 = tpu.memref_slice %arg2[%add3A_77] : memref<200000xi32, #tpu.memory_space<hbm>> -> memref<256xi32, #tpu.memory_space<hbm>>
    %dma_start3A_81 = arith.constant 512 : i32
    %dma_start3A_82 = tpu.memref_slice %arg8[%dma_start3A_81] : memref<1024xi32, #tpu.memory_space<vmem>> -> memref<256xi32, #tpu.memory_space<vmem>>
    %dma_start3A_83 = tpu.memref_slice %arg2[%add3A_77] : memref<200000xi32, #tpu.memory_space<hbm>> -> memref<256xi32, #tpu.memory_space<hbm>>
    tpu.enqueue_dma source(%dma_start3A_83 : memref<256xi32, #tpu.memory_space<hbm>>) target(%dma_start3A_82 : memref<256xi32, #tpu.memory_space<vmem>>) target_semaphore(%arg17 : memref<!tpu.dma_semaphore, #tpu.memory_space<semaphore_mem>>)
    %add3A_84 = arith.constant 150000 : i32
    %add3A_85 = arith.addi %add3A_84, %select_n3A_60 : i32
    %dma_start3A_86 = arith.constant 768 : i32
    %dma_start3A_87 = tpu.memref_slice %arg8[%dma_start3A_86] : memref<1024xi32, #tpu.memory_space<vmem>> -> memref<256xi32, #tpu.memory_space<vmem>>
    %dma_start3A_88 = tpu.memref_slice %arg2[%add3A_85] : memref<200000xi32, #tpu.memory_space<hbm>> -> memref<256xi32, #tpu.memory_space<hbm>>
    %dma_start3A_89 = arith.constant 768 : i32
    %dma_start3A_90 = tpu.memref_slice %arg8[%dma_start3A_89] : memref<1024xi32, #tpu.memory_space<vmem>> -> memref<256xi32, #tpu.memory_space<vmem>>
    %dma_start3A_91 = tpu.memref_slice %arg2[%add3A_85] : memref<200000xi32, #tpu.memory_space<hbm>> -> memref<256xi32, #tpu.memory_space<hbm>>
    tpu.enqueue_dma source(%dma_start3A_91 : memref<256xi32, #tpu.memory_space<hbm>>) target(%dma_start3A_90 : memref<256xi32, #tpu.memory_space<vmem>>) target_semaphore(%arg17 : memref<!tpu.dma_semaphore, #tpu.memory_space<semaphore_mem>>)
    %add3A_92 = arith.constant 256 : i32
    %add3A_93 = arith.addi %mul3A_10, %add3A_92 : i32
    %sub3A_94 = arith.constant 49744 : i32
    %sub3A_95 = arith.subi %add3A_93, %sub3A_94 : i32
    %gt3A_96 = arith.constant 0 : i32
    %gt3A_97 = arith.cmpi sgt, %sub3A_95, %gt3A_96 : i32
    %add3A_98 = arith.constant 256 : i32
    %add3A_99 = arith.addi %sub3A_95, %add3A_98 : i32
    %sub3A_100 = arith.constant 1 : i32
    %sub3A_101 = arith.subi %add3A_99, %sub3A_100 : i32
    %jit3A_102 = arith.constant 256 : i32
    %div3A_103 = arith.divsi %sub3A_101, %jit3A_102 : i32
    %sign3A_104 = arith.constant 0 : i32
    %sign3A_105 = arith.cmpi sgt, %sub3A_101, %sign3A_104 : i32
    %sign3A_106 = arith.extui %sign3A_105 : i1 to i32
    %sign3A_107 = arith.constant 0 : i32
    %sign3A_108 = arith.cmpi slt, %sub3A_101, %sign3A_107 : i32
    %sign3A_109 = arith.extui %sign3A_108 : i1 to i32
    %sign3A_110 = arith.subi %sign3A_106, %sign3A_109 : i32
    %sign3A_111 = arith.constant 0 : i32
    %sign3A_112 = arith.cmpi sgt, %jit3A_102, %sign3A_111 : i32
    %sign3A_113 = arith.extui %sign3A_112 : i1 to i32
    %sign3A_114 = arith.constant 0 : i32
    %sign3A_115 = arith.cmpi slt, %jit3A_102, %sign3A_114 : i32
    %sign3A_116 = arith.extui %sign3A_115 : i1 to i32
    %sign3A_117 = arith.subi %sign3A_113, %sign3A_116 : i32
    %ne3A_118 = arith.cmpi ne, %sign3A_110, %sign3A_117 : i32
    %rem3A_119 = arith.remsi %sub3A_101, %jit3A_102 : i32
    %ne3A_120 = arith.constant 0 : i32
    %ne3A_121 = arith.cmpi ne, %rem3A_119, %ne3A_120 : i32
    %and3A_122 = arith.andi %ne3A_118, %ne3A_121 : i1
    %sub3A_123 = arith.constant 1 : i32
    %sub3A_124 = arith.subi %div3A_103, %sub3A_123 : i32
    %select_n3A_125 = arith.select %and3A_122, %sub3A_124, %div3A_103 : i32
    %jit3A_126 = arith.constant 16 : i32
    %eq3A_127 = arith.constant 0 : i32
    %eq3A_128 = arith.cmpi eq, %jit3A_126, %eq3A_127 : i32
    %jit3A_129 = arith.constant 1 : i32
    %select_n3A_130 = arith.select %eq3A_128, %jit3A_129, %jit3A_126 : i32
    %rem3A_131 = arith.remsi %select_n3A_125, %select_n3A_130 : i32
    %ne3A_132 = arith.constant 0 : i32
    %ne3A_133 = arith.cmpi ne, %rem3A_131, %ne3A_132 : i32
    %lt3A_134 = arith.constant 0 : i32
    %lt3A_135 = arith.cmpi slt, %rem3A_131, %lt3A_134 : i32
    %lt3A_136 = arith.constant 0 : i32
    %lt3A_137 = arith.cmpi slt, %select_n3A_130, %lt3A_136 : i32
    %ne3A_138 = arith.xori %lt3A_135, %lt3A_137 : i1
    %and3A_139 = arith.andi %ne3A_138, %ne3A_133 : i1
    %add3A_140 = arith.addi %rem3A_131, %select_n3A_130 : i32
    %select_n3A_141 = arith.select %and3A_139, %add3A_140, %rem3A_131 : i32
    %jit3A_142 = arith.constant 0 : i32
    %select_n3A_143 = arith.select %gt3A_97, %select_n3A_141, %jit3A_142 : i32
    %gt3A_144 = arith.constant 0 : i32
    %gt3A_145 = arith.cmpi sgt, %sub3A_95, %gt3A_144 : i32
    %mul3A_146 = arith.constant 256 : i32
    %mul3A_147 = arith.muli %select_n3A_143, %mul3A_146 : i32
    %sub3A_148 = arith.constant 49744 : i32
    %sub3A_149 = arith.subi %sub3A_148, %mul3A_147 : i32
    %select_n3A_150 = arith.select %gt3A_145, %sub3A_149, %add3A_93 : i32
    %add3A_151 = arith.constant 0 : i32
    %add3A_152 = arith.addi %add3A_151, %select_n3A_150 : i32
    %dma_start3A_153 = arith.constant 0 : i32
    %dma_start3A_154 = tpu.memref_slice %arg9[%dma_start3A_153] : memref<1024xi32, #tpu.memory_space<vmem>> -> memref<256xi32, #tpu.memory_space<vmem>>
    %dma_start3A_155 = tpu.memref_slice %arg2[%add3A_152] : memref<200000xi32, #tpu.memory_space<hbm>> -> memref<256xi32, #tpu.memory_space<hbm>>
    %dma_start3A_156 = arith.constant 0 : i32
    %dma_start3A_157 = tpu.memref_slice %arg9[%dma_start3A_156] : memref<1024xi32, #tpu.memory_space<vmem>> -> memref<256xi32, #tpu.memory_space<vmem>>
    %dma_start3A_158 = tpu.memref_slice %arg2[%add3A_152] : memref<200000xi32, #tpu.memory_space<hbm>> -> memref<256xi32, #tpu.memory_space<hbm>>
    tpu.enqueue_dma source(%dma_start3A_158 : memref<256xi32, #tpu.memory_space<hbm>>) target(%dma_start3A_157 : memref<256xi32, #tpu.memory_space<vmem>>) target_semaphore(%arg18 : memref<!tpu.dma_semaphore, #tpu.memory_space<semaphore_mem>>)
    %add3A_159 = arith.constant 50000 : i32
    %add3A_160 = arith.addi %add3A_159, %select_n3A_150 : i32
    %dma_start3A_161 = arith.constant 256 : i32
    %dma_start3A_162 = tpu.memref_slice %arg9[%dma_start3A_161] : memref<1024xi32, #tpu.memory_space<vmem>> -> memref<256xi32, #tpu.memory_space<vmem>>
    %dma_start3A_163 = tpu.memref_slice %arg2[%add3A_160] : memref<200000xi32, #tpu.memory_space<hbm>> -> memref<256xi32, #tpu.memory_space<hbm>>
    %dma_start3A_164 = arith.constant 256 : i32
    %dma_start3A_165 = tpu.memref_slice %arg9[%dma_start3A_164] : memref<1024xi32, #tpu.memory_space<vmem>> -> memref<256xi32, #tpu.memory_space<vmem>>
    %dma_start3A_166 = tpu.memref_slice %arg2[%add3A_160] : memref<200000xi32, #tpu.memory_space<hbm>> -> memref<256xi32, #tpu.memory_space<hbm>>
    tpu.enqueue_dma source(%dma_start3A_166 : memref<256xi32, #tpu.memory_space<hbm>>) target(%dma_start3A_165 : memref<256xi32, #tpu.memory_space<vmem>>) target_semaphore(%arg18 : memref<!tpu.dma_semaphore, #tpu.memory_space<semaphore_mem>>)
    %add3A_167 = arith.constant 100000 : i32
    %add3A_168 = arith.addi %add3A_167, %select_n3A_150 : i32
    %dma_start3A_169 = arith.constant 512 : i32
    %dma_start3A_170 = tpu.memref_slice %arg9[%dma_start3A_169] : memref<1024xi32, #tpu.memory_space<vmem>> -> memref<256xi32, #tpu.memory_space<vmem>>
    %dma_start3A_171 = tpu.memref_slice %arg2[%add3A_168] : memref<200000xi32, #tpu.memory_space<hbm>> -> memref<256xi32, #tpu.memory_space<hbm>>
    %dma_start3A_172 = arith.constant 512 : i32
    %dma_start3A_173 = tpu.memref_slice %arg9[%dma_start3A_172] : memref<1024xi32, #tpu.memory_space<vmem>> -> memref<256xi32, #tpu.memory_space<vmem>>
    %dma_start3A_174 = tpu.memref_slice %arg2[%add3A_168] : memref<200000xi32, #tpu.memory_space<hbm>> -> memref<256xi32, #tpu.memory_space<hbm>>
    tpu.enqueue_dma source(%dma_start3A_174 : memref<256xi32, #tpu.memory_space<hbm>>) target(%dma_start3A_173 : memref<256xi32, #tpu.memory_space<vmem>>) target_semaphore(%arg18 : memref<!tpu.dma_semaphore, #tpu.memory_space<semaphore_mem>>)
    %add3A_175 = arith.constant 150000 : i32
    %add3A_176 = arith.addi %add3A_175, %select_n3A_150 : i32
    %dma_start3A_177 = arith.constant 768 : i32
    %dma_start3A_178 = tpu.memref_slice %arg9[%dma_start3A_177] : memref<1024xi32, #tpu.memory_space<vmem>> -> memref<256xi32, #tpu.memory_space<vmem>>
    %dma_start3A_179 = tpu.memref_slice %arg2[%add3A_176] : memref<200000xi32, #tpu.memory_space<hbm>> -> memref<256xi32, #tpu.memory_space<hbm>>
    %dma_start3A_180 = arith.constant 768 : i32
    %dma_start3A_181 = tpu.memref_slice %arg9[%dma_start3A_180] : memref<1024xi32, #tpu.memory_space<vmem>> -> memref<256xi32, #tpu.memory_space<vmem>>
    %dma_start3A_182 = tpu.memref_slice %arg2[%add3A_176] : memref<200000xi32, #tpu.memory_space<hbm>> -> memref<256xi32, #tpu.memory_space<hbm>>
    tpu.enqueue_dma source(%dma_start3A_182 : memref<256xi32, #tpu.memory_space<hbm>>) target(%dma_start3A_181 : memref<256xi32, #tpu.memory_space<vmem>>) target_semaphore(%arg18 : memref<!tpu.dma_semaphore, #tpu.memory_space<semaphore_mem>>)
    %add3A_183 = arith.constant 512 : i32
    %add3A_184 = arith.addi %mul3A_10, %add3A_183 : i32
    %sub3A_185 = arith.constant 49744 : i32
    %sub3A_186 = arith.subi %add3A_184, %sub3A_185 : i32
    %gt3A_187 = arith.constant 0 : i32
    %gt3A_188 = arith.cmpi sgt, %sub3A_186, %gt3A_187 : i32
    %add3A_189 = arith.constant 256 : i32
    %add3A_190 = arith.addi %sub3A_186, %add3A_189 : i32
    %sub3A_191 = arith.constant 1 : i32
    %sub3A_192 = arith.subi %add3A_190, %sub3A_191 : i32
    %jit3A_193 = arith.constant 256 : i32
    %div3A_194 = arith.divsi %sub3A_192, %jit3A_193 : i32
    %sign3A_195 = arith.constant 0 : i32
    %sign3A_196 = arith.cmpi sgt, %sub3A_192, %sign3A_195 : i32
    %sign3A_197 = arith.extui %sign3A_196 : i1 to i32
    %sign3A_198 = arith.constant 0 : i32
    %sign3A_199 = arith.cmpi slt, %sub3A_192, %sign3A_198 : i32
    %sign3A_200 = arith.extui %sign3A_199 : i1 to i32
    %sign3A_201 = arith.subi %sign3A_197, %sign3A_200 : i32
    %sign3A_202 = arith.constant 0 : i32
    %sign3A_203 = arith.cmpi sgt, %jit3A_193, %sign3A_202 : i32
    %sign3A_204 = arith.extui %sign3A_203 : i1 to i32
    %sign3A_205 = arith.constant 0 : i32
    %sign3A_206 = arith.cmpi slt, %jit3A_193, %sign3A_205 : i32
    %sign3A_207 = arith.extui %sign3A_206 : i1 to i32
    %sign3A_208 = arith.subi %sign3A_204, %sign3A_207 : i32
    %ne3A_209 = arith.cmpi ne, %sign3A_201, %sign3A_208 : i32
    %rem3A_210 = arith.remsi %sub3A_192, %jit3A_193 : i32
    %ne3A_211 = arith.constant 0 : i32
    %ne3A_212 = arith.cmpi ne, %rem3A_210, %ne3A_211 : i32
    %and3A_213 = arith.andi %ne3A_209, %ne3A_212 : i1
    %sub3A_214 = arith.constant 1 : i32
    %sub3A_215 = arith.subi %div3A_194, %sub3A_214 : i32
    %select_n3A_216 = arith.select %and3A_213, %sub3A_215, %div3A_194 : i32
    %jit3A_217 = arith.constant 16 : i32
    %eq3A_218 = arith.constant 0 : i32
    %eq3A_219 = arith.cmpi eq, %jit3A_217, %eq3A_218 : i32
    %jit3A_220 = arith.constant 1 : i32
    %select_n3A_221 = arith.select %eq3A_219, %jit3A_220, %jit3A_217 : i32
    %rem3A_222 = arith.remsi %select_n3A_216, %select_n3A_221 : i32
    %ne3A_223 = arith.constant 0 : i32
    %ne3A_224 = arith.cmpi ne, %rem3A_222, %ne3A_223 : i32
    %lt3A_225 = arith.constant 0 : i32
    %lt3A_226 = arith.cmpi slt, %rem3A_222, %lt3A_225 : i32
    %lt3A_227 = arith.constant 0 : i32
    %lt3A_228 = arith.cmpi slt, %select_n3A_221, %lt3A_227 : i32
    %ne3A_229 = arith.xori %lt3A_226, %lt3A_228 : i1
    %and3A_230 = arith.andi %ne3A_229, %ne3A_224 : i1
    %add3A_231 = arith.addi %rem3A_222, %select_n3A_221 : i32
    %select_n3A_232 = arith.select %and3A_230, %add3A_231, %rem3A_222 : i32
    %jit3A_233 = arith.constant 0 : i32
    %select_n3A_234 = arith.select %gt3A_188, %select_n3A_232, %jit3A_233 : i32
    %gt3A_235 = arith.constant 0 : i32
    %gt3A_236 = arith.cmpi sgt, %sub3A_186, %gt3A_235 : i32
    %mul3A_237 = arith.constant 256 : i32
    %mul3A_238 = arith.muli %select_n3A_234, %mul3A_237 : i32
    %sub3A_239 = arith.constant 49744 : i32
    %sub3A_240 = arith.subi %sub3A_239, %mul3A_238 : i32
    %select_n3A_241 = arith.select %gt3A_236, %sub3A_240, %add3A_184 : i32
    %add3A_242 = arith.constant 0 : i32
    %add3A_243 = arith.addi %add3A_242, %select_n3A_241 : i32
    %dma_start3A_244 = arith.constant 0 : i32
    %dma_start3A_245 = tpu.memref_slice %arg10[%dma_start3A_244] : memref<1024xi32, #tpu.memory_space<vmem>> -> memref<256xi32, #tpu.memory_space<vmem>>
    %dma_start3A_246 = tpu.memref_slice %arg2[%add3A_243] : memref<200000xi32, #tpu.memory_space<hbm>> -> memref<256xi32, #tpu.memory_space<hbm>>
    %dma_start3A_247 = arith.constant 0 : i32
    %dma_start3A_248 = tpu.memref_slice %arg10[%dma_start3A_247] : memref<1024xi32, #tpu.memory_space<vmem>> -> memref<256xi32, #tpu.memory_space<vmem>>
    %dma_start3A_249 = tpu.memref_slice %arg2[%add3A_243] : memref<200000xi32, #tpu.memory_space<hbm>> -> memref<256xi32, #tpu.memory_space<hbm>>
    tpu.enqueue_dma source(%dma_start3A_249 : memref<256xi32, #tpu.memory_space<hbm>>) target(%dma_start3A_248 : memref<256xi32, #tpu.memory_space<vmem>>) target_semaphore(%arg19 : memref<!tpu.dma_semaphore, #tpu.memory_space<semaphore_mem>>)
    %add3A_250 = arith.constant 50000 : i32
    %add3A_251 = arith.addi %add3A_250, %select_n3A_241 : i32
    %dma_start3A_252 = arith.constant 256 : i32
    %dma_start3A_253 = tpu.memref_slice %arg10[%dma_start3A_252] : memref<1024xi32, #tpu.memory_space<vmem>> -> memref<256xi32, #tpu.memory_space<vmem>>
    %dma_start3A_254 = tpu.memref_slice %arg2[%add3A_251] : memref<200000xi32, #tpu.memory_space<hbm>> -> memref<256xi32, #tpu.memory_space<hbm>>
    %dma_start3A_255 = arith.constant 256 : i32
    %dma_start3A_256 = tpu.memref_slice %arg10[%dma_start3A_255] : memref<1024xi32, #tpu.memory_space<vmem>> -> memref<256xi32, #tpu.memory_space<vmem>>
    %dma_start3A_257 = tpu.memref_slice %arg2[%add3A_251] : memref<200000xi32, #tpu.memory_space<hbm>> -> memref<256xi32, #tpu.memory_space<hbm>>
    tpu.enqueue_dma source(%dma_start3A_257 : memref<256xi32, #tpu.memory_space<hbm>>) target(%dma_start3A_256 : memref<256xi32, #tpu.memory_space<vmem>>) target_semaphore(%arg19 : memref<!tpu.dma_semaphore, #tpu.memory_space<semaphore_mem>>)
    %add3A_258 = arith.constant 100000 : i32
    %add3A_259 = arith.addi %add3A_258, %select_n3A_241 : i32
    %dma_start3A_260 = arith.constant 512 : i32
    %dma_start3A_261 = tpu.memref_slice %arg10[%dma_start3A_260] : memref<1024xi32, #tpu.memory_space<vmem>> -> memref<256xi32, #tpu.memory_space<vmem>>
    %dma_start3A_262 = tpu.memref_slice %arg2[%add3A_259] : memref<200000xi32, #tpu.memory_space<hbm>> -> memref<256xi32, #tpu.memory_space<hbm>>
    %dma_start3A_263 = arith.constant 512 : i32
    %dma_start3A_264 = tpu.memref_slice %arg10[%dma_start3A_263] : memref<1024xi32, #tpu.memory_space<vmem>> -> memref<256xi32, #tpu.memory_space<vmem>>
    %dma_start3A_265 = tpu.memref_slice %arg2[%add3A_259] : memref<200000xi32, #tpu.memory_space<hbm>> -> memref<256xi32, #tpu.memory_space<hbm>>
    tpu.enqueue_dma source(%dma_start3A_265 : memref<256xi32, #tpu.memory_space<hbm>>) target(%dma_start3A_264 : memref<256xi32, #tpu.memory_space<vmem>>) target_semaphore(%arg19 : memref<!tpu.dma_semaphore, #tpu.memory_space<semaphore_mem>>)
    %add3A_266 = arith.constant 150000 : i32
    %add3A_267 = arith.addi %add3A_266, %select_n3A_241 : i32
    %dma_start3A_268 = arith.constant 768 : i32
    %dma_start3A_269 = tpu.memref_slice %arg10[%dma_start3A_268] : memref<1024xi32, #tpu.memory_space<vmem>> -> memref<256xi32, #tpu.memory_space<vmem>>
    %dma_start3A_270 = tpu.memref_slice %arg2[%add3A_267] : memref<200000xi32, #tpu.memory_space<hbm>> -> memref<256xi32, #tpu.memory_space<hbm>>
    %dma_start3A_271 = arith.constant 768 : i32
    %dma_start3A_272 = tpu.memref_slice %arg10[%dma_start3A_271] : memref<1024xi32, #tpu.memory_space<vmem>> -> memref<256xi32, #tpu.memory_space<vmem>>
    %dma_start3A_273 = tpu.memref_slice %arg2[%add3A_267] : memref<200000xi32, #tpu.memory_space<hbm>> -> memref<256xi32, #tpu.memory_space<hbm>>
    tpu.enqueue_dma source(%dma_start3A_273 : memref<256xi32, #tpu.memory_space<hbm>>) target(%dma_start3A_272 : memref<256xi32, #tpu.memory_space<vmem>>) target_semaphore(%arg19 : memref<!tpu.dma_semaphore, #tpu.memory_space<semaphore_mem>>)
    %add3A_274 = arith.constant 0 : i32
    %add3A_275 = arith.addi %mul3A_10, %add3A_274 : i32
    %sub3A_276 = arith.constant 49744 : i32
    %sub3A_277 = arith.subi %add3A_275, %sub3A_276 : i32
    %gt3A_278 = arith.constant 0 : i32
    %gt3A_279 = arith.cmpi sgt, %sub3A_277, %gt3A_278 : i32
    %add3A_280 = arith.constant 256 : i32
    %add3A_281 = arith.addi %sub3A_277, %add3A_280 : i32
    %sub3A_282 = arith.constant 1 : i32
    %sub3A_283 = arith.subi %add3A_281, %sub3A_282 : i32
    %jit3A_284 = arith.constant 256 : i32
    %div3A_285 = arith.divsi %sub3A_283, %jit3A_284 : i32
    %sign3A_286 = arith.constant 0 : i32
    %sign3A_287 = arith.cmpi sgt, %sub3A_283, %sign3A_286 : i32
    %sign3A_288 = arith.extui %sign3A_287 : i1 to i32
    %sign3A_289 = arith.constant 0 : i32
    %sign3A_290 = arith.cmpi slt, %sub3A_283, %sign3A_289 : i32
    %sign3A_291 = arith.extui %sign3A_290 : i1 to i32
    %sign3A_292 = arith.subi %sign3A_288, %sign3A_291 : i32
    %sign3A_293 = arith.constant 0 : i32
    %sign3A_294 = arith.cmpi sgt, %jit3A_284, %sign3A_293 : i32
    %sign3A_295 = arith.extui %sign3A_294 : i1 to i32
    %sign3A_296 = arith.constant 0 : i32
    %sign3A_297 = arith.cmpi slt, %jit3A_284, %sign3A_296 : i32
    %sign3A_298 = arith.extui %sign3A_297 : i1 to i32
    %sign3A_299 = arith.subi %sign3A_295, %sign3A_298 : i32
    %ne3A_300 = arith.cmpi ne, %sign3A_292, %sign3A_299 : i32
    %rem3A_301 = arith.remsi %sub3A_283, %jit3A_284 : i32
    %ne3A_302 = arith.constant 0 : i32
    %ne3A_303 = arith.cmpi ne, %rem3A_301, %ne3A_302 : i32
    %and3A_304 = arith.andi %ne3A_300, %ne3A_303 : i1
    %sub3A_305 = arith.constant 1 : i32
    %sub3A_306 = arith.subi %div3A_285, %sub3A_305 : i32
    %select_n3A_307 = arith.select %and3A_304, %sub3A_306, %div3A_285 : i32
    %jit3A_308 = arith.constant 16 : i32
    %eq3A_309 = arith.constant 0 : i32
    %eq3A_310 = arith.cmpi eq, %jit3A_308, %eq3A_309 : i32
    %jit3A_311 = arith.constant 1 : i32
    %select_n3A_312 = arith.select %eq3A_310, %jit3A_311, %jit3A_308 : i32
    %rem3A_313 = arith.remsi %select_n3A_307, %select_n3A_312 : i32
    %ne3A_314 = arith.constant 0 : i32
    %ne3A_315 = arith.cmpi ne, %rem3A_313, %ne3A_314 : i32
    %lt3A_316 = arith.constant 0 : i32
    %lt3A_317 = arith.cmpi slt, %rem3A_313, %lt3A_316 : i32
    %lt3A_318 = arith.constant 0 : i32
    %lt3A_319 = arith.cmpi slt, %select_n3A_312, %lt3A_318 : i32
    %ne3A_320 = arith.xori %lt3A_317, %lt3A_319 : i1
    %and3A_321 = arith.andi %ne3A_320, %ne3A_315 : i1
    %add3A_322 = arith.addi %rem3A_313, %select_n3A_312 : i32
    %select_n3A_323 = arith.select %and3A_321, %add3A_322, %rem3A_313 : i32
    %jit3A_324 = arith.constant 0 : i32
    %select_n3A_325 = arith.select %gt3A_279, %select_n3A_323, %jit3A_324 : i32
    %gt3A_326 = arith.constant 0 : i32
    %gt3A_327 = arith.cmpi sgt, %sub3A_277, %gt3A_326 : i32
    %mul3A_328 = arith.constant 256 : i32
    %mul3A_329 = arith.muli %select_n3A_325, %mul3A_328 : i32
    %sub3A_330 = arith.constant 49744 : i32
    %sub3A_331 = arith.subi %sub3A_330, %mul3A_329 : i32
    %select_n3A_332 = arith.select %gt3A_327, %sub3A_331, %add3A_275 : i32
    %add3A_333 = arith.constant 0 : i32
    %add3A_334 = arith.addi %add3A_333, %select_n3A_332 : i32
    %dma_wait3A = arith.constant 0 : i32
    %dma_wait3A_335 = tpu.memref_slice %arg8[%dma_wait3A] : memref<1024xi32, #tpu.memory_space<vmem>> -> memref<256xi32, #tpu.memory_space<vmem>>
    %dma_wait3A_336 = tpu.memref_slice %arg2[%add3A_334] : memref<200000xi32, #tpu.memory_space<hbm>> -> memref<256xi32, #tpu.memory_space<hbm>>
    %dma_wait3A_337 = arith.constant 0 : i32
    %dma_wait3A_338 = tpu.memref_slice %arg8[%dma_wait3A_337] : memref<1024xi32, #tpu.memory_space<vmem>> -> memref<256xi32, #tpu.memory_space<vmem>>
    %dma_wait3A_339 = tpu.memref_slice %arg2[%add3A_334] : memref<200000xi32, #tpu.memory_space<hbm>> -> memref<256xi32, #tpu.memory_space<hbm>>
    tpu.wait_dma2 semaphore(%arg17 : memref<!tpu.dma_semaphore, #tpu.memory_space<semaphore_mem>>) src(%dma_wait3A_339 : memref<256xi32, #tpu.memory_space<hbm>>) dst(%dma_wait3A_338 : memref<256xi32, #tpu.memory_space<vmem>>)
    %add3A_340 = arith.constant 50000 : i32
    %add3A_341 = arith.addi %add3A_340, %select_n3A_332 : i32
    %dma_wait3A_342 = arith.constant 256 : i32
    %dma_wait3A_343 = tpu.memref_slice %arg8[%dma_wait3A_342] : memref<1024xi32, #tpu.memory_space<vmem>> -> memref<256xi32, #tpu.memory_space<vmem>>
    %dma_wait3A_344 = tpu.memref_slice %arg2[%add3A_341] : memref<200000xi32, #tpu.memory_space<hbm>> -> memref<256xi32, #tpu.memory_space<hbm>>
    %dma_wait3A_345 = arith.constant 256 : i32
    %dma_wait3A_346 = tpu.memref_slice %arg8[%dma_wait3A_345] : memref<1024xi32, #tpu.memory_space<vmem>> -> memref<256xi32, #tpu.memory_space<vmem>>
    %dma_wait3A_347 = tpu.memref_slice %arg2[%add3A_341] : memref<200000xi32, #tpu.memory_space<hbm>> -> memref<256xi32, #tpu.memory_space<hbm>>
    tpu.wait_dma2 semaphore(%arg17 : memref<!tpu.dma_semaphore, #tpu.memory_space<semaphore_mem>>) src(%dma_wait3A_347 : memref<256xi32, #tpu.memory_space<hbm>>) dst(%dma_wait3A_346 : memref<256xi32, #tpu.memory_space<vmem>>)
    %add3A_348 = arith.constant 100000 : i32
    %add3A_349 = arith.addi %add3A_348, %select_n3A_332 : i32
    %dma_wait3A_350 = arith.constant 512 : i32
    %dma_wait3A_351 = tpu.memref_slice %arg8[%dma_wait3A_350] : memref<1024xi32, #tpu.memory_space<vmem>> -> memref<256xi32, #tpu.memory_space<vmem>>
    %dma_wait3A_352 = tpu.memref_slice %arg2[%add3A_349] : memref<200000xi32, #tpu.memory_space<hbm>> -> memref<256xi32, #tpu.memory_space<hbm>>
    %dma_wait3A_353 = arith.constant 512 : i32
    %dma_wait3A_354 = tpu.memref_slice %arg8[%dma_wait3A_353] : memref<1024xi32, #tpu.memory_space<vmem>> -> memref<256xi32, #tpu.memory_space<vmem>>
    %dma_wait3A_355 = tpu.memref_slice %arg2[%add3A_349] : memref<200000xi32, #tpu.memory_space<hbm>> -> memref<256xi32, #tpu.memory_space<hbm>>
    tpu.wait_dma2 semaphore(%arg17 : memref<!tpu.dma_semaphore, #tpu.memory_space<semaphore_mem>>) src(%dma_wait3A_355 : memref<256xi32, #tpu.memory_space<hbm>>) dst(%dma_wait3A_354 : memref<256xi32, #tpu.memory_space<vmem>>)
    %add3A_356 = arith.constant 150000 : i32
    %add3A_357 = arith.addi %add3A_356, %select_n3A_332 : i32
    %dma_wait3A_358 = arith.constant 768 : i32
    %dma_wait3A_359 = tpu.memref_slice %arg8[%dma_wait3A_358] : memref<1024xi32, #tpu.memory_space<vmem>> -> memref<256xi32, #tpu.memory_space<vmem>>
    %dma_wait3A_360 = tpu.memref_slice %arg2[%add3A_357] : memref<200000xi32, #tpu.memory_space<hbm>> -> memref<256xi32, #tpu.memory_space<hbm>>
    %dma_wait3A_361 = arith.constant 768 : i32
    %dma_wait3A_362 = tpu.memref_slice %arg8[%dma_wait3A_361] : memref<1024xi32, #tpu.memory_space<vmem>> -> memref<256xi32, #tpu.memory_space<vmem>>
    %dma_wait3A_363 = tpu.memref_slice %arg2[%add3A_357] : memref<200000xi32, #tpu.memory_space<hbm>> -> memref<256xi32, #tpu.memory_space<hbm>>
    tpu.wait_dma2 semaphore(%arg17 : memref<!tpu.dma_semaphore, #tpu.memory_space<semaphore_mem>>) src(%dma_wait3A_363 : memref<256xi32, #tpu.memory_space<hbm>>) dst(%dma_wait3A_362 : memref<256xi32, #tpu.memory_space<vmem>>)
    %dma_start3A_364 = arith.constant 0 : i32
    %dma_start3A_365 = arith.constant 0 : i32
    %dma_start3A_366 = tpu.memref_slice %arg11[%dma_start3A_364, %dma_start3A_365] : memref<256x128xf32, #tpu.memory_space<vmem>> -> memref<128x128xf32, #tpu.memory_space<vmem>>
    %dma_start3A_367 = arith.constant 0 : i32
    %dma_start3A_368 = tpu.memref_slice %arg8[%dma_start3A_367] : memref<1024xi32, #tpu.memory_space<vmem>> -> memref<128xi32, #tpu.memory_space<vmem>>
    %dma_start3A_369 = arith.constant 0 : i32
    %dma_start3A_370 = arith.constant 0 : i32
    %dma_start3A_371 = tpu.memref_slice %arg4[%dma_start3A_369, %dma_start3A_370] : memref<100000x128xf32, #tpu.memory_space<hbm>> -> memref<100000x128xf32, #tpu.memory_space<hbm>>
    tpu.enqueue_indirect_dma source(%dma_start3A_371 : memref<100000x128xf32, #tpu.memory_space<hbm>>) target(%dma_start3A_366 : memref<128x128xf32, #tpu.memory_space<vmem>>) offsets(%dma_start3A_368 : memref<128xi32, #tpu.memory_space<vmem>>) semaphore(%arg14 : memref<!tpu.dma_semaphore, #tpu.memory_space<semaphore_mem>>)
    %dma_start3A_372 = arith.constant 128 : i32
    %dma_start3A_373 = arith.constant 0 : i32
    %dma_start3A_374 = tpu.memref_slice %arg11[%dma_start3A_372, %dma_start3A_373] : memref<256x128xf32, #tpu.memory_space<vmem>> -> memref<128x128xf32, #tpu.memory_space<vmem>>
    %dma_start3A_375 = arith.constant 128 : i32
    %dma_start3A_376 = tpu.memref_slice %arg8[%dma_start3A_375] : memref<1024xi32, #tpu.memory_space<vmem>> -> memref<128xi32, #tpu.memory_space<vmem>>
    %dma_start3A_377 = arith.constant 0 : i32
    %dma_start3A_378 = arith.constant 0 : i32
    %dma_start3A_379 = tpu.memref_slice %arg4[%dma_start3A_377, %dma_start3A_378] : memref<100000x128xf32, #tpu.memory_space<hbm>> -> memref<100000x128xf32, #tpu.memory_space<hbm>>
    tpu.enqueue_indirect_dma source(%dma_start3A_379 : memref<100000x128xf32, #tpu.memory_space<hbm>>) target(%dma_start3A_374 : memref<128x128xf32, #tpu.memory_space<vmem>>) offsets(%dma_start3A_376 : memref<128xi32, #tpu.memory_space<vmem>>) semaphore(%arg14 : memref<!tpu.dma_semaphore, #tpu.memory_space<semaphore_mem>>)
    %scan3A = arith.constant 0 : i32
    %scan3A_380 = arith.constant 0 : i32
    %scan3A_381 = arith.constant 2 : i32
    %scan3A_382 = arith.addi %scan3A_380, %scan3A_381 : i32
    %scan3A_383 = arith.constant 1 : i32
    %scan3A_384 = scf.for %scan3A_1702 = %scan3A_380 to %scan3A_382 step %scan3A_383 iter_args(%scan3A_1703 = %scan3A) -> (i32)  : i32 {
      %mul3A_1704 = arith.constant 3 : i32
      %mul3A_1705 = arith.muli %mul3A_1704, %scan3A_1702 : i32
      %add3A_1706 = arith.constant 0 : i32
      %add3A_1707 = arith.addi %mul3A_1705, %add3A_1706 : i32
      %dma_wait3A_1708 = arith.constant 0 : i32
      %dma_wait3A_1709 = arith.constant 0 : i32
      %dma_wait3A_1710 = tpu.memref_slice %arg11[%dma_wait3A_1708, %dma_wait3A_1709] : memref<256x128xf32, #tpu.memory_space<vmem>> -> memref<128x128xf32, #tpu.memory_space<vmem>>
      %dma_wait3A_1711 = arith.constant 0 : i32
      %dma_wait3A_1712 = tpu.memref_slice %arg8[%dma_wait3A_1711] : memref<1024xi32, #tpu.memory_space<vmem>> -> memref<128xi32, #tpu.memory_space<vmem>>
      %dma_wait3A_1713 = arith.constant 0 : i32
      %dma_wait3A_1714 = arith.constant 0 : i32
      %dma_wait3A_1715 = tpu.memref_slice %arg4[%dma_wait3A_1713, %dma_wait3A_1714] : memref<100000x128xf32, #tpu.memory_space<hbm>> -> memref<100000x128xf32, #tpu.memory_space<hbm>>
      tpu.wait_indirect_dma semaphore(%arg14 : memref<!tpu.dma_semaphore, #tpu.memory_space<semaphore_mem>>) src(%dma_wait3A_1715 : memref<100000x128xf32, #tpu.memory_space<hbm>>) dst(%dma_wait3A_1710 : memref<128x128xf32, #tpu.memory_space<vmem>>)
      %dma_wait3A_1716 = arith.constant 128 : i32
      %dma_wait3A_1717 = arith.constant 0 : i32
      %dma_wait3A_1718 = tpu.memref_slice %arg11[%dma_wait3A_1716, %dma_wait3A_1717] : memref<256x128xf32, #tpu.memory_space<vmem>> -> memref<128x128xf32, #tpu.memory_space<vmem>>
      %dma_wait3A_1719 = arith.constant 128 : i32
      %dma_wait3A_1720 = tpu.memref_slice %arg8[%dma_wait3A_1719] : memref<1024xi32, #tpu.memory_space<vmem>> -> memref<128xi32, #tpu.memory_space<vmem>>
      %dma_wait3A_1721 = arith.constant 0 : i32
      %dma_wait3A_1722 = arith.constant 0 : i32
      %dma_wait3A_1723 = tpu.memref_slice %arg4[%dma_wait3A_1721, %dma_wait3A_1722] : memref<100000x128xf32, #tpu.memory_space<hbm>> -> memref<100000x128xf32, #tpu.memory_space<hbm>>
      tpu.wait_indirect_dma semaphore(%arg14 : memref<!tpu.dma_semaphore, #tpu.memory_space<semaphore_mem>>) src(%dma_wait3A_1723 : memref<100000x128xf32, #tpu.memory_space<hbm>>) dst(%dma_wait3A_1718 : memref<128x128xf32, #tpu.memory_space<vmem>>)
      %dma_start3A_1724 = arith.constant 0 : i32
      %dma_start3A_1725 = arith.constant 0 : i32
      %dma_start3A_1726 = tpu.memref_slice %arg11[%dma_start3A_1724, %dma_start3A_1725] : memref<256x128xf32, #tpu.memory_space<vmem>> -> memref<128x128xf32, #tpu.memory_space<vmem>>
      %dma_start3A_1727 = arith.constant 256 : i32
      %dma_start3A_1728 = tpu.memref_slice %arg8[%dma_start3A_1727] : memref<1024xi32, #tpu.memory_space<vmem>> -> memref<128xi32, #tpu.memory_space<vmem>>
      %dma_start3A_1729 = arith.constant 0 : i32
      %dma_start3A_1730 = arith.constant 0 : i32
      %dma_start3A_1731 = tpu.memref_slice %arg4[%dma_start3A_1729, %dma_start3A_1730] : memref<100000x128xf32, #tpu.memory_space<hbm>> -> memref<100000x128xf32, #tpu.memory_space<hbm>>
      tpu.enqueue_indirect_dma source(%dma_start3A_1731 : memref<100000x128xf32, #tpu.memory_space<hbm>>) target(%dma_start3A_1726 : memref<128x128xf32, #tpu.memory_space<vmem>>) offsets(%dma_start3A_1728 : memref<128xi32, #tpu.memory_space<vmem>>) semaphore(%arg14 : memref<!tpu.dma_semaphore, #tpu.memory_space<semaphore_mem>>) {add = true}
      %dma_start3A_1732 = arith.constant 128 : i32
      %dma_start3A_1733 = arith.constant 0 : i32
      %dma_start3A_1734 = tpu.memref_slice %arg11[%dma_start3A_1732, %dma_start3A_1733] : memref<256x128xf32, #tpu.memory_space<vmem>> -> memref<128x128xf32, #tpu.memory_space<vmem>>
      %dma_start3A_1735 = arith.constant 384 : i32
      %dma_start3A_1736 = tpu.memref_slice %arg8[%dma_start3A_1735] : memref<1024xi32, #tpu.memory_space<vmem>> -> memref<128xi32, #tpu.memory_space<vmem>>
      %dma_start3A_1737 = arith.constant 0 : i32
      %dma_start3A_1738 = arith.constant 0 : i32
      %dma_start3A_1739 = tpu.memref_slice %arg4[%dma_start3A_1737, %dma_start3A_1738] : memref<100000x128xf32, #tpu.memory_space<hbm>> -> memref<100000x128xf32, #tpu.memory_space<hbm>>
      tpu.enqueue_indirect_dma source(%dma_start3A_1739 : memref<100000x128xf32, #tpu.memory_space<hbm>>) target(%dma_start3A_1734 : memref<128x128xf32, #tpu.memory_space<vmem>>) offsets(%dma_start3A_1736 : memref<128xi32, #tpu.memory_space<vmem>>) semaphore(%arg14 : memref<!tpu.dma_semaphore, #tpu.memory_space<semaphore_mem>>) {add = true}
      %dma_start3A_1740 = arith.constant 0 : i32
      %dma_start3A_1741 = arith.constant 0 : i32
      %dma_start3A_1742 = tpu.memref_slice %arg11[%dma_start3A_1740, %dma_start3A_1741] : memref<256x128xf32, #tpu.memory_space<vmem>> -> memref<128x128xf32, #tpu.memory_space<vmem>>
      %dma_start3A_1743 = arith.constant 512 : i32
      %dma_start3A_1744 = tpu.memref_slice %arg8[%dma_start3A_1743] : memref<1024xi32, #tpu.memory_space<vmem>> -> memref<128xi32, #tpu.memory_space<vmem>>
      %dma_start3A_1745 = arith.constant 0 : i32
      %dma_start3A_1746 = arith.constant 0 : i32
      %dma_start3A_1747 = tpu.memref_slice %arg4[%dma_start3A_1745, %dma_start3A_1746] : memref<100000x128xf32, #tpu.memory_space<hbm>> -> memref<100000x128xf32, #tpu.memory_space<hbm>>
      tpu.enqueue_indirect_dma source(%dma_start3A_1747 : memref<100000x128xf32, #tpu.memory_space<hbm>>) target(%dma_start3A_1742 : memref<128x128xf32, #tpu.memory_space<vmem>>) offsets(%dma_start3A_1744 : memref<128xi32, #tpu.memory_space<vmem>>) semaphore(%arg14 : memref<!tpu.dma_semaphore, #tpu.memory_space<semaphore_mem>>) {add = true}
      %dma_start3A_1748 = arith.constant 128 : i32
      %dma_start3A_1749 = arith.constant 0 : i32
      %dma_start3A_1750 = tpu.memref_slice %arg11[%dma_start3A_1748, %dma_start3A_1749] : memref<256x128xf32, #tpu.memory_space<vmem>> -> memref<128x128xf32, #tpu.memory_space<vmem>>
      %dma_start3A_1751 = arith.constant 640 : i32
      %dma_start3A_1752 = tpu.memref_slice %arg8[%dma_start3A_1751] : memref<1024xi32, #tpu.memory_space<vmem>> -> memref<128xi32, #tpu.memory_space<vmem>>
      %dma_start3A_1753 = arith.constant 0 : i32
      %dma_start3A_1754 = arith.constant 0 : i32
      %dma_start3A_1755 = tpu.memref_slice %arg4[%dma_start3A_1753, %dma_start3A_1754] : memref<100000x128xf32, #tpu.memory_space<hbm>> -> memref<100000x128xf32, #tpu.memory_space<hbm>>
      tpu.enqueue_indirect_dma source(%dma_start3A_1755 : memref<100000x128xf32, #tpu.memory_space<hbm>>) target(%dma_start3A_1750 : memref<128x128xf32, #tpu.memory_space<vmem>>) offsets(%dma_start3A_1752 : memref<128xi32, #tpu.memory_space<vmem>>) semaphore(%arg14 : memref<!tpu.dma_semaphore, #tpu.memory_space<semaphore_mem>>) {add = true}
      %dma_start3A_1756 = arith.constant 0 : i32
      %dma_start3A_1757 = arith.constant 0 : i32
      %dma_start3A_1758 = tpu.memref_slice %arg11[%dma_start3A_1756, %dma_start3A_1757] : memref<256x128xf32, #tpu.memory_space<vmem>> -> memref<128x128xf32, #tpu.memory_space<vmem>>
      %dma_start3A_1759 = arith.constant 768 : i32
      %dma_start3A_1760 = tpu.memref_slice %arg8[%dma_start3A_1759] : memref<1024xi32, #tpu.memory_space<vmem>> -> memref<128xi32, #tpu.memory_space<vmem>>
      %dma_start3A_1761 = arith.constant 0 : i32
      %dma_start3A_1762 = arith.constant 0 : i32
      %dma_start3A_1763 = tpu.memref_slice %arg4[%dma_start3A_1761, %dma_start3A_1762] : memref<100000x128xf32, #tpu.memory_space<hbm>> -> memref<100000x128xf32, #tpu.memory_space<hbm>>
      tpu.enqueue_indirect_dma source(%dma_start3A_1763 : memref<100000x128xf32, #tpu.memory_space<hbm>>) target(%dma_start3A_1758 : memref<128x128xf32, #tpu.memory_space<vmem>>) offsets(%dma_start3A_1760 : memref<128xi32, #tpu.memory_space<vmem>>) semaphore(%arg14 : memref<!tpu.dma_semaphore, #tpu.memory_space<semaphore_mem>>) {add = true}
      %dma_start3A_1764 = arith.constant 128 : i32
      %dma_start3A_1765 = arith.constant 0 : i32
      %dma_start3A_1766 = tpu.memref_slice %arg11[%dma_start3A_1764, %dma_start3A_1765] : memref<256x128xf32, #tpu.memory_space<vmem>> -> memref<128x128xf32, #tpu.memory_space<vmem>>
      %dma_start3A_1767 = arith.constant 896 : i32
      %dma_start3A_1768 = tpu.memref_slice %arg8[%dma_start3A_1767] : memref<1024xi32, #tpu.memory_space<vmem>> -> memref<128xi32, #tpu.memory_space<vmem>>
      %dma_start3A_1769 = arith.constant 0 : i32
      %dma_start3A_1770 = arith.constant 0 : i32
      %dma_start3A_1771 = tpu.memref_slice %arg4[%dma_start3A_1769, %dma_start3A_1770] : memref<100000x128xf32, #tpu.memory_space<hbm>> -> memref<100000x128xf32, #tpu.memory_space<hbm>>
      tpu.enqueue_indirect_dma source(%dma_start3A_1771 : memref<100000x128xf32, #tpu.memory_space<hbm>>) target(%dma_start3A_1766 : memref<128x128xf32, #tpu.memory_space<vmem>>) offsets(%dma_start3A_1768 : memref<128xi32, #tpu.memory_space<vmem>>) semaphore(%arg14 : memref<!tpu.dma_semaphore, #tpu.memory_space<semaphore_mem>>) {add = true}
      %add3A_1772 = arith.constant 1 : i32
      %add3A_1773 = arith.addi %add3A_1707, %add3A_1772 : i32
      %lt3A_1774 = arith.constant 7 : i32
      %lt3A_1775 = arith.cmpi slt, %add3A_1773, %lt3A_1774 : i32
      %convert_element_type3A_1776 = arith.extui %lt3A_1775 : i1 to i32
      %cond3A_1777 = arith.constant 0 : i32
      %cond3A_1778 = arith.cmpi ne, %convert_element_type3A_1776, %cond3A_1777 : i32
      scf.if %cond3A_1778 {
        %add3A_2301 = arith.constant 1 : i32
        %add3A_2302 = arith.addi %add3A_1707, %add3A_2301 : i32
        %mul3A_2303 = arith.constant 256 : i32
        %mul3A_2304 = arith.muli %add3A_2302, %mul3A_2303 : i32
        %add3A_2305 = arith.addi %mul3A_10, %mul3A_2304 : i32
        %sub3A_2306 = arith.constant 49744 : i32
        %sub3A_2307 = arith.subi %add3A_2305, %sub3A_2306 : i32
        %gt3A_2308 = arith.constant 0 : i32
        %gt3A_2309 = arith.cmpi sgt, %sub3A_2307, %gt3A_2308 : i32
        %add3A_2310 = arith.constant 256 : i32
        %add3A_2311 = arith.addi %sub3A_2307, %add3A_2310 : i32
        %sub3A_2312 = arith.constant 1 : i32
        %sub3A_2313 = arith.subi %add3A_2311, %sub3A_2312 : i32
        %jit3A_2314 = arith.constant 256 : i32
        %div3A_2315 = arith.divsi %sub3A_2313, %jit3A_2314 : i32
        %sign3A_2316 = arith.constant 0 : i32
        %sign3A_2317 = arith.cmpi sgt, %sub3A_2313, %sign3A_2316 : i32
        %sign3A_2318 = arith.extui %sign3A_2317 : i1 to i32
        %sign3A_2319 = arith.constant 0 : i32
        %sign3A_2320 = arith.cmpi slt, %sub3A_2313, %sign3A_2319 : i32
        %sign3A_2321 = arith.extui %sign3A_2320 : i1 to i32
        %sign3A_2322 = arith.subi %sign3A_2318, %sign3A_2321 : i32
        %sign3A_2323 = arith.constant 0 : i32
        %sign3A_2324 = arith.cmpi sgt, %jit3A_2314, %sign3A_2323 : i32
        %sign3A_2325 = arith.extui %sign3A_2324 : i1 to i32
        %sign3A_2326 = arith.constant 0 : i32
        %sign3A_2327 = arith.cmpi slt, %jit3A_2314, %sign3A_2326 : i32
        %sign3A_2328 = arith.extui %sign3A_2327 : i1 to i32
        %sign3A_2329 = arith.subi %sign3A_2325, %sign3A_2328 : i32
        %ne3A_2330 = arith.cmpi ne, %sign3A_2322, %sign3A_2329 : i32
        %rem3A_2331 = arith.remsi %sub3A_2313, %jit3A_2314 : i32
        %ne3A_2332 = arith.constant 0 : i32
        %ne3A_2333 = arith.cmpi ne, %rem3A_2331, %ne3A_2332 : i32
        %and3A_2334 = arith.andi %ne3A_2330, %ne3A_2333 : i1
        %sub3A_2335 = arith.constant 1 : i32
        %sub3A_2336 = arith.subi %div3A_2315, %sub3A_2335 : i32
        %select_n3A_2337 = arith.select %and3A_2334, %sub3A_2336, %div3A_2315 : i32
        %jit3A_2338 = arith.constant 16 : i32
        %eq3A_2339 = arith.constant 0 : i32
        %eq3A_2340 = arith.cmpi eq, %jit3A_2338, %eq3A_2339 : i32
        %jit3A_2341 = arith.constant 1 : i32
        %select_n3A_2342 = arith.select %eq3A_2340, %jit3A_2341, %jit3A_2338 : i32
        %rem3A_2343 = arith.remsi %select_n3A_2337, %select_n3A_2342 : i32
        %ne3A_2344 = arith.constant 0 : i32
        %ne3A_2345 = arith.cmpi ne, %rem3A_2343, %ne3A_2344 : i32
        %lt3A_2346 = arith.constant 0 : i32
        %lt3A_2347 = arith.cmpi slt, %rem3A_2343, %lt3A_2346 : i32
        %lt3A_2348 = arith.constant 0 : i32
        %lt3A_2349 = arith.cmpi slt, %select_n3A_2342, %lt3A_2348 : i32
        %ne3A_2350 = arith.xori %lt3A_2347, %lt3A_2349 : i1
        %and3A_2351 = arith.andi %ne3A_2350, %ne3A_2345 : i1
        %add3A_2352 = arith.addi %rem3A_2343, %select_n3A_2342 : i32
        %select_n3A_2353 = arith.select %and3A_2351, %add3A_2352, %rem3A_2343 : i32
        %jit3A_2354 = arith.constant 0 : i32
        %select_n3A_2355 = arith.select %gt3A_2309, %select_n3A_2353, %jit3A_2354 : i32
        %gt3A_2356 = arith.constant 0 : i32
        %gt3A_2357 = arith.cmpi sgt, %sub3A_2307, %gt3A_2356 : i32
        %mul3A_2358 = arith.constant 256 : i32
        %mul3A_2359 = arith.muli %select_n3A_2355, %mul3A_2358 : i32
        %sub3A_2360 = arith.constant 49744 : i32
        %sub3A_2361 = arith.subi %sub3A_2360, %mul3A_2359 : i32
        %select_n3A_2362 = arith.select %gt3A_2357, %sub3A_2361, %add3A_2305 : i32
        %add3A_2363 = arith.constant 0 : i32
        %add3A_2364 = arith.addi %add3A_2363, %select_n3A_2362 : i32
        %dma_wait3A_2365 = arith.constant 0 : i32
        %dma_wait3A_2366 = tpu.memref_slice %arg9[%dma_wait3A_2365] : memref<1024xi32, #tpu.memory_space<vmem>> -> memref<256xi32, #tpu.memory_space<vmem>>
        %dma_wait3A_2367 = tpu.memref_slice %arg2[%add3A_2364] : memref<200000xi32, #tpu.memory_space<hbm>> -> memref<256xi32, #tpu.memory_space<hbm>>
        %dma_wait3A_2368 = arith.constant 0 : i32
        %dma_wait3A_2369 = tpu.memref_slice %arg9[%dma_wait3A_2368] : memref<1024xi32, #tpu.memory_space<vmem>> -> memref<256xi32, #tpu.memory_space<vmem>>
        %dma_wait3A_2370 = tpu.memref_slice %arg2[%add3A_2364] : memref<200000xi32, #tpu.memory_space<hbm>> -> memref<256xi32, #tpu.memory_space<hbm>>
        tpu.wait_dma2 semaphore(%arg18 : memref<!tpu.dma_semaphore, #tpu.memory_space<semaphore_mem>>) src(%dma_wait3A_2370 : memref<256xi32, #tpu.memory_space<hbm>>) dst(%dma_wait3A_2369 : memref<256xi32, #tpu.memory_space<vmem>>)
        %add3A_2371 = arith.constant 50000 : i32
        %add3A_2372 = arith.addi %add3A_2371, %select_n3A_2362 : i32
        %dma_wait3A_2373 = arith.constant 256 : i32
        %dma_wait3A_2374 = tpu.memref_slice %arg9[%dma_wait3A_2373] : memref<1024xi32, #tpu.memory_space<vmem>> -> memref<256xi32, #tpu.memory_space<vmem>>
        %dma_wait3A_2375 = tpu.memref_slice %arg2[%add3A_2372] : memref<200000xi32, #tpu.memory_space<hbm>> -> memref<256xi32, #tpu.memory_space<hbm>>
        %dma_wait3A_2376 = arith.constant 256 : i32
        %dma_wait3A_2377 = tpu.memref_slice %arg9[%dma_wait3A_2376] : memref<1024xi32, #tpu.memory_space<vmem>> -> memref<256xi32, #tpu.memory_space<vmem>>
        %dma_wait3A_2378 = tpu.memref_slice %arg2[%add3A_2372] : memref<200000xi32, #tpu.memory_space<hbm>> -> memref<256xi32, #tpu.memory_space<hbm>>
        tpu.wait_dma2 semaphore(%arg18 : memref<!tpu.dma_semaphore, #tpu.memory_space<semaphore_mem>>) src(%dma_wait3A_2378 : memref<256xi32, #tpu.memory_space<hbm>>) dst(%dma_wait3A_2377 : memref<256xi32, #tpu.memory_space<vmem>>)
        %add3A_2379 = arith.constant 100000 : i32
        %add3A_2380 = arith.addi %add3A_2379, %select_n3A_2362 : i32
        %dma_wait3A_2381 = arith.constant 512 : i32
        %dma_wait3A_2382 = tpu.memref_slice %arg9[%dma_wait3A_2381] : memref<1024xi32, #tpu.memory_space<vmem>> -> memref<256xi32, #tpu.memory_space<vmem>>
        %dma_wait3A_2383 = tpu.memref_slice %arg2[%add3A_2380] : memref<200000xi32, #tpu.memory_space<hbm>> -> memref<256xi32, #tpu.memory_space<hbm>>
        %dma_wait3A_2384 = arith.constant 512 : i32
        %dma_wait3A_2385 = tpu.memref_slice %arg9[%dma_wait3A_2384] : memref<1024xi32, #tpu.memory_space<vmem>> -> memref<256xi32, #tpu.memory_space<vmem>>
        %dma_wait3A_2386 = tpu.memref_slice %arg2[%add3A_2380] : memref<200000xi32, #tpu.memory_space<hbm>> -> memref<256xi32, #tpu.memory_space<hbm>>
        tpu.wait_dma2 semaphore(%arg18 : memref<!tpu.dma_semaphore, #tpu.memory_space<semaphore_mem>>) src(%dma_wait3A_2386 : memref<256xi32, #tpu.memory_space<hbm>>) dst(%dma_wait3A_2385 : memref<256xi32, #tpu.memory_space<vmem>>)
        %add3A_2387 = arith.constant 150000 : i32
        %add3A_2388 = arith.addi %add3A_2387, %select_n3A_2362 : i32
        %dma_wait3A_2389 = arith.constant 768 : i32
        %dma_wait3A_2390 = tpu.memref_slice %arg9[%dma_wait3A_2389] : memref<1024xi32, #tpu.memory_space<vmem>> -> memref<256xi32, #tpu.memory_space<vmem>>
        %dma_wait3A_2391 = tpu.memref_slice %arg2[%add3A_2388] : memref<200000xi32, #tpu.memory_space<hbm>> -> memref<256xi32, #tpu.memory_space<hbm>>
        %dma_wait3A_2392 = arith.constant 768 : i32
        %dma_wait3A_2393 = tpu.memref_slice %arg9[%dma_wait3A_2392] : memref<1024xi32, #tpu.memory_space<vmem>> -> memref<256xi32, #tpu.memory_space<vmem>>
        %dma_wait3A_2394 = tpu.memref_slice %arg2[%add3A_2388] : memref<200000xi32, #tpu.memory_space<hbm>> -> memref<256xi32, #tpu.memory_space<hbm>>
        tpu.wait_dma2 semaphore(%arg18 : memref<!tpu.dma_semaphore, #tpu.memory_space<semaphore_mem>>) src(%dma_wait3A_2394 : memref<256xi32, #tpu.memory_space<hbm>>) dst(%dma_wait3A_2393 : memref<256xi32, #tpu.memory_space<vmem>>)
        %ge3A = arith.constant 2 : i32
        %ge3A_2395 = arith.cmpi sge, %add3A_1707, %ge3A : i32
        %convert_element_type3A_2396 = arith.extui %ge3A_2395 : i1 to i32
        %cond3A_2397 = arith.constant 0 : i32
        %cond3A_2398 = arith.cmpi ne, %convert_element_type3A_2396, %cond3A_2397 : i32
        scf.if %cond3A_2398 {
          %sub3A_2415 = arith.constant 2 : i32
          %sub3A_2416 = arith.subi %add3A_1707, %sub3A_2415 : i32
          %mul3A_2417 = arith.constant 256 : i32
          %mul3A_2418 = arith.muli %sub3A_2416, %mul3A_2417 : i32
          %add3A_2419 = arith.addi %mul3A_10, %mul3A_2418 : i32
          %sub3A_2420 = arith.constant 49744 : i32
          %sub3A_2421 = arith.subi %add3A_2419, %sub3A_2420 : i32
          %gt3A_2422 = arith.constant 0 : i32
          %gt3A_2423 = arith.cmpi sgt, %sub3A_2421, %gt3A_2422 : i32
          %add3A_2424 = arith.constant 256 : i32
          %add3A_2425 = arith.addi %sub3A_2421, %add3A_2424 : i32
          %sub3A_2426 = arith.constant 1 : i32
          %sub3A_2427 = arith.subi %add3A_2425, %sub3A_2426 : i32
          %jit3A_2428 = arith.constant 256 : i32
          %div3A_2429 = arith.divsi %sub3A_2427, %jit3A_2428 : i32
          %sign3A_2430 = arith.constant 0 : i32
          %sign3A_2431 = arith.cmpi sgt, %sub3A_2427, %sign3A_2430 : i32
          %sign3A_2432 = arith.extui %sign3A_2431 : i1 to i32
          %sign3A_2433 = arith.constant 0 : i32
          %sign3A_2434 = arith.cmpi slt, %sub3A_2427, %sign3A_2433 : i32
          %sign3A_2435 = arith.extui %sign3A_2434 : i1 to i32
          %sign3A_2436 = arith.subi %sign3A_2432, %sign3A_2435 : i32
          %sign3A_2437 = arith.constant 0 : i32
          %sign3A_2438 = arith.cmpi sgt, %jit3A_2428, %sign3A_2437 : i32
          %sign3A_2439 = arith.extui %sign3A_2438 : i1 to i32
          %sign3A_2440 = arith.constant 0 : i32
          %sign3A_2441 = arith.cmpi slt, %jit3A_2428, %sign3A_2440 : i32
          %sign3A_2442 = arith.extui %sign3A_2441 : i1 to i32
          %sign3A_2443 = arith.subi %sign3A_2439, %sign3A_2442 : i32
          %ne3A_2444 = arith.cmpi ne, %sign3A_2436, %sign3A_2443 : i32
          %rem3A_2445 = arith.remsi %sub3A_2427, %jit3A_2428 : i32
          %ne3A_2446 = arith.constant 0 : i32
          %ne3A_2447 = arith.cmpi ne, %rem3A_2445, %ne3A_2446 : i32
          %and3A_2448 = arith.andi %ne3A_2444, %ne3A_2447 : i1
          %sub3A_2449 = arith.constant 1 : i32
          %sub3A_2450 = arith.subi %div3A_2429, %sub3A_2449 : i32
          %select_n3A_2451 = arith.select %and3A_2448, %sub3A_2450, %div3A_2429 : i32
          %jit3A_2452 = arith.constant 16 : i32
          %eq3A_2453 = arith.constant 0 : i32
          %eq3A_2454 = arith.cmpi eq, %jit3A_2452, %eq3A_2453 : i32
          %jit3A_2455 = arith.constant 1 : i32
          %select_n3A_2456 = arith.select %eq3A_2454, %jit3A_2455, %jit3A_2452 : i32
          %rem3A_2457 = arith.remsi %select_n3A_2451, %select_n3A_2456 : i32
          %ne3A_2458 = arith.constant 0 : i32
          %ne3A_2459 = arith.cmpi ne, %rem3A_2457, %ne3A_2458 : i32
          %lt3A_2460 = arith.constant 0 : i32
          %lt3A_2461 = arith.cmpi slt, %rem3A_2457, %lt3A_2460 : i32
          %lt3A_2462 = arith.constant 0 : i32
          %lt3A_2463 = arith.cmpi slt, %select_n3A_2456, %lt3A_2462 : i32
          %ne3A_2464 = arith.xori %lt3A_2461, %lt3A_2463 : i1
          %and3A_2465 = arith.andi %ne3A_2464, %ne3A_2459 : i1
          %add3A_2466 = arith.addi %rem3A_2457, %select_n3A_2456 : i32
          %select_n3A_2467 = arith.select %and3A_2465, %add3A_2466, %rem3A_2457 : i32
          %jit3A_2468 = arith.constant 0 : i32
          %select_n3A_2469 = arith.select %gt3A_2423, %select_n3A_2467, %jit3A_2468 : i32
          %gt3A_2470 = arith.constant 0 : i32
          %gt3A_2471 = arith.cmpi sgt, %sub3A_2421, %gt3A_2470 : i32
          %mul3A_2472 = arith.constant 256 : i32
          %mul3A_2473 = arith.muli %select_n3A_2469, %mul3A_2472 : i32
          %sub3A_2474 = arith.constant 49744 : i32
          %sub3A_2475 = arith.subi %sub3A_2474, %mul3A_2473 : i32
          %select_n3A_2476 = arith.select %gt3A_2471, %sub3A_2475, %add3A_2419 : i32
          %dma_wait3A_2477 = arith.constant 0 : i32
          %dma_wait3A_2478 = arith.constant 0 : i32
          %dma_wait3A_2479 = tpu.memref_slice %arg12[%dma_wait3A_2477, %dma_wait3A_2478] : memref<256x128xf32, #tpu.memory_space<vmem>> -> memref<256x128xf32, #tpu.memory_space<vmem>>
          %dma_wait3A_2480 = arith.constant 0 : i32
          %dma_wait3A_2481 = tpu.memref_slice %arg6[%select_n3A_2476, %dma_wait3A_2480] : memref<50000x128xf32, #tpu.memory_space<hbm>> -> memref<256x128xf32, #tpu.memory_space<hbm>>
          %dma_wait3A_2482 = arith.constant 0 : i32
          %dma_wait3A_2483 = tpu.memref_slice %arg6[%select_n3A_2476, %dma_wait3A_2482] : memref<50000x128xf32, #tpu.memory_space<hbm>> -> memref<256x128xf32, #tpu.memory_space<hbm>>
          %dma_wait3A_2484 = arith.constant 0 : i32
          %dma_wait3A_2485 = arith.constant 0 : i32
          %dma_wait3A_2486 = tpu.memref_slice %arg12[%dma_wait3A_2484, %dma_wait3A_2485] : memref<256x128xf32, #tpu.memory_space<vmem>> -> memref<256x128xf32, #tpu.memory_space<vmem>>
          tpu.wait_dma2 semaphore(%arg21 : memref<!tpu.dma_semaphore, #tpu.memory_space<semaphore_mem>>) src(%dma_wait3A_2486 : memref<256x128xf32, #tpu.memory_space<vmem>>) dst(%dma_wait3A_2483 : memref<256x128xf32, #tpu.memory_space<hbm>>)
        } else {
        }
        %dma_start3A_2399 = arith.constant 0 : i32
        %dma_start3A_2400 = arith.constant 0 : i32
        %dma_start3A_2401 = tpu.memref_slice %arg12[%dma_start3A_2399, %dma_start3A_2400] : memref<256x128xf32, #tpu.memory_space<vmem>> -> memref<128x128xf32, #tpu.memory_space<vmem>>
        %dma_start3A_2402 = arith.constant 0 : i32
        %dma_start3A_2403 = tpu.memref_slice %arg9[%dma_start3A_2402] : memref<1024xi32, #tpu.memory_space<vmem>> -> memref<128xi32, #tpu.memory_space<vmem>>
        %dma_start3A_2404 = arith.constant 0 : i32
        %dma_start3A_2405 = arith.constant 0 : i32
        %dma_start3A_2406 = tpu.memref_slice %arg4[%dma_start3A_2404, %dma_start3A_2405] : memref<100000x128xf32, #tpu.memory_space<hbm>> -> memref<100000x128xf32, #tpu.memory_space<hbm>>
        tpu.enqueue_indirect_dma source(%dma_start3A_2406 : memref<100000x128xf32, #tpu.memory_space<hbm>>) target(%dma_start3A_2401 : memref<128x128xf32, #tpu.memory_space<vmem>>) offsets(%dma_start3A_2403 : memref<128xi32, #tpu.memory_space<vmem>>) semaphore(%arg15 : memref<!tpu.dma_semaphore, #tpu.memory_space<semaphore_mem>>)
        %dma_start3A_2407 = arith.constant 128 : i32
        %dma_start3A_2408 = arith.constant 0 : i32
        %dma_start3A_2409 = tpu.memref_slice %arg12[%dma_start3A_2407, %dma_start3A_2408] : memref<256x128xf32, #tpu.memory_space<vmem>> -> memref<128x128xf32, #tpu.memory_space<vmem>>
        %dma_start3A_2410 = arith.constant 128 : i32
        %dma_start3A_2411 = tpu.memref_slice %arg9[%dma_start3A_2410] : memref<1024xi32, #tpu.memory_space<vmem>> -> memref<128xi32, #tpu.memory_space<vmem>>
        %dma_start3A_2412 = arith.constant 0 : i32
        %dma_start3A_2413 = arith.constant 0 : i32
        %dma_start3A_2414 = tpu.memref_slice %arg4[%dma_start3A_2412, %dma_start3A_2413] : memref<100000x128xf32, #tpu.memory_space<hbm>> -> memref<100000x128xf32, #tpu.memory_space<hbm>>
        tpu.enqueue_indirect_dma source(%dma_start3A_2414 : memref<100000x128xf32, #tpu.memory_space<hbm>>) target(%dma_start3A_2409 : memref<128x128xf32, #tpu.memory_space<vmem>>) offsets(%dma_start3A_2411 : memref<128xi32, #tpu.memory_space<vmem>>) semaphore(%arg15 : memref<!tpu.dma_semaphore, #tpu.memory_space<semaphore_mem>>)
      } else {
      }
      %dma_wait3A_1779 = arith.constant 0 : i32
      %dma_wait3A_1780 = arith.constant 0 : i32
      %dma_wait3A_1781 = tpu.memref_slice %arg11[%dma_wait3A_1779, %dma_wait3A_1780] : memref<256x128xf32, #tpu.memory_space<vmem>> -> memref<128x128xf32, #tpu.memory_space<vmem>>
      %dma_wait3A_1782 = arith.constant 256 : i32
      %dma_wait3A_1783 = tpu.memref_slice %arg8[%dma_wait3A_1782] : memref<1024xi32, #tpu.memory_space<vmem>> -> memref<128xi32, #tpu.memory_space<vmem>>
      %dma_wait3A_1784 = arith.constant 0 : i32
      %dma_wait3A_1785 = arith.constant 0 : i32
      %dma_wait3A_1786 = tpu.memref_slice %arg4[%dma_wait3A_1784, %dma_wait3A_1785] : memref<100000x128xf32, #tpu.memory_space<hbm>> -> memref<100000x128xf32, #tpu.memory_space<hbm>>
      tpu.wait_indirect_dma semaphore(%arg14 : memref<!tpu.dma_semaphore, #tpu.memory_space<semaphore_mem>>) src(%dma_wait3A_1786 : memref<100000x128xf32, #tpu.memory_space<hbm>>) dst(%dma_wait3A_1781 : memref<128x128xf32, #tpu.memory_space<vmem>>)
      %dma_wait3A_1787 = arith.constant 128 : i32
      %dma_wait3A_1788 = arith.constant 0 : i32
      %dma_wait3A_1789 = tpu.memref_slice %arg11[%dma_wait3A_1787, %dma_wait3A_1788] : memref<256x128xf32, #tpu.memory_space<vmem>> -> memref<128x128xf32, #tpu.memory_space<vmem>>
      %dma_wait3A_1790 = arith.constant 384 : i32
      %dma_wait3A_1791 = tpu.memref_slice %arg8[%dma_wait3A_1790] : memref<1024xi32, #tpu.memory_space<vmem>> -> memref<128xi32, #tpu.memory_space<vmem>>
      %dma_wait3A_1792 = arith.constant 0 : i32
      %dma_wait3A_1793 = arith.constant 0 : i32
      %dma_wait3A_1794 = tpu.memref_slice %arg4[%dma_wait3A_1792, %dma_wait3A_1793] : memref<100000x128xf32, #tpu.memory_space<hbm>> -> memref<100000x128xf32, #tpu.memory_space<hbm>>
      tpu.wait_indirect_dma semaphore(%arg14 : memref<!tpu.dma_semaphore, #tpu.memory_space<semaphore_mem>>) src(%dma_wait3A_1794 : memref<100000x128xf32, #tpu.memory_space<hbm>>) dst(%dma_wait3A_1789 : memref<128x128xf32, #tpu.memory_space<vmem>>)
      %dma_wait3A_1795 = arith.constant 0 : i32
      %dma_wait3A_1796 = arith.constant 0 : i32
      %dma_wait3A_1797 = tpu.memref_slice %arg11[%dma_wait3A_1795, %dma_wait3A_1796] : memref<256x128xf32, #tpu.memory_space<vmem>> -> memref<128x128xf32, #tpu.memory_space<vmem>>
      %dma_wait3A_1798 = arith.constant 512 : i32
      %dma_wait3A_1799 = tpu.memref_slice %arg8[%dma_wait3A_1798] : memref<1024xi32, #tpu.memory_space<vmem>> -> memref<128xi32, #tpu.memory_space<vmem>>
      %dma_wait3A_1800 = arith.constant 0 : i32
      %dma_wait3A_1801 = arith.constant 0 : i32
      %dma_wait3A_1802 = tpu.memref_slice %arg4[%dma_wait3A_1800, %dma_wait3A_1801] : memref<100000x128xf32, #tpu.memory_space<hbm>> -> memref<100000x128xf32, #tpu.memory_space<hbm>>
      tpu.wait_indirect_dma semaphore(%arg14 : memref<!tpu.dma_semaphore, #tpu.memory_space<semaphore_mem>>) src(%dma_wait3A_1802 : memref<100000x128xf32, #tpu.memory_space<hbm>>) dst(%dma_wait3A_1797 : memref<128x128xf32, #tpu.memory_space<vmem>>)
      %dma_wait3A_1803 = arith.constant 128 : i32
      %dma_wait3A_1804 = arith.constant 0 : i32
      %dma_wait3A_1805 = tpu.memref_slice %arg11[%dma_wait3A_1803, %dma_wait3A_1804] : memref<256x128xf32, #tpu.memory_space<vmem>> -> memref<128x128xf32, #tpu.memory_space<vmem>>
      %dma_wait3A_1806 = arith.constant 640 : i32
      %dma_wait3A_1807 = tpu.memref_slice %arg8[%dma_wait3A_1806] : memref<1024xi32, #tpu.memory_space<vmem>> -> memref<128xi32, #tpu.memory_space<vmem>>
      %dma_wait3A_1808 = arith.constant 0 : i32
      %dma_wait3A_1809 = arith.constant 0 : i32
      %dma_wait3A_1810 = tpu.memref_slice %arg4[%dma_wait3A_1808, %dma_wait3A_1809] : memref<100000x128xf32, #tpu.memory_space<hbm>> -> memref<100000x128xf32, #tpu.memory_space<hbm>>
      tpu.wait_indirect_dma semaphore(%arg14 : memref<!tpu.dma_semaphore, #tpu.memory_space<semaphore_mem>>) src(%dma_wait3A_1810 : memref<100000x128xf32, #tpu.memory_space<hbm>>) dst(%dma_wait3A_1805 : memref<128x128xf32, #tpu.memory_space<vmem>>)
      %dma_wait3A_1811 = arith.constant 0 : i32
      %dma_wait3A_1812 = arith.constant 0 : i32
      %dma_wait3A_1813 = tpu.memref_slice %arg11[%dma_wait3A_1811, %dma_wait3A_1812] : memref<256x128xf32, #tpu.memory_space<vmem>> -> memref<128x128xf32, #tpu.memory_space<vmem>>
      %dma_wait3A_1814 = arith.constant 768 : i32
      %dma_wait3A_1815 = tpu.memref_slice %arg8[%dma_wait3A_1814] : memref<1024xi32, #tpu.memory_space<vmem>> -> memref<128xi32, #tpu.memory_space<vmem>>
      %dma_wait3A_1816 = arith.constant 0 : i32
      %dma_wait3A_1817 = arith.constant 0 : i32
      %dma_wait3A_1818 = tpu.memref_slice %arg4[%dma_wait3A_1816, %dma_wait3A_1817] : memref<100000x128xf32, #tpu.memory_space<hbm>> -> memref<100000x128xf32, #tpu.memory_space<hbm>>
      tpu.wait_indirect_dma semaphore(%arg14 : memref<!tpu.dma_semaphore, #tpu.memory_space<semaphore_mem>>) src(%dma_wait3A_1818 : memref<100000x128xf32, #tpu.memory_space<hbm>>) dst(%dma_wait3A_1813 : memref<128x128xf32, #tpu.memory_space<vmem>>)
      %dma_wait3A_1819 = arith.constant 128 : i32
      %dma_wait3A_1820 = arith.constant 0 : i32
      %dma_wait3A_1821 = tpu.memref_slice %arg11[%dma_wait3A_1819, %dma_wait3A_1820] : memref<256x128xf32, #tpu.memory_space<vmem>> -> memref<128x128xf32, #tpu.memory_space<vmem>>
      %dma_wait3A_1822 = arith.constant 896 : i32
      %dma_wait3A_1823 = tpu.memref_slice %arg8[%dma_wait3A_1822] : memref<1024xi32, #tpu.memory_space<vmem>> -> memref<128xi32, #tpu.memory_space<vmem>>
      %dma_wait3A_1824 = arith.constant 0 : i32
      %dma_wait3A_1825 = arith.constant 0 : i32
      %dma_wait3A_1826 = tpu.memref_slice %arg4[%dma_wait3A_1824, %dma_wait3A_1825] : memref<100000x128xf32, #tpu.memory_space<hbm>> -> memref<100000x128xf32, #tpu.memory_space<hbm>>
      tpu.wait_indirect_dma semaphore(%arg14 : memref<!tpu.dma_semaphore, #tpu.memory_space<semaphore_mem>>) src(%dma_wait3A_1826 : memref<100000x128xf32, #tpu.memory_space<hbm>>) dst(%dma_wait3A_1821 : memref<128x128xf32, #tpu.memory_space<vmem>>)
      %add3A_1827 = arith.constant 3 : i32
      %add3A_1828 = arith.addi %add3A_1707, %add3A_1827 : i32
      %lt3A_1829 = arith.constant 7 : i32
      %lt3A_1830 = arith.cmpi slt, %add3A_1828, %lt3A_1829 : i32
      %convert_element_type3A_1831 = arith.extui %lt3A_1830 : i1 to i32
      %cond3A_1832 = arith.constant 0 : i32
      %cond3A_1833 = arith.cmpi ne, %convert_element_type3A_1831, %cond3A_1832 : i32
      scf.if %cond3A_1833 {
        %add3A_2301 = arith.constant 3 : i32
        %add3A_2302 = arith.addi %add3A_1707, %add3A_2301 : i32
        %mul3A_2303 = arith.constant 256 : i32
        %mul3A_2304 = arith.muli %add3A_2302, %mul3A_2303 : i32
        %add3A_2305 = arith.addi %mul3A_10, %mul3A_2304 : i32
        %sub3A_2306 = arith.constant 49744 : i32
        %sub3A_2307 = arith.subi %add3A_2305, %sub3A_2306 : i32
        %gt3A_2308 = arith.constant 0 : i32
        %gt3A_2309 = arith.cmpi sgt, %sub3A_2307, %gt3A_2308 : i32
        %add3A_2310 = arith.constant 256 : i32
        %add3A_2311 = arith.addi %sub3A_2307, %add3A_2310 : i32
        %sub3A_2312 = arith.constant 1 : i32
        %sub3A_2313 = arith.subi %add3A_2311, %sub3A_2312 : i32
        %jit3A_2314 = arith.constant 256 : i32
        %div3A_2315 = arith.divsi %sub3A_2313, %jit3A_2314 : i32
        %sign3A_2316 = arith.constant 0 : i32
        %sign3A_2317 = arith.cmpi sgt, %sub3A_2313, %sign3A_2316 : i32
        %sign3A_2318 = arith.extui %sign3A_2317 : i1 to i32
        %sign3A_2319 = arith.constant 0 : i32
        %sign3A_2320 = arith.cmpi slt, %sub3A_2313, %sign3A_2319 : i32
        %sign3A_2321 = arith.extui %sign3A_2320 : i1 to i32
        %sign3A_2322 = arith.subi %sign3A_2318, %sign3A_2321 : i32
        %sign3A_2323 = arith.constant 0 : i32
        %sign3A_2324 = arith.cmpi sgt, %jit3A_2314, %sign3A_2323 : i32
        %sign3A_2325 = arith.extui %sign3A_2324 : i1 to i32
        %sign3A_2326 = arith.constant 0 : i32
        %sign3A_2327 = arith.cmpi slt, %jit3A_2314, %sign3A_2326 : i32
        %sign3A_2328 = arith.extui %sign3A_2327 : i1 to i32
        %sign3A_2329 = arith.subi %sign3A_2325, %sign3A_2328 : i32
        %ne3A_2330 = arith.cmpi ne, %sign3A_2322, %sign3A_2329 : i32
        %rem3A_2331 = arith.remsi %sub3A_2313, %jit3A_2314 : i32
        %ne3A_2332 = arith.constant 0 : i32
        %ne3A_2333 = arith.cmpi ne, %rem3A_2331, %ne3A_2332 : i32
        %and3A_2334 = arith.andi %ne3A_2330, %ne3A_2333 : i1
        %sub3A_2335 = arith.constant 1 : i32
        %sub3A_2336 = arith.subi %div3A_2315, %sub3A_2335 : i32
        %select_n3A_2337 = arith.select %and3A_2334, %sub3A_2336, %div3A_2315 : i32
        %jit3A_2338 = arith.constant 16 : i32
        %eq3A_2339 = arith.constant 0 : i32
        %eq3A_2340 = arith.cmpi eq, %jit3A_2338, %eq3A_2339 : i32
        %jit3A_2341 = arith.constant 1 : i32
        %select_n3A_2342 = arith.select %eq3A_2340, %jit3A_2341, %jit3A_2338 : i32
        %rem3A_2343 = arith.remsi %select_n3A_2337, %select_n3A_2342 : i32
        %ne3A_2344 = arith.constant 0 : i32
        %ne3A_2345 = arith.cmpi ne, %rem3A_2343, %ne3A_2344 : i32
        %lt3A_2346 = arith.constant 0 : i32
        %lt3A_2347 = arith.cmpi slt, %rem3A_2343, %lt3A_2346 : i32
        %lt3A_2348 = arith.constant 0 : i32
        %lt3A_2349 = arith.cmpi slt, %select_n3A_2342, %lt3A_2348 : i32
        %ne3A_2350 = arith.xori %lt3A_2347, %lt3A_2349 : i1
        %and3A_2351 = arith.andi %ne3A_2350, %ne3A_2345 : i1
        %add3A_2352 = arith.addi %rem3A_2343, %select_n3A_2342 : i32
        %select_n3A_2353 = arith.select %and3A_2351, %add3A_2352, %rem3A_2343 : i32
        %jit3A_2354 = arith.constant 0 : i32
        %select_n3A_2355 = arith.select %gt3A_2309, %select_n3A_2353, %jit3A_2354 : i32
        %gt3A_2356 = arith.constant 0 : i32
        %gt3A_2357 = arith.cmpi sgt, %sub3A_2307, %gt3A_2356 : i32
        %mul3A_2358 = arith.constant 256 : i32
        %mul3A_2359 = arith.muli %select_n3A_2355, %mul3A_2358 : i32
        %sub3A_2360 = arith.constant 49744 : i32
        %sub3A_2361 = arith.subi %sub3A_2360, %mul3A_2359 : i32
        %select_n3A_2362 = arith.select %gt3A_2357, %sub3A_2361, %add3A_2305 : i32
        %add3A_2363 = arith.constant 0 : i32
        %add3A_2364 = arith.addi %add3A_2363, %select_n3A_2362 : i32
        %dma_start3A_2365 = arith.constant 0 : i32
        %dma_start3A_2366 = tpu.memref_slice %arg8[%dma_start3A_2365] : memref<1024xi32, #tpu.memory_space<vmem>> -> memref<256xi32, #tpu.memory_space<vmem>>
        %dma_start3A_2367 = tpu.memref_slice %arg2[%add3A_2364] : memref<200000xi32, #tpu.memory_space<hbm>> -> memref<256xi32, #tpu.memory_space<hbm>>
        %dma_start3A_2368 = arith.constant 0 : i32
        %dma_start3A_2369 = tpu.memref_slice %arg8[%dma_start3A_2368] : memref<1024xi32, #tpu.memory_space<vmem>> -> memref<256xi32, #tpu.memory_space<vmem>>
        %dma_start3A_2370 = tpu.memref_slice %arg2[%add3A_2364] : memref<200000xi32, #tpu.memory_space<hbm>> -> memref<256xi32, #tpu.memory_space<hbm>>
        tpu.enqueue_dma source(%dma_start3A_2370 : memref<256xi32, #tpu.memory_space<hbm>>) target(%dma_start3A_2369 : memref<256xi32, #tpu.memory_space<vmem>>) target_semaphore(%arg17 : memref<!tpu.dma_semaphore, #tpu.memory_space<semaphore_mem>>)
        %add3A_2371 = arith.constant 50000 : i32
        %add3A_2372 = arith.addi %add3A_2371, %select_n3A_2362 : i32
        %dma_start3A_2373 = arith.constant 256 : i32
        %dma_start3A_2374 = tpu.memref_slice %arg8[%dma_start3A_2373] : memref<1024xi32, #tpu.memory_space<vmem>> -> memref<256xi32, #tpu.memory_space<vmem>>
        %dma_start3A_2375 = tpu.memref_slice %arg2[%add3A_2372] : memref<200000xi32, #tpu.memory_space<hbm>> -> memref<256xi32, #tpu.memory_space<hbm>>
        %dma_start3A_2376 = arith.constant 256 : i32
        %dma_start3A_2377 = tpu.memref_slice %arg8[%dma_start3A_2376] : memref<1024xi32, #tpu.memory_space<vmem>> -> memref<256xi32, #tpu.memory_space<vmem>>
        %dma_start3A_2378 = tpu.memref_slice %arg2[%add3A_2372] : memref<200000xi32, #tpu.memory_space<hbm>> -> memref<256xi32, #tpu.memory_space<hbm>>
        tpu.enqueue_dma source(%dma_start3A_2378 : memref<256xi32, #tpu.memory_space<hbm>>) target(%dma_start3A_2377 : memref<256xi32, #tpu.memory_space<vmem>>) target_semaphore(%arg17 : memref<!tpu.dma_semaphore, #tpu.memory_space<semaphore_mem>>)
        %add3A_2379 = arith.constant 100000 : i32
        %add3A_2380 = arith.addi %add3A_2379, %select_n3A_2362 : i32
        %dma_start3A_2381 = arith.constant 512 : i32
        %dma_start3A_2382 = tpu.memref_slice %arg8[%dma_start3A_2381] : memref<1024xi32, #tpu.memory_space<vmem>> -> memref<256xi32, #tpu.memory_space<vmem>>
        %dma_start3A_2383 = tpu.memref_slice %arg2[%add3A_2380] : memref<200000xi32, #tpu.memory_space<hbm>> -> memref<256xi32, #tpu.memory_space<hbm>>
        %dma_start3A_2384 = arith.constant 512 : i32
        %dma_start3A_2385 = tpu.memref_slice %arg8[%dma_start3A_2384] : memref<1024xi32, #tpu.memory_space<vmem>> -> memref<256xi32, #tpu.memory_space<vmem>>
        %dma_start3A_2386 = tpu.memref_slice %arg2[%add3A_2380] : memref<200000xi32, #tpu.memory_space<hbm>> -> memref<256xi32, #tpu.memory_space<hbm>>
        tpu.enqueue_dma source(%dma_start3A_2386 : memref<256xi32, #tpu.memory_space<hbm>>) target(%dma_start3A_2385 : memref<256xi32, #tpu.memory_space<vmem>>) target_semaphore(%arg17 : memref<!tpu.dma_semaphore, #tpu.memory_space<semaphore_mem>>)
        %add3A_2387 = arith.constant 150000 : i32
        %add3A_2388 = arith.addi %add3A_2387, %select_n3A_2362 : i32
        %dma_start3A_2389 = arith.constant 768 : i32
        %dma_start3A_2390 = tpu.memref_slice %arg8[%dma_start3A_2389] : memref<1024xi32, #tpu.memory_space<vmem>> -> memref<256xi32, #tpu.memory_space<vmem>>
        %dma_start3A_2391 = tpu.memref_slice %arg2[%add3A_2388] : memref<200000xi32, #tpu.memory_space<hbm>> -> memref<256xi32, #tpu.memory_space<hbm>>
        %dma_start3A_2392 = arith.constant 768 : i32
        %dma_start3A_2393 = tpu.memref_slice %arg8[%dma_start3A_2392] : memref<1024xi32, #tpu.memory_space<vmem>> -> memref<256xi32, #tpu.memory_space<vmem>>
        %dma_start3A_2394 = tpu.memref_slice %arg2[%add3A_2388] : memref<200000xi32, #tpu.memory_space<hbm>> -> memref<256xi32, #tpu.memory_space<hbm>>
        tpu.enqueue_dma source(%dma_start3A_2394 : memref<256xi32, #tpu.memory_space<hbm>>) target(%dma_start3A_2393 : memref<256xi32, #tpu.memory_space<vmem>>) target_semaphore(%arg17 : memref<!tpu.dma_semaphore, #tpu.memory_space<semaphore_mem>>)
      } else {
      }
      %mul3A_1834 = arith.constant 256 : i32
      %mul3A_1835 = arith.muli %add3A_1707, %mul3A_1834 : i32
      %add3A_1836 = arith.addi %mul3A_10, %mul3A_1835 : i32
      %sub3A_1837 = arith.constant 49744 : i32
      %sub3A_1838 = arith.subi %add3A_1836, %sub3A_1837 : i32
      %gt3A_1839 = arith.constant 0 : i32
      %gt3A_1840 = arith.cmpi sgt, %sub3A_1838, %gt3A_1839 : i32
      %add3A_1841 = arith.constant 256 : i32
      %add3A_1842 = arith.addi %sub3A_1838, %add3A_1841 : i32
      %sub3A_1843 = arith.constant 1 : i32
      %sub3A_1844 = arith.subi %add3A_1842, %sub3A_1843 : i32
      %jit3A_1845 = arith.constant 256 : i32
      %div3A_1846 = arith.divsi %sub3A_1844, %jit3A_1845 : i32
      %sign3A_1847 = arith.constant 0 : i32
      %sign3A_1848 = arith.cmpi sgt, %sub3A_1844, %sign3A_1847 : i32
      %sign3A_1849 = arith.extui %sign3A_1848 : i1 to i32
      %sign3A_1850 = arith.constant 0 : i32
      %sign3A_1851 = arith.cmpi slt, %sub3A_1844, %sign3A_1850 : i32
      %sign3A_1852 = arith.extui %sign3A_1851 : i1 to i32
      %sign3A_1853 = arith.subi %sign3A_1849, %sign3A_1852 : i32
      %sign3A_1854 = arith.constant 0 : i32
      %sign3A_1855 = arith.cmpi sgt, %jit3A_1845, %sign3A_1854 : i32
      %sign3A_1856 = arith.extui %sign3A_1855 : i1 to i32
      %sign3A_1857 = arith.constant 0 : i32
      %sign3A_1858 = arith.cmpi slt, %jit3A_1845, %sign3A_1857 : i32
      %sign3A_1859 = arith.extui %sign3A_1858 : i1 to i32
      %sign3A_1860 = arith.subi %sign3A_1856, %sign3A_1859 : i32
      %ne3A_1861 = arith.cmpi ne, %sign3A_1853, %sign3A_1860 : i32
      %rem3A_1862 = arith.remsi %sub3A_1844, %jit3A_1845 : i32
      %ne3A_1863 = arith.constant 0 : i32
      %ne3A_1864 = arith.cmpi ne, %rem3A_1862, %ne3A_1863 : i32
      %and3A_1865 = arith.andi %ne3A_1861, %ne3A_1864 : i1
      %sub3A_1866 = arith.constant 1 : i32
      %sub3A_1867 = arith.subi %div3A_1846, %sub3A_1866 : i32
      %select_n3A_1868 = arith.select %and3A_1865, %sub3A_1867, %div3A_1846 : i32
      %jit3A_1869 = arith.constant 16 : i32
      %eq3A_1870 = arith.constant 0 : i32
      %eq3A_1871 = arith.cmpi eq, %jit3A_1869, %eq3A_1870 : i32
      %jit3A_1872 = arith.constant 1 : i32
      %select_n3A_1873 = arith.select %eq3A_1871, %jit3A_1872, %jit3A_1869 : i32
      %rem3A_1874 = arith.remsi %select_n3A_1868, %select_n3A_1873 : i32
      %ne3A_1875 = arith.constant 0 : i32
      %ne3A_1876 = arith.cmpi ne, %rem3A_1874, %ne3A_1875 : i32
      %lt3A_1877 = arith.constant 0 : i32
      %lt3A_1878 = arith.cmpi slt, %rem3A_1874, %lt3A_1877 : i32
      %lt3A_1879 = arith.constant 0 : i32
      %lt3A_1880 = arith.cmpi slt, %select_n3A_1873, %lt3A_1879 : i32
      %ne3A_1881 = arith.xori %lt3A_1878, %lt3A_1880 : i1
      %and3A_1882 = arith.andi %ne3A_1881, %ne3A_1876 : i1
      %add3A_1883 = arith.addi %rem3A_1874, %select_n3A_1873 : i32
      %select_n3A_1884 = arith.select %and3A_1882, %add3A_1883, %rem3A_1874 : i32
      %jit3A_1885 = arith.constant 0 : i32
      %select_n3A_1886 = arith.select %gt3A_1840, %select_n3A_1884, %jit3A_1885 : i32
      %gt3A_1887 = arith.constant 0 : i32
      %gt3A_1888 = arith.cmpi sgt, %sub3A_1838, %gt3A_1887 : i32
      %mul3A_1889 = arith.constant 256 : i32
      %mul3A_1890 = arith.muli %select_n3A_1886, %mul3A_1889 : i32
      %sub3A_1891 = arith.constant 49744 : i32
      %sub3A_1892 = arith.subi %sub3A_1891, %mul3A_1890 : i32
      %select_n3A_1893 = arith.select %gt3A_1888, %sub3A_1892, %add3A_1836 : i32
      %dma_start3A_1894 = arith.constant 0 : i32
      %dma_start3A_1895 = arith.constant 0 : i32
      %dma_start3A_1896 = tpu.memref_slice %arg11[%dma_start3A_1894, %dma_start3A_1895] : memref<256x128xf32, #tpu.memory_space<vmem>> -> memref<256x128xf32, #tpu.memory_space<vmem>>
      %dma_start3A_1897 = arith.constant 0 : i32
      %dma_start3A_1898 = tpu.memref_slice %arg6[%select_n3A_1893, %dma_start3A_1897] : memref<50000x128xf32, #tpu.memory_space<hbm>> -> memref<256x128xf32, #tpu.memory_space<hbm>>
      %dma_start3A_1899 = arith.constant 0 : i32
      %dma_start3A_1900 = tpu.memref_slice %arg6[%select_n3A_1893, %dma_start3A_1899] : memref<50000x128xf32, #tpu.memory_space<hbm>> -> memref<256x128xf32, #tpu.memory_space<hbm>>
      %dma_start3A_1901 = arith.constant 0 : i32
      %dma_start3A_1902 = arith.constant 0 : i32
      %dma_start3A_1903 = tpu.memref_slice %arg11[%dma_start3A_1901, %dma_start3A_1902] : memref<256x128xf32, #tpu.memory_space<vmem>> -> memref<256x128xf32, #tpu.memory_space<vmem>>
      tpu.enqueue_dma source(%dma_start3A_1903 : memref<256x128xf32, #tpu.memory_space<vmem>>) target(%dma_start3A_1900 : memref<256x128xf32, #tpu.memory_space<hbm>>) target_semaphore(%arg20 : memref<!tpu.dma_semaphore, #tpu.memory_space<semaphore_mem>>)
      %add3A_1904 = arith.constant 1 : i32
      %add3A_1905 = arith.addi %mul3A_1705, %add3A_1904 : i32
      %dma_wait3A_1906 = arith.constant 0 : i32
      %dma_wait3A_1907 = arith.constant 0 : i32
      %dma_wait3A_1908 = tpu.memref_slice %arg12[%dma_wait3A_1906, %dma_wait3A_1907] : memref<256x128xf32, #tpu.memory_space<vmem>> -> memref<128x128xf32, #tpu.memory_space<vmem>>
      %dma_wait3A_1909 = arith.constant 0 : i32
      %dma_wait3A_1910 = tpu.memref_slice %arg9[%dma_wait3A_1909] : memref<1024xi32, #tpu.memory_space<vmem>> -> memref<128xi32, #tpu.memory_space<vmem>>
      %dma_wait3A_1911 = arith.constant 0 : i32
      %dma_wait3A_1912 = arith.constant 0 : i32
      %dma_wait3A_1913 = tpu.memref_slice %arg4[%dma_wait3A_1911, %dma_wait3A_1912] : memref<100000x128xf32, #tpu.memory_space<hbm>> -> memref<100000x128xf32, #tpu.memory_space<hbm>>
      tpu.wait_indirect_dma semaphore(%arg15 : memref<!tpu.dma_semaphore, #tpu.memory_space<semaphore_mem>>) src(%dma_wait3A_1913 : memref<100000x128xf32, #tpu.memory_space<hbm>>) dst(%dma_wait3A_1908 : memref<128x128xf32, #tpu.memory_space<vmem>>)
      %dma_wait3A_1914 = arith.constant 128 : i32
      %dma_wait3A_1915 = arith.constant 0 : i32
      %dma_wait3A_1916 = tpu.memref_slice %arg12[%dma_wait3A_1914, %dma_wait3A_1915] : memref<256x128xf32, #tpu.memory_space<vmem>> -> memref<128x128xf32, #tpu.memory_space<vmem>>
      %dma_wait3A_1917 = arith.constant 128 : i32
      %dma_wait3A_1918 = tpu.memref_slice %arg9[%dma_wait3A_1917] : memref<1024xi32, #tpu.memory_space<vmem>> -> memref<128xi32, #tpu.memory_space<vmem>>
      %dma_wait3A_1919 = arith.constant 0 : i32
      %dma_wait3A_1920 = arith.constant 0 : i32
      %dma_wait3A_1921 = tpu.memref_slice %arg4[%dma_wait3A_1919, %dma_wait3A_1920] : memref<100000x128xf32, #tpu.memory_space<hbm>> -> memref<100000x128xf32, #tpu.memory_space<hbm>>
      tpu.wait_indirect_dma semaphore(%arg15 : memref<!tpu.dma_semaphore, #tpu.memory_space<semaphore_mem>>) src(%dma_wait3A_1921 : memref<100000x128xf32, #tpu.memory_space<hbm>>) dst(%dma_wait3A_1916 : memref<128x128xf32, #tpu.memory_space<vmem>>)
      %dma_start3A_1922 = arith.constant 0 : i32
      %dma_start3A_1923 = arith.constant 0 : i32
      %dma_start3A_1924 = tpu.memref_slice %arg12[%dma_start3A_1922, %dma_start3A_1923] : memref<256x128xf32, #tpu.memory_space<vmem>> -> memref<128x128xf32, #tpu.memory_space<vmem>>
      %dma_start3A_1925 = arith.constant 256 : i32
      %dma_start3A_1926 = tpu.memref_slice %arg9[%dma_start3A_1925] : memref<1024xi32, #tpu.memory_space<vmem>> -> memref<128xi32, #tpu.memory_space<vmem>>
      %dma_start3A_1927 = arith.constant 0 : i32
      %dma_start3A_1928 = arith.constant 0 : i32
      %dma_start3A_1929 = tpu.memref_slice %arg4[%dma_start3A_1927, %dma_start3A_1928] : memref<100000x128xf32, #tpu.memory_space<hbm>> -> memref<100000x128xf32, #tpu.memory_space<hbm>>
      tpu.enqueue_indirect_dma source(%dma_start3A_1929 : memref<100000x128xf32, #tpu.memory_space<hbm>>) target(%dma_start3A_1924 : memref<128x128xf32, #tpu.memory_space<vmem>>) offsets(%dma_start3A_1926 : memref<128xi32, #tpu.memory_space<vmem>>) semaphore(%arg15 : memref<!tpu.dma_semaphore, #tpu.memory_space<semaphore_mem>>) {add = true}
      %dma_start3A_1930 = arith.constant 128 : i32
      %dma_start3A_1931 = arith.constant 0 : i32
      %dma_start3A_1932 = tpu.memref_slice %arg12[%dma_start3A_1930, %dma_start3A_1931] : memref<256x128xf32, #tpu.memory_space<vmem>> -> memref<128x128xf32, #tpu.memory_space<vmem>>
      %dma_start3A_1933 = arith.constant 384 : i32
      %dma_start3A_1934 = tpu.memref_slice %arg9[%dma_start3A_1933] : memref<1024xi32, #tpu.memory_space<vmem>> -> memref<128xi32, #tpu.memory_space<vmem>>
      %dma_start3A_1935 = arith.constant 0 : i32
      %dma_start3A_1936 = arith.constant 0 : i32
      %dma_start3A_1937 = tpu.memref_slice %arg4[%dma_start3A_1935, %dma_start3A_1936] : memref<100000x128xf32, #tpu.memory_space<hbm>> -> memref<100000x128xf32, #tpu.memory_space<hbm>>
      tpu.enqueue_indirect_dma source(%dma_start3A_1937 : memref<100000x128xf32, #tpu.memory_space<hbm>>) target(%dma_start3A_1932 : memref<128x128xf32, #tpu.memory_space<vmem>>) offsets(%dma_start3A_1934 : memref<128xi32, #tpu.memory_space<vmem>>) semaphore(%arg15 : memref<!tpu.dma_semaphore, #tpu.memory_space<semaphore_mem>>) {add = true}
      %dma_start3A_1938 = arith.constant 0 : i32
      %dma_start3A_1939 = arith.constant 0 : i32
      %dma_start3A_1940 = tpu.memref_slice %arg12[%dma_start3A_1938, %dma_start3A_1939] : memref<256x128xf32, #tpu.memory_space<vmem>> -> memref<128x128xf32, #tpu.memory_space<vmem>>
      %dma_start3A_1941 = arith.constant 512 : i32
      %dma_start3A_1942 = tpu.memref_slice %arg9[%dma_start3A_1941] : memref<1024xi32, #tpu.memory_space<vmem>> -> memref<128xi32, #tpu.memory_space<vmem>>
      %dma_start3A_1943 = arith.constant 0 : i32
      %dma_start3A_1944 = arith.constant 0 : i32
      %dma_start3A_1945 = tpu.memref_slice %arg4[%dma_start3A_1943, %dma_start3A_1944] : memref<100000x128xf32, #tpu.memory_space<hbm>> -> memref<100000x128xf32, #tpu.memory_space<hbm>>
      tpu.enqueue_indirect_dma source(%dma_start3A_1945 : memref<100000x128xf32, #tpu.memory_space<hbm>>) target(%dma_start3A_1940 : memref<128x128xf32, #tpu.memory_space<vmem>>) offsets(%dma_start3A_1942 : memref<128xi32, #tpu.memory_space<vmem>>) semaphore(%arg15 : memref<!tpu.dma_semaphore, #tpu.memory_space<semaphore_mem>>) {add = true}
      %dma_start3A_1946 = arith.constant 128 : i32
      %dma_start3A_1947 = arith.constant 0 : i32
      %dma_start3A_1948 = tpu.memref_slice %arg12[%dma_start3A_1946, %dma_start3A_1947] : memref<256x128xf32, #tpu.memory_space<vmem>> -> memref<128x128xf32, #tpu.memory_space<vmem>>
      %dma_start3A_1949 = arith.constant 640 : i32
      %dma_start3A_1950 = tpu.memref_slice %arg9[%dma_start3A_1949] : memref<1024xi32, #tpu.memory_space<vmem>> -> memref<128xi32, #tpu.memory_space<vmem>>
      %dma_start3A_1951 = arith.constant 0 : i32
      %dma_start3A_1952 = arith.constant 0 : i32
      %dma_start3A_1953 = tpu.memref_slice %arg4[%dma_start3A_1951, %dma_start3A_1952] : memref<100000x128xf32, #tpu.memory_space<hbm>> -> memref<100000x128xf32, #tpu.memory_space<hbm>>
      tpu.enqueue_indirect_dma source(%dma_start3A_1953 : memref<100000x128xf32, #tpu.memory_space<hbm>>) target(%dma_start3A_1948 : memref<128x128xf32, #tpu.memory_space<vmem>>) offsets(%dma_start3A_1950 : memref<128xi32, #tpu.memory_space<vmem>>) semaphore(%arg15 : memref<!tpu.dma_semaphore, #tpu.memory_space<semaphore_mem>>) {add = true}
      %dma_start3A_1954 = arith.constant 0 : i32
      %dma_start3A_1955 = arith.constant 0 : i32
      %dma_start3A_1956 = tpu.memref_slice %arg12[%dma_start3A_1954, %dma_start3A_1955] : memref<256x128xf32, #tpu.memory_space<vmem>> -> memref<128x128xf32, #tpu.memory_space<vmem>>
      %dma_start3A_1957 = arith.constant 768 : i32
      %dma_start3A_1958 = tpu.memref_slice %arg9[%dma_start3A_1957] : memref<1024xi32, #tpu.memory_space<vmem>> -> memref<128xi32, #tpu.memory_space<vmem>>
      %dma_start3A_1959 = arith.constant 0 : i32
      %dma_start3A_1960 = arith.constant 0 : i32
      %dma_start3A_1961 = tpu.memref_slice %arg4[%dma_start3A_1959, %dma_start3A_1960] : memref<100000x128xf32, #tpu.memory_space<hbm>> -> memref<100000x128xf32, #tpu.memory_space<hbm>>
      tpu.enqueue_indirect_dma source(%dma_start3A_1961 : memref<100000x128xf32, #tpu.memory_space<hbm>>) target(%dma_start3A_1956 : memref<128x128xf32, #tpu.memory_space<vmem>>) offsets(%dma_start3A_1958 : memref<128xi32, #tpu.memory_space<vmem>>) semaphore(%arg15 : memref<!tpu.dma_semaphore, #tpu.memory_space<semaphore_mem>>) {add = true}
      %dma_start3A_1962 = arith.constant 128 : i32
      %dma_start3A_1963 = arith.constant 0 : i32
      %dma_start3A_1964 = tpu.memref_slice %arg12[%dma_start3A_1962, %dma_start3A_1963] : memref<256x128xf32, #tpu.memory_space<vmem>> -> memref<128x128xf32, #tpu.memory_space<vmem>>
      %dma_start3A_1965 = arith.constant 896 : i32
      %dma_start3A_1966 = tpu.memref_slice %arg9[%dma_start3A_1965] : memref<1024xi32, #tpu.memory_space<vmem>> -> memref<128xi32, #tpu.memory_space<vmem>>
      %dma_start3A_1967 = arith.constant 0 : i32
      %dma_start3A_1968 = arith.constant 0 : i32
      %dma_start3A_1969 = tpu.memref_slice %arg4[%dma_start3A_1967, %dma_start3A_1968] : memref<100000x128xf32, #tpu.memory_space<hbm>> -> memref<100000x128xf32, #tpu.memory_space<hbm>>
      tpu.enqueue_indirect_dma source(%dma_start3A_1969 : memref<100000x128xf32, #tpu.memory_space<hbm>>) target(%dma_start3A_1964 : memref<128x128xf32, #tpu.memory_space<vmem>>) offsets(%dma_start3A_1966 : memref<128xi32, #tpu.memory_space<vmem>>) semaphore(%arg15 : memref<!tpu.dma_semaphore, #tpu.memory_space<semaphore_mem>>) {add = true}
      %add3A_1970 = arith.constant 1 : i32
      %add3A_1971 = arith.addi %add3A_1905, %add3A_1970 : i32
      %lt3A_1972 = arith.constant 7 : i32
      %lt3A_1973 = arith.cmpi slt, %add3A_1971, %lt3A_1972 : i32
      %convert_element_type3A_1974 = arith.extui %lt3A_1973 : i1 to i32
      %cond3A_1975 = arith.constant 0 : i32
      %cond3A_1976 = arith.cmpi ne, %convert_element_type3A_1974, %cond3A_1975 : i32
      scf.if %cond3A_1976 {
        %add3A_2301 = arith.constant 1 : i32
        %add3A_2302 = arith.addi %add3A_1905, %add3A_2301 : i32
        %mul3A_2303 = arith.constant 256 : i32
        %mul3A_2304 = arith.muli %add3A_2302, %mul3A_2303 : i32
        %add3A_2305 = arith.addi %mul3A_10, %mul3A_2304 : i32
        %sub3A_2306 = arith.constant 49744 : i32
        %sub3A_2307 = arith.subi %add3A_2305, %sub3A_2306 : i32
        %gt3A_2308 = arith.constant 0 : i32
        %gt3A_2309 = arith.cmpi sgt, %sub3A_2307, %gt3A_2308 : i32
        %add3A_2310 = arith.constant 256 : i32
        %add3A_2311 = arith.addi %sub3A_2307, %add3A_2310 : i32
        %sub3A_2312 = arith.constant 1 : i32
        %sub3A_2313 = arith.subi %add3A_2311, %sub3A_2312 : i32
        %jit3A_2314 = arith.constant 256 : i32
        %div3A_2315 = arith.divsi %sub3A_2313, %jit3A_2314 : i32
        %sign3A_2316 = arith.constant 0 : i32
        %sign3A_2317 = arith.cmpi sgt, %sub3A_2313, %sign3A_2316 : i32
        %sign3A_2318 = arith.extui %sign3A_2317 : i1 to i32
        %sign3A_2319 = arith.constant 0 : i32
        %sign3A_2320 = arith.cmpi slt, %sub3A_2313, %sign3A_2319 : i32
        %sign3A_2321 = arith.extui %sign3A_2320 : i1 to i32
        %sign3A_2322 = arith.subi %sign3A_2318, %sign3A_2321 : i32
        %sign3A_2323 = arith.constant 0 : i32
        %sign3A_2324 = arith.cmpi sgt, %jit3A_2314, %sign3A_2323 : i32
        %sign3A_2325 = arith.extui %sign3A_2324 : i1 to i32
        %sign3A_2326 = arith.constant 0 : i32
        %sign3A_2327 = arith.cmpi slt, %jit3A_2314, %sign3A_2326 : i32
        %sign3A_2328 = arith.extui %sign3A_2327 : i1 to i32
        %sign3A_2329 = arith.subi %sign3A_2325, %sign3A_2328 : i32
        %ne3A_2330 = arith.cmpi ne, %sign3A_2322, %sign3A_2329 : i32
        %rem3A_2331 = arith.remsi %sub3A_2313, %jit3A_2314 : i32
        %ne3A_2332 = arith.constant 0 : i32
        %ne3A_2333 = arith.cmpi ne, %rem3A_2331, %ne3A_2332 : i32
        %and3A_2334 = arith.andi %ne3A_2330, %ne3A_2333 : i1
        %sub3A_2335 = arith.constant 1 : i32
        %sub3A_2336 = arith.subi %div3A_2315, %sub3A_2335 : i32
        %select_n3A_2337 = arith.select %and3A_2334, %sub3A_2336, %div3A_2315 : i32
        %jit3A_2338 = arith.constant 16 : i32
        %eq3A_2339 = arith.constant 0 : i32
        %eq3A_2340 = arith.cmpi eq, %jit3A_2338, %eq3A_2339 : i32
        %jit3A_2341 = arith.constant 1 : i32
        %select_n3A_2342 = arith.select %eq3A_2340, %jit3A_2341, %jit3A_2338 : i32
        %rem3A_2343 = arith.remsi %select_n3A_2337, %select_n3A_2342 : i32
        %ne3A_2344 = arith.constant 0 : i32
        %ne3A_2345 = arith.cmpi ne, %rem3A_2343, %ne3A_2344 : i32
        %lt3A_2346 = arith.constant 0 : i32
        %lt3A_2347 = arith.cmpi slt, %rem3A_2343, %lt3A_2346 : i32
        %lt3A_2348 = arith.constant 0 : i32
        %lt3A_2349 = arith.cmpi slt, %select_n3A_2342, %lt3A_2348 : i32
        %ne3A_2350 = arith.xori %lt3A_2347, %lt3A_2349 : i1
        %and3A_2351 = arith.andi %ne3A_2350, %ne3A_2345 : i1
        %add3A_2352 = arith.addi %rem3A_2343, %select_n3A_2342 : i32
        %select_n3A_2353 = arith.select %and3A_2351, %add3A_2352, %rem3A_2343 : i32
        %jit3A_2354 = arith.constant 0 : i32
        %select_n3A_2355 = arith.select %gt3A_2309, %select_n3A_2353, %jit3A_2354 : i32
        %gt3A_2356 = arith.constant 0 : i32
        %gt3A_2357 = arith.cmpi sgt, %sub3A_2307, %gt3A_2356 : i32
        %mul3A_2358 = arith.constant 256 : i32
        %mul3A_2359 = arith.muli %select_n3A_2355, %mul3A_2358 : i32
        %sub3A_2360 = arith.constant 49744 : i32
        %sub3A_2361 = arith.subi %sub3A_2360, %mul3A_2359 : i32
        %select_n3A_2362 = arith.select %gt3A_2357, %sub3A_2361, %add3A_2305 : i32
        %add3A_2363 = arith.constant 0 : i32
        %add3A_2364 = arith.addi %add3A_2363, %select_n3A_2362 : i32
        %dma_wait3A_2365 = arith.constant 0 : i32
        %dma_wait3A_2366 = tpu.memref_slice %arg10[%dma_wait3A_2365] : memref<1024xi32, #tpu.memory_space<vmem>> -> memref<256xi32, #tpu.memory_space<vmem>>
        %dma_wait3A_2367 = tpu.memref_slice %arg2[%add3A_2364] : memref<200000xi32, #tpu.memory_space<hbm>> -> memref<256xi32, #tpu.memory_space<hbm>>
        %dma_wait3A_2368 = arith.constant 0 : i32
        %dma_wait3A_2369 = tpu.memref_slice %arg10[%dma_wait3A_2368] : memref<1024xi32, #tpu.memory_space<vmem>> -> memref<256xi32, #tpu.memory_space<vmem>>
        %dma_wait3A_2370 = tpu.memref_slice %arg2[%add3A_2364] : memref<200000xi32, #tpu.memory_space<hbm>> -> memref<256xi32, #tpu.memory_space<hbm>>
        tpu.wait_dma2 semaphore(%arg19 : memref<!tpu.dma_semaphore, #tpu.memory_space<semaphore_mem>>) src(%dma_wait3A_2370 : memref<256xi32, #tpu.memory_space<hbm>>) dst(%dma_wait3A_2369 : memref<256xi32, #tpu.memory_space<vmem>>)
        %add3A_2371 = arith.constant 50000 : i32
        %add3A_2372 = arith.addi %add3A_2371, %select_n3A_2362 : i32
        %dma_wait3A_2373 = arith.constant 256 : i32
        %dma_wait3A_2374 = tpu.memref_slice %arg10[%dma_wait3A_2373] : memref<1024xi32, #tpu.memory_space<vmem>> -> memref<256xi32, #tpu.memory_space<vmem>>
        %dma_wait3A_2375 = tpu.memref_slice %arg2[%add3A_2372] : memref<200000xi32, #tpu.memory_space<hbm>> -> memref<256xi32, #tpu.memory_space<hbm>>
        %dma_wait3A_2376 = arith.constant 256 : i32
        %dma_wait3A_2377 = tpu.memref_slice %arg10[%dma_wait3A_2376] : memref<1024xi32, #tpu.memory_space<vmem>> -> memref<256xi32, #tpu.memory_space<vmem>>
        %dma_wait3A_2378 = tpu.memref_slice %arg2[%add3A_2372] : memref<200000xi32, #tpu.memory_space<hbm>> -> memref<256xi32, #tpu.memory_space<hbm>>
        tpu.wait_dma2 semaphore(%arg19 : memref<!tpu.dma_semaphore, #tpu.memory_space<semaphore_mem>>) src(%dma_wait3A_2378 : memref<256xi32, #tpu.memory_space<hbm>>) dst(%dma_wait3A_2377 : memref<256xi32, #tpu.memory_space<vmem>>)
        %add3A_2379 = arith.constant 100000 : i32
        %add3A_2380 = arith.addi %add3A_2379, %select_n3A_2362 : i32
        %dma_wait3A_2381 = arith.constant 512 : i32
        %dma_wait3A_2382 = tpu.memref_slice %arg10[%dma_wait3A_2381] : memref<1024xi32, #tpu.memory_space<vmem>> -> memref<256xi32, #tpu.memory_space<vmem>>
        %dma_wait3A_2383 = tpu.memref_slice %arg2[%add3A_2380] : memref<200000xi32, #tpu.memory_space<hbm>> -> memref<256xi32, #tpu.memory_space<hbm>>
        %dma_wait3A_2384 = arith.constant 512 : i32
        %dma_wait3A_2385 = tpu.memref_slice %arg10[%dma_wait3A_2384] : memref<1024xi32, #tpu.memory_space<vmem>> -> memref<256xi32, #tpu.memory_space<vmem>>
        %dma_wait3A_2386 = tpu.memref_slice %arg2[%add3A_2380] : memref<200000xi32, #tpu.memory_space<hbm>> -> memref<256xi32, #tpu.memory_space<hbm>>
        tpu.wait_dma2 semaphore(%arg19 : memref<!tpu.dma_semaphore, #tpu.memory_space<semaphore_mem>>) src(%dma_wait3A_2386 : memref<256xi32, #tpu.memory_space<hbm>>) dst(%dma_wait3A_2385 : memref<256xi32, #tpu.memory_space<vmem>>)
        %add3A_2387 = arith.constant 150000 : i32
        %add3A_2388 = arith.addi %add3A_2387, %select_n3A_2362 : i32
        %dma_wait3A_2389 = arith.constant 768 : i32
        %dma_wait3A_2390 = tpu.memref_slice %arg10[%dma_wait3A_2389] : memref<1024xi32, #tpu.memory_space<vmem>> -> memref<256xi32, #tpu.memory_space<vmem>>
        %dma_wait3A_2391 = tpu.memref_slice %arg2[%add3A_2388] : memref<200000xi32, #tpu.memory_space<hbm>> -> memref<256xi32, #tpu.memory_space<hbm>>
        %dma_wait3A_2392 = arith.constant 768 : i32
        %dma_wait3A_2393 = tpu.memref_slice %arg10[%dma_wait3A_2392] : memref<1024xi32, #tpu.memory_space<vmem>> -> memref<256xi32, #tpu.memory_space<vmem>>
        %dma_wait3A_2394 = tpu.memref_slice %arg2[%add3A_2388] : memref<200000xi32, #tpu.memory_space<hbm>> -> memref<256xi32, #tpu.memory_space<hbm>>
        tpu.wait_dma2 semaphore(%arg19 : memref<!tpu.dma_semaphore, #tpu.memory_space<semaphore_mem>>) src(%dma_wait3A_2394 : memref<256xi32, #tpu.memory_space<hbm>>) dst(%dma_wait3A_2393 : memref<256xi32, #tpu.memory_space<vmem>>)
        %ge3A = arith.constant 2 : i32
        %ge3A_2395 = arith.cmpi sge, %add3A_1905, %ge3A : i32
        %convert_element_type3A_2396 = arith.extui %ge3A_2395 : i1 to i32
        %cond3A_2397 = arith.constant 0 : i32
        %cond3A_2398 = arith.cmpi ne, %convert_element_type3A_2396, %cond3A_2397 : i32
        scf.if %cond3A_2398 {
          %sub3A_2415 = arith.constant 2 : i32
          %sub3A_2416 = arith.subi %add3A_1905, %sub3A_2415 : i32
          %mul3A_2417 = arith.constant 256 : i32
          %mul3A_2418 = arith.muli %sub3A_2416, %mul3A_2417 : i32
          %add3A_2419 = arith.addi %mul3A_10, %mul3A_2418 : i32
          %sub3A_2420 = arith.constant 49744 : i32
          %sub3A_2421 = arith.subi %add3A_2419, %sub3A_2420 : i32
          %gt3A_2422 = arith.constant 0 : i32
          %gt3A_2423 = arith.cmpi sgt, %sub3A_2421, %gt3A_2422 : i32
          %add3A_2424 = arith.constant 256 : i32
          %add3A_2425 = arith.addi %sub3A_2421, %add3A_2424 : i32
          %sub3A_2426 = arith.constant 1 : i32
          %sub3A_2427 = arith.subi %add3A_2425, %sub3A_2426 : i32
          %jit3A_2428 = arith.constant 256 : i32
          %div3A_2429 = arith.divsi %sub3A_2427, %jit3A_2428 : i32
          %sign3A_2430 = arith.constant 0 : i32
          %sign3A_2431 = arith.cmpi sgt, %sub3A_2427, %sign3A_2430 : i32
          %sign3A_2432 = arith.extui %sign3A_2431 : i1 to i32
          %sign3A_2433 = arith.constant 0 : i32
          %sign3A_2434 = arith.cmpi slt, %sub3A_2427, %sign3A_2433 : i32
          %sign3A_2435 = arith.extui %sign3A_2434 : i1 to i32
          %sign3A_2436 = arith.subi %sign3A_2432, %sign3A_2435 : i32
          %sign3A_2437 = arith.constant 0 : i32
          %sign3A_2438 = arith.cmpi sgt, %jit3A_2428, %sign3A_2437 : i32
          %sign3A_2439 = arith.extui %sign3A_2438 : i1 to i32
          %sign3A_2440 = arith.constant 0 : i32
          %sign3A_2441 = arith.cmpi slt, %jit3A_2428, %sign3A_2440 : i32
          %sign3A_2442 = arith.extui %sign3A_2441 : i1 to i32
          %sign3A_2443 = arith.subi %sign3A_2439, %sign3A_2442 : i32
          %ne3A_2444 = arith.cmpi ne, %sign3A_2436, %sign3A_2443 : i32
          %rem3A_2445 = arith.remsi %sub3A_2427, %jit3A_2428 : i32
          %ne3A_2446 = arith.constant 0 : i32
          %ne3A_2447 = arith.cmpi ne, %rem3A_2445, %ne3A_2446 : i32
          %and3A_2448 = arith.andi %ne3A_2444, %ne3A_2447 : i1
          %sub3A_2449 = arith.constant 1 : i32
          %sub3A_2450 = arith.subi %div3A_2429, %sub3A_2449 : i32
          %select_n3A_2451 = arith.select %and3A_2448, %sub3A_2450, %div3A_2429 : i32
          %jit3A_2452 = arith.constant 16 : i32
          %eq3A_2453 = arith.constant 0 : i32
          %eq3A_2454 = arith.cmpi eq, %jit3A_2452, %eq3A_2453 : i32
          %jit3A_2455 = arith.constant 1 : i32
          %select_n3A_2456 = arith.select %eq3A_2454, %jit3A_2455, %jit3A_2452 : i32
          %rem3A_2457 = arith.remsi %select_n3A_2451, %select_n3A_2456 : i32
          %ne3A_2458 = arith.constant 0 : i32
          %ne3A_2459 = arith.cmpi ne, %rem3A_2457, %ne3A_2458 : i32
          %lt3A_2460 = arith.constant 0 : i32
          %lt3A_2461 = arith.cmpi slt, %rem3A_2457, %lt3A_2460 : i32
          %lt3A_2462 = arith.constant 0 : i32
          %lt3A_2463 = arith.cmpi slt, %select_n3A_2456, %lt3A_2462 : i32
          %ne3A_2464 = arith.xori %lt3A_2461, %lt3A_2463 : i1
          %and3A_2465 = arith.andi %ne3A_2464, %ne3A_2459 : i1
          %add3A_2466 = arith.addi %rem3A_2457, %select_n3A_2456 : i32
          %select_n3A_2467 = arith.select %and3A_2465, %add3A_2466, %rem3A_2457 : i32
          %jit3A_2468 = arith.constant 0 : i32
          %select_n3A_2469 = arith.select %gt3A_2423, %select_n3A_2467, %jit3A_2468 : i32
          %gt3A_2470 = arith.constant 0 : i32
          %gt3A_2471 = arith.cmpi sgt, %sub3A_2421, %gt3A_2470 : i32
          %mul3A_2472 = arith.constant 256 : i32
          %mul3A_2473 = arith.muli %select_n3A_2469, %mul3A_2472 : i32
          %sub3A_2474 = arith.constant 49744 : i32
          %sub3A_2475 = arith.subi %sub3A_2474, %mul3A_2473 : i32
          %select_n3A_2476 = arith.select %gt3A_2471, %sub3A_2475, %add3A_2419 : i32
          %dma_wait3A_2477 = arith.constant 0 : i32
          %dma_wait3A_2478 = arith.constant 0 : i32
          %dma_wait3A_2479 = tpu.memref_slice %arg13[%dma_wait3A_2477, %dma_wait3A_2478] : memref<256x128xf32, #tpu.memory_space<vmem>> -> memref<256x128xf32, #tpu.memory_space<vmem>>
          %dma_wait3A_2480 = arith.constant 0 : i32
          %dma_wait3A_2481 = tpu.memref_slice %arg6[%select_n3A_2476, %dma_wait3A_2480] : memref<50000x128xf32, #tpu.memory_space<hbm>> -> memref<256x128xf32, #tpu.memory_space<hbm>>
          %dma_wait3A_2482 = arith.constant 0 : i32
          %dma_wait3A_2483 = tpu.memref_slice %arg6[%select_n3A_2476, %dma_wait3A_2482] : memref<50000x128xf32, #tpu.memory_space<hbm>> -> memref<256x128xf32, #tpu.memory_space<hbm>>
          %dma_wait3A_2484 = arith.constant 0 : i32
          %dma_wait3A_2485 = arith.constant 0 : i32
          %dma_wait3A_2486 = tpu.memref_slice %arg13[%dma_wait3A_2484, %dma_wait3A_2485] : memref<256x128xf32, #tpu.memory_space<vmem>> -> memref<256x128xf32, #tpu.memory_space<vmem>>
          tpu.wait_dma2 semaphore(%arg22 : memref<!tpu.dma_semaphore, #tpu.memory_space<semaphore_mem>>) src(%dma_wait3A_2486 : memref<256x128xf32, #tpu.memory_space<vmem>>) dst(%dma_wait3A_2483 : memref<256x128xf32, #tpu.memory_space<hbm>>)
        } else {
        }
        %dma_start3A_2399 = arith.constant 0 : i32
        %dma_start3A_2400 = arith.constant 0 : i32
        %dma_start3A_2401 = tpu.memref_slice %arg13[%dma_start3A_2399, %dma_start3A_2400] : memref<256x128xf32, #tpu.memory_space<vmem>> -> memref<128x128xf32, #tpu.memory_space<vmem>>
        %dma_start3A_2402 = arith.constant 0 : i32
        %dma_start3A_2403 = tpu.memref_slice %arg10[%dma_start3A_2402] : memref<1024xi32, #tpu.memory_space<vmem>> -> memref<128xi32, #tpu.memory_space<vmem>>
        %dma_start3A_2404 = arith.constant 0 : i32
        %dma_start3A_2405 = arith.constant 0 : i32
        %dma_start3A_2406 = tpu.memref_slice %arg4[%dma_start3A_2404, %dma_start3A_2405] : memref<100000x128xf32, #tpu.memory_space<hbm>> -> memref<100000x128xf32, #tpu.memory_space<hbm>>
        tpu.enqueue_indirect_dma source(%dma_start3A_2406 : memref<100000x128xf32, #tpu.memory_space<hbm>>) target(%dma_start3A_2401 : memref<128x128xf32, #tpu.memory_space<vmem>>) offsets(%dma_start3A_2403 : memref<128xi32, #tpu.memory_space<vmem>>) semaphore(%arg16 : memref<!tpu.dma_semaphore, #tpu.memory_space<semaphore_mem>>)
        %dma_start3A_2407 = arith.constant 128 : i32
        %dma_start3A_2408 = arith.constant 0 : i32
        %dma_start3A_2409 = tpu.memref_slice %arg13[%dma_start3A_2407, %dma_start3A_2408] : memref<256x128xf32, #tpu.memory_space<vmem>> -> memref<128x128xf32, #tpu.memory_space<vmem>>
        %dma_start3A_2410 = arith.constant 128 : i32
        %dma_start3A_2411 = tpu.memref_slice %arg10[%dma_start3A_2410] : memref<1024xi32, #tpu.memory_space<vmem>> -> memref<128xi32, #tpu.memory_space<vmem>>
        %dma_start3A_2412 = arith.constant 0 : i32
        %dma_start3A_2413 = arith.constant 0 : i32
        %dma_start3A_2414 = tpu.memref_slice %arg4[%dma_start3A_2412, %dma_start3A_2413] : memref<100000x128xf32, #tpu.memory_space<hbm>> -> memref<100000x128xf32, #tpu.memory_space<hbm>>
        tpu.enqueue_indirect_dma source(%dma_start3A_2414 : memref<100000x128xf32, #tpu.memory_space<hbm>>) target(%dma_start3A_2409 : memref<128x128xf32, #tpu.memory_space<vmem>>) offsets(%dma_start3A_2411 : memref<128xi32, #tpu.memory_space<vmem>>) semaphore(%arg16 : memref<!tpu.dma_semaphore, #tpu.memory_space<semaphore_mem>>)
      } else {
      }
      %dma_wait3A_1977 = arith.constant 0 : i32
      %dma_wait3A_1978 = arith.constant 0 : i32
      %dma_wait3A_1979 = tpu.memref_slice %arg12[%dma_wait3A_1977, %dma_wait3A_1978] : memref<256x128xf32, #tpu.memory_space<vmem>> -> memref<128x128xf32, #tpu.memory_space<vmem>>
      %dma_wait3A_1980 = arith.constant 256 : i32
      %dma_wait3A_1981 = tpu.memref_slice %arg9[%dma_wait3A_1980] : memref<1024xi32, #tpu.memory_space<vmem>> -> memref<128xi32, #tpu.memory_space<vmem>>
      %dma_wait3A_1982 = arith.constant 0 : i32
      %dma_wait3A_1983 = arith.constant 0 : i32
      %dma_wait3A_1984 = tpu.memref_slice %arg4[%dma_wait3A_1982, %dma_wait3A_1983] : memref<100000x128xf32, #tpu.memory_space<hbm>> -> memref<100000x128xf32, #tpu.memory_space<hbm>>
      tpu.wait_indirect_dma semaphore(%arg15 : memref<!tpu.dma_semaphore, #tpu.memory_space<semaphore_mem>>) src(%dma_wait3A_1984 : memref<100000x128xf32, #tpu.memory_space<hbm>>) dst(%dma_wait3A_1979 : memref<128x128xf32, #tpu.memory_space<vmem>>)
      %dma_wait3A_1985 = arith.constant 128 : i32
      %dma_wait3A_1986 = arith.constant 0 : i32
      %dma_wait3A_1987 = tpu.memref_slice %arg12[%dma_wait3A_1985, %dma_wait3A_1986] : memref<256x128xf32, #tpu.memory_space<vmem>> -> memref<128x128xf32, #tpu.memory_space<vmem>>
      %dma_wait3A_1988 = arith.constant 384 : i32
      %dma_wait3A_1989 = tpu.memref_slice %arg9[%dma_wait3A_1988] : memref<1024xi32, #tpu.memory_space<vmem>> -> memref<128xi32, #tpu.memory_space<vmem>>
      %dma_wait3A_1990 = arith.constant 0 : i32
      %dma_wait3A_1991 = arith.constant 0 : i32
      %dma_wait3A_1992 = tpu.memref_slice %arg4[%dma_wait3A_1990, %dma_wait3A_1991] : memref<100000x128xf32, #tpu.memory_space<hbm>> -> memref<100000x128xf32, #tpu.memory_space<hbm>>
      tpu.wait_indirect_dma semaphore(%arg15 : memref<!tpu.dma_semaphore, #tpu.memory_space<semaphore_mem>>) src(%dma_wait3A_1992 : memref<100000x128xf32, #tpu.memory_space<hbm>>) dst(%dma_wait3A_1987 : memref<128x128xf32, #tpu.memory_space<vmem>>)
      %dma_wait3A_1993 = arith.constant 0 : i32
      %dma_wait3A_1994 = arith.constant 0 : i32
      %dma_wait3A_1995 = tpu.memref_slice %arg12[%dma_wait3A_1993, %dma_wait3A_1994] : memref<256x128xf32, #tpu.memory_space<vmem>> -> memref<128x128xf32, #tpu.memory_space<vmem>>
      %dma_wait3A_1996 = arith.constant 512 : i32
      %dma_wait3A_1997 = tpu.memref_slice %arg9[%dma_wait3A_1996] : memref<1024xi32, #tpu.memory_space<vmem>> -> memref<128xi32, #tpu.memory_space<vmem>>
      %dma_wait3A_1998 = arith.constant 0 : i32
      %dma_wait3A_1999 = arith.constant 0 : i32
      %dma_wait3A_2000 = tpu.memref_slice %arg4[%dma_wait3A_1998, %dma_wait3A_1999] : memref<100000x128xf32, #tpu.memory_space<hbm>> -> memref<100000x128xf32, #tpu.memory_space<hbm>>
      tpu.wait_indirect_dma semaphore(%arg15 : memref<!tpu.dma_semaphore, #tpu.memory_space<semaphore_mem>>) src(%dma_wait3A_2000 : memref<100000x128xf32, #tpu.memory_space<hbm>>) dst(%dma_wait3A_1995 : memref<128x128xf32, #tpu.memory_space<vmem>>)
      %dma_wait3A_2001 = arith.constant 128 : i32
      %dma_wait3A_2002 = arith.constant 0 : i32
      %dma_wait3A_2003 = tpu.memref_slice %arg12[%dma_wait3A_2001, %dma_wait3A_2002] : memref<256x128xf32, #tpu.memory_space<vmem>> -> memref<128x128xf32, #tpu.memory_space<vmem>>
      %dma_wait3A_2004 = arith.constant 640 : i32
      %dma_wait3A_2005 = tpu.memref_slice %arg9[%dma_wait3A_2004] : memref<1024xi32, #tpu.memory_space<vmem>> -> memref<128xi32, #tpu.memory_space<vmem>>
      %dma_wait3A_2006 = arith.constant 0 : i32
      %dma_wait3A_2007 = arith.constant 0 : i32
      %dma_wait3A_2008 = tpu.memref_slice %arg4[%dma_wait3A_2006, %dma_wait3A_2007] : memref<100000x128xf32, #tpu.memory_space<hbm>> -> memref<100000x128xf32, #tpu.memory_space<hbm>>
      tpu.wait_indirect_dma semaphore(%arg15 : memref<!tpu.dma_semaphore, #tpu.memory_space<semaphore_mem>>) src(%dma_wait3A_2008 : memref<100000x128xf32, #tpu.memory_space<hbm>>) dst(%dma_wait3A_2003 : memref<128x128xf32, #tpu.memory_space<vmem>>)
      %dma_wait3A_2009 = arith.constant 0 : i32
      %dma_wait3A_2010 = arith.constant 0 : i32
      %dma_wait3A_2011 = tpu.memref_slice %arg12[%dma_wait3A_2009, %dma_wait3A_2010] : memref<256x128xf32, #tpu.memory_space<vmem>> -> memref<128x128xf32, #tpu.memory_space<vmem>>
      %dma_wait3A_2012 = arith.constant 768 : i32
      %dma_wait3A_2013 = tpu.memref_slice %arg9[%dma_wait3A_2012] : memref<1024xi32, #tpu.memory_space<vmem>> -> memref<128xi32, #tpu.memory_space<vmem>>
      %dma_wait3A_2014 = arith.constant 0 : i32
      %dma_wait3A_2015 = arith.constant 0 : i32
      %dma_wait3A_2016 = tpu.memref_slice %arg4[%dma_wait3A_2014, %dma_wait3A_2015] : memref<100000x128xf32, #tpu.memory_space<hbm>> -> memref<100000x128xf32, #tpu.memory_space<hbm>>
      tpu.wait_indirect_dma semaphore(%arg15 : memref<!tpu.dma_semaphore, #tpu.memory_space<semaphore_mem>>) src(%dma_wait3A_2016 : memref<100000x128xf32, #tpu.memory_space<hbm>>) dst(%dma_wait3A_2011 : memref<128x128xf32, #tpu.memory_space<vmem>>)
      %dma_wait3A_2017 = arith.constant 128 : i32
      %dma_wait3A_2018 = arith.constant 0 : i32
      %dma_wait3A_2019 = tpu.memref_slice %arg12[%dma_wait3A_2017, %dma_wait3A_2018] : memref<256x128xf32, #tpu.memory_space<vmem>> -> memref<128x128xf32, #tpu.memory_space<vmem>>
      %dma_wait3A_2020 = arith.constant 896 : i32
      %dma_wait3A_2021 = tpu.memref_slice %arg9[%dma_wait3A_2020] : memref<1024xi32, #tpu.memory_space<vmem>> -> memref<128xi32, #tpu.memory_space<vmem>>
      %dma_wait3A_2022 = arith.constant 0 : i32
      %dma_wait3A_2023 = arith.constant 0 : i32
      %dma_wait3A_2024 = tpu.memref_slice %arg4[%dma_wait3A_2022, %dma_wait3A_2023] : memref<100000x128xf32, #tpu.memory_space<hbm>> -> memref<100000x128xf32, #tpu.memory_space<hbm>>
      tpu.wait_indirect_dma semaphore(%arg15 : memref<!tpu.dma_semaphore, #tpu.memory_space<semaphore_mem>>) src(%dma_wait3A_2024 : memref<100000x128xf32, #tpu.memory_space<hbm>>) dst(%dma_wait3A_2019 : memref<128x128xf32, #tpu.memory_space<vmem>>)
      %add3A_2025 = arith.constant 3 : i32
      %add3A_2026 = arith.addi %add3A_1905, %add3A_2025 : i32
      %lt3A_2027 = arith.constant 7 : i32
      %lt3A_2028 = arith.cmpi slt, %add3A_2026, %lt3A_2027 : i32
      %convert_element_type3A_2029 = arith.extui %lt3A_2028 : i1 to i32
      %cond3A_2030 = arith.constant 0 : i32
      %cond3A_2031 = arith.cmpi ne, %convert_element_type3A_2029, %cond3A_2030 : i32
      scf.if %cond3A_2031 {
        %add3A_2301 = arith.constant 3 : i32
        %add3A_2302 = arith.addi %add3A_1905, %add3A_2301 : i32
        %mul3A_2303 = arith.constant 256 : i32
        %mul3A_2304 = arith.muli %add3A_2302, %mul3A_2303 : i32
        %add3A_2305 = arith.addi %mul3A_10, %mul3A_2304 : i32
        %sub3A_2306 = arith.constant 49744 : i32
        %sub3A_2307 = arith.subi %add3A_2305, %sub3A_2306 : i32
        %gt3A_2308 = arith.constant 0 : i32
        %gt3A_2309 = arith.cmpi sgt, %sub3A_2307, %gt3A_2308 : i32
        %add3A_2310 = arith.constant 256 : i32
        %add3A_2311 = arith.addi %sub3A_2307, %add3A_2310 : i32
        %sub3A_2312 = arith.constant 1 : i32
        %sub3A_2313 = arith.subi %add3A_2311, %sub3A_2312 : i32
        %jit3A_2314 = arith.constant 256 : i32
        %div3A_2315 = arith.divsi %sub3A_2313, %jit3A_2314 : i32
        %sign3A_2316 = arith.constant 0 : i32
        %sign3A_2317 = arith.cmpi sgt, %sub3A_2313, %sign3A_2316 : i32
        %sign3A_2318 = arith.extui %sign3A_2317 : i1 to i32
        %sign3A_2319 = arith.constant 0 : i32
        %sign3A_2320 = arith.cmpi slt, %sub3A_2313, %sign3A_2319 : i32
        %sign3A_2321 = arith.extui %sign3A_2320 : i1 to i32
        %sign3A_2322 = arith.subi %sign3A_2318, %sign3A_2321 : i32
        %sign3A_2323 = arith.constant 0 : i32
        %sign3A_2324 = arith.cmpi sgt, %jit3A_2314, %sign3A_2323 : i32
        %sign3A_2325 = arith.extui %sign3A_2324 : i1 to i32
        %sign3A_2326 = arith.constant 0 : i32
        %sign3A_2327 = arith.cmpi slt, %jit3A_2314, %sign3A_2326 : i32
        %sign3A_2328 = arith.extui %sign3A_2327 : i1 to i32
        %sign3A_2329 = arith.subi %sign3A_2325, %sign3A_2328 : i32
        %ne3A_2330 = arith.cmpi ne, %sign3A_2322, %sign3A_2329 : i32
        %rem3A_2331 = arith.remsi %sub3A_2313, %jit3A_2314 : i32
        %ne3A_2332 = arith.constant 0 : i32
        %ne3A_2333 = arith.cmpi ne, %rem3A_2331, %ne3A_2332 : i32
        %and3A_2334 = arith.andi %ne3A_2330, %ne3A_2333 : i1
        %sub3A_2335 = arith.constant 1 : i32
        %sub3A_2336 = arith.subi %div3A_2315, %sub3A_2335 : i32
        %select_n3A_2337 = arith.select %and3A_2334, %sub3A_2336, %div3A_2315 : i32
        %jit3A_2338 = arith.constant 16 : i32
        %eq3A_2339 = arith.constant 0 : i32
        %eq3A_2340 = arith.cmpi eq, %jit3A_2338, %eq3A_2339 : i32
        %jit3A_2341 = arith.constant 1 : i32
        %select_n3A_2342 = arith.select %eq3A_2340, %jit3A_2341, %jit3A_2338 : i32
        %rem3A_2343 = arith.remsi %select_n3A_2337, %select_n3A_2342 : i32
        %ne3A_2344 = arith.constant 0 : i32
        %ne3A_2345 = arith.cmpi ne, %rem3A_2343, %ne3A_2344 : i32
        %lt3A_2346 = arith.constant 0 : i32
        %lt3A_2347 = arith.cmpi slt, %rem3A_2343, %lt3A_2346 : i32
        %lt3A_2348 = arith.constant 0 : i32
        %lt3A_2349 = arith.cmpi slt, %select_n3A_2342, %lt3A_2348 : i32
        %ne3A_2350 = arith.xori %lt3A_2347, %lt3A_2349 : i1
        %and3A_2351 = arith.andi %ne3A_2350, %ne3A_2345 : i1
        %add3A_2352 = arith.addi %rem3A_2343, %select_n3A_2342 : i32
        %select_n3A_2353 = arith.select %and3A_2351, %add3A_2352, %rem3A_2343 : i32
        %jit3A_2354 = arith.constant 0 : i32
        %select_n3A_2355 = arith.select %gt3A_2309, %select_n3A_2353, %jit3A_2354 : i32
        %gt3A_2356 = arith.constant 0 : i32
        %gt3A_2357 = arith.cmpi sgt, %sub3A_2307, %gt3A_2356 : i32
        %mul3A_2358 = arith.constant 256 : i32
        %mul3A_2359 = arith.muli %select_n3A_2355, %mul3A_2358 : i32
        %sub3A_2360 = arith.constant 49744 : i32
        %sub3A_2361 = arith.subi %sub3A_2360, %mul3A_2359 : i32
        %select_n3A_2362 = arith.select %gt3A_2357, %sub3A_2361, %add3A_2305 : i32
        %add3A_2363 = arith.constant 0 : i32
        %add3A_2364 = arith.addi %add3A_2363, %select_n3A_2362 : i32
        %dma_start3A_2365 = arith.constant 0 : i32
        %dma_start3A_2366 = tpu.memref_slice %arg9[%dma_start3A_2365] : memref<1024xi32, #tpu.memory_space<vmem>> -> memref<256xi32, #tpu.memory_space<vmem>>
        %dma_start3A_2367 = tpu.memref_slice %arg2[%add3A_2364] : memref<200000xi32, #tpu.memory_space<hbm>> -> memref<256xi32, #tpu.memory_space<hbm>>
        %dma_start3A_2368 = arith.constant 0 : i32
        %dma_start3A_2369 = tpu.memref_slice %arg9[%dma_start3A_2368] : memref<1024xi32, #tpu.memory_space<vmem>> -> memref<256xi32, #tpu.memory_space<vmem>>
        %dma_start3A_2370 = tpu.memref_slice %arg2[%add3A_2364] : memref<200000xi32, #tpu.memory_space<hbm>> -> memref<256xi32, #tpu.memory_space<hbm>>
        tpu.enqueue_dma source(%dma_start3A_2370 : memref<256xi32, #tpu.memory_space<hbm>>) target(%dma_start3A_2369 : memref<256xi32, #tpu.memory_space<vmem>>) target_semaphore(%arg18 : memref<!tpu.dma_semaphore, #tpu.memory_space<semaphore_mem>>)
        %add3A_2371 = arith.constant 50000 : i32
        %add3A_2372 = arith.addi %add3A_2371, %select_n3A_2362 : i32
        %dma_start3A_2373 = arith.constant 256 : i32
        %dma_start3A_2374 = tpu.memref_slice %arg9[%dma_start3A_2373] : memref<1024xi32, #tpu.memory_space<vmem>> -> memref<256xi32, #tpu.memory_space<vmem>>
        %dma_start3A_2375 = tpu.memref_slice %arg2[%add3A_2372] : memref<200000xi32, #tpu.memory_space<hbm>> -> memref<256xi32, #tpu.memory_space<hbm>>
        %dma_start3A_2376 = arith.constant 256 : i32
        %dma_start3A_2377 = tpu.memref_slice %arg9[%dma_start3A_2376] : memref<1024xi32, #tpu.memory_space<vmem>> -> memref<256xi32, #tpu.memory_space<vmem>>
        %dma_start3A_2378 = tpu.memref_slice %arg2[%add3A_2372] : memref<200000xi32, #tpu.memory_space<hbm>> -> memref<256xi32, #tpu.memory_space<hbm>>
        tpu.enqueue_dma source(%dma_start3A_2378 : memref<256xi32, #tpu.memory_space<hbm>>) target(%dma_start3A_2377 : memref<256xi32, #tpu.memory_space<vmem>>) target_semaphore(%arg18 : memref<!tpu.dma_semaphore, #tpu.memory_space<semaphore_mem>>)
        %add3A_2379 = arith.constant 100000 : i32
        %add3A_2380 = arith.addi %add3A_2379, %select_n3A_2362 : i32
        %dma_start3A_2381 = arith.constant 512 : i32
        %dma_start3A_2382 = tpu.memref_slice %arg9[%dma_start3A_2381] : memref<1024xi32, #tpu.memory_space<vmem>> -> memref<256xi32, #tpu.memory_space<vmem>>
        %dma_start3A_2383 = tpu.memref_slice %arg2[%add3A_2380] : memref<200000xi32, #tpu.memory_space<hbm>> -> memref<256xi32, #tpu.memory_space<hbm>>
        %dma_start3A_2384 = arith.constant 512 : i32
        %dma_start3A_2385 = tpu.memref_slice %arg9[%dma_start3A_2384] : memref<1024xi32, #tpu.memory_space<vmem>> -> memref<256xi32, #tpu.memory_space<vmem>>
        %dma_start3A_2386 = tpu.memref_slice %arg2[%add3A_2380] : memref<200000xi32, #tpu.memory_space<hbm>> -> memref<256xi32, #tpu.memory_space<hbm>>
        tpu.enqueue_dma source(%dma_start3A_2386 : memref<256xi32, #tpu.memory_space<hbm>>) target(%dma_start3A_2385 : memref<256xi32, #tpu.memory_space<vmem>>) target_semaphore(%arg18 : memref<!tpu.dma_semaphore, #tpu.memory_space<semaphore_mem>>)
        %add3A_2387 = arith.constant 150000 : i32
        %add3A_2388 = arith.addi %add3A_2387, %select_n3A_2362 : i32
        %dma_start3A_2389 = arith.constant 768 : i32
        %dma_start3A_2390 = tpu.memref_slice %arg9[%dma_start3A_2389] : memref<1024xi32, #tpu.memory_space<vmem>> -> memref<256xi32, #tpu.memory_space<vmem>>
        %dma_start3A_2391 = tpu.memref_slice %arg2[%add3A_2388] : memref<200000xi32, #tpu.memory_space<hbm>> -> memref<256xi32, #tpu.memory_space<hbm>>
        %dma_start3A_2392 = arith.constant 768 : i32
        %dma_start3A_2393 = tpu.memref_slice %arg9[%dma_start3A_2392] : memref<1024xi32, #tpu.memory_space<vmem>> -> memref<256xi32, #tpu.memory_space<vmem>>
        %dma_start3A_2394 = tpu.memref_slice %arg2[%add3A_2388] : memref<200000xi32, #tpu.memory_space<hbm>> -> memref<256xi32, #tpu.memory_space<hbm>>
        tpu.enqueue_dma source(%dma_start3A_2394 : memref<256xi32, #tpu.memory_space<hbm>>) target(%dma_start3A_2393 : memref<256xi32, #tpu.memory_space<vmem>>) target_semaphore(%arg18 : memref<!tpu.dma_semaphore, #tpu.memory_space<semaphore_mem>>)
      } else {
      }
      %mul3A_2032 = arith.constant 256 : i32
      %mul3A_2033 = arith.muli %add3A_1905, %mul3A_2032 : i32
      %add3A_2034 = arith.addi %mul3A_10, %mul3A_2033 : i32
      %sub3A_2035 = arith.constant 49744 : i32
      %sub3A_2036 = arith.subi %add3A_2034, %sub3A_2035 : i32
      %gt3A_2037 = arith.constant 0 : i32
      %gt3A_2038 = arith.cmpi sgt, %sub3A_2036, %gt3A_2037 : i32
      %add3A_2039 = arith.constant 256 : i32
      %add3A_2040 = arith.addi %sub3A_2036, %add3A_2039 : i32
      %sub3A_2041 = arith.constant 1 : i32
      %sub3A_2042 = arith.subi %add3A_2040, %sub3A_2041 : i32
      %jit3A_2043 = arith.constant 256 : i32
      %div3A_2044 = arith.divsi %sub3A_2042, %jit3A_2043 : i32
      %sign3A_2045 = arith.constant 0 : i32
      %sign3A_2046 = arith.cmpi sgt, %sub3A_2042, %sign3A_2045 : i32
      %sign3A_2047 = arith.extui %sign3A_2046 : i1 to i32
      %sign3A_2048 = arith.constant 0 : i32
      %sign3A_2049 = arith.cmpi slt, %sub3A_2042, %sign3A_2048 : i32
      %sign3A_2050 = arith.extui %sign3A_2049 : i1 to i32
      %sign3A_2051 = arith.subi %sign3A_2047, %sign3A_2050 : i32
      %sign3A_2052 = arith.constant 0 : i32
      %sign3A_2053 = arith.cmpi sgt, %jit3A_2043, %sign3A_2052 : i32
      %sign3A_2054 = arith.extui %sign3A_2053 : i1 to i32
      %sign3A_2055 = arith.constant 0 : i32
      %sign3A_2056 = arith.cmpi slt, %jit3A_2043, %sign3A_2055 : i32
      %sign3A_2057 = arith.extui %sign3A_2056 : i1 to i32
      %sign3A_2058 = arith.subi %sign3A_2054, %sign3A_2057 : i32
      %ne3A_2059 = arith.cmpi ne, %sign3A_2051, %sign3A_2058 : i32
      %rem3A_2060 = arith.remsi %sub3A_2042, %jit3A_2043 : i32
      %ne3A_2061 = arith.constant 0 : i32
      %ne3A_2062 = arith.cmpi ne, %rem3A_2060, %ne3A_2061 : i32
      %and3A_2063 = arith.andi %ne3A_2059, %ne3A_2062 : i1
      %sub3A_2064 = arith.constant 1 : i32
      %sub3A_2065 = arith.subi %div3A_2044, %sub3A_2064 : i32
      %select_n3A_2066 = arith.select %and3A_2063, %sub3A_2065, %div3A_2044 : i32
      %jit3A_2067 = arith.constant 16 : i32
      %eq3A_2068 = arith.constant 0 : i32
      %eq3A_2069 = arith.cmpi eq, %jit3A_2067, %eq3A_2068 : i32
      %jit3A_2070 = arith.constant 1 : i32
      %select_n3A_2071 = arith.select %eq3A_2069, %jit3A_2070, %jit3A_2067 : i32
      %rem3A_2072 = arith.remsi %select_n3A_2066, %select_n3A_2071 : i32
      %ne3A_2073 = arith.constant 0 : i32
      %ne3A_2074 = arith.cmpi ne, %rem3A_2072, %ne3A_2073 : i32
      %lt3A_2075 = arith.constant 0 : i32
      %lt3A_2076 = arith.cmpi slt, %rem3A_2072, %lt3A_2075 : i32
      %lt3A_2077 = arith.constant 0 : i32
      %lt3A_2078 = arith.cmpi slt, %select_n3A_2071, %lt3A_2077 : i32
      %ne3A_2079 = arith.xori %lt3A_2076, %lt3A_2078 : i1
      %and3A_2080 = arith.andi %ne3A_2079, %ne3A_2074 : i1
      %add3A_2081 = arith.addi %rem3A_2072, %select_n3A_2071 : i32
      %select_n3A_2082 = arith.select %and3A_2080, %add3A_2081, %rem3A_2072 : i32
      %jit3A_2083 = arith.constant 0 : i32
      %select_n3A_2084 = arith.select %gt3A_2038, %select_n3A_2082, %jit3A_2083 : i32
      %gt3A_2085 = arith.constant 0 : i32
      %gt3A_2086 = arith.cmpi sgt, %sub3A_2036, %gt3A_2085 : i32
      %mul3A_2087 = arith.constant 256 : i32
      %mul3A_2088 = arith.muli %select_n3A_2084, %mul3A_2087 : i32
      %sub3A_2089 = arith.constant 49744 : i32
      %sub3A_2090 = arith.subi %sub3A_2089, %mul3A_2088 : i32
      %select_n3A_2091 = arith.select %gt3A_2086, %sub3A_2090, %add3A_2034 : i32
      %dma_start3A_2092 = arith.constant 0 : i32
      %dma_start3A_2093 = arith.constant 0 : i32
      %dma_start3A_2094 = tpu.memref_slice %arg12[%dma_start3A_2092, %dma_start3A_2093] : memref<256x128xf32, #tpu.memory_space<vmem>> -> memref<256x128xf32, #tpu.memory_space<vmem>>
      %dma_start3A_2095 = arith.constant 0 : i32
      %dma_start3A_2096 = tpu.memref_slice %arg6[%select_n3A_2091, %dma_start3A_2095] : memref<50000x128xf32, #tpu.memory_space<hbm>> -> memref<256x128xf32, #tpu.memory_space<hbm>>
      %dma_start3A_2097 = arith.constant 0 : i32
      %dma_start3A_2098 = tpu.memref_slice %arg6[%select_n3A_2091, %dma_start3A_2097] : memref<50000x128xf32, #tpu.memory_space<hbm>> -> memref<256x128xf32, #tpu.memory_space<hbm>>
      %dma_start3A_2099 = arith.constant 0 : i32
      %dma_start3A_2100 = arith.constant 0 : i32
      %dma_start3A_2101 = tpu.memref_slice %arg12[%dma_start3A_2099, %dma_start3A_2100] : memref<256x128xf32, #tpu.memory_space<vmem>> -> memref<256x128xf32, #tpu.memory_space<vmem>>
      tpu.enqueue_dma source(%dma_start3A_2101 : memref<256x128xf32, #tpu.memory_space<vmem>>) target(%dma_start3A_2098 : memref<256x128xf32, #tpu.memory_space<hbm>>) target_semaphore(%arg21 : memref<!tpu.dma_semaphore, #tpu.memory_space<semaphore_mem>>)
      %add3A_2102 = arith.constant 2 : i32
      %add3A_2103 = arith.addi %mul3A_1705, %add3A_2102 : i32
      %dma_wait3A_2104 = arith.constant 0 : i32
      %dma_wait3A_2105 = arith.constant 0 : i32
      %dma_wait3A_2106 = tpu.memref_slice %arg13[%dma_wait3A_2104, %dma_wait3A_2105] : memref<256x128xf32, #tpu.memory_space<vmem>> -> memref<128x128xf32, #tpu.memory_space<vmem>>
      %dma_wait3A_2107 = arith.constant 0 : i32
      %dma_wait3A_2108 = tpu.memref_slice %arg10[%dma_wait3A_2107] : memref<1024xi32, #tpu.memory_space<vmem>> -> memref<128xi32, #tpu.memory_space<vmem>>
      %dma_wait3A_2109 = arith.constant 0 : i32
      %dma_wait3A_2110 = arith.constant 0 : i32
      %dma_wait3A_2111 = tpu.memref_slice %arg4[%dma_wait3A_2109, %dma_wait3A_2110] : memref<100000x128xf32, #tpu.memory_space<hbm>> -> memref<100000x128xf32, #tpu.memory_space<hbm>>
      tpu.wait_indirect_dma semaphore(%arg16 : memref<!tpu.dma_semaphore, #tpu.memory_space<semaphore_mem>>) src(%dma_wait3A_2111 : memref<100000x128xf32, #tpu.memory_space<hbm>>) dst(%dma_wait3A_2106 : memref<128x128xf32, #tpu.memory_space<vmem>>)
      %dma_wait3A_2112 = arith.constant 128 : i32
      %dma_wait3A_2113 = arith.constant 0 : i32
      %dma_wait3A_2114 = tpu.memref_slice %arg13[%dma_wait3A_2112, %dma_wait3A_2113] : memref<256x128xf32, #tpu.memory_space<vmem>> -> memref<128x128xf32, #tpu.memory_space<vmem>>
      %dma_wait3A_2115 = arith.constant 128 : i32
      %dma_wait3A_2116 = tpu.memref_slice %arg10[%dma_wait3A_2115] : memref<1024xi32, #tpu.memory_space<vmem>> -> memref<128xi32, #tpu.memory_space<vmem>>
      %dma_wait3A_2117 = arith.constant 0 : i32
      %dma_wait3A_2118 = arith.constant 0 : i32
      %dma_wait3A_2119 = tpu.memref_slice %arg4[%dma_wait3A_2117, %dma_wait3A_2118] : memref<100000x128xf32, #tpu.memory_space<hbm>> -> memref<100000x128xf32, #tpu.memory_space<hbm>>
      tpu.wait_indirect_dma semaphore(%arg16 : memref<!tpu.dma_semaphore, #tpu.memory_space<semaphore_mem>>) src(%dma_wait3A_2119 : memref<100000x128xf32, #tpu.memory_space<hbm>>) dst(%dma_wait3A_2114 : memref<128x128xf32, #tpu.memory_space<vmem>>)
      %dma_start3A_2120 = arith.constant 0 : i32
      %dma_start3A_2121 = arith.constant 0 : i32
      %dma_start3A_2122 = tpu.memref_slice %arg13[%dma_start3A_2120, %dma_start3A_2121] : memref<256x128xf32, #tpu.memory_space<vmem>> -> memref<128x128xf32, #tpu.memory_space<vmem>>
      %dma_start3A_2123 = arith.constant 256 : i32
      %dma_start3A_2124 = tpu.memref_slice %arg10[%dma_start3A_2123] : memref<1024xi32, #tpu.memory_space<vmem>> -> memref<128xi32, #tpu.memory_space<vmem>>
      %dma_start3A_2125 = arith.constant 0 : i32
      %dma_start3A_2126 = arith.constant 0 : i32
      %dma_start3A_2127 = tpu.memref_slice %arg4[%dma_start3A_2125, %dma_start3A_2126] : memref<100000x128xf32, #tpu.memory_space<hbm>> -> memref<100000x128xf32, #tpu.memory_space<hbm>>
      tpu.enqueue_indirect_dma source(%dma_start3A_2127 : memref<100000x128xf32, #tpu.memory_space<hbm>>) target(%dma_start3A_2122 : memref<128x128xf32, #tpu.memory_space<vmem>>) offsets(%dma_start3A_2124 : memref<128xi32, #tpu.memory_space<vmem>>) semaphore(%arg16 : memref<!tpu.dma_semaphore, #tpu.memory_space<semaphore_mem>>) {add = true}
      %dma_start3A_2128 = arith.constant 128 : i32
      %dma_start3A_2129 = arith.constant 0 : i32
      %dma_start3A_2130 = tpu.memref_slice %arg13[%dma_start3A_2128, %dma_start3A_2129] : memref<256x128xf32, #tpu.memory_space<vmem>> -> memref<128x128xf32, #tpu.memory_space<vmem>>
      %dma_start3A_2131 = arith.constant 384 : i32
      %dma_start3A_2132 = tpu.memref_slice %arg10[%dma_start3A_2131] : memref<1024xi32, #tpu.memory_space<vmem>> -> memref<128xi32, #tpu.memory_space<vmem>>
      %dma_start3A_2133 = arith.constant 0 : i32
      %dma_start3A_2134 = arith.constant 0 : i32
      %dma_start3A_2135 = tpu.memref_slice %arg4[%dma_start3A_2133, %dma_start3A_2134] : memref<100000x128xf32, #tpu.memory_space<hbm>> -> memref<100000x128xf32, #tpu.memory_space<hbm>>
      tpu.enqueue_indirect_dma source(%dma_start3A_2135 : memref<100000x128xf32, #tpu.memory_space<hbm>>) target(%dma_start3A_2130 : memref<128x128xf32, #tpu.memory_space<vmem>>) offsets(%dma_start3A_2132 : memref<128xi32, #tpu.memory_space<vmem>>) semaphore(%arg16 : memref<!tpu.dma_semaphore, #tpu.memory_space<semaphore_mem>>) {add = true}
      %dma_start3A_2136 = arith.constant 0 : i32
      %dma_start3A_2137 = arith.constant 0 : i32
      %dma_start3A_2138 = tpu.memref_slice %arg13[%dma_start3A_2136, %dma_start3A_2137] : memref<256x128xf32, #tpu.memory_space<vmem>> -> memref<128x128xf32, #tpu.memory_space<vmem>>
      %dma_start3A_2139 = arith.constant 512 : i32
      %dma_start3A_2140 = tpu.memref_slice %arg10[%dma_start3A_2139] : memref<1024xi32, #tpu.memory_space<vmem>> -> memref<128xi32, #tpu.memory_space<vmem>>
      %dma_start3A_2141 = arith.constant 0 : i32
      %dma_start3A_2142 = arith.constant 0 : i32
      %dma_start3A_2143 = tpu.memref_slice %arg4[%dma_start3A_2141, %dma_start3A_2142] : memref<100000x128xf32, #tpu.memory_space<hbm>> -> memref<100000x128xf32, #tpu.memory_space<hbm>>
      tpu.enqueue_indirect_dma source(%dma_start3A_2143 : memref<100000x128xf32, #tpu.memory_space<hbm>>) target(%dma_start3A_2138 : memref<128x128xf32, #tpu.memory_space<vmem>>) offsets(%dma_start3A_2140 : memref<128xi32, #tpu.memory_space<vmem>>) semaphore(%arg16 : memref<!tpu.dma_semaphore, #tpu.memory_space<semaphore_mem>>) {add = true}
      %dma_start3A_2144 = arith.constant 128 : i32
      %dma_start3A_2145 = arith.constant 0 : i32
      %dma_start3A_2146 = tpu.memref_slice %arg13[%dma_start3A_2144, %dma_start3A_2145] : memref<256x128xf32, #tpu.memory_space<vmem>> -> memref<128x128xf32, #tpu.memory_space<vmem>>
      %dma_start3A_2147 = arith.constant 640 : i32
      %dma_start3A_2148 = tpu.memref_slice %arg10[%dma_start3A_2147] : memref<1024xi32, #tpu.memory_space<vmem>> -> memref<128xi32, #tpu.memory_space<vmem>>
      %dma_start3A_2149 = arith.constant 0 : i32
      %dma_start3A_2150 = arith.constant 0 : i32
      %dma_start3A_2151 = tpu.memref_slice %arg4[%dma_start3A_2149, %dma_start3A_2150] : memref<100000x128xf32, #tpu.memory_space<hbm>> -> memref<100000x128xf32, #tpu.memory_space<hbm>>
      tpu.enqueue_indirect_dma source(%dma_start3A_2151 : memref<100000x128xf32, #tpu.memory_space<hbm>>) target(%dma_start3A_2146 : memref<128x128xf32, #tpu.memory_space<vmem>>) offsets(%dma_start3A_2148 : memref<128xi32, #tpu.memory_space<vmem>>) semaphore(%arg16 : memref<!tpu.dma_semaphore, #tpu.memory_space<semaphore_mem>>) {add = true}
      %dma_start3A_2152 = arith.constant 0 : i32
      %dma_start3A_2153 = arith.constant 0 : i32
      %dma_start3A_2154 = tpu.memref_slice %arg13[%dma_start3A_2152, %dma_start3A_2153] : memref<256x128xf32, #tpu.memory_space<vmem>> -> memref<128x128xf32, #tpu.memory_space<vmem>>
      %dma_start3A_2155 = arith.constant 768 : i32
      %dma_start3A_2156 = tpu.memref_slice %arg10[%dma_start3A_2155] : memref<1024xi32, #tpu.memory_space<vmem>> -> memref<128xi32, #tpu.memory_space<vmem>>
      %dma_start3A_2157 = arith.constant 0 : i32
      %dma_start3A_2158 = arith.constant 0 : i32
      %dma_start3A_2159 = tpu.memref_slice %arg4[%dma_start3A_2157, %dma_start3A_2158] : memref<100000x128xf32, #tpu.memory_space<hbm>> -> memref<100000x128xf32, #tpu.memory_space<hbm>>
      tpu.enqueue_indirect_dma source(%dma_start3A_2159 : memref<100000x128xf32, #tpu.memory_space<hbm>>) target(%dma_start3A_2154 : memref<128x128xf32, #tpu.memory_space<vmem>>) offsets(%dma_start3A_2156 : memref<128xi32, #tpu.memory_space<vmem>>) semaphore(%arg16 : memref<!tpu.dma_semaphore, #tpu.memory_space<semaphore_mem>>) {add = true}
      %dma_start3A_2160 = arith.constant 128 : i32
      %dma_start3A_2161 = arith.constant 0 : i32
      %dma_start3A_2162 = tpu.memref_slice %arg13[%dma_start3A_2160, %dma_start3A_2161] : memref<256x128xf32, #tpu.memory_space<vmem>> -> memref<128x128xf32, #tpu.memory_space<vmem>>
      %dma_start3A_2163 = arith.constant 896 : i32
      %dma_start3A_2164 = tpu.memref_slice %arg10[%dma_start3A_2163] : memref<1024xi32, #tpu.memory_space<vmem>> -> memref<128xi32, #tpu.memory_space<vmem>>
      %dma_start3A_2165 = arith.constant 0 : i32
      %dma_start3A_2166 = arith.constant 0 : i32
      %dma_start3A_2167 = tpu.memref_slice %arg4[%dma_start3A_2165, %dma_start3A_2166] : memref<100000x128xf32, #tpu.memory_space<hbm>> -> memref<100000x128xf32, #tpu.memory_space<hbm>>
      tpu.enqueue_indirect_dma source(%dma_start3A_2167 : memref<100000x128xf32, #tpu.memory_space<hbm>>) target(%dma_start3A_2162 : memref<128x128xf32, #tpu.memory_space<vmem>>) offsets(%dma_start3A_2164 : memref<128xi32, #tpu.memory_space<vmem>>) semaphore(%arg16 : memref<!tpu.dma_semaphore, #tpu.memory_space<semaphore_mem>>) {add = true}
      %add3A_2168 = arith.constant 1 : i32
      %add3A_2169 = arith.addi %add3A_2103, %add3A_2168 : i32
      %lt3A_2170 = arith.constant 7 : i32
      %lt3A_2171 = arith.cmpi slt, %add3A_2169, %lt3A_2170 : i32
      %convert_element_type3A_2172 = arith.extui %lt3A_2171 : i1 to i32
      %cond3A_2173 = arith.constant 0 : i32
      %cond3A_2174 = arith.cmpi ne, %convert_element_type3A_2172, %cond3A_2173 : i32
      scf.if %cond3A_2174 {
        %add3A_2301 = arith.constant 1 : i32
        %add3A_2302 = arith.addi %add3A_2103, %add3A_2301 : i32
        %mul3A_2303 = arith.constant 256 : i32
        %mul3A_2304 = arith.muli %add3A_2302, %mul3A_2303 : i32
        %add3A_2305 = arith.addi %mul3A_10, %mul3A_2304 : i32
        %sub3A_2306 = arith.constant 49744 : i32
        %sub3A_2307 = arith.subi %add3A_2305, %sub3A_2306 : i32
        %gt3A_2308 = arith.constant 0 : i32
        %gt3A_2309 = arith.cmpi sgt, %sub3A_2307, %gt3A_2308 : i32
        %add3A_2310 = arith.constant 256 : i32
        %add3A_2311 = arith.addi %sub3A_2307, %add3A_2310 : i32
        %sub3A_2312 = arith.constant 1 : i32
        %sub3A_2313 = arith.subi %add3A_2311, %sub3A_2312 : i32
        %jit3A_2314 = arith.constant 256 : i32
        %div3A_2315 = arith.divsi %sub3A_2313, %jit3A_2314 : i32
        %sign3A_2316 = arith.constant 0 : i32
        %sign3A_2317 = arith.cmpi sgt, %sub3A_2313, %sign3A_2316 : i32
        %sign3A_2318 = arith.extui %sign3A_2317 : i1 to i32
        %sign3A_2319 = arith.constant 0 : i32
        %sign3A_2320 = arith.cmpi slt, %sub3A_2313, %sign3A_2319 : i32
        %sign3A_2321 = arith.extui %sign3A_2320 : i1 to i32
        %sign3A_2322 = arith.subi %sign3A_2318, %sign3A_2321 : i32
        %sign3A_2323 = arith.constant 0 : i32
        %sign3A_2324 = arith.cmpi sgt, %jit3A_2314, %sign3A_2323 : i32
        %sign3A_2325 = arith.extui %sign3A_2324 : i1 to i32
        %sign3A_2326 = arith.constant 0 : i32
        %sign3A_2327 = arith.cmpi slt, %jit3A_2314, %sign3A_2326 : i32
        %sign3A_2328 = arith.extui %sign3A_2327 : i1 to i32
        %sign3A_2329 = arith.subi %sign3A_2325, %sign3A_2328 : i32
        %ne3A_2330 = arith.cmpi ne, %sign3A_2322, %sign3A_2329 : i32
        %rem3A_2331 = arith.remsi %sub3A_2313, %jit3A_2314 : i32
        %ne3A_2332 = arith.constant 0 : i32
        %ne3A_2333 = arith.cmpi ne, %rem3A_2331, %ne3A_2332 : i32
        %and3A_2334 = arith.andi %ne3A_2330, %ne3A_2333 : i1
        %sub3A_2335 = arith.constant 1 : i32
        %sub3A_2336 = arith.subi %div3A_2315, %sub3A_2335 : i32
        %select_n3A_2337 = arith.select %and3A_2334, %sub3A_2336, %div3A_2315 : i32
        %jit3A_2338 = arith.constant 16 : i32
        %eq3A_2339 = arith.constant 0 : i32
        %eq3A_2340 = arith.cmpi eq, %jit3A_2338, %eq3A_2339 : i32
        %jit3A_2341 = arith.constant 1 : i32
        %select_n3A_2342 = arith.select %eq3A_2340, %jit3A_2341, %jit3A_2338 : i32
        %rem3A_2343 = arith.remsi %select_n3A_2337, %select_n3A_2342 : i32
        %ne3A_2344 = arith.constant 0 : i32
        %ne3A_2345 = arith.cmpi ne, %rem3A_2343, %ne3A_2344 : i32
        %lt3A_2346 = arith.constant 0 : i32
        %lt3A_2347 = arith.cmpi slt, %rem3A_2343, %lt3A_2346 : i32
        %lt3A_2348 = arith.constant 0 : i32
        %lt3A_2349 = arith.cmpi slt, %select_n3A_2342, %lt3A_2348 : i32
        %ne3A_2350 = arith.xori %lt3A_2347, %lt3A_2349 : i1
        %and3A_2351 = arith.andi %ne3A_2350, %ne3A_2345 : i1
        %add3A_2352 = arith.addi %rem3A_2343, %select_n3A_2342 : i32
        %select_n3A_2353 = arith.select %and3A_2351, %add3A_2352, %rem3A_2343 : i32
        %jit3A_2354 = arith.constant 0 : i32
        %select_n3A_2355 = arith.select %gt3A_2309, %select_n3A_2353, %jit3A_2354 : i32
        %gt3A_2356 = arith.constant 0 : i32
        %gt3A_2357 = arith.cmpi sgt, %sub3A_2307, %gt3A_2356 : i32
        %mul3A_2358 = arith.constant 256 : i32
        %mul3A_2359 = arith.muli %select_n3A_2355, %mul3A_2358 : i32
        %sub3A_2360 = arith.constant 49744 : i32
        %sub3A_2361 = arith.subi %sub3A_2360, %mul3A_2359 : i32
        %select_n3A_2362 = arith.select %gt3A_2357, %sub3A_2361, %add3A_2305 : i32
        %add3A_2363 = arith.constant 0 : i32
        %add3A_2364 = arith.addi %add3A_2363, %select_n3A_2362 : i32
        %dma_wait3A_2365 = arith.constant 0 : i32
        %dma_wait3A_2366 = tpu.memref_slice %arg8[%dma_wait3A_2365] : memref<1024xi32, #tpu.memory_space<vmem>> -> memref<256xi32, #tpu.memory_space<vmem>>
        %dma_wait3A_2367 = tpu.memref_slice %arg2[%add3A_2364] : memref<200000xi32, #tpu.memory_space<hbm>> -> memref<256xi32, #tpu.memory_space<hbm>>
        %dma_wait3A_2368 = arith.constant 0 : i32
        %dma_wait3A_2369 = tpu.memref_slice %arg8[%dma_wait3A_2368] : memref<1024xi32, #tpu.memory_space<vmem>> -> memref<256xi32, #tpu.memory_space<vmem>>
        %dma_wait3A_2370 = tpu.memref_slice %arg2[%add3A_2364] : memref<200000xi32, #tpu.memory_space<hbm>> -> memref<256xi32, #tpu.memory_space<hbm>>
        tpu.wait_dma2 semaphore(%arg17 : memref<!tpu.dma_semaphore, #tpu.memory_space<semaphore_mem>>) src(%dma_wait3A_2370 : memref<256xi32, #tpu.memory_space<hbm>>) dst(%dma_wait3A_2369 : memref<256xi32, #tpu.memory_space<vmem>>)
        %add3A_2371 = arith.constant 50000 : i32
        %add3A_2372 = arith.addi %add3A_2371, %select_n3A_2362 : i32
        %dma_wait3A_2373 = arith.constant 256 : i32
        %dma_wait3A_2374 = tpu.memref_slice %arg8[%dma_wait3A_2373] : memref<1024xi32, #tpu.memory_space<vmem>> -> memref<256xi32, #tpu.memory_space<vmem>>
        %dma_wait3A_2375 = tpu.memref_slice %arg2[%add3A_2372] : memref<200000xi32, #tpu.memory_space<hbm>> -> memref<256xi32, #tpu.memory_space<hbm>>
        %dma_wait3A_2376 = arith.constant 256 : i32
        %dma_wait3A_2377 = tpu.memref_slice %arg8[%dma_wait3A_2376] : memref<1024xi32, #tpu.memory_space<vmem>> -> memref<256xi32, #tpu.memory_space<vmem>>
        %dma_wait3A_2378 = tpu.memref_slice %arg2[%add3A_2372] : memref<200000xi32, #tpu.memory_space<hbm>> -> memref<256xi32, #tpu.memory_space<hbm>>
        tpu.wait_dma2 semaphore(%arg17 : memref<!tpu.dma_semaphore, #tpu.memory_space<semaphore_mem>>) src(%dma_wait3A_2378 : memref<256xi32, #tpu.memory_space<hbm>>) dst(%dma_wait3A_2377 : memref<256xi32, #tpu.memory_space<vmem>>)
        %add3A_2379 = arith.constant 100000 : i32
        %add3A_2380 = arith.addi %add3A_2379, %select_n3A_2362 : i32
        %dma_wait3A_2381 = arith.constant 512 : i32
        %dma_wait3A_2382 = tpu.memref_slice %arg8[%dma_wait3A_2381] : memref<1024xi32, #tpu.memory_space<vmem>> -> memref<256xi32, #tpu.memory_space<vmem>>
        %dma_wait3A_2383 = tpu.memref_slice %arg2[%add3A_2380] : memref<200000xi32, #tpu.memory_space<hbm>> -> memref<256xi32, #tpu.memory_space<hbm>>
        %dma_wait3A_2384 = arith.constant 512 : i32
        %dma_wait3A_2385 = tpu.memref_slice %arg8[%dma_wait3A_2384] : memref<1024xi32, #tpu.memory_space<vmem>> -> memref<256xi32, #tpu.memory_space<vmem>>
        %dma_wait3A_2386 = tpu.memref_slice %arg2[%add3A_2380] : memref<200000xi32, #tpu.memory_space<hbm>> -> memref<256xi32, #tpu.memory_space<hbm>>
        tpu.wait_dma2 semaphore(%arg17 : memref<!tpu.dma_semaphore, #tpu.memory_space<semaphore_mem>>) src(%dma_wait3A_2386 : memref<256xi32, #tpu.memory_space<hbm>>) dst(%dma_wait3A_2385 : memref<256xi32, #tpu.memory_space<vmem>>)
        %add3A_2387 = arith.constant 150000 : i32
        %add3A_2388 = arith.addi %add3A_2387, %select_n3A_2362 : i32
        %dma_wait3A_2389 = arith.constant 768 : i32
        %dma_wait3A_2390 = tpu.memref_slice %arg8[%dma_wait3A_2389] : memref<1024xi32, #tpu.memory_space<vmem>> -> memref<256xi32, #tpu.memory_space<vmem>>
        %dma_wait3A_2391 = tpu.memref_slice %arg2[%add3A_2388] : memref<200000xi32, #tpu.memory_space<hbm>> -> memref<256xi32, #tpu.memory_space<hbm>>
        %dma_wait3A_2392 = arith.constant 768 : i32
        %dma_wait3A_2393 = tpu.memref_slice %arg8[%dma_wait3A_2392] : memref<1024xi32, #tpu.memory_space<vmem>> -> memref<256xi32, #tpu.memory_space<vmem>>
        %dma_wait3A_2394 = tpu.memref_slice %arg2[%add3A_2388] : memref<200000xi32, #tpu.memory_space<hbm>> -> memref<256xi32, #tpu.memory_space<hbm>>
        tpu.wait_dma2 semaphore(%arg17 : memref<!tpu.dma_semaphore, #tpu.memory_space<semaphore_mem>>) src(%dma_wait3A_2394 : memref<256xi32, #tpu.memory_space<hbm>>) dst(%dma_wait3A_2393 : memref<256xi32, #tpu.memory_space<vmem>>)
        %ge3A = arith.constant 2 : i32
        %ge3A_2395 = arith.cmpi sge, %add3A_2103, %ge3A : i32
        %convert_element_type3A_2396 = arith.extui %ge3A_2395 : i1 to i32
        %cond3A_2397 = arith.constant 0 : i32
        %cond3A_2398 = arith.cmpi ne, %convert_element_type3A_2396, %cond3A_2397 : i32
        scf.if %cond3A_2398 {
          %sub3A_2415 = arith.constant 2 : i32
          %sub3A_2416 = arith.subi %add3A_2103, %sub3A_2415 : i32
          %mul3A_2417 = arith.constant 256 : i32
          %mul3A_2418 = arith.muli %sub3A_2416, %mul3A_2417 : i32
          %add3A_2419 = arith.addi %mul3A_10, %mul3A_2418 : i32
          %sub3A_2420 = arith.constant 49744 : i32
          %sub3A_2421 = arith.subi %add3A_2419, %sub3A_2420 : i32
          %gt3A_2422 = arith.constant 0 : i32
          %gt3A_2423 = arith.cmpi sgt, %sub3A_2421, %gt3A_2422 : i32
          %add3A_2424 = arith.constant 256 : i32
          %add3A_2425 = arith.addi %sub3A_2421, %add3A_2424 : i32
          %sub3A_2426 = arith.constant 1 : i32
          %sub3A_2427 = arith.subi %add3A_2425, %sub3A_2426 : i32
          %jit3A_2428 = arith.constant 256 : i32
          %div3A_2429 = arith.divsi %sub3A_2427, %jit3A_2428 : i32
          %sign3A_2430 = arith.constant 0 : i32
          %sign3A_2431 = arith.cmpi sgt, %sub3A_2427, %sign3A_2430 : i32
          %sign3A_2432 = arith.extui %sign3A_2431 : i1 to i32
          %sign3A_2433 = arith.constant 0 : i32
          %sign3A_2434 = arith.cmpi slt, %sub3A_2427, %sign3A_2433 : i32
          %sign3A_2435 = arith.extui %sign3A_2434 : i1 to i32
          %sign3A_2436 = arith.subi %sign3A_2432, %sign3A_2435 : i32
          %sign3A_2437 = arith.constant 0 : i32
          %sign3A_2438 = arith.cmpi sgt, %jit3A_2428, %sign3A_2437 : i32
          %sign3A_2439 = arith.extui %sign3A_2438 : i1 to i32
          %sign3A_2440 = arith.constant 0 : i32
          %sign3A_2441 = arith.cmpi slt, %jit3A_2428, %sign3A_2440 : i32
          %sign3A_2442 = arith.extui %sign3A_2441 : i1 to i32
          %sign3A_2443 = arith.subi %sign3A_2439, %sign3A_2442 : i32
          %ne3A_2444 = arith.cmpi ne, %sign3A_2436, %sign3A_2443 : i32
          %rem3A_2445 = arith.remsi %sub3A_2427, %jit3A_2428 : i32
          %ne3A_2446 = arith.constant 0 : i32
          %ne3A_2447 = arith.cmpi ne, %rem3A_2445, %ne3A_2446 : i32
          %and3A_2448 = arith.andi %ne3A_2444, %ne3A_2447 : i1
          %sub3A_2449 = arith.constant 1 : i32
          %sub3A_2450 = arith.subi %div3A_2429, %sub3A_2449 : i32
          %select_n3A_2451 = arith.select %and3A_2448, %sub3A_2450, %div3A_2429 : i32
          %jit3A_2452 = arith.constant 16 : i32
          %eq3A_2453 = arith.constant 0 : i32
          %eq3A_2454 = arith.cmpi eq, %jit3A_2452, %eq3A_2453 : i32
          %jit3A_2455 = arith.constant 1 : i32
          %select_n3A_2456 = arith.select %eq3A_2454, %jit3A_2455, %jit3A_2452 : i32
          %rem3A_2457 = arith.remsi %select_n3A_2451, %select_n3A_2456 : i32
          %ne3A_2458 = arith.constant 0 : i32
          %ne3A_2459 = arith.cmpi ne, %rem3A_2457, %ne3A_2458 : i32
          %lt3A_2460 = arith.constant 0 : i32
          %lt3A_2461 = arith.cmpi slt, %rem3A_2457, %lt3A_2460 : i32
          %lt3A_2462 = arith.constant 0 : i32
          %lt3A_2463 = arith.cmpi slt, %select_n3A_2456, %lt3A_2462 : i32
          %ne3A_2464 = arith.xori %lt3A_2461, %lt3A_2463 : i1
          %and3A_2465 = arith.andi %ne3A_2464, %ne3A_2459 : i1
          %add3A_2466 = arith.addi %rem3A_2457, %select_n3A_2456 : i32
          %select_n3A_2467 = arith.select %and3A_2465, %add3A_2466, %rem3A_2457 : i32
          %jit3A_2468 = arith.constant 0 : i32
          %select_n3A_2469 = arith.select %gt3A_2423, %select_n3A_2467, %jit3A_2468 : i32
          %gt3A_2470 = arith.constant 0 : i32
          %gt3A_2471 = arith.cmpi sgt, %sub3A_2421, %gt3A_2470 : i32
          %mul3A_2472 = arith.constant 256 : i32
          %mul3A_2473 = arith.muli %select_n3A_2469, %mul3A_2472 : i32
          %sub3A_2474 = arith.constant 49744 : i32
          %sub3A_2475 = arith.subi %sub3A_2474, %mul3A_2473 : i32
          %select_n3A_2476 = arith.select %gt3A_2471, %sub3A_2475, %add3A_2419 : i32
          %dma_wait3A_2477 = arith.constant 0 : i32
          %dma_wait3A_2478 = arith.constant 0 : i32
          %dma_wait3A_2479 = tpu.memref_slice %arg11[%dma_wait3A_2477, %dma_wait3A_2478] : memref<256x128xf32, #tpu.memory_space<vmem>> -> memref<256x128xf32, #tpu.memory_space<vmem>>
          %dma_wait3A_2480 = arith.constant 0 : i32
          %dma_wait3A_2481 = tpu.memref_slice %arg6[%select_n3A_2476, %dma_wait3A_2480] : memref<50000x128xf32, #tpu.memory_space<hbm>> -> memref<256x128xf32, #tpu.memory_space<hbm>>
          %dma_wait3A_2482 = arith.constant 0 : i32
          %dma_wait3A_2483 = tpu.memref_slice %arg6[%select_n3A_2476, %dma_wait3A_2482] : memref<50000x128xf32, #tpu.memory_space<hbm>> -> memref<256x128xf32, #tpu.memory_space<hbm>>
          %dma_wait3A_2484 = arith.constant 0 : i32
          %dma_wait3A_2485 = arith.constant 0 : i32
          %dma_wait3A_2486 = tpu.memref_slice %arg11[%dma_wait3A_2484, %dma_wait3A_2485] : memref<256x128xf32, #tpu.memory_space<vmem>> -> memref<256x128xf32, #tpu.memory_space<vmem>>
          tpu.wait_dma2 semaphore(%arg20 : memref<!tpu.dma_semaphore, #tpu.memory_space<semaphore_mem>>) src(%dma_wait3A_2486 : memref<256x128xf32, #tpu.memory_space<vmem>>) dst(%dma_wait3A_2483 : memref<256x128xf32, #tpu.memory_space<hbm>>)
        } else {
        }
        %dma_start3A_2399 = arith.constant 0 : i32
        %dma_start3A_2400 = arith.constant 0 : i32
        %dma_start3A_2401 = tpu.memref_slice %arg11[%dma_start3A_2399, %dma_start3A_2400] : memref<256x128xf32, #tpu.memory_space<vmem>> -> memref<128x128xf32, #tpu.memory_space<vmem>>
        %dma_start3A_2402 = arith.constant 0 : i32
        %dma_start3A_2403 = tpu.memref_slice %arg8[%dma_start3A_2402] : memref<1024xi32, #tpu.memory_space<vmem>> -> memref<128xi32, #tpu.memory_space<vmem>>
        %dma_start3A_2404 = arith.constant 0 : i32
        %dma_start3A_2405 = arith.constant 0 : i32
        %dma_start3A_2406 = tpu.memref_slice %arg4[%dma_start3A_2404, %dma_start3A_2405] : memref<100000x128xf32, #tpu.memory_space<hbm>> -> memref<100000x128xf32, #tpu.memory_space<hbm>>
        tpu.enqueue_indirect_dma source(%dma_start3A_2406 : memref<100000x128xf32, #tpu.memory_space<hbm>>) target(%dma_start3A_2401 : memref<128x128xf32, #tpu.memory_space<vmem>>) offsets(%dma_start3A_2403 : memref<128xi32, #tpu.memory_space<vmem>>) semaphore(%arg14 : memref<!tpu.dma_semaphore, #tpu.memory_space<semaphore_mem>>)
        %dma_start3A_2407 = arith.constant 128 : i32
        %dma_start3A_2408 = arith.constant 0 : i32
        %dma_start3A_2409 = tpu.memref_slice %arg11[%dma_start3A_2407, %dma_start3A_2408] : memref<256x128xf32, #tpu.memory_space<vmem>> -> memref<128x128xf32, #tpu.memory_space<vmem>>
        %dma_start3A_2410 = arith.constant 128 : i32
        %dma_start3A_2411 = tpu.memref_slice %arg8[%dma_start3A_2410] : memref<1024xi32, #tpu.memory_space<vmem>> -> memref<128xi32, #tpu.memory_space<vmem>>
        %dma_start3A_2412 = arith.constant 0 : i32
        %dma_start3A_2413 = arith.constant 0 : i32
        %dma_start3A_2414 = tpu.memref_slice %arg4[%dma_start3A_2412, %dma_start3A_2413] : memref<100000x128xf32, #tpu.memory_space<hbm>> -> memref<100000x128xf32, #tpu.memory_space<hbm>>
        tpu.enqueue_indirect_dma source(%dma_start3A_2414 : memref<100000x128xf32, #tpu.memory_space<hbm>>) target(%dma_start3A_2409 : memref<128x128xf32, #tpu.memory_space<vmem>>) offsets(%dma_start3A_2411 : memref<128xi32, #tpu.memory_space<vmem>>) semaphore(%arg14 : memref<!tpu.dma_semaphore, #tpu.memory_space<semaphore_mem>>)
      } else {
      }
      %dma_wait3A_2175 = arith.constant 0 : i32
      %dma_wait3A_2176 = arith.constant 0 : i32
      %dma_wait3A_2177 = tpu.memref_slice %arg13[%dma_wait3A_2175, %dma_wait3A_2176] : memref<256x128xf32, #tpu.memory_space<vmem>> -> memref<128x128xf32, #tpu.memory_space<vmem>>
      %dma_wait3A_2178 = arith.constant 256 : i32
      %dma_wait3A_2179 = tpu.memref_slice %arg10[%dma_wait3A_2178] : memref<1024xi32, #tpu.memory_space<vmem>> -> memref<128xi32, #tpu.memory_space<vmem>>
      %dma_wait3A_2180 = arith.constant 0 : i32
      %dma_wait3A_2181 = arith.constant 0 : i32
      %dma_wait3A_2182 = tpu.memref_slice %arg4[%dma_wait3A_2180, %dma_wait3A_2181] : memref<100000x128xf32, #tpu.memory_space<hbm>> -> memref<100000x128xf32, #tpu.memory_space<hbm>>
      tpu.wait_indirect_dma semaphore(%arg16 : memref<!tpu.dma_semaphore, #tpu.memory_space<semaphore_mem>>) src(%dma_wait3A_2182 : memref<100000x128xf32, #tpu.memory_space<hbm>>) dst(%dma_wait3A_2177 : memref<128x128xf32, #tpu.memory_space<vmem>>)
      %dma_wait3A_2183 = arith.constant 128 : i32
      %dma_wait3A_2184 = arith.constant 0 : i32
      %dma_wait3A_2185 = tpu.memref_slice %arg13[%dma_wait3A_2183, %dma_wait3A_2184] : memref<256x128xf32, #tpu.memory_space<vmem>> -> memref<128x128xf32, #tpu.memory_space<vmem>>
      %dma_wait3A_2186 = arith.constant 384 : i32
      %dma_wait3A_2187 = tpu.memref_slice %arg10[%dma_wait3A_2186] : memref<1024xi32, #tpu.memory_space<vmem>> -> memref<128xi32, #tpu.memory_space<vmem>>
      %dma_wait3A_2188 = arith.constant 0 : i32
      %dma_wait3A_2189 = arith.constant 0 : i32
      %dma_wait3A_2190 = tpu.memref_slice %arg4[%dma_wait3A_2188, %dma_wait3A_2189] : memref<100000x128xf32, #tpu.memory_space<hbm>> -> memref<100000x128xf32, #tpu.memory_space<hbm>>
      tpu.wait_indirect_dma semaphore(%arg16 : memref<!tpu.dma_semaphore, #tpu.memory_space<semaphore_mem>>) src(%dma_wait3A_2190 : memref<100000x128xf32, #tpu.memory_space<hbm>>) dst(%dma_wait3A_2185 : memref<128x128xf32, #tpu.memory_space<vmem>>)
      %dma_wait3A_2191 = arith.constant 0 : i32
      %dma_wait3A_2192 = arith.constant 0 : i32
      %dma_wait3A_2193 = tpu.memref_slice %arg13[%dma_wait3A_2191, %dma_wait3A_2192] : memref<256x128xf32, #tpu.memory_space<vmem>> -> memref<128x128xf32, #tpu.memory_space<vmem>>
      %dma_wait3A_2194 = arith.constant 512 : i32
      %dma_wait3A_2195 = tpu.memref_slice %arg10[%dma_wait3A_2194] : memref<1024xi32, #tpu.memory_space<vmem>> -> memref<128xi32, #tpu.memory_space<vmem>>
      %dma_wait3A_2196 = arith.constant 0 : i32
      %dma_wait3A_2197 = arith.constant 0 : i32
      %dma_wait3A_2198 = tpu.memref_slice %arg4[%dma_wait3A_2196, %dma_wait3A_2197] : memref<100000x128xf32, #tpu.memory_space<hbm>> -> memref<100000x128xf32, #tpu.memory_space<hbm>>
      tpu.wait_indirect_dma semaphore(%arg16 : memref<!tpu.dma_semaphore, #tpu.memory_space<semaphore_mem>>) src(%dma_wait3A_2198 : memref<100000x128xf32, #tpu.memory_space<hbm>>) dst(%dma_wait3A_2193 : memref<128x128xf32, #tpu.memory_space<vmem>>)
      %dma_wait3A_2199 = arith.constant 128 : i32
      %dma_wait3A_2200 = arith.constant 0 : i32
      %dma_wait3A_2201 = tpu.memref_slice %arg13[%dma_wait3A_2199, %dma_wait3A_2200] : memref<256x128xf32, #tpu.memory_space<vmem>> -> memref<128x128xf32, #tpu.memory_space<vmem>>
      %dma_wait3A_2202 = arith.constant 640 : i32
      %dma_wait3A_2203 = tpu.memref_slice %arg10[%dma_wait3A_2202] : memref<1024xi32, #tpu.memory_space<vmem>> -> memref<128xi32, #tpu.memory_space<vmem>>
      %dma_wait3A_2204 = arith.constant 0 : i32
      %dma_wait3A_2205 = arith.constant 0 : i32
      %dma_wait3A_2206 = tpu.memref_slice %arg4[%dma_wait3A_2204, %dma_wait3A_2205] : memref<100000x128xf32, #tpu.memory_space<hbm>> -> memref<100000x128xf32, #tpu.memory_space<hbm>>
      tpu.wait_indirect_dma semaphore(%arg16 : memref<!tpu.dma_semaphore, #tpu.memory_space<semaphore_mem>>) src(%dma_wait3A_2206 : memref<100000x128xf32, #tpu.memory_space<hbm>>) dst(%dma_wait3A_2201 : memref<128x128xf32, #tpu.memory_space<vmem>>)
      %dma_wait3A_2207 = arith.constant 0 : i32
      %dma_wait3A_2208 = arith.constant 0 : i32
      %dma_wait3A_2209 = tpu.memref_slice %arg13[%dma_wait3A_2207, %dma_wait3A_2208] : memref<256x128xf32, #tpu.memory_space<vmem>> -> memref<128x128xf32, #tpu.memory_space<vmem>>
      %dma_wait3A_2210 = arith.constant 768 : i32
      %dma_wait3A_2211 = tpu.memref_slice %arg10[%dma_wait3A_2210] : memref<1024xi32, #tpu.memory_space<vmem>> -> memref<128xi32, #tpu.memory_space<vmem>>
      %dma_wait3A_2212 = arith.constant 0 : i32
      %dma_wait3A_2213 = arith.constant 0 : i32
      %dma_wait3A_2214 = tpu.memref_slice %arg4[%dma_wait3A_2212, %dma_wait3A_2213] : memref<100000x128xf32, #tpu.memory_space<hbm>> -> memref<100000x128xf32, #tpu.memory_space<hbm>>
      tpu.wait_indirect_dma semaphore(%arg16 : memref<!tpu.dma_semaphore, #tpu.memory_space<semaphore_mem>>) src(%dma_wait3A_2214 : memref<100000x128xf32, #tpu.memory_space<hbm>>) dst(%dma_wait3A_2209 : memref<128x128xf32, #tpu.memory_space<vmem>>)
      %dma_wait3A_2215 = arith.constant 128 : i32
      %dma_wait3A_2216 = arith.constant 0 : i32
      %dma_wait3A_2217 = tpu.memref_slice %arg13[%dma_wait3A_2215, %dma_wait3A_2216] : memref<256x128xf32, #tpu.memory_space<vmem>> -> memref<128x128xf32, #tpu.memory_space<vmem>>
      %dma_wait3A_2218 = arith.constant 896 : i32
      %dma_wait3A_2219 = tpu.memref_slice %arg10[%dma_wait3A_2218] : memref<1024xi32, #tpu.memory_space<vmem>> -> memref<128xi32, #tpu.memory_space<vmem>>
      %dma_wait3A_2220 = arith.constant 0 : i32
      %dma_wait3A_2221 = arith.constant 0 : i32
      %dma_wait3A_2222 = tpu.memref_slice %arg4[%dma_wait3A_2220, %dma_wait3A_2221] : memref<100000x128xf32, #tpu.memory_space<hbm>> -> memref<100000x128xf32, #tpu.memory_space<hbm>>
      tpu.wait_indirect_dma semaphore(%arg16 : memref<!tpu.dma_semaphore, #tpu.memory_space<semaphore_mem>>) src(%dma_wait3A_2222 : memref<100000x128xf32, #tpu.memory_space<hbm>>) dst(%dma_wait3A_2217 : memref<128x128xf32, #tpu.memory_space<vmem>>)
      %add3A_2223 = arith.constant 3 : i32
      %add3A_2224 = arith.addi %add3A_2103, %add3A_2223 : i32
      %lt3A_2225 = arith.constant 7 : i32
      %lt3A_2226 = arith.cmpi slt, %add3A_2224, %lt3A_2225 : i32
      %convert_element_type3A_2227 = arith.extui %lt3A_2226 : i1 to i32
      %cond3A_2228 = arith.constant 0 : i32
      %cond3A_2229 = arith.cmpi ne, %convert_element_type3A_2227, %cond3A_2228 : i32
      scf.if %cond3A_2229 {
        %add3A_2301 = arith.constant 3 : i32
        %add3A_2302 = arith.addi %add3A_2103, %add3A_2301 : i32
        %mul3A_2303 = arith.constant 256 : i32
        %mul3A_2304 = arith.muli %add3A_2302, %mul3A_2303 : i32
        %add3A_2305 = arith.addi %mul3A_10, %mul3A_2304 : i32
        %sub3A_2306 = arith.constant 49744 : i32
        %sub3A_2307 = arith.subi %add3A_2305, %sub3A_2306 : i32
        %gt3A_2308 = arith.constant 0 : i32
        %gt3A_2309 = arith.cmpi sgt, %sub3A_2307, %gt3A_2308 : i32
        %add3A_2310 = arith.constant 256 : i32
        %add3A_2311 = arith.addi %sub3A_2307, %add3A_2310 : i32
        %sub3A_2312 = arith.constant 1 : i32
        %sub3A_2313 = arith.subi %add3A_2311, %sub3A_2312 : i32
        %jit3A_2314 = arith.constant 256 : i32
        %div3A_2315 = arith.divsi %sub3A_2313, %jit3A_2314 : i32
        %sign3A_2316 = arith.constant 0 : i32
        %sign3A_2317 = arith.cmpi sgt, %sub3A_2313, %sign3A_2316 : i32
        %sign3A_2318 = arith.extui %sign3A_2317 : i1 to i32
        %sign3A_2319 = arith.constant 0 : i32
        %sign3A_2320 = arith.cmpi slt, %sub3A_2313, %sign3A_2319 : i32
        %sign3A_2321 = arith.extui %sign3A_2320 : i1 to i32
        %sign3A_2322 = arith.subi %sign3A_2318, %sign3A_2321 : i32
        %sign3A_2323 = arith.constant 0 : i32
        %sign3A_2324 = arith.cmpi sgt, %jit3A_2314, %sign3A_2323 : i32
        %sign3A_2325 = arith.extui %sign3A_2324 : i1 to i32
        %sign3A_2326 = arith.constant 0 : i32
        %sign3A_2327 = arith.cmpi slt, %jit3A_2314, %sign3A_2326 : i32
        %sign3A_2328 = arith.extui %sign3A_2327 : i1 to i32
        %sign3A_2329 = arith.subi %sign3A_2325, %sign3A_2328 : i32
        %ne3A_2330 = arith.cmpi ne, %sign3A_2322, %sign3A_2329 : i32
        %rem3A_2331 = arith.remsi %sub3A_2313, %jit3A_2314 : i32
        %ne3A_2332 = arith.constant 0 : i32
        %ne3A_2333 = arith.cmpi ne, %rem3A_2331, %ne3A_2332 : i32
        %and3A_2334 = arith.andi %ne3A_2330, %ne3A_2333 : i1
        %sub3A_2335 = arith.constant 1 : i32
        %sub3A_2336 = arith.subi %div3A_2315, %sub3A_2335 : i32
        %select_n3A_2337 = arith.select %and3A_2334, %sub3A_2336, %div3A_2315 : i32
        %jit3A_2338 = arith.constant 16 : i32
        %eq3A_2339 = arith.constant 0 : i32
        %eq3A_2340 = arith.cmpi eq, %jit3A_2338, %eq3A_2339 : i32
        %jit3A_2341 = arith.constant 1 : i32
        %select_n3A_2342 = arith.select %eq3A_2340, %jit3A_2341, %jit3A_2338 : i32
        %rem3A_2343 = arith.remsi %select_n3A_2337, %select_n3A_2342 : i32
        %ne3A_2344 = arith.constant 0 : i32
        %ne3A_2345 = arith.cmpi ne, %rem3A_2343, %ne3A_2344 : i32
        %lt3A_2346 = arith.constant 0 : i32
        %lt3A_2347 = arith.cmpi slt, %rem3A_2343, %lt3A_2346 : i32
        %lt3A_2348 = arith.constant 0 : i32
        %lt3A_2349 = arith.cmpi slt, %select_n3A_2342, %lt3A_2348 : i32
        %ne3A_2350 = arith.xori %lt3A_2347, %lt3A_2349 : i1
        %and3A_2351 = arith.andi %ne3A_2350, %ne3A_2345 : i1
        %add3A_2352 = arith.addi %rem3A_2343, %select_n3A_2342 : i32
        %select_n3A_2353 = arith.select %and3A_2351, %add3A_2352, %rem3A_2343 : i32
        %jit3A_2354 = arith.constant 0 : i32
        %select_n3A_2355 = arith.select %gt3A_2309, %select_n3A_2353, %jit3A_2354 : i32
        %gt3A_2356 = arith.constant 0 : i32
        %gt3A_2357 = arith.cmpi sgt, %sub3A_2307, %gt3A_2356 : i32
        %mul3A_2358 = arith.constant 256 : i32
        %mul3A_2359 = arith.muli %select_n3A_2355, %mul3A_2358 : i32
        %sub3A_2360 = arith.constant 49744 : i32
        %sub3A_2361 = arith.subi %sub3A_2360, %mul3A_2359 : i32
        %select_n3A_2362 = arith.select %gt3A_2357, %sub3A_2361, %add3A_2305 : i32
        %add3A_2363 = arith.constant 0 : i32
        %add3A_2364 = arith.addi %add3A_2363, %select_n3A_2362 : i32
        %dma_start3A_2365 = arith.constant 0 : i32
        %dma_start3A_2366 = tpu.memref_slice %arg10[%dma_start3A_2365] : memref<1024xi32, #tpu.memory_space<vmem>> -> memref<256xi32, #tpu.memory_space<vmem>>
        %dma_start3A_2367 = tpu.memref_slice %arg2[%add3A_2364] : memref<200000xi32, #tpu.memory_space<hbm>> -> memref<256xi32, #tpu.memory_space<hbm>>
        %dma_start3A_2368 = arith.constant 0 : i32
        %dma_start3A_2369 = tpu.memref_slice %arg10[%dma_start3A_2368] : memref<1024xi32, #tpu.memory_space<vmem>> -> memref<256xi32, #tpu.memory_space<vmem>>
        %dma_start3A_2370 = tpu.memref_slice %arg2[%add3A_2364] : memref<200000xi32, #tpu.memory_space<hbm>> -> memref<256xi32, #tpu.memory_space<hbm>>
        tpu.enqueue_dma source(%dma_start3A_2370 : memref<256xi32, #tpu.memory_space<hbm>>) target(%dma_start3A_2369 : memref<256xi32, #tpu.memory_space<vmem>>) target_semaphore(%arg19 : memref<!tpu.dma_semaphore, #tpu.memory_space<semaphore_mem>>)
        %add3A_2371 = arith.constant 50000 : i32
        %add3A_2372 = arith.addi %add3A_2371, %select_n3A_2362 : i32
        %dma_start3A_2373 = arith.constant 256 : i32
        %dma_start3A_2374 = tpu.memref_slice %arg10[%dma_start3A_2373] : memref<1024xi32, #tpu.memory_space<vmem>> -> memref<256xi32, #tpu.memory_space<vmem>>
        %dma_start3A_2375 = tpu.memref_slice %arg2[%add3A_2372] : memref<200000xi32, #tpu.memory_space<hbm>> -> memref<256xi32, #tpu.memory_space<hbm>>
        %dma_start3A_2376 = arith.constant 256 : i32
        %dma_start3A_2377 = tpu.memref_slice %arg10[%dma_start3A_2376] : memref<1024xi32, #tpu.memory_space<vmem>> -> memref<256xi32, #tpu.memory_space<vmem>>
        %dma_start3A_2378 = tpu.memref_slice %arg2[%add3A_2372] : memref<200000xi32, #tpu.memory_space<hbm>> -> memref<256xi32, #tpu.memory_space<hbm>>
        tpu.enqueue_dma source(%dma_start3A_2378 : memref<256xi32, #tpu.memory_space<hbm>>) target(%dma_start3A_2377 : memref<256xi32, #tpu.memory_space<vmem>>) target_semaphore(%arg19 : memref<!tpu.dma_semaphore, #tpu.memory_space<semaphore_mem>>)
        %add3A_2379 = arith.constant 100000 : i32
        %add3A_2380 = arith.addi %add3A_2379, %select_n3A_2362 : i32
        %dma_start3A_2381 = arith.constant 512 : i32
        %dma_start3A_2382 = tpu.memref_slice %arg10[%dma_start3A_2381] : memref<1024xi32, #tpu.memory_space<vmem>> -> memref<256xi32, #tpu.memory_space<vmem>>
        %dma_start3A_2383 = tpu.memref_slice %arg2[%add3A_2380] : memref<200000xi32, #tpu.memory_space<hbm>> -> memref<256xi32, #tpu.memory_space<hbm>>
        %dma_start3A_2384 = arith.constant 512 : i32
        %dma_start3A_2385 = tpu.memref_slice %arg10[%dma_start3A_2384] : memref<1024xi32, #tpu.memory_space<vmem>> -> memref<256xi32, #tpu.memory_space<vmem>>
        %dma_start3A_2386 = tpu.memref_slice %arg2[%add3A_2380] : memref<200000xi32, #tpu.memory_space<hbm>> -> memref<256xi32, #tpu.memory_space<hbm>>
        tpu.enqueue_dma source(%dma_start3A_2386 : memref<256xi32, #tpu.memory_space<hbm>>) target(%dma_start3A_2385 : memref<256xi32, #tpu.memory_space<vmem>>) target_semaphore(%arg19 : memref<!tpu.dma_semaphore, #tpu.memory_space<semaphore_mem>>)
        %add3A_2387 = arith.constant 150000 : i32
        %add3A_2388 = arith.addi %add3A_2387, %select_n3A_2362 : i32
        %dma_start3A_2389 = arith.constant 768 : i32
        %dma_start3A_2390 = tpu.memref_slice %arg10[%dma_start3A_2389] : memref<1024xi32, #tpu.memory_space<vmem>> -> memref<256xi32, #tpu.memory_space<vmem>>
        %dma_start3A_2391 = tpu.memref_slice %arg2[%add3A_2388] : memref<200000xi32, #tpu.memory_space<hbm>> -> memref<256xi32, #tpu.memory_space<hbm>>
        %dma_start3A_2392 = arith.constant 768 : i32
        %dma_start3A_2393 = tpu.memref_slice %arg10[%dma_start3A_2392] : memref<1024xi32, #tpu.memory_space<vmem>> -> memref<256xi32, #tpu.memory_space<vmem>>
        %dma_start3A_2394 = tpu.memref_slice %arg2[%add3A_2388] : memref<200000xi32, #tpu.memory_space<hbm>> -> memref<256xi32, #tpu.memory_space<hbm>>
        tpu.enqueue_dma source(%dma_start3A_2394 : memref<256xi32, #tpu.memory_space<hbm>>) target(%dma_start3A_2393 : memref<256xi32, #tpu.memory_space<vmem>>) target_semaphore(%arg19 : memref<!tpu.dma_semaphore, #tpu.memory_space<semaphore_mem>>)
      } else {
      }
      %mul3A_2230 = arith.constant 256 : i32
      %mul3A_2231 = arith.muli %add3A_2103, %mul3A_2230 : i32
      %add3A_2232 = arith.addi %mul3A_10, %mul3A_2231 : i32
      %sub3A_2233 = arith.constant 49744 : i32
      %sub3A_2234 = arith.subi %add3A_2232, %sub3A_2233 : i32
      %gt3A_2235 = arith.constant 0 : i32
      %gt3A_2236 = arith.cmpi sgt, %sub3A_2234, %gt3A_2235 : i32
      %add3A_2237 = arith.constant 256 : i32
      %add3A_2238 = arith.addi %sub3A_2234, %add3A_2237 : i32
      %sub3A_2239 = arith.constant 1 : i32
      %sub3A_2240 = arith.subi %add3A_2238, %sub3A_2239 : i32
      %jit3A_2241 = arith.constant 256 : i32
      %div3A_2242 = arith.divsi %sub3A_2240, %jit3A_2241 : i32
      %sign3A_2243 = arith.constant 0 : i32
      %sign3A_2244 = arith.cmpi sgt, %sub3A_2240, %sign3A_2243 : i32
      %sign3A_2245 = arith.extui %sign3A_2244 : i1 to i32
      %sign3A_2246 = arith.constant 0 : i32
      %sign3A_2247 = arith.cmpi slt, %sub3A_2240, %sign3A_2246 : i32
      %sign3A_2248 = arith.extui %sign3A_2247 : i1 to i32
      %sign3A_2249 = arith.subi %sign3A_2245, %sign3A_2248 : i32
      %sign3A_2250 = arith.constant 0 : i32
      %sign3A_2251 = arith.cmpi sgt, %jit3A_2241, %sign3A_2250 : i32
      %sign3A_2252 = arith.extui %sign3A_2251 : i1 to i32
      %sign3A_2253 = arith.constant 0 : i32
      %sign3A_2254 = arith.cmpi slt, %jit3A_2241, %sign3A_2253 : i32
      %sign3A_2255 = arith.extui %sign3A_2254 : i1 to i32
      %sign3A_2256 = arith.subi %sign3A_2252, %sign3A_2255 : i32
      %ne3A_2257 = arith.cmpi ne, %sign3A_2249, %sign3A_2256 : i32
      %rem3A_2258 = arith.remsi %sub3A_2240, %jit3A_2241 : i32
      %ne3A_2259 = arith.constant 0 : i32
      %ne3A_2260 = arith.cmpi ne, %rem3A_2258, %ne3A_2259 : i32
      %and3A_2261 = arith.andi %ne3A_2257, %ne3A_2260 : i1
      %sub3A_2262 = arith.constant 1 : i32
      %sub3A_2263 = arith.subi %div3A_2242, %sub3A_2262 : i32
      %select_n3A_2264 = arith.select %and3A_2261, %sub3A_2263, %div3A_2242 : i32
      %jit3A_2265 = arith.constant 16 : i32
      %eq3A_2266 = arith.constant 0 : i32
      %eq3A_2267 = arith.cmpi eq, %jit3A_2265, %eq3A_2266 : i32
      %jit3A_2268 = arith.constant 1 : i32
      %select_n3A_2269 = arith.select %eq3A_2267, %jit3A_2268, %jit3A_2265 : i32
      %rem3A_2270 = arith.remsi %select_n3A_2264, %select_n3A_2269 : i32
      %ne3A_2271 = arith.constant 0 : i32
      %ne3A_2272 = arith.cmpi ne, %rem3A_2270, %ne3A_2271 : i32
      %lt3A_2273 = arith.constant 0 : i32
      %lt3A_2274 = arith.cmpi slt, %rem3A_2270, %lt3A_2273 : i32
      %lt3A_2275 = arith.constant 0 : i32
      %lt3A_2276 = arith.cmpi slt, %select_n3A_2269, %lt3A_2275 : i32
      %ne3A_2277 = arith.xori %lt3A_2274, %lt3A_2276 : i1
      %and3A_2278 = arith.andi %ne3A_2277, %ne3A_2272 : i1
      %add3A_2279 = arith.addi %rem3A_2270, %select_n3A_2269 : i32
      %select_n3A_2280 = arith.select %and3A_2278, %add3A_2279, %rem3A_2270 : i32
      %jit3A_2281 = arith.constant 0 : i32
      %select_n3A_2282 = arith.select %gt3A_2236, %select_n3A_2280, %jit3A_2281 : i32
      %gt3A_2283 = arith.constant 0 : i32
      %gt3A_2284 = arith.cmpi sgt, %sub3A_2234, %gt3A_2283 : i32
      %mul3A_2285 = arith.constant 256 : i32
      %mul3A_2286 = arith.muli %select_n3A_2282, %mul3A_2285 : i32
      %sub3A_2287 = arith.constant 49744 : i32
      %sub3A_2288 = arith.subi %sub3A_2287, %mul3A_2286 : i32
      %select_n3A_2289 = arith.select %gt3A_2284, %sub3A_2288, %add3A_2232 : i32
      %dma_start3A_2290 = arith.constant 0 : i32
      %dma_start3A_2291 = arith.constant 0 : i32
      %dma_start3A_2292 = tpu.memref_slice %arg13[%dma_start3A_2290, %dma_start3A_2291] : memref<256x128xf32, #tpu.memory_space<vmem>> -> memref<256x128xf32, #tpu.memory_space<vmem>>
      %dma_start3A_2293 = arith.constant 0 : i32
      %dma_start3A_2294 = tpu.memref_slice %arg6[%select_n3A_2289, %dma_start3A_2293] : memref<50000x128xf32, #tpu.memory_space<hbm>> -> memref<256x128xf32, #tpu.memory_space<hbm>>
      %dma_start3A_2295 = arith.constant 0 : i32
      %dma_start3A_2296 = tpu.memref_slice %arg6[%select_n3A_2289, %dma_start3A_2295] : memref<50000x128xf32, #tpu.memory_space<hbm>> -> memref<256x128xf32, #tpu.memory_space<hbm>>
      %dma_start3A_2297 = arith.constant 0 : i32
      %dma_start3A_2298 = arith.constant 0 : i32
      %dma_start3A_2299 = tpu.memref_slice %arg13[%dma_start3A_2297, %dma_start3A_2298] : memref<256x128xf32, #tpu.memory_space<vmem>> -> memref<256x128xf32, #tpu.memory_space<vmem>>
      tpu.enqueue_dma source(%dma_start3A_2299 : memref<256x128xf32, #tpu.memory_space<vmem>>) target(%dma_start3A_2296 : memref<256x128xf32, #tpu.memory_space<hbm>>) target_semaphore(%arg22 : memref<!tpu.dma_semaphore, #tpu.memory_space<semaphore_mem>>)
      %scan3A_2300 = arith.constant 0 : i32
      scf.yield %scan3A_2300 : i32
    }
    %scan3A_385 = arith.constant 2 : i32
    %dma_wait3A_386 = arith.constant 0 : i32
    %dma_wait3A_387 = arith.constant 0 : i32
    %dma_wait3A_388 = tpu.memref_slice %arg11[%dma_wait3A_386, %dma_wait3A_387] : memref<256x128xf32, #tpu.memory_space<vmem>> -> memref<128x128xf32, #tpu.memory_space<vmem>>
    %dma_wait3A_389 = arith.constant 0 : i32
    %dma_wait3A_390 = tpu.memref_slice %arg8[%dma_wait3A_389] : memref<1024xi32, #tpu.memory_space<vmem>> -> memref<128xi32, #tpu.memory_space<vmem>>
    %dma_wait3A_391 = arith.constant 0 : i32
    %dma_wait3A_392 = arith.constant 0 : i32
    %dma_wait3A_393 = tpu.memref_slice %arg4[%dma_wait3A_391, %dma_wait3A_392] : memref<100000x128xf32, #tpu.memory_space<hbm>> -> memref<100000x128xf32, #tpu.memory_space<hbm>>
    tpu.wait_indirect_dma semaphore(%arg14 : memref<!tpu.dma_semaphore, #tpu.memory_space<semaphore_mem>>) src(%dma_wait3A_393 : memref<100000x128xf32, #tpu.memory_space<hbm>>) dst(%dma_wait3A_388 : memref<128x128xf32, #tpu.memory_space<vmem>>)
    %dma_wait3A_394 = arith.constant 128 : i32
    %dma_wait3A_395 = arith.constant 0 : i32
    %dma_wait3A_396 = tpu.memref_slice %arg11[%dma_wait3A_394, %dma_wait3A_395] : memref<256x128xf32, #tpu.memory_space<vmem>> -> memref<128x128xf32, #tpu.memory_space<vmem>>
    %dma_wait3A_397 = arith.constant 128 : i32
    %dma_wait3A_398 = tpu.memref_slice %arg8[%dma_wait3A_397] : memref<1024xi32, #tpu.memory_space<vmem>> -> memref<128xi32, #tpu.memory_space<vmem>>
    %dma_wait3A_399 = arith.constant 0 : i32
    %dma_wait3A_400 = arith.constant 0 : i32
    %dma_wait3A_401 = tpu.memref_slice %arg4[%dma_wait3A_399, %dma_wait3A_400] : memref<100000x128xf32, #tpu.memory_space<hbm>> -> memref<100000x128xf32, #tpu.memory_space<hbm>>
    tpu.wait_indirect_dma semaphore(%arg14 : memref<!tpu.dma_semaphore, #tpu.memory_space<semaphore_mem>>) src(%dma_wait3A_401 : memref<100000x128xf32, #tpu.memory_space<hbm>>) dst(%dma_wait3A_396 : memref<128x128xf32, #tpu.memory_space<vmem>>)
    %dma_start3A_402 = arith.constant 0 : i32
    %dma_start3A_403 = arith.constant 0 : i32
    %dma_start3A_404 = tpu.memref_slice %arg11[%dma_start3A_402, %dma_start3A_403] : memref<256x128xf32, #tpu.memory_space<vmem>> -> memref<128x128xf32, #tpu.memory_space<vmem>>
    %dma_start3A_405 = arith.constant 256 : i32
    %dma_start3A_406 = tpu.memref_slice %arg8[%dma_start3A_405] : memref<1024xi32, #tpu.memory_space<vmem>> -> memref<128xi32, #tpu.memory_space<vmem>>
    %dma_start3A_407 = arith.constant 0 : i32
    %dma_start3A_408 = arith.constant 0 : i32
    %dma_start3A_409 = tpu.memref_slice %arg4[%dma_start3A_407, %dma_start3A_408] : memref<100000x128xf32, #tpu.memory_space<hbm>> -> memref<100000x128xf32, #tpu.memory_space<hbm>>
    tpu.enqueue_indirect_dma source(%dma_start3A_409 : memref<100000x128xf32, #tpu.memory_space<hbm>>) target(%dma_start3A_404 : memref<128x128xf32, #tpu.memory_space<vmem>>) offsets(%dma_start3A_406 : memref<128xi32, #tpu.memory_space<vmem>>) semaphore(%arg14 : memref<!tpu.dma_semaphore, #tpu.memory_space<semaphore_mem>>) {add = true}
    %dma_start3A_410 = arith.constant 128 : i32
    %dma_start3A_411 = arith.constant 0 : i32
    %dma_start3A_412 = tpu.memref_slice %arg11[%dma_start3A_410, %dma_start3A_411] : memref<256x128xf32, #tpu.memory_space<vmem>> -> memref<128x128xf32, #tpu.memory_space<vmem>>
    %dma_start3A_413 = arith.constant 384 : i32
    %dma_start3A_414 = tpu.memref_slice %arg8[%dma_start3A_413] : memref<1024xi32, #tpu.memory_space<vmem>> -> memref<128xi32, #tpu.memory_space<vmem>>
    %dma_start3A_415 = arith.constant 0 : i32
    %dma_start3A_416 = arith.constant 0 : i32
    %dma_start3A_417 = tpu.memref_slice %arg4[%dma_start3A_415, %dma_start3A_416] : memref<100000x128xf32, #tpu.memory_space<hbm>> -> memref<100000x128xf32, #tpu.memory_space<hbm>>
    tpu.enqueue_indirect_dma source(%dma_start3A_417 : memref<100000x128xf32, #tpu.memory_space<hbm>>) target(%dma_start3A_412 : memref<128x128xf32, #tpu.memory_space<vmem>>) offsets(%dma_start3A_414 : memref<128xi32, #tpu.memory_space<vmem>>) semaphore(%arg14 : memref<!tpu.dma_semaphore, #tpu.memory_space<semaphore_mem>>) {add = true}
    %dma_start3A_418 = arith.constant 0 : i32
    %dma_start3A_419 = arith.constant 0 : i32
    %dma_start3A_420 = tpu.memref_slice %arg11[%dma_start3A_418, %dma_start3A_419] : memref<256x128xf32, #tpu.memory_space<vmem>> -> memref<128x128xf32, #tpu.memory_space<vmem>>
    %dma_start3A_421 = arith.constant 512 : i32
    %dma_start3A_422 = tpu.memref_slice %arg8[%dma_start3A_421] : memref<1024xi32, #tpu.memory_space<vmem>> -> memref<128xi32, #tpu.memory_space<vmem>>
    %dma_start3A_423 = arith.constant 0 : i32
    %dma_start3A_424 = arith.constant 0 : i32
    %dma_start3A_425 = tpu.memref_slice %arg4[%dma_start3A_423, %dma_start3A_424] : memref<100000x128xf32, #tpu.memory_space<hbm>> -> memref<100000x128xf32, #tpu.memory_space<hbm>>
    tpu.enqueue_indirect_dma source(%dma_start3A_425 : memref<100000x128xf32, #tpu.memory_space<hbm>>) target(%dma_start3A_420 : memref<128x128xf32, #tpu.memory_space<vmem>>) offsets(%dma_start3A_422 : memref<128xi32, #tpu.memory_space<vmem>>) semaphore(%arg14 : memref<!tpu.dma_semaphore, #tpu.memory_space<semaphore_mem>>) {add = true}
    %dma_start3A_426 = arith.constant 128 : i32
    %dma_start3A_427 = arith.constant 0 : i32
    %dma_start3A_428 = tpu.memref_slice %arg11[%dma_start3A_426, %dma_start3A_427] : memref<256x128xf32, #tpu.memory_space<vmem>> -> memref<128x128xf32, #tpu.memory_space<vmem>>
    %dma_start3A_429 = arith.constant 640 : i32
    %dma_start3A_430 = tpu.memref_slice %arg8[%dma_start3A_429] : memref<1024xi32, #tpu.memory_space<vmem>> -> memref<128xi32, #tpu.memory_space<vmem>>
    %dma_start3A_431 = arith.constant 0 : i32
    %dma_start3A_432 = arith.constant 0 : i32
    %dma_start3A_433 = tpu.memref_slice %arg4[%dma_start3A_431, %dma_start3A_432] : memref<100000x128xf32, #tpu.memory_space<hbm>> -> memref<100000x128xf32, #tpu.memory_space<hbm>>
    tpu.enqueue_indirect_dma source(%dma_start3A_433 : memref<100000x128xf32, #tpu.memory_space<hbm>>) target(%dma_start3A_428 : memref<128x128xf32, #tpu.memory_space<vmem>>) offsets(%dma_start3A_430 : memref<128xi32, #tpu.memory_space<vmem>>) semaphore(%arg14 : memref<!tpu.dma_semaphore, #tpu.memory_space<semaphore_mem>>) {add = true}
    %dma_start3A_434 = arith.constant 0 : i32
    %dma_start3A_435 = arith.constant 0 : i32
    %dma_start3A_436 = tpu.memref_slice %arg11[%dma_start3A_434, %dma_start3A_435] : memref<256x128xf32, #tpu.memory_space<vmem>> -> memref<128x128xf32, #tpu.memory_space<vmem>>
    %dma_start3A_437 = arith.constant 768 : i32
    %dma_start3A_438 = tpu.memref_slice %arg8[%dma_start3A_437] : memref<1024xi32, #tpu.memory_space<vmem>> -> memref<128xi32, #tpu.memory_space<vmem>>
    %dma_start3A_439 = arith.constant 0 : i32
    %dma_start3A_440 = arith.constant 0 : i32
    %dma_start3A_441 = tpu.memref_slice %arg4[%dma_start3A_439, %dma_start3A_440] : memref<100000x128xf32, #tpu.memory_space<hbm>> -> memref<100000x128xf32, #tpu.memory_space<hbm>>
    tpu.enqueue_indirect_dma source(%dma_start3A_441 : memref<100000x128xf32, #tpu.memory_space<hbm>>) target(%dma_start3A_436 : memref<128x128xf32, #tpu.memory_space<vmem>>) offsets(%dma_start3A_438 : memref<128xi32, #tpu.memory_space<vmem>>) semaphore(%arg14 : memref<!tpu.dma_semaphore, #tpu.memory_space<semaphore_mem>>) {add = true}
    %dma_start3A_442 = arith.constant 128 : i32
    %dma_start3A_443 = arith.constant 0 : i32
    %dma_start3A_444 = tpu.memref_slice %arg11[%dma_start3A_442, %dma_start3A_443] : memref<256x128xf32, #tpu.memory_space<vmem>> -> memref<128x128xf32, #tpu.memory_space<vmem>>
    %dma_start3A_445 = arith.constant 896 : i32
    %dma_start3A_446 = tpu.memref_slice %arg8[%dma_start3A_445] : memref<1024xi32, #tpu.memory_space<vmem>> -> memref<128xi32, #tpu.memory_space<vmem>>
    %dma_start3A_447 = arith.constant 0 : i32
    %dma_start3A_448 = arith.constant 0 : i32
    %dma_start3A_449 = tpu.memref_slice %arg4[%dma_start3A_447, %dma_start3A_448] : memref<100000x128xf32, #tpu.memory_space<hbm>> -> memref<100000x128xf32, #tpu.memory_space<hbm>>
    tpu.enqueue_indirect_dma source(%dma_start3A_449 : memref<100000x128xf32, #tpu.memory_space<hbm>>) target(%dma_start3A_444 : memref<128x128xf32, #tpu.memory_space<vmem>>) offsets(%dma_start3A_446 : memref<128xi32, #tpu.memory_space<vmem>>) semaphore(%arg14 : memref<!tpu.dma_semaphore, #tpu.memory_space<semaphore_mem>>) {add = true}
    %dma_wait3A_450 = arith.constant 0 : i32
    %dma_wait3A_451 = arith.constant 0 : i32
    %dma_wait3A_452 = tpu.memref_slice %arg11[%dma_wait3A_450, %dma_wait3A_451] : memref<256x128xf32, #tpu.memory_space<vmem>> -> memref<128x128xf32, #tpu.memory_space<vmem>>
    %dma_wait3A_453 = arith.constant 256 : i32
    %dma_wait3A_454 = tpu.memref_slice %arg8[%dma_wait3A_453] : memref<1024xi32, #tpu.memory_space<vmem>> -> memref<128xi32, #tpu.memory_space<vmem>>
    %dma_wait3A_455 = arith.constant 0 : i32
    %dma_wait3A_456 = arith.constant 0 : i32
    %dma_wait3A_457 = tpu.memref_slice %arg4[%dma_wait3A_455, %dma_wait3A_456] : memref<100000x128xf32, #tpu.memory_space<hbm>> -> memref<100000x128xf32, #tpu.memory_space<hbm>>
    tpu.wait_indirect_dma semaphore(%arg14 : memref<!tpu.dma_semaphore, #tpu.memory_space<semaphore_mem>>) src(%dma_wait3A_457 : memref<100000x128xf32, #tpu.memory_space<hbm>>) dst(%dma_wait3A_452 : memref<128x128xf32, #tpu.memory_space<vmem>>)
    %dma_wait3A_458 = arith.constant 128 : i32
    %dma_wait3A_459 = arith.constant 0 : i32
    %dma_wait3A_460 = tpu.memref_slice %arg11[%dma_wait3A_458, %dma_wait3A_459] : memref<256x128xf32, #tpu.memory_space<vmem>> -> memref<128x128xf32, #tpu.memory_space<vmem>>
    %dma_wait3A_461 = arith.constant 384 : i32
    %dma_wait3A_462 = tpu.memref_slice %arg8[%dma_wait3A_461] : memref<1024xi32, #tpu.memory_space<vmem>> -> memref<128xi32, #tpu.memory_space<vmem>>
    %dma_wait3A_463 = arith.constant 0 : i32
    %dma_wait3A_464 = arith.constant 0 : i32
    %dma_wait3A_465 = tpu.memref_slice %arg4[%dma_wait3A_463, %dma_wait3A_464] : memref<100000x128xf32, #tpu.memory_space<hbm>> -> memref<100000x128xf32, #tpu.memory_space<hbm>>
    tpu.wait_indirect_dma semaphore(%arg14 : memref<!tpu.dma_semaphore, #tpu.memory_space<semaphore_mem>>) src(%dma_wait3A_465 : memref<100000x128xf32, #tpu.memory_space<hbm>>) dst(%dma_wait3A_460 : memref<128x128xf32, #tpu.memory_space<vmem>>)
    %dma_wait3A_466 = arith.constant 0 : i32
    %dma_wait3A_467 = arith.constant 0 : i32
    %dma_wait3A_468 = tpu.memref_slice %arg11[%dma_wait3A_466, %dma_wait3A_467] : memref<256x128xf32, #tpu.memory_space<vmem>> -> memref<128x128xf32, #tpu.memory_space<vmem>>
    %dma_wait3A_469 = arith.constant 512 : i32
    %dma_wait3A_470 = tpu.memref_slice %arg8[%dma_wait3A_469] : memref<1024xi32, #tpu.memory_space<vmem>> -> memref<128xi32, #tpu.memory_space<vmem>>
    %dma_wait3A_471 = arith.constant 0 : i32
    %dma_wait3A_472 = arith.constant 0 : i32
    %dma_wait3A_473 = tpu.memref_slice %arg4[%dma_wait3A_471, %dma_wait3A_472] : memref<100000x128xf32, #tpu.memory_space<hbm>> -> memref<100000x128xf32, #tpu.memory_space<hbm>>
    tpu.wait_indirect_dma semaphore(%arg14 : memref<!tpu.dma_semaphore, #tpu.memory_space<semaphore_mem>>) src(%dma_wait3A_473 : memref<100000x128xf32, #tpu.memory_space<hbm>>) dst(%dma_wait3A_468 : memref<128x128xf32, #tpu.memory_space<vmem>>)
    %dma_wait3A_474 = arith.constant 128 : i32
    %dma_wait3A_475 = arith.constant 0 : i32
    %dma_wait3A_476 = tpu.memref_slice %arg11[%dma_wait3A_474, %dma_wait3A_475] : memref<256x128xf32, #tpu.memory_space<vmem>> -> memref<128x128xf32, #tpu.memory_space<vmem>>
    %dma_wait3A_477 = arith.constant 640 : i32
    %dma_wait3A_478 = tpu.memref_slice %arg8[%dma_wait3A_477] : memref<1024xi32, #tpu.memory_space<vmem>> -> memref<128xi32, #tpu.memory_space<vmem>>
    %dma_wait3A_479 = arith.constant 0 : i32
    %dma_wait3A_480 = arith.constant 0 : i32
    %dma_wait3A_481 = tpu.memref_slice %arg4[%dma_wait3A_479, %dma_wait3A_480] : memref<100000x128xf32, #tpu.memory_space<hbm>> -> memref<100000x128xf32, #tpu.memory_space<hbm>>
    tpu.wait_indirect_dma semaphore(%arg14 : memref<!tpu.dma_semaphore, #tpu.memory_space<semaphore_mem>>) src(%dma_wait3A_481 : memref<100000x128xf32, #tpu.memory_space<hbm>>) dst(%dma_wait3A_476 : memref<128x128xf32, #tpu.memory_space<vmem>>)
    %dma_wait3A_482 = arith.constant 0 : i32
    %dma_wait3A_483 = arith.constant 0 : i32
    %dma_wait3A_484 = tpu.memref_slice %arg11[%dma_wait3A_482, %dma_wait3A_483] : memref<256x128xf32, #tpu.memory_space<vmem>> -> memref<128x128xf32, #tpu.memory_space<vmem>>
    %dma_wait3A_485 = arith.constant 768 : i32
    %dma_wait3A_486 = tpu.memref_slice %arg8[%dma_wait3A_485] : memref<1024xi32, #tpu.memory_space<vmem>> -> memref<128xi32, #tpu.memory_space<vmem>>
    %dma_wait3A_487 = arith.constant 0 : i32
    %dma_wait3A_488 = arith.constant 0 : i32
    %dma_wait3A_489 = tpu.memref_slice %arg4[%dma_wait3A_487, %dma_wait3A_488] : memref<100000x128xf32, #tpu.memory_space<hbm>> -> memref<100000x128xf32, #tpu.memory_space<hbm>>
    tpu.wait_indirect_dma semaphore(%arg14 : memref<!tpu.dma_semaphore, #tpu.memory_space<semaphore_mem>>) src(%dma_wait3A_489 : memref<100000x128xf32, #tpu.memory_space<hbm>>) dst(%dma_wait3A_484 : memref<128x128xf32, #tpu.memory_space<vmem>>)
    %dma_wait3A_490 = arith.constant 128 : i32
    %dma_wait3A_491 = arith.constant 0 : i32
    %dma_wait3A_492 = tpu.memref_slice %arg11[%dma_wait3A_490, %dma_wait3A_491] : memref<256x128xf32, #tpu.memory_space<vmem>> -> memref<128x128xf32, #tpu.memory_space<vmem>>
    %dma_wait3A_493 = arith.constant 896 : i32
    %dma_wait3A_494 = tpu.memref_slice %arg8[%dma_wait3A_493] : memref<1024xi32, #tpu.memory_space<vmem>> -> memref<128xi32, #tpu.memory_space<vmem>>
    %dma_wait3A_495 = arith.constant 0 : i32
    %dma_wait3A_496 = arith.constant 0 : i32
    %dma_wait3A_497 = tpu.memref_slice %arg4[%dma_wait3A_495, %dma_wait3A_496] : memref<100000x128xf32, #tpu.memory_space<hbm>> -> memref<100000x128xf32, #tpu.memory_space<hbm>>
    tpu.wait_indirect_dma semaphore(%arg14 : memref<!tpu.dma_semaphore, #tpu.memory_space<semaphore_mem>>) src(%dma_wait3A_497 : memref<100000x128xf32, #tpu.memory_space<hbm>>) dst(%dma_wait3A_492 : memref<128x128xf32, #tpu.memory_space<vmem>>)
    %add3A_498 = arith.constant 1536 : i32
    %add3A_499 = arith.addi %mul3A_10, %add3A_498 : i32
    %sub3A_500 = arith.constant 49744 : i32
    %sub3A_501 = arith.subi %add3A_499, %sub3A_500 : i32
    %gt3A_502 = arith.constant 0 : i32
    %gt3A_503 = arith.cmpi sgt, %sub3A_501, %gt3A_502 : i32
    %add3A_504 = arith.constant 256 : i32
    %add3A_505 = arith.addi %sub3A_501, %add3A_504 : i32
    %sub3A_506 = arith.constant 1 : i32
    %sub3A_507 = arith.subi %add3A_505, %sub3A_506 : i32
    %jit3A_508 = arith.constant 256 : i32
    %div3A_509 = arith.divsi %sub3A_507, %jit3A_508 : i32
    %sign3A_510 = arith.constant 0 : i32
    %sign3A_511 = arith.cmpi sgt, %sub3A_507, %sign3A_510 : i32
    %sign3A_512 = arith.extui %sign3A_511 : i1 to i32
    %sign3A_513 = arith.constant 0 : i32
    %sign3A_514 = arith.cmpi slt, %sub3A_507, %sign3A_513 : i32
    %sign3A_515 = arith.extui %sign3A_514 : i1 to i32
    %sign3A_516 = arith.subi %sign3A_512, %sign3A_515 : i32
    %sign3A_517 = arith.constant 0 : i32
    %sign3A_518 = arith.cmpi sgt, %jit3A_508, %sign3A_517 : i32
    %sign3A_519 = arith.extui %sign3A_518 : i1 to i32
    %sign3A_520 = arith.constant 0 : i32
    %sign3A_521 = arith.cmpi slt, %jit3A_508, %sign3A_520 : i32
    %sign3A_522 = arith.extui %sign3A_521 : i1 to i32
    %sign3A_523 = arith.subi %sign3A_519, %sign3A_522 : i32
    %ne3A_524 = arith.cmpi ne, %sign3A_516, %sign3A_523 : i32
    %rem3A_525 = arith.remsi %sub3A_507, %jit3A_508 : i32
    %ne3A_526 = arith.constant 0 : i32
    %ne3A_527 = arith.cmpi ne, %rem3A_525, %ne3A_526 : i32
    %and3A_528 = arith.andi %ne3A_524, %ne3A_527 : i1
    %sub3A_529 = arith.constant 1 : i32
    %sub3A_530 = arith.subi %div3A_509, %sub3A_529 : i32
    %select_n3A_531 = arith.select %and3A_528, %sub3A_530, %div3A_509 : i32
    %jit3A_532 = arith.constant 16 : i32
    %eq3A_533 = arith.constant 0 : i32
    %eq3A_534 = arith.cmpi eq, %jit3A_532, %eq3A_533 : i32
    %jit3A_535 = arith.constant 1 : i32
    %select_n3A_536 = arith.select %eq3A_534, %jit3A_535, %jit3A_532 : i32
    %rem3A_537 = arith.remsi %select_n3A_531, %select_n3A_536 : i32
    %ne3A_538 = arith.constant 0 : i32
    %ne3A_539 = arith.cmpi ne, %rem3A_537, %ne3A_538 : i32
    %lt3A_540 = arith.constant 0 : i32
    %lt3A_541 = arith.cmpi slt, %rem3A_537, %lt3A_540 : i32
    %lt3A_542 = arith.constant 0 : i32
    %lt3A_543 = arith.cmpi slt, %select_n3A_536, %lt3A_542 : i32
    %ne3A_544 = arith.xori %lt3A_541, %lt3A_543 : i1
    %and3A_545 = arith.andi %ne3A_544, %ne3A_539 : i1
    %add3A_546 = arith.addi %rem3A_537, %select_n3A_536 : i32
    %select_n3A_547 = arith.select %and3A_545, %add3A_546, %rem3A_537 : i32
    %jit3A_548 = arith.constant 0 : i32
    %select_n3A_549 = arith.select %gt3A_503, %select_n3A_547, %jit3A_548 : i32
    %gt3A_550 = arith.constant 0 : i32
    %gt3A_551 = arith.cmpi sgt, %sub3A_501, %gt3A_550 : i32
    %mul3A_552 = arith.constant 256 : i32
    %mul3A_553 = arith.muli %select_n3A_549, %mul3A_552 : i32
    %sub3A_554 = arith.constant 49744 : i32
    %sub3A_555 = arith.subi %sub3A_554, %mul3A_553 : i32
    %select_n3A_556 = arith.select %gt3A_551, %sub3A_555, %add3A_499 : i32
    %dma_start3A_557 = arith.constant 0 : i32
    %dma_start3A_558 = arith.constant 0 : i32
    %dma_start3A_559 = tpu.memref_slice %arg11[%dma_start3A_557, %dma_start3A_558] : memref<256x128xf32, #tpu.memory_space<vmem>> -> memref<256x128xf32, #tpu.memory_space<vmem>>
    %dma_start3A_560 = arith.constant 0 : i32
    %dma_start3A_561 = tpu.memref_slice %arg6[%select_n3A_556, %dma_start3A_560] : memref<50000x128xf32, #tpu.memory_space<hbm>> -> memref<256x128xf32, #tpu.memory_space<hbm>>
    %dma_start3A_562 = arith.constant 0 : i32
    %dma_start3A_563 = tpu.memref_slice %arg6[%select_n3A_556, %dma_start3A_562] : memref<50000x128xf32, #tpu.memory_space<hbm>> -> memref<256x128xf32, #tpu.memory_space<hbm>>
    %dma_start3A_564 = arith.constant 0 : i32
    %dma_start3A_565 = arith.constant 0 : i32
    %dma_start3A_566 = tpu.memref_slice %arg11[%dma_start3A_564, %dma_start3A_565] : memref<256x128xf32, #tpu.memory_space<vmem>> -> memref<256x128xf32, #tpu.memory_space<vmem>>
    tpu.enqueue_dma source(%dma_start3A_566 : memref<256x128xf32, #tpu.memory_space<vmem>>) target(%dma_start3A_563 : memref<256x128xf32, #tpu.memory_space<hbm>>) target_semaphore(%arg20 : memref<!tpu.dma_semaphore, #tpu.memory_space<semaphore_mem>>)
    %add3A_567 = arith.constant 1024 : i32
    %add3A_568 = arith.addi %mul3A_10, %add3A_567 : i32
    %sub3A_569 = arith.constant 49744 : i32
    %sub3A_570 = arith.subi %add3A_568, %sub3A_569 : i32
    %gt3A_571 = arith.constant 0 : i32
    %gt3A_572 = arith.cmpi sgt, %sub3A_570, %gt3A_571 : i32
    %add3A_573 = arith.constant 256 : i32
    %add3A_574 = arith.addi %sub3A_570, %add3A_573 : i32
    %sub3A_575 = arith.constant 1 : i32
    %sub3A_576 = arith.subi %add3A_574, %sub3A_575 : i32
    %jit3A_577 = arith.constant 256 : i32
    %div3A_578 = arith.divsi %sub3A_576, %jit3A_577 : i32
    %sign3A_579 = arith.constant 0 : i32
    %sign3A_580 = arith.cmpi sgt, %sub3A_576, %sign3A_579 : i32
    %sign3A_581 = arith.extui %sign3A_580 : i1 to i32
    %sign3A_582 = arith.constant 0 : i32
    %sign3A_583 = arith.cmpi slt, %sub3A_576, %sign3A_582 : i32
    %sign3A_584 = arith.extui %sign3A_583 : i1 to i32
    %sign3A_585 = arith.subi %sign3A_581, %sign3A_584 : i32
    %sign3A_586 = arith.constant 0 : i32
    %sign3A_587 = arith.cmpi sgt, %jit3A_577, %sign3A_586 : i32
    %sign3A_588 = arith.extui %sign3A_587 : i1 to i32
    %sign3A_589 = arith.constant 0 : i32
    %sign3A_590 = arith.cmpi slt, %jit3A_577, %sign3A_589 : i32
    %sign3A_591 = arith.extui %sign3A_590 : i1 to i32
    %sign3A_592 = arith.subi %sign3A_588, %sign3A_591 : i32
    %ne3A_593 = arith.cmpi ne, %sign3A_585, %sign3A_592 : i32
    %rem3A_594 = arith.remsi %sub3A_576, %jit3A_577 : i32
    %ne3A_595 = arith.constant 0 : i32
    %ne3A_596 = arith.cmpi ne, %rem3A_594, %ne3A_595 : i32
    %and3A_597 = arith.andi %ne3A_593, %ne3A_596 : i1
    %sub3A_598 = arith.constant 1 : i32
    %sub3A_599 = arith.subi %div3A_578, %sub3A_598 : i32
    %select_n3A_600 = arith.select %and3A_597, %sub3A_599, %div3A_578 : i32
    %jit3A_601 = arith.constant 16 : i32
    %eq3A_602 = arith.constant 0 : i32
    %eq3A_603 = arith.cmpi eq, %jit3A_601, %eq3A_602 : i32
    %jit3A_604 = arith.constant 1 : i32
    %select_n3A_605 = arith.select %eq3A_603, %jit3A_604, %jit3A_601 : i32
    %rem3A_606 = arith.remsi %select_n3A_600, %select_n3A_605 : i32
    %ne3A_607 = arith.constant 0 : i32
    %ne3A_608 = arith.cmpi ne, %rem3A_606, %ne3A_607 : i32
    %lt3A_609 = arith.constant 0 : i32
    %lt3A_610 = arith.cmpi slt, %rem3A_606, %lt3A_609 : i32
    %lt3A_611 = arith.constant 0 : i32
    %lt3A_612 = arith.cmpi slt, %select_n3A_605, %lt3A_611 : i32
    %ne3A_613 = arith.xori %lt3A_610, %lt3A_612 : i1
    %and3A_614 = arith.andi %ne3A_613, %ne3A_608 : i1
    %add3A_615 = arith.addi %rem3A_606, %select_n3A_605 : i32
    %select_n3A_616 = arith.select %and3A_614, %add3A_615, %rem3A_606 : i32
    %jit3A_617 = arith.constant 0 : i32
    %select_n3A_618 = arith.select %gt3A_572, %select_n3A_616, %jit3A_617 : i32
    %gt3A_619 = arith.constant 0 : i32
    %gt3A_620 = arith.cmpi sgt, %sub3A_570, %gt3A_619 : i32
    %mul3A_621 = arith.constant 256 : i32
    %mul3A_622 = arith.muli %select_n3A_618, %mul3A_621 : i32
    %sub3A_623 = arith.constant 49744 : i32
    %sub3A_624 = arith.subi %sub3A_623, %mul3A_622 : i32
    %select_n3A_625 = arith.select %gt3A_620, %sub3A_624, %add3A_568 : i32
    %dma_wait3A_626 = arith.constant 0 : i32
    %dma_wait3A_627 = arith.constant 0 : i32
    %dma_wait3A_628 = tpu.memref_slice %arg12[%dma_wait3A_626, %dma_wait3A_627] : memref<256x128xf32, #tpu.memory_space<vmem>> -> memref<256x128xf32, #tpu.memory_space<vmem>>
    %dma_wait3A_629 = arith.constant 0 : i32
    %dma_wait3A_630 = tpu.memref_slice %arg6[%select_n3A_625, %dma_wait3A_629] : memref<50000x128xf32, #tpu.memory_space<hbm>> -> memref<256x128xf32, #tpu.memory_space<hbm>>
    %dma_wait3A_631 = arith.constant 0 : i32
    %dma_wait3A_632 = tpu.memref_slice %arg6[%select_n3A_625, %dma_wait3A_631] : memref<50000x128xf32, #tpu.memory_space<hbm>> -> memref<256x128xf32, #tpu.memory_space<hbm>>
    %dma_wait3A_633 = arith.constant 0 : i32
    %dma_wait3A_634 = arith.constant 0 : i32
    %dma_wait3A_635 = tpu.memref_slice %arg12[%dma_wait3A_633, %dma_wait3A_634] : memref<256x128xf32, #tpu.memory_space<vmem>> -> memref<256x128xf32, #tpu.memory_space<vmem>>
    tpu.wait_dma2 semaphore(%arg21 : memref<!tpu.dma_semaphore, #tpu.memory_space<semaphore_mem>>) src(%dma_wait3A_635 : memref<256x128xf32, #tpu.memory_space<vmem>>) dst(%dma_wait3A_632 : memref<256x128xf32, #tpu.memory_space<hbm>>)
    %add3A_636 = arith.constant 1280 : i32
    %add3A_637 = arith.addi %mul3A_10, %add3A_636 : i32
    %sub3A_638 = arith.constant 49744 : i32
    %sub3A_639 = arith.subi %add3A_637, %sub3A_638 : i32
    %gt3A_640 = arith.constant 0 : i32
    %gt3A_641 = arith.cmpi sgt, %sub3A_639, %gt3A_640 : i32
    %add3A_642 = arith.constant 256 : i32
    %add3A_643 = arith.addi %sub3A_639, %add3A_642 : i32
    %sub3A_644 = arith.constant 1 : i32
    %sub3A_645 = arith.subi %add3A_643, %sub3A_644 : i32
    %jit3A_646 = arith.constant 256 : i32
    %div3A_647 = arith.divsi %sub3A_645, %jit3A_646 : i32
    %sign3A_648 = arith.constant 0 : i32
    %sign3A_649 = arith.cmpi sgt, %sub3A_645, %sign3A_648 : i32
    %sign3A_650 = arith.extui %sign3A_649 : i1 to i32
    %sign3A_651 = arith.constant 0 : i32
    %sign3A_652 = arith.cmpi slt, %sub3A_645, %sign3A_651 : i32
    %sign3A_653 = arith.extui %sign3A_652 : i1 to i32
    %sign3A_654 = arith.subi %sign3A_650, %sign3A_653 : i32
    %sign3A_655 = arith.constant 0 : i32
    %sign3A_656 = arith.cmpi sgt, %jit3A_646, %sign3A_655 : i32
    %sign3A_657 = arith.extui %sign3A_656 : i1 to i32
    %sign3A_658 = arith.constant 0 : i32
    %sign3A_659 = arith.cmpi slt, %jit3A_646, %sign3A_658 : i32
    %sign3A_660 = arith.extui %sign3A_659 : i1 to i32
    %sign3A_661 = arith.subi %sign3A_657, %sign3A_660 : i32
    %ne3A_662 = arith.cmpi ne, %sign3A_654, %sign3A_661 : i32
    %rem3A_663 = arith.remsi %sub3A_645, %jit3A_646 : i32
    %ne3A_664 = arith.constant 0 : i32
    %ne3A_665 = arith.cmpi ne, %rem3A_663, %ne3A_664 : i32
    %and3A_666 = arith.andi %ne3A_662, %ne3A_665 : i1
    %sub3A_667 = arith.constant 1 : i32
    %sub3A_668 = arith.subi %div3A_647, %sub3A_667 : i32
    %select_n3A_669 = arith.select %and3A_666, %sub3A_668, %div3A_647 : i32
    %jit3A_670 = arith.constant 16 : i32
    %eq3A_671 = arith.constant 0 : i32
    %eq3A_672 = arith.cmpi eq, %jit3A_670, %eq3A_671 : i32
    %jit3A_673 = arith.constant 1 : i32
    %select_n3A_674 = arith.select %eq3A_672, %jit3A_673, %jit3A_670 : i32
    %rem3A_675 = arith.remsi %select_n3A_669, %select_n3A_674 : i32
    %ne3A_676 = arith.constant 0 : i32
    %ne3A_677 = arith.cmpi ne, %rem3A_675, %ne3A_676 : i32
    %lt3A_678 = arith.constant 0 : i32
    %lt3A_679 = arith.cmpi slt, %rem3A_675, %lt3A_678 : i32
    %lt3A_680 = arith.constant 0 : i32
    %lt3A_681 = arith.cmpi slt, %select_n3A_674, %lt3A_680 : i32
    %ne3A_682 = arith.xori %lt3A_679, %lt3A_681 : i1
    %and3A_683 = arith.andi %ne3A_682, %ne3A_677 : i1
    %add3A_684 = arith.addi %rem3A_675, %select_n3A_674 : i32
    %select_n3A_685 = arith.select %and3A_683, %add3A_684, %rem3A_675 : i32
    %jit3A_686 = arith.constant 0 : i32
    %select_n3A_687 = arith.select %gt3A_641, %select_n3A_685, %jit3A_686 : i32
    %gt3A_688 = arith.constant 0 : i32
    %gt3A_689 = arith.cmpi sgt, %sub3A_639, %gt3A_688 : i32
    %mul3A_690 = arith.constant 256 : i32
    %mul3A_691 = arith.muli %select_n3A_687, %mul3A_690 : i32
    %sub3A_692 = arith.constant 49744 : i32
    %sub3A_693 = arith.subi %sub3A_692, %mul3A_691 : i32
    %select_n3A_694 = arith.select %gt3A_689, %sub3A_693, %add3A_637 : i32
    %dma_wait3A_695 = arith.constant 0 : i32
    %dma_wait3A_696 = arith.constant 0 : i32
    %dma_wait3A_697 = tpu.memref_slice %arg13[%dma_wait3A_695, %dma_wait3A_696] : memref<256x128xf32, #tpu.memory_space<vmem>> -> memref<256x128xf32, #tpu.memory_space<vmem>>
    %dma_wait3A_698 = arith.constant 0 : i32
    %dma_wait3A_699 = tpu.memref_slice %arg6[%select_n3A_694, %dma_wait3A_698] : memref<50000x128xf32, #tpu.memory_space<hbm>> -> memref<256x128xf32, #tpu.memory_space<hbm>>
    %dma_wait3A_700 = arith.constant 0 : i32
    %dma_wait3A_701 = tpu.memref_slice %arg6[%select_n3A_694, %dma_wait3A_700] : memref<50000x128xf32, #tpu.memory_space<hbm>> -> memref<256x128xf32, #tpu.memory_space<hbm>>
    %dma_wait3A_702 = arith.constant 0 : i32
    %dma_wait3A_703 = arith.constant 0 : i32
    %dma_wait3A_704 = tpu.memref_slice %arg13[%dma_wait3A_702, %dma_wait3A_703] : memref<256x128xf32, #tpu.memory_space<vmem>> -> memref<256x128xf32, #tpu.memory_space<vmem>>
    tpu.wait_dma2 semaphore(%arg22 : memref<!tpu.dma_semaphore, #tpu.memory_space<semaphore_mem>>) src(%dma_wait3A_704 : memref<256x128xf32, #tpu.memory_space<vmem>>) dst(%dma_wait3A_701 : memref<256x128xf32, #tpu.memory_space<hbm>>)
    %add3A_705 = arith.constant 1536 : i32
    %add3A_706 = arith.addi %mul3A_10, %add3A_705 : i32
    %sub3A_707 = arith.constant 49744 : i32
    %sub3A_708 = arith.subi %add3A_706, %sub3A_707 : i32
    %gt3A_709 = arith.constant 0 : i32
    %gt3A_710 = arith.cmpi sgt, %sub3A_708, %gt3A_709 : i32
    %add3A_711 = arith.constant 256 : i32
    %add3A_712 = arith.addi %sub3A_708, %add3A_711 : i32
    %sub3A_713 = arith.constant 1 : i32
    %sub3A_714 = arith.subi %add3A_712, %sub3A_713 : i32
    %jit3A_715 = arith.constant 256 : i32
    %div3A_716 = arith.divsi %sub3A_714, %jit3A_715 : i32
    %sign3A_717 = arith.constant 0 : i32
    %sign3A_718 = arith.cmpi sgt, %sub3A_714, %sign3A_717 : i32
    %sign3A_719 = arith.extui %sign3A_718 : i1 to i32
    %sign3A_720 = arith.constant 0 : i32
    %sign3A_721 = arith.cmpi slt, %sub3A_714, %sign3A_720 : i32
    %sign3A_722 = arith.extui %sign3A_721 : i1 to i32
    %sign3A_723 = arith.subi %sign3A_719, %sign3A_722 : i32
    %sign3A_724 = arith.constant 0 : i32
    %sign3A_725 = arith.cmpi sgt, %jit3A_715, %sign3A_724 : i32
    %sign3A_726 = arith.extui %sign3A_725 : i1 to i32
    %sign3A_727 = arith.constant 0 : i32
    %sign3A_728 = arith.cmpi slt, %jit3A_715, %sign3A_727 : i32
    %sign3A_729 = arith.extui %sign3A_728 : i1 to i32
    %sign3A_730 = arith.subi %sign3A_726, %sign3A_729 : i32
    %ne3A_731 = arith.cmpi ne, %sign3A_723, %sign3A_730 : i32
    %rem3A_732 = arith.remsi %sub3A_714, %jit3A_715 : i32
    %ne3A_733 = arith.constant 0 : i32
    %ne3A_734 = arith.cmpi ne, %rem3A_732, %ne3A_733 : i32
    %and3A_735 = arith.andi %ne3A_731, %ne3A_734 : i1
    %sub3A_736 = arith.constant 1 : i32
    %sub3A_737 = arith.subi %div3A_716, %sub3A_736 : i32
    %select_n3A_738 = arith.select %and3A_735, %sub3A_737, %div3A_716 : i32
    %jit3A_739 = arith.constant 16 : i32
    %eq3A_740 = arith.constant 0 : i32
    %eq3A_741 = arith.cmpi eq, %jit3A_739, %eq3A_740 : i32
    %jit3A_742 = arith.constant 1 : i32
    %select_n3A_743 = arith.select %eq3A_741, %jit3A_742, %jit3A_739 : i32
    %rem3A_744 = arith.remsi %select_n3A_738, %select_n3A_743 : i32
    %ne3A_745 = arith.constant 0 : i32
    %ne3A_746 = arith.cmpi ne, %rem3A_744, %ne3A_745 : i32
    %lt3A_747 = arith.constant 0 : i32
    %lt3A_748 = arith.cmpi slt, %rem3A_744, %lt3A_747 : i32
    %lt3A_749 = arith.constant 0 : i32
    %lt3A_750 = arith.cmpi slt, %select_n3A_743, %lt3A_749 : i32
    %ne3A_751 = arith.xori %lt3A_748, %lt3A_750 : i1
    %and3A_752 = arith.andi %ne3A_751, %ne3A_746 : i1
    %add3A_753 = arith.addi %rem3A_744, %select_n3A_743 : i32
    %select_n3A_754 = arith.select %and3A_752, %add3A_753, %rem3A_744 : i32
    %jit3A_755 = arith.constant 0 : i32
    %select_n3A_756 = arith.select %gt3A_710, %select_n3A_754, %jit3A_755 : i32
    %gt3A_757 = arith.constant 0 : i32
    %gt3A_758 = arith.cmpi sgt, %sub3A_708, %gt3A_757 : i32
    %mul3A_759 = arith.constant 256 : i32
    %mul3A_760 = arith.muli %select_n3A_756, %mul3A_759 : i32
    %sub3A_761 = arith.constant 49744 : i32
    %sub3A_762 = arith.subi %sub3A_761, %mul3A_760 : i32
    %select_n3A_763 = arith.select %gt3A_758, %sub3A_762, %add3A_706 : i32
    %dma_wait3A_764 = arith.constant 0 : i32
    %dma_wait3A_765 = arith.constant 0 : i32
    %dma_wait3A_766 = tpu.memref_slice %arg11[%dma_wait3A_764, %dma_wait3A_765] : memref<256x128xf32, #tpu.memory_space<vmem>> -> memref<256x128xf32, #tpu.memory_space<vmem>>
    %dma_wait3A_767 = arith.constant 0 : i32
    %dma_wait3A_768 = tpu.memref_slice %arg6[%select_n3A_763, %dma_wait3A_767] : memref<50000x128xf32, #tpu.memory_space<hbm>> -> memref<256x128xf32, #tpu.memory_space<hbm>>
    %dma_wait3A_769 = arith.constant 0 : i32
    %dma_wait3A_770 = tpu.memref_slice %arg6[%select_n3A_763, %dma_wait3A_769] : memref<50000x128xf32, #tpu.memory_space<hbm>> -> memref<256x128xf32, #tpu.memory_space<hbm>>
    %dma_wait3A_771 = arith.constant 0 : i32
    %dma_wait3A_772 = arith.constant 0 : i32
    %dma_wait3A_773 = tpu.memref_slice %arg11[%dma_wait3A_771, %dma_wait3A_772] : memref<256x128xf32, #tpu.memory_space<vmem>> -> memref<256x128xf32, #tpu.memory_space<vmem>>
    tpu.wait_dma2 semaphore(%arg20 : memref<!tpu.dma_semaphore, #tpu.memory_space<semaphore_mem>>) src(%dma_wait3A_773 : memref<256x128xf32, #tpu.memory_space<vmem>>) dst(%dma_wait3A_770 : memref<256x128xf32, #tpu.memory_space<hbm>>)
    %barrier3A = arith.constant 0 : index
    tpu.barrier barrier_id(%barrier3A)
    %mul3A_774 = arith.constant 98 : i32
    %mul3A_775 = arith.muli %add3A, %mul3A_774 : i32
    %mul3A_776 = arith.constant 256 : i32
    %mul3A_777 = arith.muli %mul3A_775, %mul3A_776 : i32
    %add3A_778 = arith.constant 0 : i32
    %add3A_779 = arith.addi %mul3A_777, %add3A_778 : i32
    %sub3A_780 = arith.constant 799744 : i32
    %sub3A_781 = arith.subi %add3A_779, %sub3A_780 : i32
    %gt3A_782 = arith.constant 0 : i32
    %gt3A_783 = arith.cmpi sgt, %sub3A_781, %gt3A_782 : i32
    %add3A_784 = arith.constant 256 : i32
    %add3A_785 = arith.addi %sub3A_781, %add3A_784 : i32
    %sub3A_786 = arith.constant 1 : i32
    %sub3A_787 = arith.subi %add3A_785, %sub3A_786 : i32
    %jit3A_788 = arith.constant 256 : i32
    %div3A_789 = arith.divsi %sub3A_787, %jit3A_788 : i32
    %sign3A_790 = arith.constant 0 : i32
    %sign3A_791 = arith.cmpi sgt, %sub3A_787, %sign3A_790 : i32
    %sign3A_792 = arith.extui %sign3A_791 : i1 to i32
    %sign3A_793 = arith.constant 0 : i32
    %sign3A_794 = arith.cmpi slt, %sub3A_787, %sign3A_793 : i32
    %sign3A_795 = arith.extui %sign3A_794 : i1 to i32
    %sign3A_796 = arith.subi %sign3A_792, %sign3A_795 : i32
    %sign3A_797 = arith.constant 0 : i32
    %sign3A_798 = arith.cmpi sgt, %jit3A_788, %sign3A_797 : i32
    %sign3A_799 = arith.extui %sign3A_798 : i1 to i32
    %sign3A_800 = arith.constant 0 : i32
    %sign3A_801 = arith.cmpi slt, %jit3A_788, %sign3A_800 : i32
    %sign3A_802 = arith.extui %sign3A_801 : i1 to i32
    %sign3A_803 = arith.subi %sign3A_799, %sign3A_802 : i32
    %ne3A_804 = arith.cmpi ne, %sign3A_796, %sign3A_803 : i32
    %rem3A_805 = arith.remsi %sub3A_787, %jit3A_788 : i32
    %ne3A_806 = arith.constant 0 : i32
    %ne3A_807 = arith.cmpi ne, %rem3A_805, %ne3A_806 : i32
    %and3A_808 = arith.andi %ne3A_804, %ne3A_807 : i1
    %sub3A_809 = arith.constant 1 : i32
    %sub3A_810 = arith.subi %div3A_789, %sub3A_809 : i32
    %select_n3A_811 = arith.select %and3A_808, %sub3A_810, %div3A_789 : i32
    %jit3A_812 = arith.constant 16 : i32
    %eq3A_813 = arith.constant 0 : i32
    %eq3A_814 = arith.cmpi eq, %jit3A_812, %eq3A_813 : i32
    %jit3A_815 = arith.constant 1 : i32
    %select_n3A_816 = arith.select %eq3A_814, %jit3A_815, %jit3A_812 : i32
    %rem3A_817 = arith.remsi %select_n3A_811, %select_n3A_816 : i32
    %ne3A_818 = arith.constant 0 : i32
    %ne3A_819 = arith.cmpi ne, %rem3A_817, %ne3A_818 : i32
    %lt3A_820 = arith.constant 0 : i32
    %lt3A_821 = arith.cmpi slt, %rem3A_817, %lt3A_820 : i32
    %lt3A_822 = arith.constant 0 : i32
    %lt3A_823 = arith.cmpi slt, %select_n3A_816, %lt3A_822 : i32
    %ne3A_824 = arith.xori %lt3A_821, %lt3A_823 : i1
    %and3A_825 = arith.andi %ne3A_824, %ne3A_819 : i1
    %add3A_826 = arith.addi %rem3A_817, %select_n3A_816 : i32
    %select_n3A_827 = arith.select %and3A_825, %add3A_826, %rem3A_817 : i32
    %jit3A_828 = arith.constant 0 : i32
    %select_n3A_829 = arith.select %gt3A_783, %select_n3A_827, %jit3A_828 : i32
    %gt3A_830 = arith.constant 0 : i32
    %gt3A_831 = arith.cmpi sgt, %sub3A_781, %gt3A_830 : i32
    %mul3A_832 = arith.constant 256 : i32
    %mul3A_833 = arith.muli %select_n3A_829, %mul3A_832 : i32
    %sub3A_834 = arith.constant 799744 : i32
    %sub3A_835 = arith.subi %sub3A_834, %mul3A_833 : i32
    %select_n3A_836 = arith.select %gt3A_831, %sub3A_835, %add3A_779 : i32
    %add3A_837 = arith.constant 0 : i32
    %add3A_838 = arith.addi %add3A_837, %select_n3A_836 : i32
    %dma_start3A_839 = arith.constant 0 : i32
    %dma_start3A_840 = tpu.memref_slice %arg8[%dma_start3A_839] : memref<1024xi32, #tpu.memory_space<vmem>> -> memref<256xi32, #tpu.memory_space<vmem>>
    %dma_start3A_841 = tpu.memref_slice %arg3[%add3A_838] : memref<1600000xi32, #tpu.memory_space<hbm>> -> memref<256xi32, #tpu.memory_space<hbm>>
    %dma_start3A_842 = arith.constant 0 : i32
    %dma_start3A_843 = tpu.memref_slice %arg8[%dma_start3A_842] : memref<1024xi32, #tpu.memory_space<vmem>> -> memref<256xi32, #tpu.memory_space<vmem>>
    %dma_start3A_844 = tpu.memref_slice %arg3[%add3A_838] : memref<1600000xi32, #tpu.memory_space<hbm>> -> memref<256xi32, #tpu.memory_space<hbm>>
    tpu.enqueue_dma source(%dma_start3A_844 : memref<256xi32, #tpu.memory_space<hbm>>) target(%dma_start3A_843 : memref<256xi32, #tpu.memory_space<vmem>>) target_semaphore(%arg17 : memref<!tpu.dma_semaphore, #tpu.memory_space<semaphore_mem>>)
    %add3A_845 = arith.constant 800000 : i32
    %add3A_846 = arith.addi %add3A_845, %select_n3A_836 : i32
    %dma_start3A_847 = arith.constant 256 : i32
    %dma_start3A_848 = tpu.memref_slice %arg8[%dma_start3A_847] : memref<1024xi32, #tpu.memory_space<vmem>> -> memref<256xi32, #tpu.memory_space<vmem>>
    %dma_start3A_849 = tpu.memref_slice %arg3[%add3A_846] : memref<1600000xi32, #tpu.memory_space<hbm>> -> memref<256xi32, #tpu.memory_space<hbm>>
    %dma_start3A_850 = arith.constant 256 : i32
    %dma_start3A_851 = tpu.memref_slice %arg8[%dma_start3A_850] : memref<1024xi32, #tpu.memory_space<vmem>> -> memref<256xi32, #tpu.memory_space<vmem>>
    %dma_start3A_852 = tpu.memref_slice %arg3[%add3A_846] : memref<1600000xi32, #tpu.memory_space<hbm>> -> memref<256xi32, #tpu.memory_space<hbm>>
    tpu.enqueue_dma source(%dma_start3A_852 : memref<256xi32, #tpu.memory_space<hbm>>) target(%dma_start3A_851 : memref<256xi32, #tpu.memory_space<vmem>>) target_semaphore(%arg17 : memref<!tpu.dma_semaphore, #tpu.memory_space<semaphore_mem>>)
    %add3A_853 = arith.constant 256 : i32
    %add3A_854 = arith.addi %mul3A_777, %add3A_853 : i32
    %sub3A_855 = arith.constant 799744 : i32
    %sub3A_856 = arith.subi %add3A_854, %sub3A_855 : i32
    %gt3A_857 = arith.constant 0 : i32
    %gt3A_858 = arith.cmpi sgt, %sub3A_856, %gt3A_857 : i32
    %add3A_859 = arith.constant 256 : i32
    %add3A_860 = arith.addi %sub3A_856, %add3A_859 : i32
    %sub3A_861 = arith.constant 1 : i32
    %sub3A_862 = arith.subi %add3A_860, %sub3A_861 : i32
    %jit3A_863 = arith.constant 256 : i32
    %div3A_864 = arith.divsi %sub3A_862, %jit3A_863 : i32
    %sign3A_865 = arith.constant 0 : i32
    %sign3A_866 = arith.cmpi sgt, %sub3A_862, %sign3A_865 : i32
    %sign3A_867 = arith.extui %sign3A_866 : i1 to i32
    %sign3A_868 = arith.constant 0 : i32
    %sign3A_869 = arith.cmpi slt, %sub3A_862, %sign3A_868 : i32
    %sign3A_870 = arith.extui %sign3A_869 : i1 to i32
    %sign3A_871 = arith.subi %sign3A_867, %sign3A_870 : i32
    %sign3A_872 = arith.constant 0 : i32
    %sign3A_873 = arith.cmpi sgt, %jit3A_863, %sign3A_872 : i32
    %sign3A_874 = arith.extui %sign3A_873 : i1 to i32
    %sign3A_875 = arith.constant 0 : i32
    %sign3A_876 = arith.cmpi slt, %jit3A_863, %sign3A_875 : i32
    %sign3A_877 = arith.extui %sign3A_876 : i1 to i32
    %sign3A_878 = arith.subi %sign3A_874, %sign3A_877 : i32
    %ne3A_879 = arith.cmpi ne, %sign3A_871, %sign3A_878 : i32
    %rem3A_880 = arith.remsi %sub3A_862, %jit3A_863 : i32
    %ne3A_881 = arith.constant 0 : i32
    %ne3A_882 = arith.cmpi ne, %rem3A_880, %ne3A_881 : i32
    %and3A_883 = arith.andi %ne3A_879, %ne3A_882 : i1
    %sub3A_884 = arith.constant 1 : i32
    %sub3A_885 = arith.subi %div3A_864, %sub3A_884 : i32
    %select_n3A_886 = arith.select %and3A_883, %sub3A_885, %div3A_864 : i32
    %jit3A_887 = arith.constant 16 : i32
    %eq3A_888 = arith.constant 0 : i32
    %eq3A_889 = arith.cmpi eq, %jit3A_887, %eq3A_888 : i32
    %jit3A_890 = arith.constant 1 : i32
    %select_n3A_891 = arith.select %eq3A_889, %jit3A_890, %jit3A_887 : i32
    %rem3A_892 = arith.remsi %select_n3A_886, %select_n3A_891 : i32
    %ne3A_893 = arith.constant 0 : i32
    %ne3A_894 = arith.cmpi ne, %rem3A_892, %ne3A_893 : i32
    %lt3A_895 = arith.constant 0 : i32
    %lt3A_896 = arith.cmpi slt, %rem3A_892, %lt3A_895 : i32
    %lt3A_897 = arith.constant 0 : i32
    %lt3A_898 = arith.cmpi slt, %select_n3A_891, %lt3A_897 : i32
    %ne3A_899 = arith.xori %lt3A_896, %lt3A_898 : i1
    %and3A_900 = arith.andi %ne3A_899, %ne3A_894 : i1
    %add3A_901 = arith.addi %rem3A_892, %select_n3A_891 : i32
    %select_n3A_902 = arith.select %and3A_900, %add3A_901, %rem3A_892 : i32
    %jit3A_903 = arith.constant 0 : i32
    %select_n3A_904 = arith.select %gt3A_858, %select_n3A_902, %jit3A_903 : i32
    %gt3A_905 = arith.constant 0 : i32
    %gt3A_906 = arith.cmpi sgt, %sub3A_856, %gt3A_905 : i32
    %mul3A_907 = arith.constant 256 : i32
    %mul3A_908 = arith.muli %select_n3A_904, %mul3A_907 : i32
    %sub3A_909 = arith.constant 799744 : i32
    %sub3A_910 = arith.subi %sub3A_909, %mul3A_908 : i32
    %select_n3A_911 = arith.select %gt3A_906, %sub3A_910, %add3A_854 : i32
    %add3A_912 = arith.constant 0 : i32
    %add3A_913 = arith.addi %add3A_912, %select_n3A_911 : i32
    %dma_start3A_914 = arith.constant 0 : i32
    %dma_start3A_915 = tpu.memref_slice %arg9[%dma_start3A_914] : memref<1024xi32, #tpu.memory_space<vmem>> -> memref<256xi32, #tpu.memory_space<vmem>>
    %dma_start3A_916 = tpu.memref_slice %arg3[%add3A_913] : memref<1600000xi32, #tpu.memory_space<hbm>> -> memref<256xi32, #tpu.memory_space<hbm>>
    %dma_start3A_917 = arith.constant 0 : i32
    %dma_start3A_918 = tpu.memref_slice %arg9[%dma_start3A_917] : memref<1024xi32, #tpu.memory_space<vmem>> -> memref<256xi32, #tpu.memory_space<vmem>>
    %dma_start3A_919 = tpu.memref_slice %arg3[%add3A_913] : memref<1600000xi32, #tpu.memory_space<hbm>> -> memref<256xi32, #tpu.memory_space<hbm>>
    tpu.enqueue_dma source(%dma_start3A_919 : memref<256xi32, #tpu.memory_space<hbm>>) target(%dma_start3A_918 : memref<256xi32, #tpu.memory_space<vmem>>) target_semaphore(%arg18 : memref<!tpu.dma_semaphore, #tpu.memory_space<semaphore_mem>>)
    %add3A_920 = arith.constant 800000 : i32
    %add3A_921 = arith.addi %add3A_920, %select_n3A_911 : i32
    %dma_start3A_922 = arith.constant 256 : i32
    %dma_start3A_923 = tpu.memref_slice %arg9[%dma_start3A_922] : memref<1024xi32, #tpu.memory_space<vmem>> -> memref<256xi32, #tpu.memory_space<vmem>>
    %dma_start3A_924 = tpu.memref_slice %arg3[%add3A_921] : memref<1600000xi32, #tpu.memory_space<hbm>> -> memref<256xi32, #tpu.memory_space<hbm>>
    %dma_start3A_925 = arith.constant 256 : i32
    %dma_start3A_926 = tpu.memref_slice %arg9[%dma_start3A_925] : memref<1024xi32, #tpu.memory_space<vmem>> -> memref<256xi32, #tpu.memory_space<vmem>>
    %dma_start3A_927 = tpu.memref_slice %arg3[%add3A_921] : memref<1600000xi32, #tpu.memory_space<hbm>> -> memref<256xi32, #tpu.memory_space<hbm>>
    tpu.enqueue_dma source(%dma_start3A_927 : memref<256xi32, #tpu.memory_space<hbm>>) target(%dma_start3A_926 : memref<256xi32, #tpu.memory_space<vmem>>) target_semaphore(%arg18 : memref<!tpu.dma_semaphore, #tpu.memory_space<semaphore_mem>>)
    %add3A_928 = arith.constant 512 : i32
    %add3A_929 = arith.addi %mul3A_777, %add3A_928 : i32
    %sub3A_930 = arith.constant 799744 : i32
    %sub3A_931 = arith.subi %add3A_929, %sub3A_930 : i32
    %gt3A_932 = arith.constant 0 : i32
    %gt3A_933 = arith.cmpi sgt, %sub3A_931, %gt3A_932 : i32
    %add3A_934 = arith.constant 256 : i32
    %add3A_935 = arith.addi %sub3A_931, %add3A_934 : i32
    %sub3A_936 = arith.constant 1 : i32
    %sub3A_937 = arith.subi %add3A_935, %sub3A_936 : i32
    %jit3A_938 = arith.constant 256 : i32
    %div3A_939 = arith.divsi %sub3A_937, %jit3A_938 : i32
    %sign3A_940 = arith.constant 0 : i32
    %sign3A_941 = arith.cmpi sgt, %sub3A_937, %sign3A_940 : i32
    %sign3A_942 = arith.extui %sign3A_941 : i1 to i32
    %sign3A_943 = arith.constant 0 : i32
    %sign3A_944 = arith.cmpi slt, %sub3A_937, %sign3A_943 : i32
    %sign3A_945 = arith.extui %sign3A_944 : i1 to i32
    %sign3A_946 = arith.subi %sign3A_942, %sign3A_945 : i32
    %sign3A_947 = arith.constant 0 : i32
    %sign3A_948 = arith.cmpi sgt, %jit3A_938, %sign3A_947 : i32
    %sign3A_949 = arith.extui %sign3A_948 : i1 to i32
    %sign3A_950 = arith.constant 0 : i32
    %sign3A_951 = arith.cmpi slt, %jit3A_938, %sign3A_950 : i32
    %sign3A_952 = arith.extui %sign3A_951 : i1 to i32
    %sign3A_953 = arith.subi %sign3A_949, %sign3A_952 : i32
    %ne3A_954 = arith.cmpi ne, %sign3A_946, %sign3A_953 : i32
    %rem3A_955 = arith.remsi %sub3A_937, %jit3A_938 : i32
    %ne3A_956 = arith.constant 0 : i32
    %ne3A_957 = arith.cmpi ne, %rem3A_955, %ne3A_956 : i32
    %and3A_958 = arith.andi %ne3A_954, %ne3A_957 : i1
    %sub3A_959 = arith.constant 1 : i32
    %sub3A_960 = arith.subi %div3A_939, %sub3A_959 : i32
    %select_n3A_961 = arith.select %and3A_958, %sub3A_960, %div3A_939 : i32
    %jit3A_962 = arith.constant 16 : i32
    %eq3A_963 = arith.constant 0 : i32
    %eq3A_964 = arith.cmpi eq, %jit3A_962, %eq3A_963 : i32
    %jit3A_965 = arith.constant 1 : i32
    %select_n3A_966 = arith.select %eq3A_964, %jit3A_965, %jit3A_962 : i32
    %rem3A_967 = arith.remsi %select_n3A_961, %select_n3A_966 : i32
    %ne3A_968 = arith.constant 0 : i32
    %ne3A_969 = arith.cmpi ne, %rem3A_967, %ne3A_968 : i32
    %lt3A_970 = arith.constant 0 : i32
    %lt3A_971 = arith.cmpi slt, %rem3A_967, %lt3A_970 : i32
    %lt3A_972 = arith.constant 0 : i32
    %lt3A_973 = arith.cmpi slt, %select_n3A_966, %lt3A_972 : i32
    %ne3A_974 = arith.xori %lt3A_971, %lt3A_973 : i1
    %and3A_975 = arith.andi %ne3A_974, %ne3A_969 : i1
    %add3A_976 = arith.addi %rem3A_967, %select_n3A_966 : i32
    %select_n3A_977 = arith.select %and3A_975, %add3A_976, %rem3A_967 : i32
    %jit3A_978 = arith.constant 0 : i32
    %select_n3A_979 = arith.select %gt3A_933, %select_n3A_977, %jit3A_978 : i32
    %gt3A_980 = arith.constant 0 : i32
    %gt3A_981 = arith.cmpi sgt, %sub3A_931, %gt3A_980 : i32
    %mul3A_982 = arith.constant 256 : i32
    %mul3A_983 = arith.muli %select_n3A_979, %mul3A_982 : i32
    %sub3A_984 = arith.constant 799744 : i32
    %sub3A_985 = arith.subi %sub3A_984, %mul3A_983 : i32
    %select_n3A_986 = arith.select %gt3A_981, %sub3A_985, %add3A_929 : i32
    %add3A_987 = arith.constant 0 : i32
    %add3A_988 = arith.addi %add3A_987, %select_n3A_986 : i32
    %dma_start3A_989 = arith.constant 0 : i32
    %dma_start3A_990 = tpu.memref_slice %arg10[%dma_start3A_989] : memref<1024xi32, #tpu.memory_space<vmem>> -> memref<256xi32, #tpu.memory_space<vmem>>
    %dma_start3A_991 = tpu.memref_slice %arg3[%add3A_988] : memref<1600000xi32, #tpu.memory_space<hbm>> -> memref<256xi32, #tpu.memory_space<hbm>>
    %dma_start3A_992 = arith.constant 0 : i32
    %dma_start3A_993 = tpu.memref_slice %arg10[%dma_start3A_992] : memref<1024xi32, #tpu.memory_space<vmem>> -> memref<256xi32, #tpu.memory_space<vmem>>
    %dma_start3A_994 = tpu.memref_slice %arg3[%add3A_988] : memref<1600000xi32, #tpu.memory_space<hbm>> -> memref<256xi32, #tpu.memory_space<hbm>>
    tpu.enqueue_dma source(%dma_start3A_994 : memref<256xi32, #tpu.memory_space<hbm>>) target(%dma_start3A_993 : memref<256xi32, #tpu.memory_space<vmem>>) target_semaphore(%arg19 : memref<!tpu.dma_semaphore, #tpu.memory_space<semaphore_mem>>)
    %add3A_995 = arith.constant 800000 : i32
    %add3A_996 = arith.addi %add3A_995, %select_n3A_986 : i32
    %dma_start3A_997 = arith.constant 256 : i32
    %dma_start3A_998 = tpu.memref_slice %arg10[%dma_start3A_997] : memref<1024xi32, #tpu.memory_space<vmem>> -> memref<256xi32, #tpu.memory_space<vmem>>
    %dma_start3A_999 = tpu.memref_slice %arg3[%add3A_996] : memref<1600000xi32, #tpu.memory_space<hbm>> -> memref<256xi32, #tpu.memory_space<hbm>>
    %dma_start3A_1000 = arith.constant 256 : i32
    %dma_start3A_1001 = tpu.memref_slice %arg10[%dma_start3A_1000] : memref<1024xi32, #tpu.memory_space<vmem>> -> memref<256xi32, #tpu.memory_space<vmem>>
    %dma_start3A_1002 = tpu.memref_slice %arg3[%add3A_996] : memref<1600000xi32, #tpu.memory_space<hbm>> -> memref<256xi32, #tpu.memory_space<hbm>>
    tpu.enqueue_dma source(%dma_start3A_1002 : memref<256xi32, #tpu.memory_space<hbm>>) target(%dma_start3A_1001 : memref<256xi32, #tpu.memory_space<vmem>>) target_semaphore(%arg19 : memref<!tpu.dma_semaphore, #tpu.memory_space<semaphore_mem>>)
    %add3A_1003 = arith.constant 0 : i32
    %add3A_1004 = arith.addi %mul3A_777, %add3A_1003 : i32
    %sub3A_1005 = arith.constant 799744 : i32
    %sub3A_1006 = arith.subi %add3A_1004, %sub3A_1005 : i32
    %gt3A_1007 = arith.constant 0 : i32
    %gt3A_1008 = arith.cmpi sgt, %sub3A_1006, %gt3A_1007 : i32
    %add3A_1009 = arith.constant 256 : i32
    %add3A_1010 = arith.addi %sub3A_1006, %add3A_1009 : i32
    %sub3A_1011 = arith.constant 1 : i32
    %sub3A_1012 = arith.subi %add3A_1010, %sub3A_1011 : i32
    %jit3A_1013 = arith.constant 256 : i32
    %div3A_1014 = arith.divsi %sub3A_1012, %jit3A_1013 : i32
    %sign3A_1015 = arith.constant 0 : i32
    %sign3A_1016 = arith.cmpi sgt, %sub3A_1012, %sign3A_1015 : i32
    %sign3A_1017 = arith.extui %sign3A_1016 : i1 to i32
    %sign3A_1018 = arith.constant 0 : i32
    %sign3A_1019 = arith.cmpi slt, %sub3A_1012, %sign3A_1018 : i32
    %sign3A_1020 = arith.extui %sign3A_1019 : i1 to i32
    %sign3A_1021 = arith.subi %sign3A_1017, %sign3A_1020 : i32
    %sign3A_1022 = arith.constant 0 : i32
    %sign3A_1023 = arith.cmpi sgt, %jit3A_1013, %sign3A_1022 : i32
    %sign3A_1024 = arith.extui %sign3A_1023 : i1 to i32
    %sign3A_1025 = arith.constant 0 : i32
    %sign3A_1026 = arith.cmpi slt, %jit3A_1013, %sign3A_1025 : i32
    %sign3A_1027 = arith.extui %sign3A_1026 : i1 to i32
    %sign3A_1028 = arith.subi %sign3A_1024, %sign3A_1027 : i32
    %ne3A_1029 = arith.cmpi ne, %sign3A_1021, %sign3A_1028 : i32
    %rem3A_1030 = arith.remsi %sub3A_1012, %jit3A_1013 : i32
    %ne3A_1031 = arith.constant 0 : i32
    %ne3A_1032 = arith.cmpi ne, %rem3A_1030, %ne3A_1031 : i32
    %and3A_1033 = arith.andi %ne3A_1029, %ne3A_1032 : i1
    %sub3A_1034 = arith.constant 1 : i32
    %sub3A_1035 = arith.subi %div3A_1014, %sub3A_1034 : i32
    %select_n3A_1036 = arith.select %and3A_1033, %sub3A_1035, %div3A_1014 : i32
    %jit3A_1037 = arith.constant 16 : i32
    %eq3A_1038 = arith.constant 0 : i32
    %eq3A_1039 = arith.cmpi eq, %jit3A_1037, %eq3A_1038 : i32
    %jit3A_1040 = arith.constant 1 : i32
    %select_n3A_1041 = arith.select %eq3A_1039, %jit3A_1040, %jit3A_1037 : i32
    %rem3A_1042 = arith.remsi %select_n3A_1036, %select_n3A_1041 : i32
    %ne3A_1043 = arith.constant 0 : i32
    %ne3A_1044 = arith.cmpi ne, %rem3A_1042, %ne3A_1043 : i32
    %lt3A_1045 = arith.constant 0 : i32
    %lt3A_1046 = arith.cmpi slt, %rem3A_1042, %lt3A_1045 : i32
    %lt3A_1047 = arith.constant 0 : i32
    %lt3A_1048 = arith.cmpi slt, %select_n3A_1041, %lt3A_1047 : i32
    %ne3A_1049 = arith.xori %lt3A_1046, %lt3A_1048 : i1
    %and3A_1050 = arith.andi %ne3A_1049, %ne3A_1044 : i1
    %add3A_1051 = arith.addi %rem3A_1042, %select_n3A_1041 : i32
    %select_n3A_1052 = arith.select %and3A_1050, %add3A_1051, %rem3A_1042 : i32
    %jit3A_1053 = arith.constant 0 : i32
    %select_n3A_1054 = arith.select %gt3A_1008, %select_n3A_1052, %jit3A_1053 : i32
    %gt3A_1055 = arith.constant 0 : i32
    %gt3A_1056 = arith.cmpi sgt, %sub3A_1006, %gt3A_1055 : i32
    %mul3A_1057 = arith.constant 256 : i32
    %mul3A_1058 = arith.muli %select_n3A_1054, %mul3A_1057 : i32
    %sub3A_1059 = arith.constant 799744 : i32
    %sub3A_1060 = arith.subi %sub3A_1059, %mul3A_1058 : i32
    %select_n3A_1061 = arith.select %gt3A_1056, %sub3A_1060, %add3A_1004 : i32
    %add3A_1062 = arith.constant 0 : i32
    %add3A_1063 = arith.addi %add3A_1062, %select_n3A_1061 : i32
    %dma_wait3A_1064 = arith.constant 0 : i32
    %dma_wait3A_1065 = tpu.memref_slice %arg8[%dma_wait3A_1064] : memref<1024xi32, #tpu.memory_space<vmem>> -> memref<256xi32, #tpu.memory_space<vmem>>
    %dma_wait3A_1066 = tpu.memref_slice %arg3[%add3A_1063] : memref<1600000xi32, #tpu.memory_space<hbm>> -> memref<256xi32, #tpu.memory_space<hbm>>
    %dma_wait3A_1067 = arith.constant 0 : i32
    %dma_wait3A_1068 = tpu.memref_slice %arg8[%dma_wait3A_1067] : memref<1024xi32, #tpu.memory_space<vmem>> -> memref<256xi32, #tpu.memory_space<vmem>>
    %dma_wait3A_1069 = tpu.memref_slice %arg3[%add3A_1063] : memref<1600000xi32, #tpu.memory_space<hbm>> -> memref<256xi32, #tpu.memory_space<hbm>>
    tpu.wait_dma2 semaphore(%arg17 : memref<!tpu.dma_semaphore, #tpu.memory_space<semaphore_mem>>) src(%dma_wait3A_1069 : memref<256xi32, #tpu.memory_space<hbm>>) dst(%dma_wait3A_1068 : memref<256xi32, #tpu.memory_space<vmem>>)
    %add3A_1070 = arith.constant 800000 : i32
    %add3A_1071 = arith.addi %add3A_1070, %select_n3A_1061 : i32
    %dma_wait3A_1072 = arith.constant 256 : i32
    %dma_wait3A_1073 = tpu.memref_slice %arg8[%dma_wait3A_1072] : memref<1024xi32, #tpu.memory_space<vmem>> -> memref<256xi32, #tpu.memory_space<vmem>>
    %dma_wait3A_1074 = tpu.memref_slice %arg3[%add3A_1071] : memref<1600000xi32, #tpu.memory_space<hbm>> -> memref<256xi32, #tpu.memory_space<hbm>>
    %dma_wait3A_1075 = arith.constant 256 : i32
    %dma_wait3A_1076 = tpu.memref_slice %arg8[%dma_wait3A_1075] : memref<1024xi32, #tpu.memory_space<vmem>> -> memref<256xi32, #tpu.memory_space<vmem>>
    %dma_wait3A_1077 = tpu.memref_slice %arg3[%add3A_1071] : memref<1600000xi32, #tpu.memory_space<hbm>> -> memref<256xi32, #tpu.memory_space<hbm>>
    tpu.wait_dma2 semaphore(%arg17 : memref<!tpu.dma_semaphore, #tpu.memory_space<semaphore_mem>>) src(%dma_wait3A_1077 : memref<256xi32, #tpu.memory_space<hbm>>) dst(%dma_wait3A_1076 : memref<256xi32, #tpu.memory_space<vmem>>)
    %dma_start3A_1078 = arith.constant 0 : i32
    %dma_start3A_1079 = arith.constant 0 : i32
    %dma_start3A_1080 = tpu.memref_slice %arg11[%dma_start3A_1078, %dma_start3A_1079] : memref<256x128xf32, #tpu.memory_space<vmem>> -> memref<128x128xf32, #tpu.memory_space<vmem>>
    %dma_start3A_1081 = arith.constant 0 : i32
    %dma_start3A_1082 = tpu.memref_slice %arg8[%dma_start3A_1081] : memref<1024xi32, #tpu.memory_space<vmem>> -> memref<128xi32, #tpu.memory_space<vmem>>
    %dma_start3A_1083 = arith.constant 0 : i32
    %dma_start3A_1084 = arith.constant 0 : i32
    %dma_start3A_1085 = tpu.memref_slice %arg23[%dma_start3A_1083, %dma_start3A_1084] : memref<1000x128xf32, #tpu.memory_space<vmem_shared>> -> memref<1000x128xf32, #tpu.memory_space<vmem_shared>>
    tpu.enqueue_indirect_dma source(%dma_start3A_1085 : memref<1000x128xf32, #tpu.memory_space<vmem_shared>>) target(%dma_start3A_1080 : memref<128x128xf32, #tpu.memory_space<vmem>>) offsets(%dma_start3A_1082 : memref<128xi32, #tpu.memory_space<vmem>>) semaphore(%arg14 : memref<!tpu.dma_semaphore, #tpu.memory_space<semaphore_mem>>)
    %dma_start3A_1086 = arith.constant 128 : i32
    %dma_start3A_1087 = arith.constant 0 : i32
    %dma_start3A_1088 = tpu.memref_slice %arg11[%dma_start3A_1086, %dma_start3A_1087] : memref<256x128xf32, #tpu.memory_space<vmem>> -> memref<128x128xf32, #tpu.memory_space<vmem>>
    %dma_start3A_1089 = arith.constant 128 : i32
    %dma_start3A_1090 = tpu.memref_slice %arg8[%dma_start3A_1089] : memref<1024xi32, #tpu.memory_space<vmem>> -> memref<128xi32, #tpu.memory_space<vmem>>
    %dma_start3A_1091 = arith.constant 0 : i32
    %dma_start3A_1092 = arith.constant 0 : i32
    %dma_start3A_1093 = tpu.memref_slice %arg23[%dma_start3A_1091, %dma_start3A_1092] : memref<1000x128xf32, #tpu.memory_space<vmem_shared>> -> memref<1000x128xf32, #tpu.memory_space<vmem_shared>>
    tpu.enqueue_indirect_dma source(%dma_start3A_1093 : memref<1000x128xf32, #tpu.memory_space<vmem_shared>>) target(%dma_start3A_1088 : memref<128x128xf32, #tpu.memory_space<vmem>>) offsets(%dma_start3A_1090 : memref<128xi32, #tpu.memory_space<vmem>>) semaphore(%arg14 : memref<!tpu.dma_semaphore, #tpu.memory_space<semaphore_mem>>)
    %scan3A_1094 = arith.constant 0 : i32
    %scan3A_1095 = arith.constant 0 : i32
    %scan3A_1096 = arith.constant 32 : i32
    %scan3A_1097 = arith.addi %scan3A_1095, %scan3A_1096 : i32
    %scan3A_1098 = arith.constant 1 : i32
    %scan3A_1099 = scf.for %scan3A_1702 = %scan3A_1095 to %scan3A_1097 step %scan3A_1098 iter_args(%scan3A_1703 = %scan3A_1094) -> (i32)  : i32 {
      %mul3A_1704 = arith.constant 3 : i32
      %mul3A_1705 = arith.muli %mul3A_1704, %scan3A_1702 : i32
      %add3A_1706 = arith.constant 0 : i32
      %add3A_1707 = arith.addi %mul3A_1705, %add3A_1706 : i32
      %dma_wait3A_1708 = arith.constant 0 : i32
      %dma_wait3A_1709 = arith.constant 0 : i32
      %dma_wait3A_1710 = tpu.memref_slice %arg11[%dma_wait3A_1708, %dma_wait3A_1709] : memref<256x128xf32, #tpu.memory_space<vmem>> -> memref<128x128xf32, #tpu.memory_space<vmem>>
      %dma_wait3A_1711 = arith.constant 0 : i32
      %dma_wait3A_1712 = tpu.memref_slice %arg8[%dma_wait3A_1711] : memref<1024xi32, #tpu.memory_space<vmem>> -> memref<128xi32, #tpu.memory_space<vmem>>
      %dma_wait3A_1713 = arith.constant 0 : i32
      %dma_wait3A_1714 = arith.constant 0 : i32
      %dma_wait3A_1715 = tpu.memref_slice %arg23[%dma_wait3A_1713, %dma_wait3A_1714] : memref<1000x128xf32, #tpu.memory_space<vmem_shared>> -> memref<1000x128xf32, #tpu.memory_space<vmem_shared>>
      tpu.wait_indirect_dma semaphore(%arg14 : memref<!tpu.dma_semaphore, #tpu.memory_space<semaphore_mem>>) src(%dma_wait3A_1715 : memref<1000x128xf32, #tpu.memory_space<vmem_shared>>) dst(%dma_wait3A_1710 : memref<128x128xf32, #tpu.memory_space<vmem>>)
      %dma_wait3A_1716 = arith.constant 128 : i32
      %dma_wait3A_1717 = arith.constant 0 : i32
      %dma_wait3A_1718 = tpu.memref_slice %arg11[%dma_wait3A_1716, %dma_wait3A_1717] : memref<256x128xf32, #tpu.memory_space<vmem>> -> memref<128x128xf32, #tpu.memory_space<vmem>>
      %dma_wait3A_1719 = arith.constant 128 : i32
      %dma_wait3A_1720 = tpu.memref_slice %arg8[%dma_wait3A_1719] : memref<1024xi32, #tpu.memory_space<vmem>> -> memref<128xi32, #tpu.memory_space<vmem>>
      %dma_wait3A_1721 = arith.constant 0 : i32
      %dma_wait3A_1722 = arith.constant 0 : i32
      %dma_wait3A_1723 = tpu.memref_slice %arg23[%dma_wait3A_1721, %dma_wait3A_1722] : memref<1000x128xf32, #tpu.memory_space<vmem_shared>> -> memref<1000x128xf32, #tpu.memory_space<vmem_shared>>
      tpu.wait_indirect_dma semaphore(%arg14 : memref<!tpu.dma_semaphore, #tpu.memory_space<semaphore_mem>>) src(%dma_wait3A_1723 : memref<1000x128xf32, #tpu.memory_space<vmem_shared>>) dst(%dma_wait3A_1718 : memref<128x128xf32, #tpu.memory_space<vmem>>)
      %dma_start3A_1724 = arith.constant 0 : i32
      %dma_start3A_1725 = arith.constant 0 : i32
      %dma_start3A_1726 = tpu.memref_slice %arg11[%dma_start3A_1724, %dma_start3A_1725] : memref<256x128xf32, #tpu.memory_space<vmem>> -> memref<128x128xf32, #tpu.memory_space<vmem>>
      %dma_start3A_1727 = arith.constant 256 : i32
      %dma_start3A_1728 = tpu.memref_slice %arg8[%dma_start3A_1727] : memref<1024xi32, #tpu.memory_space<vmem>> -> memref<128xi32, #tpu.memory_space<vmem>>
      %dma_start3A_1729 = arith.constant 0 : i32
      %dma_start3A_1730 = arith.constant 0 : i32
      %dma_start3A_1731 = tpu.memref_slice %arg23[%dma_start3A_1729, %dma_start3A_1730] : memref<1000x128xf32, #tpu.memory_space<vmem_shared>> -> memref<1000x128xf32, #tpu.memory_space<vmem_shared>>
      tpu.enqueue_indirect_dma source(%dma_start3A_1731 : memref<1000x128xf32, #tpu.memory_space<vmem_shared>>) target(%dma_start3A_1726 : memref<128x128xf32, #tpu.memory_space<vmem>>) offsets(%dma_start3A_1728 : memref<128xi32, #tpu.memory_space<vmem>>) semaphore(%arg14 : memref<!tpu.dma_semaphore, #tpu.memory_space<semaphore_mem>>) {add = true}
      %dma_start3A_1732 = arith.constant 128 : i32
      %dma_start3A_1733 = arith.constant 0 : i32
      %dma_start3A_1734 = tpu.memref_slice %arg11[%dma_start3A_1732, %dma_start3A_1733] : memref<256x128xf32, #tpu.memory_space<vmem>> -> memref<128x128xf32, #tpu.memory_space<vmem>>
      %dma_start3A_1735 = arith.constant 384 : i32
      %dma_start3A_1736 = tpu.memref_slice %arg8[%dma_start3A_1735] : memref<1024xi32, #tpu.memory_space<vmem>> -> memref<128xi32, #tpu.memory_space<vmem>>
      %dma_start3A_1737 = arith.constant 0 : i32
      %dma_start3A_1738 = arith.constant 0 : i32
      %dma_start3A_1739 = tpu.memref_slice %arg23[%dma_start3A_1737, %dma_start3A_1738] : memref<1000x128xf32, #tpu.memory_space<vmem_shared>> -> memref<1000x128xf32, #tpu.memory_space<vmem_shared>>
      tpu.enqueue_indirect_dma source(%dma_start3A_1739 : memref<1000x128xf32, #tpu.memory_space<vmem_shared>>) target(%dma_start3A_1734 : memref<128x128xf32, #tpu.memory_space<vmem>>) offsets(%dma_start3A_1736 : memref<128xi32, #tpu.memory_space<vmem>>) semaphore(%arg14 : memref<!tpu.dma_semaphore, #tpu.memory_space<semaphore_mem>>) {add = true}
      %add3A_1740 = arith.constant 1 : i32
      %add3A_1741 = arith.addi %add3A_1707, %add3A_1740 : i32
      %lt3A_1742 = arith.constant 98 : i32
      %lt3A_1743 = arith.cmpi slt, %add3A_1741, %lt3A_1742 : i32
      %convert_element_type3A_1744 = arith.extui %lt3A_1743 : i1 to i32
      %cond3A_1745 = arith.constant 0 : i32
      %cond3A_1746 = arith.cmpi ne, %convert_element_type3A_1744, %cond3A_1745 : i32
      scf.if %cond3A_1746 {
        %add3A_2109 = arith.constant 1 : i32
        %add3A_2110 = arith.addi %add3A_1707, %add3A_2109 : i32
        %mul3A_2111 = arith.constant 256 : i32
        %mul3A_2112 = arith.muli %add3A_2110, %mul3A_2111 : i32
        %add3A_2113 = arith.addi %mul3A_777, %mul3A_2112 : i32
        %sub3A_2114 = arith.constant 799744 : i32
        %sub3A_2115 = arith.subi %add3A_2113, %sub3A_2114 : i32
        %gt3A_2116 = arith.constant 0 : i32
        %gt3A_2117 = arith.cmpi sgt, %sub3A_2115, %gt3A_2116 : i32
        %add3A_2118 = arith.constant 256 : i32
        %add3A_2119 = arith.addi %sub3A_2115, %add3A_2118 : i32
        %sub3A_2120 = arith.constant 1 : i32
        %sub3A_2121 = arith.subi %add3A_2119, %sub3A_2120 : i32
        %jit3A_2122 = arith.constant 256 : i32
        %div3A_2123 = arith.divsi %sub3A_2121, %jit3A_2122 : i32
        %sign3A_2124 = arith.constant 0 : i32
        %sign3A_2125 = arith.cmpi sgt, %sub3A_2121, %sign3A_2124 : i32
        %sign3A_2126 = arith.extui %sign3A_2125 : i1 to i32
        %sign3A_2127 = arith.constant 0 : i32
        %sign3A_2128 = arith.cmpi slt, %sub3A_2121, %sign3A_2127 : i32
        %sign3A_2129 = arith.extui %sign3A_2128 : i1 to i32
        %sign3A_2130 = arith.subi %sign3A_2126, %sign3A_2129 : i32
        %sign3A_2131 = arith.constant 0 : i32
        %sign3A_2132 = arith.cmpi sgt, %jit3A_2122, %sign3A_2131 : i32
        %sign3A_2133 = arith.extui %sign3A_2132 : i1 to i32
        %sign3A_2134 = arith.constant 0 : i32
        %sign3A_2135 = arith.cmpi slt, %jit3A_2122, %sign3A_2134 : i32
        %sign3A_2136 = arith.extui %sign3A_2135 : i1 to i32
        %sign3A_2137 = arith.subi %sign3A_2133, %sign3A_2136 : i32
        %ne3A_2138 = arith.cmpi ne, %sign3A_2130, %sign3A_2137 : i32
        %rem3A_2139 = arith.remsi %sub3A_2121, %jit3A_2122 : i32
        %ne3A_2140 = arith.constant 0 : i32
        %ne3A_2141 = arith.cmpi ne, %rem3A_2139, %ne3A_2140 : i32
        %and3A_2142 = arith.andi %ne3A_2138, %ne3A_2141 : i1
        %sub3A_2143 = arith.constant 1 : i32
        %sub3A_2144 = arith.subi %div3A_2123, %sub3A_2143 : i32
        %select_n3A_2145 = arith.select %and3A_2142, %sub3A_2144, %div3A_2123 : i32
        %jit3A_2146 = arith.constant 16 : i32
        %eq3A_2147 = arith.constant 0 : i32
        %eq3A_2148 = arith.cmpi eq, %jit3A_2146, %eq3A_2147 : i32
        %jit3A_2149 = arith.constant 1 : i32
        %select_n3A_2150 = arith.select %eq3A_2148, %jit3A_2149, %jit3A_2146 : i32
        %rem3A_2151 = arith.remsi %select_n3A_2145, %select_n3A_2150 : i32
        %ne3A_2152 = arith.constant 0 : i32
        %ne3A_2153 = arith.cmpi ne, %rem3A_2151, %ne3A_2152 : i32
        %lt3A_2154 = arith.constant 0 : i32
        %lt3A_2155 = arith.cmpi slt, %rem3A_2151, %lt3A_2154 : i32
        %lt3A_2156 = arith.constant 0 : i32
        %lt3A_2157 = arith.cmpi slt, %select_n3A_2150, %lt3A_2156 : i32
        %ne3A_2158 = arith.xori %lt3A_2155, %lt3A_2157 : i1
        %and3A_2159 = arith.andi %ne3A_2158, %ne3A_2153 : i1
        %add3A_2160 = arith.addi %rem3A_2151, %select_n3A_2150 : i32
        %select_n3A_2161 = arith.select %and3A_2159, %add3A_2160, %rem3A_2151 : i32
        %jit3A_2162 = arith.constant 0 : i32
        %select_n3A_2163 = arith.select %gt3A_2117, %select_n3A_2161, %jit3A_2162 : i32
        %gt3A_2164 = arith.constant 0 : i32
        %gt3A_2165 = arith.cmpi sgt, %sub3A_2115, %gt3A_2164 : i32
        %mul3A_2166 = arith.constant 256 : i32
        %mul3A_2167 = arith.muli %select_n3A_2163, %mul3A_2166 : i32
        %sub3A_2168 = arith.constant 799744 : i32
        %sub3A_2169 = arith.subi %sub3A_2168, %mul3A_2167 : i32
        %select_n3A_2170 = arith.select %gt3A_2165, %sub3A_2169, %add3A_2113 : i32
        %add3A_2171 = arith.constant 0 : i32
        %add3A_2172 = arith.addi %add3A_2171, %select_n3A_2170 : i32
        %dma_wait3A_2173 = arith.constant 0 : i32
        %dma_wait3A_2174 = tpu.memref_slice %arg9[%dma_wait3A_2173] : memref<1024xi32, #tpu.memory_space<vmem>> -> memref<256xi32, #tpu.memory_space<vmem>>
        %dma_wait3A_2175 = tpu.memref_slice %arg3[%add3A_2172] : memref<1600000xi32, #tpu.memory_space<hbm>> -> memref<256xi32, #tpu.memory_space<hbm>>
        %dma_wait3A_2176 = arith.constant 0 : i32
        %dma_wait3A_2177 = tpu.memref_slice %arg9[%dma_wait3A_2176] : memref<1024xi32, #tpu.memory_space<vmem>> -> memref<256xi32, #tpu.memory_space<vmem>>
        %dma_wait3A_2178 = tpu.memref_slice %arg3[%add3A_2172] : memref<1600000xi32, #tpu.memory_space<hbm>> -> memref<256xi32, #tpu.memory_space<hbm>>
        tpu.wait_dma2 semaphore(%arg18 : memref<!tpu.dma_semaphore, #tpu.memory_space<semaphore_mem>>) src(%dma_wait3A_2178 : memref<256xi32, #tpu.memory_space<hbm>>) dst(%dma_wait3A_2177 : memref<256xi32, #tpu.memory_space<vmem>>)
        %add3A_2179 = arith.constant 800000 : i32
        %add3A_2180 = arith.addi %add3A_2179, %select_n3A_2170 : i32
        %dma_wait3A_2181 = arith.constant 256 : i32
        %dma_wait3A_2182 = tpu.memref_slice %arg9[%dma_wait3A_2181] : memref<1024xi32, #tpu.memory_space<vmem>> -> memref<256xi32, #tpu.memory_space<vmem>>
        %dma_wait3A_2183 = tpu.memref_slice %arg3[%add3A_2180] : memref<1600000xi32, #tpu.memory_space<hbm>> -> memref<256xi32, #tpu.memory_space<hbm>>
        %dma_wait3A_2184 = arith.constant 256 : i32
        %dma_wait3A_2185 = tpu.memref_slice %arg9[%dma_wait3A_2184] : memref<1024xi32, #tpu.memory_space<vmem>> -> memref<256xi32, #tpu.memory_space<vmem>>
        %dma_wait3A_2186 = tpu.memref_slice %arg3[%add3A_2180] : memref<1600000xi32, #tpu.memory_space<hbm>> -> memref<256xi32, #tpu.memory_space<hbm>>
        tpu.wait_dma2 semaphore(%arg18 : memref<!tpu.dma_semaphore, #tpu.memory_space<semaphore_mem>>) src(%dma_wait3A_2186 : memref<256xi32, #tpu.memory_space<hbm>>) dst(%dma_wait3A_2185 : memref<256xi32, #tpu.memory_space<vmem>>)
        %ge3A = arith.constant 2 : i32
        %ge3A_2187 = arith.cmpi sge, %add3A_1707, %ge3A : i32
        %convert_element_type3A_2188 = arith.extui %ge3A_2187 : i1 to i32
        %cond3A_2189 = arith.constant 0 : i32
        %cond3A_2190 = arith.cmpi ne, %convert_element_type3A_2188, %cond3A_2189 : i32
        scf.if %cond3A_2190 {
          %sub3A_2207 = arith.constant 2 : i32
          %sub3A_2208 = arith.subi %add3A_1707, %sub3A_2207 : i32
          %mul3A_2209 = arith.constant 256 : i32
          %mul3A_2210 = arith.muli %sub3A_2208, %mul3A_2209 : i32
          %add3A_2211 = arith.addi %mul3A_777, %mul3A_2210 : i32
          %sub3A_2212 = arith.constant 799744 : i32
          %sub3A_2213 = arith.subi %add3A_2211, %sub3A_2212 : i32
          %gt3A_2214 = arith.constant 0 : i32
          %gt3A_2215 = arith.cmpi sgt, %sub3A_2213, %gt3A_2214 : i32
          %add3A_2216 = arith.constant 256 : i32
          %add3A_2217 = arith.addi %sub3A_2213, %add3A_2216 : i32
          %sub3A_2218 = arith.constant 1 : i32
          %sub3A_2219 = arith.subi %add3A_2217, %sub3A_2218 : i32
          %jit3A_2220 = arith.constant 256 : i32
          %div3A_2221 = arith.divsi %sub3A_2219, %jit3A_2220 : i32
          %sign3A_2222 = arith.constant 0 : i32
          %sign3A_2223 = arith.cmpi sgt, %sub3A_2219, %sign3A_2222 : i32
          %sign3A_2224 = arith.extui %sign3A_2223 : i1 to i32
          %sign3A_2225 = arith.constant 0 : i32
          %sign3A_2226 = arith.cmpi slt, %sub3A_2219, %sign3A_2225 : i32
          %sign3A_2227 = arith.extui %sign3A_2226 : i1 to i32
          %sign3A_2228 = arith.subi %sign3A_2224, %sign3A_2227 : i32
          %sign3A_2229 = arith.constant 0 : i32
          %sign3A_2230 = arith.cmpi sgt, %jit3A_2220, %sign3A_2229 : i32
          %sign3A_2231 = arith.extui %sign3A_2230 : i1 to i32
          %sign3A_2232 = arith.constant 0 : i32
          %sign3A_2233 = arith.cmpi slt, %jit3A_2220, %sign3A_2232 : i32
          %sign3A_2234 = arith.extui %sign3A_2233 : i1 to i32
          %sign3A_2235 = arith.subi %sign3A_2231, %sign3A_2234 : i32
          %ne3A_2236 = arith.cmpi ne, %sign3A_2228, %sign3A_2235 : i32
          %rem3A_2237 = arith.remsi %sub3A_2219, %jit3A_2220 : i32
          %ne3A_2238 = arith.constant 0 : i32
          %ne3A_2239 = arith.cmpi ne, %rem3A_2237, %ne3A_2238 : i32
          %and3A_2240 = arith.andi %ne3A_2236, %ne3A_2239 : i1
          %sub3A_2241 = arith.constant 1 : i32
          %sub3A_2242 = arith.subi %div3A_2221, %sub3A_2241 : i32
          %select_n3A_2243 = arith.select %and3A_2240, %sub3A_2242, %div3A_2221 : i32
          %jit3A_2244 = arith.constant 16 : i32
          %eq3A_2245 = arith.constant 0 : i32
          %eq3A_2246 = arith.cmpi eq, %jit3A_2244, %eq3A_2245 : i32
          %jit3A_2247 = arith.constant 1 : i32
          %select_n3A_2248 = arith.select %eq3A_2246, %jit3A_2247, %jit3A_2244 : i32
          %rem3A_2249 = arith.remsi %select_n3A_2243, %select_n3A_2248 : i32
          %ne3A_2250 = arith.constant 0 : i32
          %ne3A_2251 = arith.cmpi ne, %rem3A_2249, %ne3A_2250 : i32
          %lt3A_2252 = arith.constant 0 : i32
          %lt3A_2253 = arith.cmpi slt, %rem3A_2249, %lt3A_2252 : i32
          %lt3A_2254 = arith.constant 0 : i32
          %lt3A_2255 = arith.cmpi slt, %select_n3A_2248, %lt3A_2254 : i32
          %ne3A_2256 = arith.xori %lt3A_2253, %lt3A_2255 : i1
          %and3A_2257 = arith.andi %ne3A_2256, %ne3A_2251 : i1
          %add3A_2258 = arith.addi %rem3A_2249, %select_n3A_2248 : i32
          %select_n3A_2259 = arith.select %and3A_2257, %add3A_2258, %rem3A_2249 : i32
          %jit3A_2260 = arith.constant 0 : i32
          %select_n3A_2261 = arith.select %gt3A_2215, %select_n3A_2259, %jit3A_2260 : i32
          %gt3A_2262 = arith.constant 0 : i32
          %gt3A_2263 = arith.cmpi sgt, %sub3A_2213, %gt3A_2262 : i32
          %mul3A_2264 = arith.constant 256 : i32
          %mul3A_2265 = arith.muli %select_n3A_2261, %mul3A_2264 : i32
          %sub3A_2266 = arith.constant 799744 : i32
          %sub3A_2267 = arith.subi %sub3A_2266, %mul3A_2265 : i32
          %select_n3A_2268 = arith.select %gt3A_2263, %sub3A_2267, %add3A_2211 : i32
          %dma_wait3A_2269 = arith.constant 0 : i32
          %dma_wait3A_2270 = arith.constant 0 : i32
          %dma_wait3A_2271 = tpu.memref_slice %arg12[%dma_wait3A_2269, %dma_wait3A_2270] : memref<256x128xf32, #tpu.memory_space<vmem>> -> memref<256x128xf32, #tpu.memory_space<vmem>>
          %dma_wait3A_2272 = arith.constant 0 : i32
          %dma_wait3A_2273 = tpu.memref_slice %arg7[%select_n3A_2268, %dma_wait3A_2272] : memref<800000x128xf32, #tpu.memory_space<hbm>> -> memref<256x128xf32, #tpu.memory_space<hbm>>
          %dma_wait3A_2274 = arith.constant 0 : i32
          %dma_wait3A_2275 = tpu.memref_slice %arg7[%select_n3A_2268, %dma_wait3A_2274] : memref<800000x128xf32, #tpu.memory_space<hbm>> -> memref<256x128xf32, #tpu.memory_space<hbm>>
          %dma_wait3A_2276 = arith.constant 0 : i32
          %dma_wait3A_2277 = arith.constant 0 : i32
          %dma_wait3A_2278 = tpu.memref_slice %arg12[%dma_wait3A_2276, %dma_wait3A_2277] : memref<256x128xf32, #tpu.memory_space<vmem>> -> memref<256x128xf32, #tpu.memory_space<vmem>>
          tpu.wait_dma2 semaphore(%arg21 : memref<!tpu.dma_semaphore, #tpu.memory_space<semaphore_mem>>) src(%dma_wait3A_2278 : memref<256x128xf32, #tpu.memory_space<vmem>>) dst(%dma_wait3A_2275 : memref<256x128xf32, #tpu.memory_space<hbm>>)
        } else {
        }
        %dma_start3A_2191 = arith.constant 0 : i32
        %dma_start3A_2192 = arith.constant 0 : i32
        %dma_start3A_2193 = tpu.memref_slice %arg12[%dma_start3A_2191, %dma_start3A_2192] : memref<256x128xf32, #tpu.memory_space<vmem>> -> memref<128x128xf32, #tpu.memory_space<vmem>>
        %dma_start3A_2194 = arith.constant 0 : i32
        %dma_start3A_2195 = tpu.memref_slice %arg9[%dma_start3A_2194] : memref<1024xi32, #tpu.memory_space<vmem>> -> memref<128xi32, #tpu.memory_space<vmem>>
        %dma_start3A_2196 = arith.constant 0 : i32
        %dma_start3A_2197 = arith.constant 0 : i32
        %dma_start3A_2198 = tpu.memref_slice %arg23[%dma_start3A_2196, %dma_start3A_2197] : memref<1000x128xf32, #tpu.memory_space<vmem_shared>> -> memref<1000x128xf32, #tpu.memory_space<vmem_shared>>
        tpu.enqueue_indirect_dma source(%dma_start3A_2198 : memref<1000x128xf32, #tpu.memory_space<vmem_shared>>) target(%dma_start3A_2193 : memref<128x128xf32, #tpu.memory_space<vmem>>) offsets(%dma_start3A_2195 : memref<128xi32, #tpu.memory_space<vmem>>) semaphore(%arg15 : memref<!tpu.dma_semaphore, #tpu.memory_space<semaphore_mem>>)
        %dma_start3A_2199 = arith.constant 128 : i32
        %dma_start3A_2200 = arith.constant 0 : i32
        %dma_start3A_2201 = tpu.memref_slice %arg12[%dma_start3A_2199, %dma_start3A_2200] : memref<256x128xf32, #tpu.memory_space<vmem>> -> memref<128x128xf32, #tpu.memory_space<vmem>>
        %dma_start3A_2202 = arith.constant 128 : i32
        %dma_start3A_2203 = tpu.memref_slice %arg9[%dma_start3A_2202] : memref<1024xi32, #tpu.memory_space<vmem>> -> memref<128xi32, #tpu.memory_space<vmem>>
        %dma_start3A_2204 = arith.constant 0 : i32
        %dma_start3A_2205 = arith.constant 0 : i32
        %dma_start3A_2206 = tpu.memref_slice %arg23[%dma_start3A_2204, %dma_start3A_2205] : memref<1000x128xf32, #tpu.memory_space<vmem_shared>> -> memref<1000x128xf32, #tpu.memory_space<vmem_shared>>
        tpu.enqueue_indirect_dma source(%dma_start3A_2206 : memref<1000x128xf32, #tpu.memory_space<vmem_shared>>) target(%dma_start3A_2201 : memref<128x128xf32, #tpu.memory_space<vmem>>) offsets(%dma_start3A_2203 : memref<128xi32, #tpu.memory_space<vmem>>) semaphore(%arg15 : memref<!tpu.dma_semaphore, #tpu.memory_space<semaphore_mem>>)
      } else {
      }
      %dma_wait3A_1747 = arith.constant 0 : i32
      %dma_wait3A_1748 = arith.constant 0 : i32
      %dma_wait3A_1749 = tpu.memref_slice %arg11[%dma_wait3A_1747, %dma_wait3A_1748] : memref<256x128xf32, #tpu.memory_space<vmem>> -> memref<128x128xf32, #tpu.memory_space<vmem>>
      %dma_wait3A_1750 = arith.constant 256 : i32
      %dma_wait3A_1751 = tpu.memref_slice %arg8[%dma_wait3A_1750] : memref<1024xi32, #tpu.memory_space<vmem>> -> memref<128xi32, #tpu.memory_space<vmem>>
      %dma_wait3A_1752 = arith.constant 0 : i32
      %dma_wait3A_1753 = arith.constant 0 : i32
      %dma_wait3A_1754 = tpu.memref_slice %arg23[%dma_wait3A_1752, %dma_wait3A_1753] : memref<1000x128xf32, #tpu.memory_space<vmem_shared>> -> memref<1000x128xf32, #tpu.memory_space<vmem_shared>>
      tpu.wait_indirect_dma semaphore(%arg14 : memref<!tpu.dma_semaphore, #tpu.memory_space<semaphore_mem>>) src(%dma_wait3A_1754 : memref<1000x128xf32, #tpu.memory_space<vmem_shared>>) dst(%dma_wait3A_1749 : memref<128x128xf32, #tpu.memory_space<vmem>>)
      %dma_wait3A_1755 = arith.constant 128 : i32
      %dma_wait3A_1756 = arith.constant 0 : i32
      %dma_wait3A_1757 = tpu.memref_slice %arg11[%dma_wait3A_1755, %dma_wait3A_1756] : memref<256x128xf32, #tpu.memory_space<vmem>> -> memref<128x128xf32, #tpu.memory_space<vmem>>
      %dma_wait3A_1758 = arith.constant 384 : i32
      %dma_wait3A_1759 = tpu.memref_slice %arg8[%dma_wait3A_1758] : memref<1024xi32, #tpu.memory_space<vmem>> -> memref<128xi32, #tpu.memory_space<vmem>>
      %dma_wait3A_1760 = arith.constant 0 : i32
      %dma_wait3A_1761 = arith.constant 0 : i32
      %dma_wait3A_1762 = tpu.memref_slice %arg23[%dma_wait3A_1760, %dma_wait3A_1761] : memref<1000x128xf32, #tpu.memory_space<vmem_shared>> -> memref<1000x128xf32, #tpu.memory_space<vmem_shared>>
      tpu.wait_indirect_dma semaphore(%arg14 : memref<!tpu.dma_semaphore, #tpu.memory_space<semaphore_mem>>) src(%dma_wait3A_1762 : memref<1000x128xf32, #tpu.memory_space<vmem_shared>>) dst(%dma_wait3A_1757 : memref<128x128xf32, #tpu.memory_space<vmem>>)
      %add3A_1763 = arith.constant 3 : i32
      %add3A_1764 = arith.addi %add3A_1707, %add3A_1763 : i32
      %lt3A_1765 = arith.constant 98 : i32
      %lt3A_1766 = arith.cmpi slt, %add3A_1764, %lt3A_1765 : i32
      %convert_element_type3A_1767 = arith.extui %lt3A_1766 : i1 to i32
      %cond3A_1768 = arith.constant 0 : i32
      %cond3A_1769 = arith.cmpi ne, %convert_element_type3A_1767, %cond3A_1768 : i32
      scf.if %cond3A_1769 {
        %add3A_2109 = arith.constant 3 : i32
        %add3A_2110 = arith.addi %add3A_1707, %add3A_2109 : i32
        %mul3A_2111 = arith.constant 256 : i32
        %mul3A_2112 = arith.muli %add3A_2110, %mul3A_2111 : i32
        %add3A_2113 = arith.addi %mul3A_777, %mul3A_2112 : i32
        %sub3A_2114 = arith.constant 799744 : i32
        %sub3A_2115 = arith.subi %add3A_2113, %sub3A_2114 : i32
        %gt3A_2116 = arith.constant 0 : i32
        %gt3A_2117 = arith.cmpi sgt, %sub3A_2115, %gt3A_2116 : i32
        %add3A_2118 = arith.constant 256 : i32
        %add3A_2119 = arith.addi %sub3A_2115, %add3A_2118 : i32
        %sub3A_2120 = arith.constant 1 : i32
        %sub3A_2121 = arith.subi %add3A_2119, %sub3A_2120 : i32
        %jit3A_2122 = arith.constant 256 : i32
        %div3A_2123 = arith.divsi %sub3A_2121, %jit3A_2122 : i32
        %sign3A_2124 = arith.constant 0 : i32
        %sign3A_2125 = arith.cmpi sgt, %sub3A_2121, %sign3A_2124 : i32
        %sign3A_2126 = arith.extui %sign3A_2125 : i1 to i32
        %sign3A_2127 = arith.constant 0 : i32
        %sign3A_2128 = arith.cmpi slt, %sub3A_2121, %sign3A_2127 : i32
        %sign3A_2129 = arith.extui %sign3A_2128 : i1 to i32
        %sign3A_2130 = arith.subi %sign3A_2126, %sign3A_2129 : i32
        %sign3A_2131 = arith.constant 0 : i32
        %sign3A_2132 = arith.cmpi sgt, %jit3A_2122, %sign3A_2131 : i32
        %sign3A_2133 = arith.extui %sign3A_2132 : i1 to i32
        %sign3A_2134 = arith.constant 0 : i32
        %sign3A_2135 = arith.cmpi slt, %jit3A_2122, %sign3A_2134 : i32
        %sign3A_2136 = arith.extui %sign3A_2135 : i1 to i32
        %sign3A_2137 = arith.subi %sign3A_2133, %sign3A_2136 : i32
        %ne3A_2138 = arith.cmpi ne, %sign3A_2130, %sign3A_2137 : i32
        %rem3A_2139 = arith.remsi %sub3A_2121, %jit3A_2122 : i32
        %ne3A_2140 = arith.constant 0 : i32
        %ne3A_2141 = arith.cmpi ne, %rem3A_2139, %ne3A_2140 : i32
        %and3A_2142 = arith.andi %ne3A_2138, %ne3A_2141 : i1
        %sub3A_2143 = arith.constant 1 : i32
        %sub3A_2144 = arith.subi %div3A_2123, %sub3A_2143 : i32
        %select_n3A_2145 = arith.select %and3A_2142, %sub3A_2144, %div3A_2123 : i32
        %jit3A_2146 = arith.constant 16 : i32
        %eq3A_2147 = arith.constant 0 : i32
        %eq3A_2148 = arith.cmpi eq, %jit3A_2146, %eq3A_2147 : i32
        %jit3A_2149 = arith.constant 1 : i32
        %select_n3A_2150 = arith.select %eq3A_2148, %jit3A_2149, %jit3A_2146 : i32
        %rem3A_2151 = arith.remsi %select_n3A_2145, %select_n3A_2150 : i32
        %ne3A_2152 = arith.constant 0 : i32
        %ne3A_2153 = arith.cmpi ne, %rem3A_2151, %ne3A_2152 : i32
        %lt3A_2154 = arith.constant 0 : i32
        %lt3A_2155 = arith.cmpi slt, %rem3A_2151, %lt3A_2154 : i32
        %lt3A_2156 = arith.constant 0 : i32
        %lt3A_2157 = arith.cmpi slt, %select_n3A_2150, %lt3A_2156 : i32
        %ne3A_2158 = arith.xori %lt3A_2155, %lt3A_2157 : i1
        %and3A_2159 = arith.andi %ne3A_2158, %ne3A_2153 : i1
        %add3A_2160 = arith.addi %rem3A_2151, %select_n3A_2150 : i32
        %select_n3A_2161 = arith.select %and3A_2159, %add3A_2160, %rem3A_2151 : i32
        %jit3A_2162 = arith.constant 0 : i32
        %select_n3A_2163 = arith.select %gt3A_2117, %select_n3A_2161, %jit3A_2162 : i32
        %gt3A_2164 = arith.constant 0 : i32
        %gt3A_2165 = arith.cmpi sgt, %sub3A_2115, %gt3A_2164 : i32
        %mul3A_2166 = arith.constant 256 : i32
        %mul3A_2167 = arith.muli %select_n3A_2163, %mul3A_2166 : i32
        %sub3A_2168 = arith.constant 799744 : i32
        %sub3A_2169 = arith.subi %sub3A_2168, %mul3A_2167 : i32
        %select_n3A_2170 = arith.select %gt3A_2165, %sub3A_2169, %add3A_2113 : i32
        %add3A_2171 = arith.constant 0 : i32
        %add3A_2172 = arith.addi %add3A_2171, %select_n3A_2170 : i32
        %dma_start3A_2173 = arith.constant 0 : i32
        %dma_start3A_2174 = tpu.memref_slice %arg8[%dma_start3A_2173] : memref<1024xi32, #tpu.memory_space<vmem>> -> memref<256xi32, #tpu.memory_space<vmem>>
        %dma_start3A_2175 = tpu.memref_slice %arg3[%add3A_2172] : memref<1600000xi32, #tpu.memory_space<hbm>> -> memref<256xi32, #tpu.memory_space<hbm>>
        %dma_start3A_2176 = arith.constant 0 : i32
        %dma_start3A_2177 = tpu.memref_slice %arg8[%dma_start3A_2176] : memref<1024xi32, #tpu.memory_space<vmem>> -> memref<256xi32, #tpu.memory_space<vmem>>
        %dma_start3A_2178 = tpu.memref_slice %arg3[%add3A_2172] : memref<1600000xi32, #tpu.memory_space<hbm>> -> memref<256xi32, #tpu.memory_space<hbm>>
        tpu.enqueue_dma source(%dma_start3A_2178 : memref<256xi32, #tpu.memory_space<hbm>>) target(%dma_start3A_2177 : memref<256xi32, #tpu.memory_space<vmem>>) target_semaphore(%arg17 : memref<!tpu.dma_semaphore, #tpu.memory_space<semaphore_mem>>)
        %add3A_2179 = arith.constant 800000 : i32
        %add3A_2180 = arith.addi %add3A_2179, %select_n3A_2170 : i32
        %dma_start3A_2181 = arith.constant 256 : i32
        %dma_start3A_2182 = tpu.memref_slice %arg8[%dma_start3A_2181] : memref<1024xi32, #tpu.memory_space<vmem>> -> memref<256xi32, #tpu.memory_space<vmem>>
        %dma_start3A_2183 = tpu.memref_slice %arg3[%add3A_2180] : memref<1600000xi32, #tpu.memory_space<hbm>> -> memref<256xi32, #tpu.memory_space<hbm>>
        %dma_start3A_2184 = arith.constant 256 : i32
        %dma_start3A_2185 = tpu.memref_slice %arg8[%dma_start3A_2184] : memref<1024xi32, #tpu.memory_space<vmem>> -> memref<256xi32, #tpu.memory_space<vmem>>
        %dma_start3A_2186 = tpu.memref_slice %arg3[%add3A_2180] : memref<1600000xi32, #tpu.memory_space<hbm>> -> memref<256xi32, #tpu.memory_space<hbm>>
        tpu.enqueue_dma source(%dma_start3A_2186 : memref<256xi32, #tpu.memory_space<hbm>>) target(%dma_start3A_2185 : memref<256xi32, #tpu.memory_space<vmem>>) target_semaphore(%arg17 : memref<!tpu.dma_semaphore, #tpu.memory_space<semaphore_mem>>)
      } else {
      }
      %mul3A_1770 = arith.constant 256 : i32
      %mul3A_1771 = arith.muli %add3A_1707, %mul3A_1770 : i32
      %add3A_1772 = arith.addi %mul3A_777, %mul3A_1771 : i32
      %sub3A_1773 = arith.constant 799744 : i32
      %sub3A_1774 = arith.subi %add3A_1772, %sub3A_1773 : i32
      %gt3A_1775 = arith.constant 0 : i32
      %gt3A_1776 = arith.cmpi sgt, %sub3A_1774, %gt3A_1775 : i32
      %add3A_1777 = arith.constant 256 : i32
      %add3A_1778 = arith.addi %sub3A_1774, %add3A_1777 : i32
      %sub3A_1779 = arith.constant 1 : i32
      %sub3A_1780 = arith.subi %add3A_1778, %sub3A_1779 : i32
      %jit3A_1781 = arith.constant 256 : i32
      %div3A_1782 = arith.divsi %sub3A_1780, %jit3A_1781 : i32
      %sign3A_1783 = arith.constant 0 : i32
      %sign3A_1784 = arith.cmpi sgt, %sub3A_1780, %sign3A_1783 : i32
      %sign3A_1785 = arith.extui %sign3A_1784 : i1 to i32
      %sign3A_1786 = arith.constant 0 : i32
      %sign3A_1787 = arith.cmpi slt, %sub3A_1780, %sign3A_1786 : i32
      %sign3A_1788 = arith.extui %sign3A_1787 : i1 to i32
      %sign3A_1789 = arith.subi %sign3A_1785, %sign3A_1788 : i32
      %sign3A_1790 = arith.constant 0 : i32
      %sign3A_1791 = arith.cmpi sgt, %jit3A_1781, %sign3A_1790 : i32
      %sign3A_1792 = arith.extui %sign3A_1791 : i1 to i32
      %sign3A_1793 = arith.constant 0 : i32
      %sign3A_1794 = arith.cmpi slt, %jit3A_1781, %sign3A_1793 : i32
      %sign3A_1795 = arith.extui %sign3A_1794 : i1 to i32
      %sign3A_1796 = arith.subi %sign3A_1792, %sign3A_1795 : i32
      %ne3A_1797 = arith.cmpi ne, %sign3A_1789, %sign3A_1796 : i32
      %rem3A_1798 = arith.remsi %sub3A_1780, %jit3A_1781 : i32
      %ne3A_1799 = arith.constant 0 : i32
      %ne3A_1800 = arith.cmpi ne, %rem3A_1798, %ne3A_1799 : i32
      %and3A_1801 = arith.andi %ne3A_1797, %ne3A_1800 : i1
      %sub3A_1802 = arith.constant 1 : i32
      %sub3A_1803 = arith.subi %div3A_1782, %sub3A_1802 : i32
      %select_n3A_1804 = arith.select %and3A_1801, %sub3A_1803, %div3A_1782 : i32
      %jit3A_1805 = arith.constant 16 : i32
      %eq3A_1806 = arith.constant 0 : i32
      %eq3A_1807 = arith.cmpi eq, %jit3A_1805, %eq3A_1806 : i32
      %jit3A_1808 = arith.constant 1 : i32
      %select_n3A_1809 = arith.select %eq3A_1807, %jit3A_1808, %jit3A_1805 : i32
      %rem3A_1810 = arith.remsi %select_n3A_1804, %select_n3A_1809 : i32
      %ne3A_1811 = arith.constant 0 : i32
      %ne3A_1812 = arith.cmpi ne, %rem3A_1810, %ne3A_1811 : i32
      %lt3A_1813 = arith.constant 0 : i32
      %lt3A_1814 = arith.cmpi slt, %rem3A_1810, %lt3A_1813 : i32
      %lt3A_1815 = arith.constant 0 : i32
      %lt3A_1816 = arith.cmpi slt, %select_n3A_1809, %lt3A_1815 : i32
      %ne3A_1817 = arith.xori %lt3A_1814, %lt3A_1816 : i1
      %and3A_1818 = arith.andi %ne3A_1817, %ne3A_1812 : i1
      %add3A_1819 = arith.addi %rem3A_1810, %select_n3A_1809 : i32
      %select_n3A_1820 = arith.select %and3A_1818, %add3A_1819, %rem3A_1810 : i32
      %jit3A_1821 = arith.constant 0 : i32
      %select_n3A_1822 = arith.select %gt3A_1776, %select_n3A_1820, %jit3A_1821 : i32
      %gt3A_1823 = arith.constant 0 : i32
      %gt3A_1824 = arith.cmpi sgt, %sub3A_1774, %gt3A_1823 : i32
      %mul3A_1825 = arith.constant 256 : i32
      %mul3A_1826 = arith.muli %select_n3A_1822, %mul3A_1825 : i32
      %sub3A_1827 = arith.constant 799744 : i32
      %sub3A_1828 = arith.subi %sub3A_1827, %mul3A_1826 : i32
      %select_n3A_1829 = arith.select %gt3A_1824, %sub3A_1828, %add3A_1772 : i32
      %dma_start3A_1830 = arith.constant 0 : i32
      %dma_start3A_1831 = arith.constant 0 : i32
      %dma_start3A_1832 = tpu.memref_slice %arg11[%dma_start3A_1830, %dma_start3A_1831] : memref<256x128xf32, #tpu.memory_space<vmem>> -> memref<256x128xf32, #tpu.memory_space<vmem>>
      %dma_start3A_1833 = arith.constant 0 : i32
      %dma_start3A_1834 = tpu.memref_slice %arg7[%select_n3A_1829, %dma_start3A_1833] : memref<800000x128xf32, #tpu.memory_space<hbm>> -> memref<256x128xf32, #tpu.memory_space<hbm>>
      %dma_start3A_1835 = arith.constant 0 : i32
      %dma_start3A_1836 = tpu.memref_slice %arg7[%select_n3A_1829, %dma_start3A_1835] : memref<800000x128xf32, #tpu.memory_space<hbm>> -> memref<256x128xf32, #tpu.memory_space<hbm>>
      %dma_start3A_1837 = arith.constant 0 : i32
      %dma_start3A_1838 = arith.constant 0 : i32
      %dma_start3A_1839 = tpu.memref_slice %arg11[%dma_start3A_1837, %dma_start3A_1838] : memref<256x128xf32, #tpu.memory_space<vmem>> -> memref<256x128xf32, #tpu.memory_space<vmem>>
      tpu.enqueue_dma source(%dma_start3A_1839 : memref<256x128xf32, #tpu.memory_space<vmem>>) target(%dma_start3A_1836 : memref<256x128xf32, #tpu.memory_space<hbm>>) target_semaphore(%arg20 : memref<!tpu.dma_semaphore, #tpu.memory_space<semaphore_mem>>)
      %add3A_1840 = arith.constant 1 : i32
      %add3A_1841 = arith.addi %mul3A_1705, %add3A_1840 : i32
      %dma_wait3A_1842 = arith.constant 0 : i32
      %dma_wait3A_1843 = arith.constant 0 : i32
      %dma_wait3A_1844 = tpu.memref_slice %arg12[%dma_wait3A_1842, %dma_wait3A_1843] : memref<256x128xf32, #tpu.memory_space<vmem>> -> memref<128x128xf32, #tpu.memory_space<vmem>>
      %dma_wait3A_1845 = arith.constant 0 : i32
      %dma_wait3A_1846 = tpu.memref_slice %arg9[%dma_wait3A_1845] : memref<1024xi32, #tpu.memory_space<vmem>> -> memref<128xi32, #tpu.memory_space<vmem>>
      %dma_wait3A_1847 = arith.constant 0 : i32
      %dma_wait3A_1848 = arith.constant 0 : i32
      %dma_wait3A_1849 = tpu.memref_slice %arg23[%dma_wait3A_1847, %dma_wait3A_1848] : memref<1000x128xf32, #tpu.memory_space<vmem_shared>> -> memref<1000x128xf32, #tpu.memory_space<vmem_shared>>
      tpu.wait_indirect_dma semaphore(%arg15 : memref<!tpu.dma_semaphore, #tpu.memory_space<semaphore_mem>>) src(%dma_wait3A_1849 : memref<1000x128xf32, #tpu.memory_space<vmem_shared>>) dst(%dma_wait3A_1844 : memref<128x128xf32, #tpu.memory_space<vmem>>)
      %dma_wait3A_1850 = arith.constant 128 : i32
      %dma_wait3A_1851 = arith.constant 0 : i32
      %dma_wait3A_1852 = tpu.memref_slice %arg12[%dma_wait3A_1850, %dma_wait3A_1851] : memref<256x128xf32, #tpu.memory_space<vmem>> -> memref<128x128xf32, #tpu.memory_space<vmem>>
      %dma_wait3A_1853 = arith.constant 128 : i32
      %dma_wait3A_1854 = tpu.memref_slice %arg9[%dma_wait3A_1853] : memref<1024xi32, #tpu.memory_space<vmem>> -> memref<128xi32, #tpu.memory_space<vmem>>
      %dma_wait3A_1855 = arith.constant 0 : i32
      %dma_wait3A_1856 = arith.constant 0 : i32
      %dma_wait3A_1857 = tpu.memref_slice %arg23[%dma_wait3A_1855, %dma_wait3A_1856] : memref<1000x128xf32, #tpu.memory_space<vmem_shared>> -> memref<1000x128xf32, #tpu.memory_space<vmem_shared>>
      tpu.wait_indirect_dma semaphore(%arg15 : memref<!tpu.dma_semaphore, #tpu.memory_space<semaphore_mem>>) src(%dma_wait3A_1857 : memref<1000x128xf32, #tpu.memory_space<vmem_shared>>) dst(%dma_wait3A_1852 : memref<128x128xf32, #tpu.memory_space<vmem>>)
      %dma_start3A_1858 = arith.constant 0 : i32
      %dma_start3A_1859 = arith.constant 0 : i32
      %dma_start3A_1860 = tpu.memref_slice %arg12[%dma_start3A_1858, %dma_start3A_1859] : memref<256x128xf32, #tpu.memory_space<vmem>> -> memref<128x128xf32, #tpu.memory_space<vmem>>
      %dma_start3A_1861 = arith.constant 256 : i32
      %dma_start3A_1862 = tpu.memref_slice %arg9[%dma_start3A_1861] : memref<1024xi32, #tpu.memory_space<vmem>> -> memref<128xi32, #tpu.memory_space<vmem>>
      %dma_start3A_1863 = arith.constant 0 : i32
      %dma_start3A_1864 = arith.constant 0 : i32
      %dma_start3A_1865 = tpu.memref_slice %arg23[%dma_start3A_1863, %dma_start3A_1864] : memref<1000x128xf32, #tpu.memory_space<vmem_shared>> -> memref<1000x128xf32, #tpu.memory_space<vmem_shared>>
      tpu.enqueue_indirect_dma source(%dma_start3A_1865 : memref<1000x128xf32, #tpu.memory_space<vmem_shared>>) target(%dma_start3A_1860 : memref<128x128xf32, #tpu.memory_space<vmem>>) offsets(%dma_start3A_1862 : memref<128xi32, #tpu.memory_space<vmem>>) semaphore(%arg15 : memref<!tpu.dma_semaphore, #tpu.memory_space<semaphore_mem>>) {add = true}
      %dma_start3A_1866 = arith.constant 128 : i32
      %dma_start3A_1867 = arith.constant 0 : i32
      %dma_start3A_1868 = tpu.memref_slice %arg12[%dma_start3A_1866, %dma_start3A_1867] : memref<256x128xf32, #tpu.memory_space<vmem>> -> memref<128x128xf32, #tpu.memory_space<vmem>>
      %dma_start3A_1869 = arith.constant 384 : i32
      %dma_start3A_1870 = tpu.memref_slice %arg9[%dma_start3A_1869] : memref<1024xi32, #tpu.memory_space<vmem>> -> memref<128xi32, #tpu.memory_space<vmem>>
      %dma_start3A_1871 = arith.constant 0 : i32
      %dma_start3A_1872 = arith.constant 0 : i32
      %dma_start3A_1873 = tpu.memref_slice %arg23[%dma_start3A_1871, %dma_start3A_1872] : memref<1000x128xf32, #tpu.memory_space<vmem_shared>> -> memref<1000x128xf32, #tpu.memory_space<vmem_shared>>
      tpu.enqueue_indirect_dma source(%dma_start3A_1873 : memref<1000x128xf32, #tpu.memory_space<vmem_shared>>) target(%dma_start3A_1868 : memref<128x128xf32, #tpu.memory_space<vmem>>) offsets(%dma_start3A_1870 : memref<128xi32, #tpu.memory_space<vmem>>) semaphore(%arg15 : memref<!tpu.dma_semaphore, #tpu.memory_space<semaphore_mem>>) {add = true}
      %add3A_1874 = arith.constant 1 : i32
      %add3A_1875 = arith.addi %add3A_1841, %add3A_1874 : i32
      %lt3A_1876 = arith.constant 98 : i32
      %lt3A_1877 = arith.cmpi slt, %add3A_1875, %lt3A_1876 : i32
      %convert_element_type3A_1878 = arith.extui %lt3A_1877 : i1 to i32
      %cond3A_1879 = arith.constant 0 : i32
      %cond3A_1880 = arith.cmpi ne, %convert_element_type3A_1878, %cond3A_1879 : i32
      scf.if %cond3A_1880 {
        %add3A_2109 = arith.constant 1 : i32
        %add3A_2110 = arith.addi %add3A_1841, %add3A_2109 : i32
        %mul3A_2111 = arith.constant 256 : i32
        %mul3A_2112 = arith.muli %add3A_2110, %mul3A_2111 : i32
        %add3A_2113 = arith.addi %mul3A_777, %mul3A_2112 : i32
        %sub3A_2114 = arith.constant 799744 : i32
        %sub3A_2115 = arith.subi %add3A_2113, %sub3A_2114 : i32
        %gt3A_2116 = arith.constant 0 : i32
        %gt3A_2117 = arith.cmpi sgt, %sub3A_2115, %gt3A_2116 : i32
        %add3A_2118 = arith.constant 256 : i32
        %add3A_2119 = arith.addi %sub3A_2115, %add3A_2118 : i32
        %sub3A_2120 = arith.constant 1 : i32
        %sub3A_2121 = arith.subi %add3A_2119, %sub3A_2120 : i32
        %jit3A_2122 = arith.constant 256 : i32
        %div3A_2123 = arith.divsi %sub3A_2121, %jit3A_2122 : i32
        %sign3A_2124 = arith.constant 0 : i32
        %sign3A_2125 = arith.cmpi sgt, %sub3A_2121, %sign3A_2124 : i32
        %sign3A_2126 = arith.extui %sign3A_2125 : i1 to i32
        %sign3A_2127 = arith.constant 0 : i32
        %sign3A_2128 = arith.cmpi slt, %sub3A_2121, %sign3A_2127 : i32
        %sign3A_2129 = arith.extui %sign3A_2128 : i1 to i32
        %sign3A_2130 = arith.subi %sign3A_2126, %sign3A_2129 : i32
        %sign3A_2131 = arith.constant 0 : i32
        %sign3A_2132 = arith.cmpi sgt, %jit3A_2122, %sign3A_2131 : i32
        %sign3A_2133 = arith.extui %sign3A_2132 : i1 to i32
        %sign3A_2134 = arith.constant 0 : i32
        %sign3A_2135 = arith.cmpi slt, %jit3A_2122, %sign3A_2134 : i32
        %sign3A_2136 = arith.extui %sign3A_2135 : i1 to i32
        %sign3A_2137 = arith.subi %sign3A_2133, %sign3A_2136 : i32
        %ne3A_2138 = arith.cmpi ne, %sign3A_2130, %sign3A_2137 : i32
        %rem3A_2139 = arith.remsi %sub3A_2121, %jit3A_2122 : i32
        %ne3A_2140 = arith.constant 0 : i32
        %ne3A_2141 = arith.cmpi ne, %rem3A_2139, %ne3A_2140 : i32
        %and3A_2142 = arith.andi %ne3A_2138, %ne3A_2141 : i1
        %sub3A_2143 = arith.constant 1 : i32
        %sub3A_2144 = arith.subi %div3A_2123, %sub3A_2143 : i32
        %select_n3A_2145 = arith.select %and3A_2142, %sub3A_2144, %div3A_2123 : i32
        %jit3A_2146 = arith.constant 16 : i32
        %eq3A_2147 = arith.constant 0 : i32
        %eq3A_2148 = arith.cmpi eq, %jit3A_2146, %eq3A_2147 : i32
        %jit3A_2149 = arith.constant 1 : i32
        %select_n3A_2150 = arith.select %eq3A_2148, %jit3A_2149, %jit3A_2146 : i32
        %rem3A_2151 = arith.remsi %select_n3A_2145, %select_n3A_2150 : i32
        %ne3A_2152 = arith.constant 0 : i32
        %ne3A_2153 = arith.cmpi ne, %rem3A_2151, %ne3A_2152 : i32
        %lt3A_2154 = arith.constant 0 : i32
        %lt3A_2155 = arith.cmpi slt, %rem3A_2151, %lt3A_2154 : i32
        %lt3A_2156 = arith.constant 0 : i32
        %lt3A_2157 = arith.cmpi slt, %select_n3A_2150, %lt3A_2156 : i32
        %ne3A_2158 = arith.xori %lt3A_2155, %lt3A_2157 : i1
        %and3A_2159 = arith.andi %ne3A_2158, %ne3A_2153 : i1
        %add3A_2160 = arith.addi %rem3A_2151, %select_n3A_2150 : i32
        %select_n3A_2161 = arith.select %and3A_2159, %add3A_2160, %rem3A_2151 : i32
        %jit3A_2162 = arith.constant 0 : i32
        %select_n3A_2163 = arith.select %gt3A_2117, %select_n3A_2161, %jit3A_2162 : i32
        %gt3A_2164 = arith.constant 0 : i32
        %gt3A_2165 = arith.cmpi sgt, %sub3A_2115, %gt3A_2164 : i32
        %mul3A_2166 = arith.constant 256 : i32
        %mul3A_2167 = arith.muli %select_n3A_2163, %mul3A_2166 : i32
        %sub3A_2168 = arith.constant 799744 : i32
        %sub3A_2169 = arith.subi %sub3A_2168, %mul3A_2167 : i32
        %select_n3A_2170 = arith.select %gt3A_2165, %sub3A_2169, %add3A_2113 : i32
        %add3A_2171 = arith.constant 0 : i32
        %add3A_2172 = arith.addi %add3A_2171, %select_n3A_2170 : i32
        %dma_wait3A_2173 = arith.constant 0 : i32
        %dma_wait3A_2174 = tpu.memref_slice %arg10[%dma_wait3A_2173] : memref<1024xi32, #tpu.memory_space<vmem>> -> memref<256xi32, #tpu.memory_space<vmem>>
        %dma_wait3A_2175 = tpu.memref_slice %arg3[%add3A_2172] : memref<1600000xi32, #tpu.memory_space<hbm>> -> memref<256xi32, #tpu.memory_space<hbm>>
        %dma_wait3A_2176 = arith.constant 0 : i32
        %dma_wait3A_2177 = tpu.memref_slice %arg10[%dma_wait3A_2176] : memref<1024xi32, #tpu.memory_space<vmem>> -> memref<256xi32, #tpu.memory_space<vmem>>
        %dma_wait3A_2178 = tpu.memref_slice %arg3[%add3A_2172] : memref<1600000xi32, #tpu.memory_space<hbm>> -> memref<256xi32, #tpu.memory_space<hbm>>
        tpu.wait_dma2 semaphore(%arg19 : memref<!tpu.dma_semaphore, #tpu.memory_space<semaphore_mem>>) src(%dma_wait3A_2178 : memref<256xi32, #tpu.memory_space<hbm>>) dst(%dma_wait3A_2177 : memref<256xi32, #tpu.memory_space<vmem>>)
        %add3A_2179 = arith.constant 800000 : i32
        %add3A_2180 = arith.addi %add3A_2179, %select_n3A_2170 : i32
        %dma_wait3A_2181 = arith.constant 256 : i32
        %dma_wait3A_2182 = tpu.memref_slice %arg10[%dma_wait3A_2181] : memref<1024xi32, #tpu.memory_space<vmem>> -> memref<256xi32, #tpu.memory_space<vmem>>
        %dma_wait3A_2183 = tpu.memref_slice %arg3[%add3A_2180] : memref<1600000xi32, #tpu.memory_space<hbm>> -> memref<256xi32, #tpu.memory_space<hbm>>
        %dma_wait3A_2184 = arith.constant 256 : i32
        %dma_wait3A_2185 = tpu.memref_slice %arg10[%dma_wait3A_2184] : memref<1024xi32, #tpu.memory_space<vmem>> -> memref<256xi32, #tpu.memory_space<vmem>>
        %dma_wait3A_2186 = tpu.memref_slice %arg3[%add3A_2180] : memref<1600000xi32, #tpu.memory_space<hbm>> -> memref<256xi32, #tpu.memory_space<hbm>>
        tpu.wait_dma2 semaphore(%arg19 : memref<!tpu.dma_semaphore, #tpu.memory_space<semaphore_mem>>) src(%dma_wait3A_2186 : memref<256xi32, #tpu.memory_space<hbm>>) dst(%dma_wait3A_2185 : memref<256xi32, #tpu.memory_space<vmem>>)
        %ge3A = arith.constant 2 : i32
        %ge3A_2187 = arith.cmpi sge, %add3A_1841, %ge3A : i32
        %convert_element_type3A_2188 = arith.extui %ge3A_2187 : i1 to i32
        %cond3A_2189 = arith.constant 0 : i32
        %cond3A_2190 = arith.cmpi ne, %convert_element_type3A_2188, %cond3A_2189 : i32
        scf.if %cond3A_2190 {
          %sub3A_2207 = arith.constant 2 : i32
          %sub3A_2208 = arith.subi %add3A_1841, %sub3A_2207 : i32
          %mul3A_2209 = arith.constant 256 : i32
          %mul3A_2210 = arith.muli %sub3A_2208, %mul3A_2209 : i32
          %add3A_2211 = arith.addi %mul3A_777, %mul3A_2210 : i32
          %sub3A_2212 = arith.constant 799744 : i32
          %sub3A_2213 = arith.subi %add3A_2211, %sub3A_2212 : i32
          %gt3A_2214 = arith.constant 0 : i32
          %gt3A_2215 = arith.cmpi sgt, %sub3A_2213, %gt3A_2214 : i32
          %add3A_2216 = arith.constant 256 : i32
          %add3A_2217 = arith.addi %sub3A_2213, %add3A_2216 : i32
          %sub3A_2218 = arith.constant 1 : i32
          %sub3A_2219 = arith.subi %add3A_2217, %sub3A_2218 : i32
          %jit3A_2220 = arith.constant 256 : i32
          %div3A_2221 = arith.divsi %sub3A_2219, %jit3A_2220 : i32
          %sign3A_2222 = arith.constant 0 : i32
          %sign3A_2223 = arith.cmpi sgt, %sub3A_2219, %sign3A_2222 : i32
          %sign3A_2224 = arith.extui %sign3A_2223 : i1 to i32
          %sign3A_2225 = arith.constant 0 : i32
          %sign3A_2226 = arith.cmpi slt, %sub3A_2219, %sign3A_2225 : i32
          %sign3A_2227 = arith.extui %sign3A_2226 : i1 to i32
          %sign3A_2228 = arith.subi %sign3A_2224, %sign3A_2227 : i32
          %sign3A_2229 = arith.constant 0 : i32
          %sign3A_2230 = arith.cmpi sgt, %jit3A_2220, %sign3A_2229 : i32
          %sign3A_2231 = arith.extui %sign3A_2230 : i1 to i32
          %sign3A_2232 = arith.constant 0 : i32
          %sign3A_2233 = arith.cmpi slt, %jit3A_2220, %sign3A_2232 : i32
          %sign3A_2234 = arith.extui %sign3A_2233 : i1 to i32
          %sign3A_2235 = arith.subi %sign3A_2231, %sign3A_2234 : i32
          %ne3A_2236 = arith.cmpi ne, %sign3A_2228, %sign3A_2235 : i32
          %rem3A_2237 = arith.remsi %sub3A_2219, %jit3A_2220 : i32
          %ne3A_2238 = arith.constant 0 : i32
          %ne3A_2239 = arith.cmpi ne, %rem3A_2237, %ne3A_2238 : i32
          %and3A_2240 = arith.andi %ne3A_2236, %ne3A_2239 : i1
          %sub3A_2241 = arith.constant 1 : i32
          %sub3A_2242 = arith.subi %div3A_2221, %sub3A_2241 : i32
          %select_n3A_2243 = arith.select %and3A_2240, %sub3A_2242, %div3A_2221 : i32
          %jit3A_2244 = arith.constant 16 : i32
          %eq3A_2245 = arith.constant 0 : i32
          %eq3A_2246 = arith.cmpi eq, %jit3A_2244, %eq3A_2245 : i32
          %jit3A_2247 = arith.constant 1 : i32
          %select_n3A_2248 = arith.select %eq3A_2246, %jit3A_2247, %jit3A_2244 : i32
          %rem3A_2249 = arith.remsi %select_n3A_2243, %select_n3A_2248 : i32
          %ne3A_2250 = arith.constant 0 : i32
          %ne3A_2251 = arith.cmpi ne, %rem3A_2249, %ne3A_2250 : i32
          %lt3A_2252 = arith.constant 0 : i32
          %lt3A_2253 = arith.cmpi slt, %rem3A_2249, %lt3A_2252 : i32
          %lt3A_2254 = arith.constant 0 : i32
          %lt3A_2255 = arith.cmpi slt, %select_n3A_2248, %lt3A_2254 : i32
          %ne3A_2256 = arith.xori %lt3A_2253, %lt3A_2255 : i1
          %and3A_2257 = arith.andi %ne3A_2256, %ne3A_2251 : i1
          %add3A_2258 = arith.addi %rem3A_2249, %select_n3A_2248 : i32
          %select_n3A_2259 = arith.select %and3A_2257, %add3A_2258, %rem3A_2249 : i32
          %jit3A_2260 = arith.constant 0 : i32
          %select_n3A_2261 = arith.select %gt3A_2215, %select_n3A_2259, %jit3A_2260 : i32
          %gt3A_2262 = arith.constant 0 : i32
          %gt3A_2263 = arith.cmpi sgt, %sub3A_2213, %gt3A_2262 : i32
          %mul3A_2264 = arith.constant 256 : i32
          %mul3A_2265 = arith.muli %select_n3A_2261, %mul3A_2264 : i32
          %sub3A_2266 = arith.constant 799744 : i32
          %sub3A_2267 = arith.subi %sub3A_2266, %mul3A_2265 : i32
          %select_n3A_2268 = arith.select %gt3A_2263, %sub3A_2267, %add3A_2211 : i32
          %dma_wait3A_2269 = arith.constant 0 : i32
          %dma_wait3A_2270 = arith.constant 0 : i32
          %dma_wait3A_2271 = tpu.memref_slice %arg13[%dma_wait3A_2269, %dma_wait3A_2270] : memref<256x128xf32, #tpu.memory_space<vmem>> -> memref<256x128xf32, #tpu.memory_space<vmem>>
          %dma_wait3A_2272 = arith.constant 0 : i32
          %dma_wait3A_2273 = tpu.memref_slice %arg7[%select_n3A_2268, %dma_wait3A_2272] : memref<800000x128xf32, #tpu.memory_space<hbm>> -> memref<256x128xf32, #tpu.memory_space<hbm>>
          %dma_wait3A_2274 = arith.constant 0 : i32
          %dma_wait3A_2275 = tpu.memref_slice %arg7[%select_n3A_2268, %dma_wait3A_2274] : memref<800000x128xf32, #tpu.memory_space<hbm>> -> memref<256x128xf32, #tpu.memory_space<hbm>>
          %dma_wait3A_2276 = arith.constant 0 : i32
          %dma_wait3A_2277 = arith.constant 0 : i32
          %dma_wait3A_2278 = tpu.memref_slice %arg13[%dma_wait3A_2276, %dma_wait3A_2277] : memref<256x128xf32, #tpu.memory_space<vmem>> -> memref<256x128xf32, #tpu.memory_space<vmem>>
          tpu.wait_dma2 semaphore(%arg22 : memref<!tpu.dma_semaphore, #tpu.memory_space<semaphore_mem>>) src(%dma_wait3A_2278 : memref<256x128xf32, #tpu.memory_space<vmem>>) dst(%dma_wait3A_2275 : memref<256x128xf32, #tpu.memory_space<hbm>>)
        } else {
        }
        %dma_start3A_2191 = arith.constant 0 : i32
        %dma_start3A_2192 = arith.constant 0 : i32
        %dma_start3A_2193 = tpu.memref_slice %arg13[%dma_start3A_2191, %dma_start3A_2192] : memref<256x128xf32, #tpu.memory_space<vmem>> -> memref<128x128xf32, #tpu.memory_space<vmem>>
        %dma_start3A_2194 = arith.constant 0 : i32
        %dma_start3A_2195 = tpu.memref_slice %arg10[%dma_start3A_2194] : memref<1024xi32, #tpu.memory_space<vmem>> -> memref<128xi32, #tpu.memory_space<vmem>>
        %dma_start3A_2196 = arith.constant 0 : i32
        %dma_start3A_2197 = arith.constant 0 : i32
        %dma_start3A_2198 = tpu.memref_slice %arg23[%dma_start3A_2196, %dma_start3A_2197] : memref<1000x128xf32, #tpu.memory_space<vmem_shared>> -> memref<1000x128xf32, #tpu.memory_space<vmem_shared>>
        tpu.enqueue_indirect_dma source(%dma_start3A_2198 : memref<1000x128xf32, #tpu.memory_space<vmem_shared>>) target(%dma_start3A_2193 : memref<128x128xf32, #tpu.memory_space<vmem>>) offsets(%dma_start3A_2195 : memref<128xi32, #tpu.memory_space<vmem>>) semaphore(%arg16 : memref<!tpu.dma_semaphore, #tpu.memory_space<semaphore_mem>>)
        %dma_start3A_2199 = arith.constant 128 : i32
        %dma_start3A_2200 = arith.constant 0 : i32
        %dma_start3A_2201 = tpu.memref_slice %arg13[%dma_start3A_2199, %dma_start3A_2200] : memref<256x128xf32, #tpu.memory_space<vmem>> -> memref<128x128xf32, #tpu.memory_space<vmem>>
        %dma_start3A_2202 = arith.constant 128 : i32
        %dma_start3A_2203 = tpu.memref_slice %arg10[%dma_start3A_2202] : memref<1024xi32, #tpu.memory_space<vmem>> -> memref<128xi32, #tpu.memory_space<vmem>>
        %dma_start3A_2204 = arith.constant 0 : i32
        %dma_start3A_2205 = arith.constant 0 : i32
        %dma_start3A_2206 = tpu.memref_slice %arg23[%dma_start3A_2204, %dma_start3A_2205] : memref<1000x128xf32, #tpu.memory_space<vmem_shared>> -> memref<1000x128xf32, #tpu.memory_space<vmem_shared>>
        tpu.enqueue_indirect_dma source(%dma_start3A_2206 : memref<1000x128xf32, #tpu.memory_space<vmem_shared>>) target(%dma_start3A_2201 : memref<128x128xf32, #tpu.memory_space<vmem>>) offsets(%dma_start3A_2203 : memref<128xi32, #tpu.memory_space<vmem>>) semaphore(%arg16 : memref<!tpu.dma_semaphore, #tpu.memory_space<semaphore_mem>>)
      } else {
      }
      %dma_wait3A_1881 = arith.constant 0 : i32
      %dma_wait3A_1882 = arith.constant 0 : i32
      %dma_wait3A_1883 = tpu.memref_slice %arg12[%dma_wait3A_1881, %dma_wait3A_1882] : memref<256x128xf32, #tpu.memory_space<vmem>> -> memref<128x128xf32, #tpu.memory_space<vmem>>
      %dma_wait3A_1884 = arith.constant 256 : i32
      %dma_wait3A_1885 = tpu.memref_slice %arg9[%dma_wait3A_1884] : memref<1024xi32, #tpu.memory_space<vmem>> -> memref<128xi32, #tpu.memory_space<vmem>>
      %dma_wait3A_1886 = arith.constant 0 : i32
      %dma_wait3A_1887 = arith.constant 0 : i32
      %dma_wait3A_1888 = tpu.memref_slice %arg23[%dma_wait3A_1886, %dma_wait3A_1887] : memref<1000x128xf32, #tpu.memory_space<vmem_shared>> -> memref<1000x128xf32, #tpu.memory_space<vmem_shared>>
      tpu.wait_indirect_dma semaphore(%arg15 : memref<!tpu.dma_semaphore, #tpu.memory_space<semaphore_mem>>) src(%dma_wait3A_1888 : memref<1000x128xf32, #tpu.memory_space<vmem_shared>>) dst(%dma_wait3A_1883 : memref<128x128xf32, #tpu.memory_space<vmem>>)
      %dma_wait3A_1889 = arith.constant 128 : i32
      %dma_wait3A_1890 = arith.constant 0 : i32
      %dma_wait3A_1891 = tpu.memref_slice %arg12[%dma_wait3A_1889, %dma_wait3A_1890] : memref<256x128xf32, #tpu.memory_space<vmem>> -> memref<128x128xf32, #tpu.memory_space<vmem>>
      %dma_wait3A_1892 = arith.constant 384 : i32
      %dma_wait3A_1893 = tpu.memref_slice %arg9[%dma_wait3A_1892] : memref<1024xi32, #tpu.memory_space<vmem>> -> memref<128xi32, #tpu.memory_space<vmem>>
      %dma_wait3A_1894 = arith.constant 0 : i32
      %dma_wait3A_1895 = arith.constant 0 : i32
      %dma_wait3A_1896 = tpu.memref_slice %arg23[%dma_wait3A_1894, %dma_wait3A_1895] : memref<1000x128xf32, #tpu.memory_space<vmem_shared>> -> memref<1000x128xf32, #tpu.memory_space<vmem_shared>>
      tpu.wait_indirect_dma semaphore(%arg15 : memref<!tpu.dma_semaphore, #tpu.memory_space<semaphore_mem>>) src(%dma_wait3A_1896 : memref<1000x128xf32, #tpu.memory_space<vmem_shared>>) dst(%dma_wait3A_1891 : memref<128x128xf32, #tpu.memory_space<vmem>>)
      %add3A_1897 = arith.constant 3 : i32
      %add3A_1898 = arith.addi %add3A_1841, %add3A_1897 : i32
      %lt3A_1899 = arith.constant 98 : i32
      %lt3A_1900 = arith.cmpi slt, %add3A_1898, %lt3A_1899 : i32
      %convert_element_type3A_1901 = arith.extui %lt3A_1900 : i1 to i32
      %cond3A_1902 = arith.constant 0 : i32
      %cond3A_1903 = arith.cmpi ne, %convert_element_type3A_1901, %cond3A_1902 : i32
      scf.if %cond3A_1903 {
        %add3A_2109 = arith.constant 3 : i32
        %add3A_2110 = arith.addi %add3A_1841, %add3A_2109 : i32
        %mul3A_2111 = arith.constant 256 : i32
        %mul3A_2112 = arith.muli %add3A_2110, %mul3A_2111 : i32
        %add3A_2113 = arith.addi %mul3A_777, %mul3A_2112 : i32
        %sub3A_2114 = arith.constant 799744 : i32
        %sub3A_2115 = arith.subi %add3A_2113, %sub3A_2114 : i32
        %gt3A_2116 = arith.constant 0 : i32
        %gt3A_2117 = arith.cmpi sgt, %sub3A_2115, %gt3A_2116 : i32
        %add3A_2118 = arith.constant 256 : i32
        %add3A_2119 = arith.addi %sub3A_2115, %add3A_2118 : i32
        %sub3A_2120 = arith.constant 1 : i32
        %sub3A_2121 = arith.subi %add3A_2119, %sub3A_2120 : i32
        %jit3A_2122 = arith.constant 256 : i32
        %div3A_2123 = arith.divsi %sub3A_2121, %jit3A_2122 : i32
        %sign3A_2124 = arith.constant 0 : i32
        %sign3A_2125 = arith.cmpi sgt, %sub3A_2121, %sign3A_2124 : i32
        %sign3A_2126 = arith.extui %sign3A_2125 : i1 to i32
        %sign3A_2127 = arith.constant 0 : i32
        %sign3A_2128 = arith.cmpi slt, %sub3A_2121, %sign3A_2127 : i32
        %sign3A_2129 = arith.extui %sign3A_2128 : i1 to i32
        %sign3A_2130 = arith.subi %sign3A_2126, %sign3A_2129 : i32
        %sign3A_2131 = arith.constant 0 : i32
        %sign3A_2132 = arith.cmpi sgt, %jit3A_2122, %sign3A_2131 : i32
        %sign3A_2133 = arith.extui %sign3A_2132 : i1 to i32
        %sign3A_2134 = arith.constant 0 : i32
        %sign3A_2135 = arith.cmpi slt, %jit3A_2122, %sign3A_2134 : i32
        %sign3A_2136 = arith.extui %sign3A_2135 : i1 to i32
        %sign3A_2137 = arith.subi %sign3A_2133, %sign3A_2136 : i32
        %ne3A_2138 = arith.cmpi ne, %sign3A_2130, %sign3A_2137 : i32
        %rem3A_2139 = arith.remsi %sub3A_2121, %jit3A_2122 : i32
        %ne3A_2140 = arith.constant 0 : i32
        %ne3A_2141 = arith.cmpi ne, %rem3A_2139, %ne3A_2140 : i32
        %and3A_2142 = arith.andi %ne3A_2138, %ne3A_2141 : i1
        %sub3A_2143 = arith.constant 1 : i32
        %sub3A_2144 = arith.subi %div3A_2123, %sub3A_2143 : i32
        %select_n3A_2145 = arith.select %and3A_2142, %sub3A_2144, %div3A_2123 : i32
        %jit3A_2146 = arith.constant 16 : i32
        %eq3A_2147 = arith.constant 0 : i32
        %eq3A_2148 = arith.cmpi eq, %jit3A_2146, %eq3A_2147 : i32
        %jit3A_2149 = arith.constant 1 : i32
        %select_n3A_2150 = arith.select %eq3A_2148, %jit3A_2149, %jit3A_2146 : i32
        %rem3A_2151 = arith.remsi %select_n3A_2145, %select_n3A_2150 : i32
        %ne3A_2152 = arith.constant 0 : i32
        %ne3A_2153 = arith.cmpi ne, %rem3A_2151, %ne3A_2152 : i32
        %lt3A_2154 = arith.constant 0 : i32
        %lt3A_2155 = arith.cmpi slt, %rem3A_2151, %lt3A_2154 : i32
        %lt3A_2156 = arith.constant 0 : i32
        %lt3A_2157 = arith.cmpi slt, %select_n3A_2150, %lt3A_2156 : i32
        %ne3A_2158 = arith.xori %lt3A_2155, %lt3A_2157 : i1
        %and3A_2159 = arith.andi %ne3A_2158, %ne3A_2153 : i1
        %add3A_2160 = arith.addi %rem3A_2151, %select_n3A_2150 : i32
        %select_n3A_2161 = arith.select %and3A_2159, %add3A_2160, %rem3A_2151 : i32
        %jit3A_2162 = arith.constant 0 : i32
        %select_n3A_2163 = arith.select %gt3A_2117, %select_n3A_2161, %jit3A_2162 : i32
        %gt3A_2164 = arith.constant 0 : i32
        %gt3A_2165 = arith.cmpi sgt, %sub3A_2115, %gt3A_2164 : i32
        %mul3A_2166 = arith.constant 256 : i32
        %mul3A_2167 = arith.muli %select_n3A_2163, %mul3A_2166 : i32
        %sub3A_2168 = arith.constant 799744 : i32
        %sub3A_2169 = arith.subi %sub3A_2168, %mul3A_2167 : i32
        %select_n3A_2170 = arith.select %gt3A_2165, %sub3A_2169, %add3A_2113 : i32
        %add3A_2171 = arith.constant 0 : i32
        %add3A_2172 = arith.addi %add3A_2171, %select_n3A_2170 : i32
        %dma_start3A_2173 = arith.constant 0 : i32
        %dma_start3A_2174 = tpu.memref_slice %arg9[%dma_start3A_2173] : memref<1024xi32, #tpu.memory_space<vmem>> -> memref<256xi32, #tpu.memory_space<vmem>>
        %dma_start3A_2175 = tpu.memref_slice %arg3[%add3A_2172] : memref<1600000xi32, #tpu.memory_space<hbm>> -> memref<256xi32, #tpu.memory_space<hbm>>
        %dma_start3A_2176 = arith.constant 0 : i32
        %dma_start3A_2177 = tpu.memref_slice %arg9[%dma_start3A_2176] : memref<1024xi32, #tpu.memory_space<vmem>> -> memref<256xi32, #tpu.memory_space<vmem>>
        %dma_start3A_2178 = tpu.memref_slice %arg3[%add3A_2172] : memref<1600000xi32, #tpu.memory_space<hbm>> -> memref<256xi32, #tpu.memory_space<hbm>>
        tpu.enqueue_dma source(%dma_start3A_2178 : memref<256xi32, #tpu.memory_space<hbm>>) target(%dma_start3A_2177 : memref<256xi32, #tpu.memory_space<vmem>>) target_semaphore(%arg18 : memref<!tpu.dma_semaphore, #tpu.memory_space<semaphore_mem>>)
        %add3A_2179 = arith.constant 800000 : i32
        %add3A_2180 = arith.addi %add3A_2179, %select_n3A_2170 : i32
        %dma_start3A_2181 = arith.constant 256 : i32
        %dma_start3A_2182 = tpu.memref_slice %arg9[%dma_start3A_2181] : memref<1024xi32, #tpu.memory_space<vmem>> -> memref<256xi32, #tpu.memory_space<vmem>>
        %dma_start3A_2183 = tpu.memref_slice %arg3[%add3A_2180] : memref<1600000xi32, #tpu.memory_space<hbm>> -> memref<256xi32, #tpu.memory_space<hbm>>
        %dma_start3A_2184 = arith.constant 256 : i32
        %dma_start3A_2185 = tpu.memref_slice %arg9[%dma_start3A_2184] : memref<1024xi32, #tpu.memory_space<vmem>> -> memref<256xi32, #tpu.memory_space<vmem>>
        %dma_start3A_2186 = tpu.memref_slice %arg3[%add3A_2180] : memref<1600000xi32, #tpu.memory_space<hbm>> -> memref<256xi32, #tpu.memory_space<hbm>>
        tpu.enqueue_dma source(%dma_start3A_2186 : memref<256xi32, #tpu.memory_space<hbm>>) target(%dma_start3A_2185 : memref<256xi32, #tpu.memory_space<vmem>>) target_semaphore(%arg18 : memref<!tpu.dma_semaphore, #tpu.memory_space<semaphore_mem>>)
      } else {
      }
      %mul3A_1904 = arith.constant 256 : i32
      %mul3A_1905 = arith.muli %add3A_1841, %mul3A_1904 : i32
      %add3A_1906 = arith.addi %mul3A_777, %mul3A_1905 : i32
      %sub3A_1907 = arith.constant 799744 : i32
      %sub3A_1908 = arith.subi %add3A_1906, %sub3A_1907 : i32
      %gt3A_1909 = arith.constant 0 : i32
      %gt3A_1910 = arith.cmpi sgt, %sub3A_1908, %gt3A_1909 : i32
      %add3A_1911 = arith.constant 256 : i32
      %add3A_1912 = arith.addi %sub3A_1908, %add3A_1911 : i32
      %sub3A_1913 = arith.constant 1 : i32
      %sub3A_1914 = arith.subi %add3A_1912, %sub3A_1913 : i32
      %jit3A_1915 = arith.constant 256 : i32
      %div3A_1916 = arith.divsi %sub3A_1914, %jit3A_1915 : i32
      %sign3A_1917 = arith.constant 0 : i32
      %sign3A_1918 = arith.cmpi sgt, %sub3A_1914, %sign3A_1917 : i32
      %sign3A_1919 = arith.extui %sign3A_1918 : i1 to i32
      %sign3A_1920 = arith.constant 0 : i32
      %sign3A_1921 = arith.cmpi slt, %sub3A_1914, %sign3A_1920 : i32
      %sign3A_1922 = arith.extui %sign3A_1921 : i1 to i32
      %sign3A_1923 = arith.subi %sign3A_1919, %sign3A_1922 : i32
      %sign3A_1924 = arith.constant 0 : i32
      %sign3A_1925 = arith.cmpi sgt, %jit3A_1915, %sign3A_1924 : i32
      %sign3A_1926 = arith.extui %sign3A_1925 : i1 to i32
      %sign3A_1927 = arith.constant 0 : i32
      %sign3A_1928 = arith.cmpi slt, %jit3A_1915, %sign3A_1927 : i32
      %sign3A_1929 = arith.extui %sign3A_1928 : i1 to i32
      %sign3A_1930 = arith.subi %sign3A_1926, %sign3A_1929 : i32
      %ne3A_1931 = arith.cmpi ne, %sign3A_1923, %sign3A_1930 : i32
      %rem3A_1932 = arith.remsi %sub3A_1914, %jit3A_1915 : i32
      %ne3A_1933 = arith.constant 0 : i32
      %ne3A_1934 = arith.cmpi ne, %rem3A_1932, %ne3A_1933 : i32
      %and3A_1935 = arith.andi %ne3A_1931, %ne3A_1934 : i1
      %sub3A_1936 = arith.constant 1 : i32
      %sub3A_1937 = arith.subi %div3A_1916, %sub3A_1936 : i32
      %select_n3A_1938 = arith.select %and3A_1935, %sub3A_1937, %div3A_1916 : i32
      %jit3A_1939 = arith.constant 16 : i32
      %eq3A_1940 = arith.constant 0 : i32
      %eq3A_1941 = arith.cmpi eq, %jit3A_1939, %eq3A_1940 : i32
      %jit3A_1942 = arith.constant 1 : i32
      %select_n3A_1943 = arith.select %eq3A_1941, %jit3A_1942, %jit3A_1939 : i32
      %rem3A_1944 = arith.remsi %select_n3A_1938, %select_n3A_1943 : i32
      %ne3A_1945 = arith.constant 0 : i32
      %ne3A_1946 = arith.cmpi ne, %rem3A_1944, %ne3A_1945 : i32
      %lt3A_1947 = arith.constant 0 : i32
      %lt3A_1948 = arith.cmpi slt, %rem3A_1944, %lt3A_1947 : i32
      %lt3A_1949 = arith.constant 0 : i32
      %lt3A_1950 = arith.cmpi slt, %select_n3A_1943, %lt3A_1949 : i32
      %ne3A_1951 = arith.xori %lt3A_1948, %lt3A_1950 : i1
      %and3A_1952 = arith.andi %ne3A_1951, %ne3A_1946 : i1
      %add3A_1953 = arith.addi %rem3A_1944, %select_n3A_1943 : i32
      %select_n3A_1954 = arith.select %and3A_1952, %add3A_1953, %rem3A_1944 : i32
      %jit3A_1955 = arith.constant 0 : i32
      %select_n3A_1956 = arith.select %gt3A_1910, %select_n3A_1954, %jit3A_1955 : i32
      %gt3A_1957 = arith.constant 0 : i32
      %gt3A_1958 = arith.cmpi sgt, %sub3A_1908, %gt3A_1957 : i32
      %mul3A_1959 = arith.constant 256 : i32
      %mul3A_1960 = arith.muli %select_n3A_1956, %mul3A_1959 : i32
      %sub3A_1961 = arith.constant 799744 : i32
      %sub3A_1962 = arith.subi %sub3A_1961, %mul3A_1960 : i32
      %select_n3A_1963 = arith.select %gt3A_1958, %sub3A_1962, %add3A_1906 : i32
      %dma_start3A_1964 = arith.constant 0 : i32
      %dma_start3A_1965 = arith.constant 0 : i32
      %dma_start3A_1966 = tpu.memref_slice %arg12[%dma_start3A_1964, %dma_start3A_1965] : memref<256x128xf32, #tpu.memory_space<vmem>> -> memref<256x128xf32, #tpu.memory_space<vmem>>
      %dma_start3A_1967 = arith.constant 0 : i32
      %dma_start3A_1968 = tpu.memref_slice %arg7[%select_n3A_1963, %dma_start3A_1967] : memref<800000x128xf32, #tpu.memory_space<hbm>> -> memref<256x128xf32, #tpu.memory_space<hbm>>
      %dma_start3A_1969 = arith.constant 0 : i32
      %dma_start3A_1970 = tpu.memref_slice %arg7[%select_n3A_1963, %dma_start3A_1969] : memref<800000x128xf32, #tpu.memory_space<hbm>> -> memref<256x128xf32, #tpu.memory_space<hbm>>
      %dma_start3A_1971 = arith.constant 0 : i32
      %dma_start3A_1972 = arith.constant 0 : i32
      %dma_start3A_1973 = tpu.memref_slice %arg12[%dma_start3A_1971, %dma_start3A_1972] : memref<256x128xf32, #tpu.memory_space<vmem>> -> memref<256x128xf32, #tpu.memory_space<vmem>>
      tpu.enqueue_dma source(%dma_start3A_1973 : memref<256x128xf32, #tpu.memory_space<vmem>>) target(%dma_start3A_1970 : memref<256x128xf32, #tpu.memory_space<hbm>>) target_semaphore(%arg21 : memref<!tpu.dma_semaphore, #tpu.memory_space<semaphore_mem>>)
      %add3A_1974 = arith.constant 2 : i32
      %add3A_1975 = arith.addi %mul3A_1705, %add3A_1974 : i32
      %dma_wait3A_1976 = arith.constant 0 : i32
      %dma_wait3A_1977 = arith.constant 0 : i32
      %dma_wait3A_1978 = tpu.memref_slice %arg13[%dma_wait3A_1976, %dma_wait3A_1977] : memref<256x128xf32, #tpu.memory_space<vmem>> -> memref<128x128xf32, #tpu.memory_space<vmem>>
      %dma_wait3A_1979 = arith.constant 0 : i32
      %dma_wait3A_1980 = tpu.memref_slice %arg10[%dma_wait3A_1979] : memref<1024xi32, #tpu.memory_space<vmem>> -> memref<128xi32, #tpu.memory_space<vmem>>
      %dma_wait3A_1981 = arith.constant 0 : i32
      %dma_wait3A_1982 = arith.constant 0 : i32
      %dma_wait3A_1983 = tpu.memref_slice %arg23[%dma_wait3A_1981, %dma_wait3A_1982] : memref<1000x128xf32, #tpu.memory_space<vmem_shared>> -> memref<1000x128xf32, #tpu.memory_space<vmem_shared>>
      tpu.wait_indirect_dma semaphore(%arg16 : memref<!tpu.dma_semaphore, #tpu.memory_space<semaphore_mem>>) src(%dma_wait3A_1983 : memref<1000x128xf32, #tpu.memory_space<vmem_shared>>) dst(%dma_wait3A_1978 : memref<128x128xf32, #tpu.memory_space<vmem>>)
      %dma_wait3A_1984 = arith.constant 128 : i32
      %dma_wait3A_1985 = arith.constant 0 : i32
      %dma_wait3A_1986 = tpu.memref_slice %arg13[%dma_wait3A_1984, %dma_wait3A_1985] : memref<256x128xf32, #tpu.memory_space<vmem>> -> memref<128x128xf32, #tpu.memory_space<vmem>>
      %dma_wait3A_1987 = arith.constant 128 : i32
      %dma_wait3A_1988 = tpu.memref_slice %arg10[%dma_wait3A_1987] : memref<1024xi32, #tpu.memory_space<vmem>> -> memref<128xi32, #tpu.memory_space<vmem>>
      %dma_wait3A_1989 = arith.constant 0 : i32
      %dma_wait3A_1990 = arith.constant 0 : i32
      %dma_wait3A_1991 = tpu.memref_slice %arg23[%dma_wait3A_1989, %dma_wait3A_1990] : memref<1000x128xf32, #tpu.memory_space<vmem_shared>> -> memref<1000x128xf32, #tpu.memory_space<vmem_shared>>
      tpu.wait_indirect_dma semaphore(%arg16 : memref<!tpu.dma_semaphore, #tpu.memory_space<semaphore_mem>>) src(%dma_wait3A_1991 : memref<1000x128xf32, #tpu.memory_space<vmem_shared>>) dst(%dma_wait3A_1986 : memref<128x128xf32, #tpu.memory_space<vmem>>)
      %dma_start3A_1992 = arith.constant 0 : i32
      %dma_start3A_1993 = arith.constant 0 : i32
      %dma_start3A_1994 = tpu.memref_slice %arg13[%dma_start3A_1992, %dma_start3A_1993] : memref<256x128xf32, #tpu.memory_space<vmem>> -> memref<128x128xf32, #tpu.memory_space<vmem>>
      %dma_start3A_1995 = arith.constant 256 : i32
      %dma_start3A_1996 = tpu.memref_slice %arg10[%dma_start3A_1995] : memref<1024xi32, #tpu.memory_space<vmem>> -> memref<128xi32, #tpu.memory_space<vmem>>
      %dma_start3A_1997 = arith.constant 0 : i32
      %dma_start3A_1998 = arith.constant 0 : i32
      %dma_start3A_1999 = tpu.memref_slice %arg23[%dma_start3A_1997, %dma_start3A_1998] : memref<1000x128xf32, #tpu.memory_space<vmem_shared>> -> memref<1000x128xf32, #tpu.memory_space<vmem_shared>>
      tpu.enqueue_indirect_dma source(%dma_start3A_1999 : memref<1000x128xf32, #tpu.memory_space<vmem_shared>>) target(%dma_start3A_1994 : memref<128x128xf32, #tpu.memory_space<vmem>>) offsets(%dma_start3A_1996 : memref<128xi32, #tpu.memory_space<vmem>>) semaphore(%arg16 : memref<!tpu.dma_semaphore, #tpu.memory_space<semaphore_mem>>) {add = true}
      %dma_start3A_2000 = arith.constant 128 : i32
      %dma_start3A_2001 = arith.constant 0 : i32
      %dma_start3A_2002 = tpu.memref_slice %arg13[%dma_start3A_2000, %dma_start3A_2001] : memref<256x128xf32, #tpu.memory_space<vmem>> -> memref<128x128xf32, #tpu.memory_space<vmem>>
      %dma_start3A_2003 = arith.constant 384 : i32
      %dma_start3A_2004 = tpu.memref_slice %arg10[%dma_start3A_2003] : memref<1024xi32, #tpu.memory_space<vmem>> -> memref<128xi32, #tpu.memory_space<vmem>>
      %dma_start3A_2005 = arith.constant 0 : i32
      %dma_start3A_2006 = arith.constant 0 : i32
      %dma_start3A_2007 = tpu.memref_slice %arg23[%dma_start3A_2005, %dma_start3A_2006] : memref<1000x128xf32, #tpu.memory_space<vmem_shared>> -> memref<1000x128xf32, #tpu.memory_space<vmem_shared>>
      tpu.enqueue_indirect_dma source(%dma_start3A_2007 : memref<1000x128xf32, #tpu.memory_space<vmem_shared>>) target(%dma_start3A_2002 : memref<128x128xf32, #tpu.memory_space<vmem>>) offsets(%dma_start3A_2004 : memref<128xi32, #tpu.memory_space<vmem>>) semaphore(%arg16 : memref<!tpu.dma_semaphore, #tpu.memory_space<semaphore_mem>>) {add = true}
      %add3A_2008 = arith.constant 1 : i32
      %add3A_2009 = arith.addi %add3A_1975, %add3A_2008 : i32
      %lt3A_2010 = arith.constant 98 : i32
      %lt3A_2011 = arith.cmpi slt, %add3A_2009, %lt3A_2010 : i32
      %convert_element_type3A_2012 = arith.extui %lt3A_2011 : i1 to i32
      %cond3A_2013 = arith.constant 0 : i32
      %cond3A_2014 = arith.cmpi ne, %convert_element_type3A_2012, %cond3A_2013 : i32
      scf.if %cond3A_2014 {
        %add3A_2109 = arith.constant 1 : i32
        %add3A_2110 = arith.addi %add3A_1975, %add3A_2109 : i32
        %mul3A_2111 = arith.constant 256 : i32
        %mul3A_2112 = arith.muli %add3A_2110, %mul3A_2111 : i32
        %add3A_2113 = arith.addi %mul3A_777, %mul3A_2112 : i32
        %sub3A_2114 = arith.constant 799744 : i32
        %sub3A_2115 = arith.subi %add3A_2113, %sub3A_2114 : i32
        %gt3A_2116 = arith.constant 0 : i32
        %gt3A_2117 = arith.cmpi sgt, %sub3A_2115, %gt3A_2116 : i32
        %add3A_2118 = arith.constant 256 : i32
        %add3A_2119 = arith.addi %sub3A_2115, %add3A_2118 : i32
        %sub3A_2120 = arith.constant 1 : i32
        %sub3A_2121 = arith.subi %add3A_2119, %sub3A_2120 : i32
        %jit3A_2122 = arith.constant 256 : i32
        %div3A_2123 = arith.divsi %sub3A_2121, %jit3A_2122 : i32
        %sign3A_2124 = arith.constant 0 : i32
        %sign3A_2125 = arith.cmpi sgt, %sub3A_2121, %sign3A_2124 : i32
        %sign3A_2126 = arith.extui %sign3A_2125 : i1 to i32
        %sign3A_2127 = arith.constant 0 : i32
        %sign3A_2128 = arith.cmpi slt, %sub3A_2121, %sign3A_2127 : i32
        %sign3A_2129 = arith.extui %sign3A_2128 : i1 to i32
        %sign3A_2130 = arith.subi %sign3A_2126, %sign3A_2129 : i32
        %sign3A_2131 = arith.constant 0 : i32
        %sign3A_2132 = arith.cmpi sgt, %jit3A_2122, %sign3A_2131 : i32
        %sign3A_2133 = arith.extui %sign3A_2132 : i1 to i32
        %sign3A_2134 = arith.constant 0 : i32
        %sign3A_2135 = arith.cmpi slt, %jit3A_2122, %sign3A_2134 : i32
        %sign3A_2136 = arith.extui %sign3A_2135 : i1 to i32
        %sign3A_2137 = arith.subi %sign3A_2133, %sign3A_2136 : i32
        %ne3A_2138 = arith.cmpi ne, %sign3A_2130, %sign3A_2137 : i32
        %rem3A_2139 = arith.remsi %sub3A_2121, %jit3A_2122 : i32
        %ne3A_2140 = arith.constant 0 : i32
        %ne3A_2141 = arith.cmpi ne, %rem3A_2139, %ne3A_2140 : i32
        %and3A_2142 = arith.andi %ne3A_2138, %ne3A_2141 : i1
        %sub3A_2143 = arith.constant 1 : i32
        %sub3A_2144 = arith.subi %div3A_2123, %sub3A_2143 : i32
        %select_n3A_2145 = arith.select %and3A_2142, %sub3A_2144, %div3A_2123 : i32
        %jit3A_2146 = arith.constant 16 : i32
        %eq3A_2147 = arith.constant 0 : i32
        %eq3A_2148 = arith.cmpi eq, %jit3A_2146, %eq3A_2147 : i32
        %jit3A_2149 = arith.constant 1 : i32
        %select_n3A_2150 = arith.select %eq3A_2148, %jit3A_2149, %jit3A_2146 : i32
        %rem3A_2151 = arith.remsi %select_n3A_2145, %select_n3A_2150 : i32
        %ne3A_2152 = arith.constant 0 : i32
        %ne3A_2153 = arith.cmpi ne, %rem3A_2151, %ne3A_2152 : i32
        %lt3A_2154 = arith.constant 0 : i32
        %lt3A_2155 = arith.cmpi slt, %rem3A_2151, %lt3A_2154 : i32
        %lt3A_2156 = arith.constant 0 : i32
        %lt3A_2157 = arith.cmpi slt, %select_n3A_2150, %lt3A_2156 : i32
        %ne3A_2158 = arith.xori %lt3A_2155, %lt3A_2157 : i1
        %and3A_2159 = arith.andi %ne3A_2158, %ne3A_2153 : i1
        %add3A_2160 = arith.addi %rem3A_2151, %select_n3A_2150 : i32
        %select_n3A_2161 = arith.select %and3A_2159, %add3A_2160, %rem3A_2151 : i32
        %jit3A_2162 = arith.constant 0 : i32
        %select_n3A_2163 = arith.select %gt3A_2117, %select_n3A_2161, %jit3A_2162 : i32
        %gt3A_2164 = arith.constant 0 : i32
        %gt3A_2165 = arith.cmpi sgt, %sub3A_2115, %gt3A_2164 : i32
        %mul3A_2166 = arith.constant 256 : i32
        %mul3A_2167 = arith.muli %select_n3A_2163, %mul3A_2166 : i32
        %sub3A_2168 = arith.constant 799744 : i32
        %sub3A_2169 = arith.subi %sub3A_2168, %mul3A_2167 : i32
        %select_n3A_2170 = arith.select %gt3A_2165, %sub3A_2169, %add3A_2113 : i32
        %add3A_2171 = arith.constant 0 : i32
        %add3A_2172 = arith.addi %add3A_2171, %select_n3A_2170 : i32
        %dma_wait3A_2173 = arith.constant 0 : i32
        %dma_wait3A_2174 = tpu.memref_slice %arg8[%dma_wait3A_2173] : memref<1024xi32, #tpu.memory_space<vmem>> -> memref<256xi32, #tpu.memory_space<vmem>>
        %dma_wait3A_2175 = tpu.memref_slice %arg3[%add3A_2172] : memref<1600000xi32, #tpu.memory_space<hbm>> -> memref<256xi32, #tpu.memory_space<hbm>>
        %dma_wait3A_2176 = arith.constant 0 : i32
        %dma_wait3A_2177 = tpu.memref_slice %arg8[%dma_wait3A_2176] : memref<1024xi32, #tpu.memory_space<vmem>> -> memref<256xi32, #tpu.memory_space<vmem>>
        %dma_wait3A_2178 = tpu.memref_slice %arg3[%add3A_2172] : memref<1600000xi32, #tpu.memory_space<hbm>> -> memref<256xi32, #tpu.memory_space<hbm>>
        tpu.wait_dma2 semaphore(%arg17 : memref<!tpu.dma_semaphore, #tpu.memory_space<semaphore_mem>>) src(%dma_wait3A_2178 : memref<256xi32, #tpu.memory_space<hbm>>) dst(%dma_wait3A_2177 : memref<256xi32, #tpu.memory_space<vmem>>)
        %add3A_2179 = arith.constant 800000 : i32
        %add3A_2180 = arith.addi %add3A_2179, %select_n3A_2170 : i32
        %dma_wait3A_2181 = arith.constant 256 : i32
        %dma_wait3A_2182 = tpu.memref_slice %arg8[%dma_wait3A_2181] : memref<1024xi32, #tpu.memory_space<vmem>> -> memref<256xi32, #tpu.memory_space<vmem>>
        %dma_wait3A_2183 = tpu.memref_slice %arg3[%add3A_2180] : memref<1600000xi32, #tpu.memory_space<hbm>> -> memref<256xi32, #tpu.memory_space<hbm>>
        %dma_wait3A_2184 = arith.constant 256 : i32
        %dma_wait3A_2185 = tpu.memref_slice %arg8[%dma_wait3A_2184] : memref<1024xi32, #tpu.memory_space<vmem>> -> memref<256xi32, #tpu.memory_space<vmem>>
        %dma_wait3A_2186 = tpu.memref_slice %arg3[%add3A_2180] : memref<1600000xi32, #tpu.memory_space<hbm>> -> memref<256xi32, #tpu.memory_space<hbm>>
        tpu.wait_dma2 semaphore(%arg17 : memref<!tpu.dma_semaphore, #tpu.memory_space<semaphore_mem>>) src(%dma_wait3A_2186 : memref<256xi32, #tpu.memory_space<hbm>>) dst(%dma_wait3A_2185 : memref<256xi32, #tpu.memory_space<vmem>>)
        %ge3A = arith.constant 2 : i32
        %ge3A_2187 = arith.cmpi sge, %add3A_1975, %ge3A : i32
        %convert_element_type3A_2188 = arith.extui %ge3A_2187 : i1 to i32
        %cond3A_2189 = arith.constant 0 : i32
        %cond3A_2190 = arith.cmpi ne, %convert_element_type3A_2188, %cond3A_2189 : i32
        scf.if %cond3A_2190 {
          %sub3A_2207 = arith.constant 2 : i32
          %sub3A_2208 = arith.subi %add3A_1975, %sub3A_2207 : i32
          %mul3A_2209 = arith.constant 256 : i32
          %mul3A_2210 = arith.muli %sub3A_2208, %mul3A_2209 : i32
          %add3A_2211 = arith.addi %mul3A_777, %mul3A_2210 : i32
          %sub3A_2212 = arith.constant 799744 : i32
          %sub3A_2213 = arith.subi %add3A_2211, %sub3A_2212 : i32
          %gt3A_2214 = arith.constant 0 : i32
          %gt3A_2215 = arith.cmpi sgt, %sub3A_2213, %gt3A_2214 : i32
          %add3A_2216 = arith.constant 256 : i32
          %add3A_2217 = arith.addi %sub3A_2213, %add3A_2216 : i32
          %sub3A_2218 = arith.constant 1 : i32
          %sub3A_2219 = arith.subi %add3A_2217, %sub3A_2218 : i32
          %jit3A_2220 = arith.constant 256 : i32
          %div3A_2221 = arith.divsi %sub3A_2219, %jit3A_2220 : i32
          %sign3A_2222 = arith.constant 0 : i32
          %sign3A_2223 = arith.cmpi sgt, %sub3A_2219, %sign3A_2222 : i32
          %sign3A_2224 = arith.extui %sign3A_2223 : i1 to i32
          %sign3A_2225 = arith.constant 0 : i32
          %sign3A_2226 = arith.cmpi slt, %sub3A_2219, %sign3A_2225 : i32
          %sign3A_2227 = arith.extui %sign3A_2226 : i1 to i32
          %sign3A_2228 = arith.subi %sign3A_2224, %sign3A_2227 : i32
          %sign3A_2229 = arith.constant 0 : i32
          %sign3A_2230 = arith.cmpi sgt, %jit3A_2220, %sign3A_2229 : i32
          %sign3A_2231 = arith.extui %sign3A_2230 : i1 to i32
          %sign3A_2232 = arith.constant 0 : i32
          %sign3A_2233 = arith.cmpi slt, %jit3A_2220, %sign3A_2232 : i32
          %sign3A_2234 = arith.extui %sign3A_2233 : i1 to i32
          %sign3A_2235 = arith.subi %sign3A_2231, %sign3A_2234 : i32
          %ne3A_2236 = arith.cmpi ne, %sign3A_2228, %sign3A_2235 : i32
          %rem3A_2237 = arith.remsi %sub3A_2219, %jit3A_2220 : i32
          %ne3A_2238 = arith.constant 0 : i32
          %ne3A_2239 = arith.cmpi ne, %rem3A_2237, %ne3A_2238 : i32
          %and3A_2240 = arith.andi %ne3A_2236, %ne3A_2239 : i1
          %sub3A_2241 = arith.constant 1 : i32
          %sub3A_2242 = arith.subi %div3A_2221, %sub3A_2241 : i32
          %select_n3A_2243 = arith.select %and3A_2240, %sub3A_2242, %div3A_2221 : i32
          %jit3A_2244 = arith.constant 16 : i32
          %eq3A_2245 = arith.constant 0 : i32
          %eq3A_2246 = arith.cmpi eq, %jit3A_2244, %eq3A_2245 : i32
          %jit3A_2247 = arith.constant 1 : i32
          %select_n3A_2248 = arith.select %eq3A_2246, %jit3A_2247, %jit3A_2244 : i32
          %rem3A_2249 = arith.remsi %select_n3A_2243, %select_n3A_2248 : i32
          %ne3A_2250 = arith.constant 0 : i32
          %ne3A_2251 = arith.cmpi ne, %rem3A_2249, %ne3A_2250 : i32
          %lt3A_2252 = arith.constant 0 : i32
          %lt3A_2253 = arith.cmpi slt, %rem3A_2249, %lt3A_2252 : i32
          %lt3A_2254 = arith.constant 0 : i32
          %lt3A_2255 = arith.cmpi slt, %select_n3A_2248, %lt3A_2254 : i32
          %ne3A_2256 = arith.xori %lt3A_2253, %lt3A_2255 : i1
          %and3A_2257 = arith.andi %ne3A_2256, %ne3A_2251 : i1
          %add3A_2258 = arith.addi %rem3A_2249, %select_n3A_2248 : i32
          %select_n3A_2259 = arith.select %and3A_2257, %add3A_2258, %rem3A_2249 : i32
          %jit3A_2260 = arith.constant 0 : i32
          %select_n3A_2261 = arith.select %gt3A_2215, %select_n3A_2259, %jit3A_2260 : i32
          %gt3A_2262 = arith.constant 0 : i32
          %gt3A_2263 = arith.cmpi sgt, %sub3A_2213, %gt3A_2262 : i32
          %mul3A_2264 = arith.constant 256 : i32
          %mul3A_2265 = arith.muli %select_n3A_2261, %mul3A_2264 : i32
          %sub3A_2266 = arith.constant 799744 : i32
          %sub3A_2267 = arith.subi %sub3A_2266, %mul3A_2265 : i32
          %select_n3A_2268 = arith.select %gt3A_2263, %sub3A_2267, %add3A_2211 : i32
          %dma_wait3A_2269 = arith.constant 0 : i32
          %dma_wait3A_2270 = arith.constant 0 : i32
          %dma_wait3A_2271 = tpu.memref_slice %arg11[%dma_wait3A_2269, %dma_wait3A_2270] : memref<256x128xf32, #tpu.memory_space<vmem>> -> memref<256x128xf32, #tpu.memory_space<vmem>>
          %dma_wait3A_2272 = arith.constant 0 : i32
          %dma_wait3A_2273 = tpu.memref_slice %arg7[%select_n3A_2268, %dma_wait3A_2272] : memref<800000x128xf32, #tpu.memory_space<hbm>> -> memref<256x128xf32, #tpu.memory_space<hbm>>
          %dma_wait3A_2274 = arith.constant 0 : i32
          %dma_wait3A_2275 = tpu.memref_slice %arg7[%select_n3A_2268, %dma_wait3A_2274] : memref<800000x128xf32, #tpu.memory_space<hbm>> -> memref<256x128xf32, #tpu.memory_space<hbm>>
          %dma_wait3A_2276 = arith.constant 0 : i32
          %dma_wait3A_2277 = arith.constant 0 : i32
          %dma_wait3A_2278 = tpu.memref_slice %arg11[%dma_wait3A_2276, %dma_wait3A_2277] : memref<256x128xf32, #tpu.memory_space<vmem>> -> memref<256x128xf32, #tpu.memory_space<vmem>>
          tpu.wait_dma2 semaphore(%arg20 : memref<!tpu.dma_semaphore, #tpu.memory_space<semaphore_mem>>) src(%dma_wait3A_2278 : memref<256x128xf32, #tpu.memory_space<vmem>>) dst(%dma_wait3A_2275 : memref<256x128xf32, #tpu.memory_space<hbm>>)
        } else {
        }
        %dma_start3A_2191 = arith.constant 0 : i32
        %dma_start3A_2192 = arith.constant 0 : i32
        %dma_start3A_2193 = tpu.memref_slice %arg11[%dma_start3A_2191, %dma_start3A_2192] : memref<256x128xf32, #tpu.memory_space<vmem>> -> memref<128x128xf32, #tpu.memory_space<vmem>>
        %dma_start3A_2194 = arith.constant 0 : i32
        %dma_start3A_2195 = tpu.memref_slice %arg8[%dma_start3A_2194] : memref<1024xi32, #tpu.memory_space<vmem>> -> memref<128xi32, #tpu.memory_space<vmem>>
        %dma_start3A_2196 = arith.constant 0 : i32
        %dma_start3A_2197 = arith.constant 0 : i32
        %dma_start3A_2198 = tpu.memref_slice %arg23[%dma_start3A_2196, %dma_start3A_2197] : memref<1000x128xf32, #tpu.memory_space<vmem_shared>> -> memref<1000x128xf32, #tpu.memory_space<vmem_shared>>
        tpu.enqueue_indirect_dma source(%dma_start3A_2198 : memref<1000x128xf32, #tpu.memory_space<vmem_shared>>) target(%dma_start3A_2193 : memref<128x128xf32, #tpu.memory_space<vmem>>) offsets(%dma_start3A_2195 : memref<128xi32, #tpu.memory_space<vmem>>) semaphore(%arg14 : memref<!tpu.dma_semaphore, #tpu.memory_space<semaphore_mem>>)
        %dma_start3A_2199 = arith.constant 128 : i32
        %dma_start3A_2200 = arith.constant 0 : i32
        %dma_start3A_2201 = tpu.memref_slice %arg11[%dma_start3A_2199, %dma_start3A_2200] : memref<256x128xf32, #tpu.memory_space<vmem>> -> memref<128x128xf32, #tpu.memory_space<vmem>>
        %dma_start3A_2202 = arith.constant 128 : i32
        %dma_start3A_2203 = tpu.memref_slice %arg8[%dma_start3A_2202] : memref<1024xi32, #tpu.memory_space<vmem>> -> memref<128xi32, #tpu.memory_space<vmem>>
        %dma_start3A_2204 = arith.constant 0 : i32
        %dma_start3A_2205 = arith.constant 0 : i32
        %dma_start3A_2206 = tpu.memref_slice %arg23[%dma_start3A_2204, %dma_start3A_2205] : memref<1000x128xf32, #tpu.memory_space<vmem_shared>> -> memref<1000x128xf32, #tpu.memory_space<vmem_shared>>
        tpu.enqueue_indirect_dma source(%dma_start3A_2206 : memref<1000x128xf32, #tpu.memory_space<vmem_shared>>) target(%dma_start3A_2201 : memref<128x128xf32, #tpu.memory_space<vmem>>) offsets(%dma_start3A_2203 : memref<128xi32, #tpu.memory_space<vmem>>) semaphore(%arg14 : memref<!tpu.dma_semaphore, #tpu.memory_space<semaphore_mem>>)
      } else {
      }
      %dma_wait3A_2015 = arith.constant 0 : i32
      %dma_wait3A_2016 = arith.constant 0 : i32
      %dma_wait3A_2017 = tpu.memref_slice %arg13[%dma_wait3A_2015, %dma_wait3A_2016] : memref<256x128xf32, #tpu.memory_space<vmem>> -> memref<128x128xf32, #tpu.memory_space<vmem>>
      %dma_wait3A_2018 = arith.constant 256 : i32
      %dma_wait3A_2019 = tpu.memref_slice %arg10[%dma_wait3A_2018] : memref<1024xi32, #tpu.memory_space<vmem>> -> memref<128xi32, #tpu.memory_space<vmem>>
      %dma_wait3A_2020 = arith.constant 0 : i32
      %dma_wait3A_2021 = arith.constant 0 : i32
      %dma_wait3A_2022 = tpu.memref_slice %arg23[%dma_wait3A_2020, %dma_wait3A_2021] : memref<1000x128xf32, #tpu.memory_space<vmem_shared>> -> memref<1000x128xf32, #tpu.memory_space<vmem_shared>>
      tpu.wait_indirect_dma semaphore(%arg16 : memref<!tpu.dma_semaphore, #tpu.memory_space<semaphore_mem>>) src(%dma_wait3A_2022 : memref<1000x128xf32, #tpu.memory_space<vmem_shared>>) dst(%dma_wait3A_2017 : memref<128x128xf32, #tpu.memory_space<vmem>>)
      %dma_wait3A_2023 = arith.constant 128 : i32
      %dma_wait3A_2024 = arith.constant 0 : i32
      %dma_wait3A_2025 = tpu.memref_slice %arg13[%dma_wait3A_2023, %dma_wait3A_2024] : memref<256x128xf32, #tpu.memory_space<vmem>> -> memref<128x128xf32, #tpu.memory_space<vmem>>
      %dma_wait3A_2026 = arith.constant 384 : i32
      %dma_wait3A_2027 = tpu.memref_slice %arg10[%dma_wait3A_2026] : memref<1024xi32, #tpu.memory_space<vmem>> -> memref<128xi32, #tpu.memory_space<vmem>>
      %dma_wait3A_2028 = arith.constant 0 : i32
      %dma_wait3A_2029 = arith.constant 0 : i32
      %dma_wait3A_2030 = tpu.memref_slice %arg23[%dma_wait3A_2028, %dma_wait3A_2029] : memref<1000x128xf32, #tpu.memory_space<vmem_shared>> -> memref<1000x128xf32, #tpu.memory_space<vmem_shared>>
      tpu.wait_indirect_dma semaphore(%arg16 : memref<!tpu.dma_semaphore, #tpu.memory_space<semaphore_mem>>) src(%dma_wait3A_2030 : memref<1000x128xf32, #tpu.memory_space<vmem_shared>>) dst(%dma_wait3A_2025 : memref<128x128xf32, #tpu.memory_space<vmem>>)
      %add3A_2031 = arith.constant 3 : i32
      %add3A_2032 = arith.addi %add3A_1975, %add3A_2031 : i32
      %lt3A_2033 = arith.constant 98 : i32
      %lt3A_2034 = arith.cmpi slt, %add3A_2032, %lt3A_2033 : i32
      %convert_element_type3A_2035 = arith.extui %lt3A_2034 : i1 to i32
      %cond3A_2036 = arith.constant 0 : i32
      %cond3A_2037 = arith.cmpi ne, %convert_element_type3A_2035, %cond3A_2036 : i32
      scf.if %cond3A_2037 {
        %add3A_2109 = arith.constant 3 : i32
        %add3A_2110 = arith.addi %add3A_1975, %add3A_2109 : i32
        %mul3A_2111 = arith.constant 256 : i32
        %mul3A_2112 = arith.muli %add3A_2110, %mul3A_2111 : i32
        %add3A_2113 = arith.addi %mul3A_777, %mul3A_2112 : i32
        %sub3A_2114 = arith.constant 799744 : i32
        %sub3A_2115 = arith.subi %add3A_2113, %sub3A_2114 : i32
        %gt3A_2116 = arith.constant 0 : i32
        %gt3A_2117 = arith.cmpi sgt, %sub3A_2115, %gt3A_2116 : i32
        %add3A_2118 = arith.constant 256 : i32
        %add3A_2119 = arith.addi %sub3A_2115, %add3A_2118 : i32
        %sub3A_2120 = arith.constant 1 : i32
        %sub3A_2121 = arith.subi %add3A_2119, %sub3A_2120 : i32
        %jit3A_2122 = arith.constant 256 : i32
        %div3A_2123 = arith.divsi %sub3A_2121, %jit3A_2122 : i32
        %sign3A_2124 = arith.constant 0 : i32
        %sign3A_2125 = arith.cmpi sgt, %sub3A_2121, %sign3A_2124 : i32
        %sign3A_2126 = arith.extui %sign3A_2125 : i1 to i32
        %sign3A_2127 = arith.constant 0 : i32
        %sign3A_2128 = arith.cmpi slt, %sub3A_2121, %sign3A_2127 : i32
        %sign3A_2129 = arith.extui %sign3A_2128 : i1 to i32
        %sign3A_2130 = arith.subi %sign3A_2126, %sign3A_2129 : i32
        %sign3A_2131 = arith.constant 0 : i32
        %sign3A_2132 = arith.cmpi sgt, %jit3A_2122, %sign3A_2131 : i32
        %sign3A_2133 = arith.extui %sign3A_2132 : i1 to i32
        %sign3A_2134 = arith.constant 0 : i32
        %sign3A_2135 = arith.cmpi slt, %jit3A_2122, %sign3A_2134 : i32
        %sign3A_2136 = arith.extui %sign3A_2135 : i1 to i32
        %sign3A_2137 = arith.subi %sign3A_2133, %sign3A_2136 : i32
        %ne3A_2138 = arith.cmpi ne, %sign3A_2130, %sign3A_2137 : i32
        %rem3A_2139 = arith.remsi %sub3A_2121, %jit3A_2122 : i32
        %ne3A_2140 = arith.constant 0 : i32
        %ne3A_2141 = arith.cmpi ne, %rem3A_2139, %ne3A_2140 : i32
        %and3A_2142 = arith.andi %ne3A_2138, %ne3A_2141 : i1
        %sub3A_2143 = arith.constant 1 : i32
        %sub3A_2144 = arith.subi %div3A_2123, %sub3A_2143 : i32
        %select_n3A_2145 = arith.select %and3A_2142, %sub3A_2144, %div3A_2123 : i32
        %jit3A_2146 = arith.constant 16 : i32
        %eq3A_2147 = arith.constant 0 : i32
        %eq3A_2148 = arith.cmpi eq, %jit3A_2146, %eq3A_2147 : i32
        %jit3A_2149 = arith.constant 1 : i32
        %select_n3A_2150 = arith.select %eq3A_2148, %jit3A_2149, %jit3A_2146 : i32
        %rem3A_2151 = arith.remsi %select_n3A_2145, %select_n3A_2150 : i32
        %ne3A_2152 = arith.constant 0 : i32
        %ne3A_2153 = arith.cmpi ne, %rem3A_2151, %ne3A_2152 : i32
        %lt3A_2154 = arith.constant 0 : i32
        %lt3A_2155 = arith.cmpi slt, %rem3A_2151, %lt3A_2154 : i32
        %lt3A_2156 = arith.constant 0 : i32
        %lt3A_2157 = arith.cmpi slt, %select_n3A_2150, %lt3A_2156 : i32
        %ne3A_2158 = arith.xori %lt3A_2155, %lt3A_2157 : i1
        %and3A_2159 = arith.andi %ne3A_2158, %ne3A_2153 : i1
        %add3A_2160 = arith.addi %rem3A_2151, %select_n3A_2150 : i32
        %select_n3A_2161 = arith.select %and3A_2159, %add3A_2160, %rem3A_2151 : i32
        %jit3A_2162 = arith.constant 0 : i32
        %select_n3A_2163 = arith.select %gt3A_2117, %select_n3A_2161, %jit3A_2162 : i32
        %gt3A_2164 = arith.constant 0 : i32
        %gt3A_2165 = arith.cmpi sgt, %sub3A_2115, %gt3A_2164 : i32
        %mul3A_2166 = arith.constant 256 : i32
        %mul3A_2167 = arith.muli %select_n3A_2163, %mul3A_2166 : i32
        %sub3A_2168 = arith.constant 799744 : i32
        %sub3A_2169 = arith.subi %sub3A_2168, %mul3A_2167 : i32
        %select_n3A_2170 = arith.select %gt3A_2165, %sub3A_2169, %add3A_2113 : i32
        %add3A_2171 = arith.constant 0 : i32
        %add3A_2172 = arith.addi %add3A_2171, %select_n3A_2170 : i32
        %dma_start3A_2173 = arith.constant 0 : i32
        %dma_start3A_2174 = tpu.memref_slice %arg10[%dma_start3A_2173] : memref<1024xi32, #tpu.memory_space<vmem>> -> memref<256xi32, #tpu.memory_space<vmem>>
        %dma_start3A_2175 = tpu.memref_slice %arg3[%add3A_2172] : memref<1600000xi32, #tpu.memory_space<hbm>> -> memref<256xi32, #tpu.memory_space<hbm>>
        %dma_start3A_2176 = arith.constant 0 : i32
        %dma_start3A_2177 = tpu.memref_slice %arg10[%dma_start3A_2176] : memref<1024xi32, #tpu.memory_space<vmem>> -> memref<256xi32, #tpu.memory_space<vmem>>
        %dma_start3A_2178 = tpu.memref_slice %arg3[%add3A_2172] : memref<1600000xi32, #tpu.memory_space<hbm>> -> memref<256xi32, #tpu.memory_space<hbm>>
        tpu.enqueue_dma source(%dma_start3A_2178 : memref<256xi32, #tpu.memory_space<hbm>>) target(%dma_start3A_2177 : memref<256xi32, #tpu.memory_space<vmem>>) target_semaphore(%arg19 : memref<!tpu.dma_semaphore, #tpu.memory_space<semaphore_mem>>)
        %add3A_2179 = arith.constant 800000 : i32
        %add3A_2180 = arith.addi %add3A_2179, %select_n3A_2170 : i32
        %dma_start3A_2181 = arith.constant 256 : i32
        %dma_start3A_2182 = tpu.memref_slice %arg10[%dma_start3A_2181] : memref<1024xi32, #tpu.memory_space<vmem>> -> memref<256xi32, #tpu.memory_space<vmem>>
        %dma_start3A_2183 = tpu.memref_slice %arg3[%add3A_2180] : memref<1600000xi32, #tpu.memory_space<hbm>> -> memref<256xi32, #tpu.memory_space<hbm>>
        %dma_start3A_2184 = arith.constant 256 : i32
        %dma_start3A_2185 = tpu.memref_slice %arg10[%dma_start3A_2184] : memref<1024xi32, #tpu.memory_space<vmem>> -> memref<256xi32, #tpu.memory_space<vmem>>
        %dma_start3A_2186 = tpu.memref_slice %arg3[%add3A_2180] : memref<1600000xi32, #tpu.memory_space<hbm>> -> memref<256xi32, #tpu.memory_space<hbm>>
        tpu.enqueue_dma source(%dma_start3A_2186 : memref<256xi32, #tpu.memory_space<hbm>>) target(%dma_start3A_2185 : memref<256xi32, #tpu.memory_space<vmem>>) target_semaphore(%arg19 : memref<!tpu.dma_semaphore, #tpu.memory_space<semaphore_mem>>)
      } else {
      }
      %mul3A_2038 = arith.constant 256 : i32
      %mul3A_2039 = arith.muli %add3A_1975, %mul3A_2038 : i32
      %add3A_2040 = arith.addi %mul3A_777, %mul3A_2039 : i32
      %sub3A_2041 = arith.constant 799744 : i32
      %sub3A_2042 = arith.subi %add3A_2040, %sub3A_2041 : i32
      %gt3A_2043 = arith.constant 0 : i32
      %gt3A_2044 = arith.cmpi sgt, %sub3A_2042, %gt3A_2043 : i32
      %add3A_2045 = arith.constant 256 : i32
      %add3A_2046 = arith.addi %sub3A_2042, %add3A_2045 : i32
      %sub3A_2047 = arith.constant 1 : i32
      %sub3A_2048 = arith.subi %add3A_2046, %sub3A_2047 : i32
      %jit3A_2049 = arith.constant 256 : i32
      %div3A_2050 = arith.divsi %sub3A_2048, %jit3A_2049 : i32
      %sign3A_2051 = arith.constant 0 : i32
      %sign3A_2052 = arith.cmpi sgt, %sub3A_2048, %sign3A_2051 : i32
      %sign3A_2053 = arith.extui %sign3A_2052 : i1 to i32
      %sign3A_2054 = arith.constant 0 : i32
      %sign3A_2055 = arith.cmpi slt, %sub3A_2048, %sign3A_2054 : i32
      %sign3A_2056 = arith.extui %sign3A_2055 : i1 to i32
      %sign3A_2057 = arith.subi %sign3A_2053, %sign3A_2056 : i32
      %sign3A_2058 = arith.constant 0 : i32
      %sign3A_2059 = arith.cmpi sgt, %jit3A_2049, %sign3A_2058 : i32
      %sign3A_2060 = arith.extui %sign3A_2059 : i1 to i32
      %sign3A_2061 = arith.constant 0 : i32
      %sign3A_2062 = arith.cmpi slt, %jit3A_2049, %sign3A_2061 : i32
      %sign3A_2063 = arith.extui %sign3A_2062 : i1 to i32
      %sign3A_2064 = arith.subi %sign3A_2060, %sign3A_2063 : i32
      %ne3A_2065 = arith.cmpi ne, %sign3A_2057, %sign3A_2064 : i32
      %rem3A_2066 = arith.remsi %sub3A_2048, %jit3A_2049 : i32
      %ne3A_2067 = arith.constant 0 : i32
      %ne3A_2068 = arith.cmpi ne, %rem3A_2066, %ne3A_2067 : i32
      %and3A_2069 = arith.andi %ne3A_2065, %ne3A_2068 : i1
      %sub3A_2070 = arith.constant 1 : i32
      %sub3A_2071 = arith.subi %div3A_2050, %sub3A_2070 : i32
      %select_n3A_2072 = arith.select %and3A_2069, %sub3A_2071, %div3A_2050 : i32
      %jit3A_2073 = arith.constant 16 : i32
      %eq3A_2074 = arith.constant 0 : i32
      %eq3A_2075 = arith.cmpi eq, %jit3A_2073, %eq3A_2074 : i32
      %jit3A_2076 = arith.constant 1 : i32
      %select_n3A_2077 = arith.select %eq3A_2075, %jit3A_2076, %jit3A_2073 : i32
      %rem3A_2078 = arith.remsi %select_n3A_2072, %select_n3A_2077 : i32
      %ne3A_2079 = arith.constant 0 : i32
      %ne3A_2080 = arith.cmpi ne, %rem3A_2078, %ne3A_2079 : i32
      %lt3A_2081 = arith.constant 0 : i32
      %lt3A_2082 = arith.cmpi slt, %rem3A_2078, %lt3A_2081 : i32
      %lt3A_2083 = arith.constant 0 : i32
      %lt3A_2084 = arith.cmpi slt, %select_n3A_2077, %lt3A_2083 : i32
      %ne3A_2085 = arith.xori %lt3A_2082, %lt3A_2084 : i1
      %and3A_2086 = arith.andi %ne3A_2085, %ne3A_2080 : i1
      %add3A_2087 = arith.addi %rem3A_2078, %select_n3A_2077 : i32
      %select_n3A_2088 = arith.select %and3A_2086, %add3A_2087, %rem3A_2078 : i32
      %jit3A_2089 = arith.constant 0 : i32
      %select_n3A_2090 = arith.select %gt3A_2044, %select_n3A_2088, %jit3A_2089 : i32
      %gt3A_2091 = arith.constant 0 : i32
      %gt3A_2092 = arith.cmpi sgt, %sub3A_2042, %gt3A_2091 : i32
      %mul3A_2093 = arith.constant 256 : i32
      %mul3A_2094 = arith.muli %select_n3A_2090, %mul3A_2093 : i32
      %sub3A_2095 = arith.constant 799744 : i32
      %sub3A_2096 = arith.subi %sub3A_2095, %mul3A_2094 : i32
      %select_n3A_2097 = arith.select %gt3A_2092, %sub3A_2096, %add3A_2040 : i32
      %dma_start3A_2098 = arith.constant 0 : i32
      %dma_start3A_2099 = arith.constant 0 : i32
      %dma_start3A_2100 = tpu.memref_slice %arg13[%dma_start3A_2098, %dma_start3A_2099] : memref<256x128xf32, #tpu.memory_space<vmem>> -> memref<256x128xf32, #tpu.memory_space<vmem>>
      %dma_start3A_2101 = arith.constant 0 : i32
      %dma_start3A_2102 = tpu.memref_slice %arg7[%select_n3A_2097, %dma_start3A_2101] : memref<800000x128xf32, #tpu.memory_space<hbm>> -> memref<256x128xf32, #tpu.memory_space<hbm>>
      %dma_start3A_2103 = arith.constant 0 : i32
      %dma_start3A_2104 = tpu.memref_slice %arg7[%select_n3A_2097, %dma_start3A_2103] : memref<800000x128xf32, #tpu.memory_space<hbm>> -> memref<256x128xf32, #tpu.memory_space<hbm>>
      %dma_start3A_2105 = arith.constant 0 : i32
      %dma_start3A_2106 = arith.constant 0 : i32
      %dma_start3A_2107 = tpu.memref_slice %arg13[%dma_start3A_2105, %dma_start3A_2106] : memref<256x128xf32, #tpu.memory_space<vmem>> -> memref<256x128xf32, #tpu.memory_space<vmem>>
      tpu.enqueue_dma source(%dma_start3A_2107 : memref<256x128xf32, #tpu.memory_space<vmem>>) target(%dma_start3A_2104 : memref<256x128xf32, #tpu.memory_space<hbm>>) target_semaphore(%arg22 : memref<!tpu.dma_semaphore, #tpu.memory_space<semaphore_mem>>)
      %scan3A_2108 = arith.constant 0 : i32
      scf.yield %scan3A_2108 : i32
    }
    %scan3A_1100 = arith.constant 32 : i32
    %dma_wait3A_1101 = arith.constant 0 : i32
    %dma_wait3A_1102 = arith.constant 0 : i32
    %dma_wait3A_1103 = tpu.memref_slice %arg11[%dma_wait3A_1101, %dma_wait3A_1102] : memref<256x128xf32, #tpu.memory_space<vmem>> -> memref<128x128xf32, #tpu.memory_space<vmem>>
    %dma_wait3A_1104 = arith.constant 0 : i32
    %dma_wait3A_1105 = tpu.memref_slice %arg8[%dma_wait3A_1104] : memref<1024xi32, #tpu.memory_space<vmem>> -> memref<128xi32, #tpu.memory_space<vmem>>
    %dma_wait3A_1106 = arith.constant 0 : i32
    %dma_wait3A_1107 = arith.constant 0 : i32
    %dma_wait3A_1108 = tpu.memref_slice %arg23[%dma_wait3A_1106, %dma_wait3A_1107] : memref<1000x128xf32, #tpu.memory_space<vmem_shared>> -> memref<1000x128xf32, #tpu.memory_space<vmem_shared>>
    tpu.wait_indirect_dma semaphore(%arg14 : memref<!tpu.dma_semaphore, #tpu.memory_space<semaphore_mem>>) src(%dma_wait3A_1108 : memref<1000x128xf32, #tpu.memory_space<vmem_shared>>) dst(%dma_wait3A_1103 : memref<128x128xf32, #tpu.memory_space<vmem>>)
    %dma_wait3A_1109 = arith.constant 128 : i32
    %dma_wait3A_1110 = arith.constant 0 : i32
    %dma_wait3A_1111 = tpu.memref_slice %arg11[%dma_wait3A_1109, %dma_wait3A_1110] : memref<256x128xf32, #tpu.memory_space<vmem>> -> memref<128x128xf32, #tpu.memory_space<vmem>>
    %dma_wait3A_1112 = arith.constant 128 : i32
    %dma_wait3A_1113 = tpu.memref_slice %arg8[%dma_wait3A_1112] : memref<1024xi32, #tpu.memory_space<vmem>> -> memref<128xi32, #tpu.memory_space<vmem>>
    %dma_wait3A_1114 = arith.constant 0 : i32
    %dma_wait3A_1115 = arith.constant 0 : i32
    %dma_wait3A_1116 = tpu.memref_slice %arg23[%dma_wait3A_1114, %dma_wait3A_1115] : memref<1000x128xf32, #tpu.memory_space<vmem_shared>> -> memref<1000x128xf32, #tpu.memory_space<vmem_shared>>
    tpu.wait_indirect_dma semaphore(%arg14 : memref<!tpu.dma_semaphore, #tpu.memory_space<semaphore_mem>>) src(%dma_wait3A_1116 : memref<1000x128xf32, #tpu.memory_space<vmem_shared>>) dst(%dma_wait3A_1111 : memref<128x128xf32, #tpu.memory_space<vmem>>)
    %dma_start3A_1117 = arith.constant 0 : i32
    %dma_start3A_1118 = arith.constant 0 : i32
    %dma_start3A_1119 = tpu.memref_slice %arg11[%dma_start3A_1117, %dma_start3A_1118] : memref<256x128xf32, #tpu.memory_space<vmem>> -> memref<128x128xf32, #tpu.memory_space<vmem>>
    %dma_start3A_1120 = arith.constant 256 : i32
    %dma_start3A_1121 = tpu.memref_slice %arg8[%dma_start3A_1120] : memref<1024xi32, #tpu.memory_space<vmem>> -> memref<128xi32, #tpu.memory_space<vmem>>
    %dma_start3A_1122 = arith.constant 0 : i32
    %dma_start3A_1123 = arith.constant 0 : i32
    %dma_start3A_1124 = tpu.memref_slice %arg23[%dma_start3A_1122, %dma_start3A_1123] : memref<1000x128xf32, #tpu.memory_space<vmem_shared>> -> memref<1000x128xf32, #tpu.memory_space<vmem_shared>>
    tpu.enqueue_indirect_dma source(%dma_start3A_1124 : memref<1000x128xf32, #tpu.memory_space<vmem_shared>>) target(%dma_start3A_1119 : memref<128x128xf32, #tpu.memory_space<vmem>>) offsets(%dma_start3A_1121 : memref<128xi32, #tpu.memory_space<vmem>>) semaphore(%arg14 : memref<!tpu.dma_semaphore, #tpu.memory_space<semaphore_mem>>) {add = true}
    %dma_start3A_1125 = arith.constant 128 : i32
    %dma_start3A_1126 = arith.constant 0 : i32
    %dma_start3A_1127 = tpu.memref_slice %arg11[%dma_start3A_1125, %dma_start3A_1126] : memref<256x128xf32, #tpu.memory_space<vmem>> -> memref<128x128xf32, #tpu.memory_space<vmem>>
    %dma_start3A_1128 = arith.constant 384 : i32
    %dma_start3A_1129 = tpu.memref_slice %arg8[%dma_start3A_1128] : memref<1024xi32, #tpu.memory_space<vmem>> -> memref<128xi32, #tpu.memory_space<vmem>>
    %dma_start3A_1130 = arith.constant 0 : i32
    %dma_start3A_1131 = arith.constant 0 : i32
    %dma_start3A_1132 = tpu.memref_slice %arg23[%dma_start3A_1130, %dma_start3A_1131] : memref<1000x128xf32, #tpu.memory_space<vmem_shared>> -> memref<1000x128xf32, #tpu.memory_space<vmem_shared>>
    tpu.enqueue_indirect_dma source(%dma_start3A_1132 : memref<1000x128xf32, #tpu.memory_space<vmem_shared>>) target(%dma_start3A_1127 : memref<128x128xf32, #tpu.memory_space<vmem>>) offsets(%dma_start3A_1129 : memref<128xi32, #tpu.memory_space<vmem>>) semaphore(%arg14 : memref<!tpu.dma_semaphore, #tpu.memory_space<semaphore_mem>>) {add = true}
    %add3A_1133 = arith.constant 24832 : i32
    %add3A_1134 = arith.addi %mul3A_777, %add3A_1133 : i32
    %sub3A_1135 = arith.constant 799744 : i32
    %sub3A_1136 = arith.subi %add3A_1134, %sub3A_1135 : i32
    %gt3A_1137 = arith.constant 0 : i32
    %gt3A_1138 = arith.cmpi sgt, %sub3A_1136, %gt3A_1137 : i32
    %add3A_1139 = arith.constant 256 : i32
    %add3A_1140 = arith.addi %sub3A_1136, %add3A_1139 : i32
    %sub3A_1141 = arith.constant 1 : i32
    %sub3A_1142 = arith.subi %add3A_1140, %sub3A_1141 : i32
    %jit3A_1143 = arith.constant 256 : i32
    %div3A_1144 = arith.divsi %sub3A_1142, %jit3A_1143 : i32
    %sign3A_1145 = arith.constant 0 : i32
    %sign3A_1146 = arith.cmpi sgt, %sub3A_1142, %sign3A_1145 : i32
    %sign3A_1147 = arith.extui %sign3A_1146 : i1 to i32
    %sign3A_1148 = arith.constant 0 : i32
    %sign3A_1149 = arith.cmpi slt, %sub3A_1142, %sign3A_1148 : i32
    %sign3A_1150 = arith.extui %sign3A_1149 : i1 to i32
    %sign3A_1151 = arith.subi %sign3A_1147, %sign3A_1150 : i32
    %sign3A_1152 = arith.constant 0 : i32
    %sign3A_1153 = arith.cmpi sgt, %jit3A_1143, %sign3A_1152 : i32
    %sign3A_1154 = arith.extui %sign3A_1153 : i1 to i32
    %sign3A_1155 = arith.constant 0 : i32
    %sign3A_1156 = arith.cmpi slt, %jit3A_1143, %sign3A_1155 : i32
    %sign3A_1157 = arith.extui %sign3A_1156 : i1 to i32
    %sign3A_1158 = arith.subi %sign3A_1154, %sign3A_1157 : i32
    %ne3A_1159 = arith.cmpi ne, %sign3A_1151, %sign3A_1158 : i32
    %rem3A_1160 = arith.remsi %sub3A_1142, %jit3A_1143 : i32
    %ne3A_1161 = arith.constant 0 : i32
    %ne3A_1162 = arith.cmpi ne, %rem3A_1160, %ne3A_1161 : i32
    %and3A_1163 = arith.andi %ne3A_1159, %ne3A_1162 : i1
    %sub3A_1164 = arith.constant 1 : i32
    %sub3A_1165 = arith.subi %div3A_1144, %sub3A_1164 : i32
    %select_n3A_1166 = arith.select %and3A_1163, %sub3A_1165, %div3A_1144 : i32
    %jit3A_1167 = arith.constant 16 : i32
    %eq3A_1168 = arith.constant 0 : i32
    %eq3A_1169 = arith.cmpi eq, %jit3A_1167, %eq3A_1168 : i32
    %jit3A_1170 = arith.constant 1 : i32
    %select_n3A_1171 = arith.select %eq3A_1169, %jit3A_1170, %jit3A_1167 : i32
    %rem3A_1172 = arith.remsi %select_n3A_1166, %select_n3A_1171 : i32
    %ne3A_1173 = arith.constant 0 : i32
    %ne3A_1174 = arith.cmpi ne, %rem3A_1172, %ne3A_1173 : i32
    %lt3A_1175 = arith.constant 0 : i32
    %lt3A_1176 = arith.cmpi slt, %rem3A_1172, %lt3A_1175 : i32
    %lt3A_1177 = arith.constant 0 : i32
    %lt3A_1178 = arith.cmpi slt, %select_n3A_1171, %lt3A_1177 : i32
    %ne3A_1179 = arith.xori %lt3A_1176, %lt3A_1178 : i1
    %and3A_1180 = arith.andi %ne3A_1179, %ne3A_1174 : i1
    %add3A_1181 = arith.addi %rem3A_1172, %select_n3A_1171 : i32
    %select_n3A_1182 = arith.select %and3A_1180, %add3A_1181, %rem3A_1172 : i32
    %jit3A_1183 = arith.constant 0 : i32
    %select_n3A_1184 = arith.select %gt3A_1138, %select_n3A_1182, %jit3A_1183 : i32
    %gt3A_1185 = arith.constant 0 : i32
    %gt3A_1186 = arith.cmpi sgt, %sub3A_1136, %gt3A_1185 : i32
    %mul3A_1187 = arith.constant 256 : i32
    %mul3A_1188 = arith.muli %select_n3A_1184, %mul3A_1187 : i32
    %sub3A_1189 = arith.constant 799744 : i32
    %sub3A_1190 = arith.subi %sub3A_1189, %mul3A_1188 : i32
    %select_n3A_1191 = arith.select %gt3A_1186, %sub3A_1190, %add3A_1134 : i32
    %add3A_1192 = arith.constant 0 : i32
    %add3A_1193 = arith.addi %add3A_1192, %select_n3A_1191 : i32
    %dma_wait3A_1194 = arith.constant 0 : i32
    %dma_wait3A_1195 = tpu.memref_slice %arg9[%dma_wait3A_1194] : memref<1024xi32, #tpu.memory_space<vmem>> -> memref<256xi32, #tpu.memory_space<vmem>>
    %dma_wait3A_1196 = tpu.memref_slice %arg3[%add3A_1193] : memref<1600000xi32, #tpu.memory_space<hbm>> -> memref<256xi32, #tpu.memory_space<hbm>>
    %dma_wait3A_1197 = arith.constant 0 : i32
    %dma_wait3A_1198 = tpu.memref_slice %arg9[%dma_wait3A_1197] : memref<1024xi32, #tpu.memory_space<vmem>> -> memref<256xi32, #tpu.memory_space<vmem>>
    %dma_wait3A_1199 = tpu.memref_slice %arg3[%add3A_1193] : memref<1600000xi32, #tpu.memory_space<hbm>> -> memref<256xi32, #tpu.memory_space<hbm>>
    tpu.wait_dma2 semaphore(%arg18 : memref<!tpu.dma_semaphore, #tpu.memory_space<semaphore_mem>>) src(%dma_wait3A_1199 : memref<256xi32, #tpu.memory_space<hbm>>) dst(%dma_wait3A_1198 : memref<256xi32, #tpu.memory_space<vmem>>)
    %add3A_1200 = arith.constant 800000 : i32
    %add3A_1201 = arith.addi %add3A_1200, %select_n3A_1191 : i32
    %dma_wait3A_1202 = arith.constant 256 : i32
    %dma_wait3A_1203 = tpu.memref_slice %arg9[%dma_wait3A_1202] : memref<1024xi32, #tpu.memory_space<vmem>> -> memref<256xi32, #tpu.memory_space<vmem>>
    %dma_wait3A_1204 = tpu.memref_slice %arg3[%add3A_1201] : memref<1600000xi32, #tpu.memory_space<hbm>> -> memref<256xi32, #tpu.memory_space<hbm>>
    %dma_wait3A_1205 = arith.constant 256 : i32
    %dma_wait3A_1206 = tpu.memref_slice %arg9[%dma_wait3A_1205] : memref<1024xi32, #tpu.memory_space<vmem>> -> memref<256xi32, #tpu.memory_space<vmem>>
    %dma_wait3A_1207 = tpu.memref_slice %arg3[%add3A_1201] : memref<1600000xi32, #tpu.memory_space<hbm>> -> memref<256xi32, #tpu.memory_space<hbm>>
    tpu.wait_dma2 semaphore(%arg18 : memref<!tpu.dma_semaphore, #tpu.memory_space<semaphore_mem>>) src(%dma_wait3A_1207 : memref<256xi32, #tpu.memory_space<hbm>>) dst(%dma_wait3A_1206 : memref<256xi32, #tpu.memory_space<vmem>>)
    %add3A_1208 = arith.constant 24064 : i32
    %add3A_1209 = arith.addi %mul3A_777, %add3A_1208 : i32
    %sub3A_1210 = arith.constant 799744 : i32
    %sub3A_1211 = arith.subi %add3A_1209, %sub3A_1210 : i32
    %gt3A_1212 = arith.constant 0 : i32
    %gt3A_1213 = arith.cmpi sgt, %sub3A_1211, %gt3A_1212 : i32
    %add3A_1214 = arith.constant 256 : i32
    %add3A_1215 = arith.addi %sub3A_1211, %add3A_1214 : i32
    %sub3A_1216 = arith.constant 1 : i32
    %sub3A_1217 = arith.subi %add3A_1215, %sub3A_1216 : i32
    %jit3A_1218 = arith.constant 256 : i32
    %div3A_1219 = arith.divsi %sub3A_1217, %jit3A_1218 : i32
    %sign3A_1220 = arith.constant 0 : i32
    %sign3A_1221 = arith.cmpi sgt, %sub3A_1217, %sign3A_1220 : i32
    %sign3A_1222 = arith.extui %sign3A_1221 : i1 to i32
    %sign3A_1223 = arith.constant 0 : i32
    %sign3A_1224 = arith.cmpi slt, %sub3A_1217, %sign3A_1223 : i32
    %sign3A_1225 = arith.extui %sign3A_1224 : i1 to i32
    %sign3A_1226 = arith.subi %sign3A_1222, %sign3A_1225 : i32
    %sign3A_1227 = arith.constant 0 : i32
    %sign3A_1228 = arith.cmpi sgt, %jit3A_1218, %sign3A_1227 : i32
    %sign3A_1229 = arith.extui %sign3A_1228 : i1 to i32
    %sign3A_1230 = arith.constant 0 : i32
    %sign3A_1231 = arith.cmpi slt, %jit3A_1218, %sign3A_1230 : i32
    %sign3A_1232 = arith.extui %sign3A_1231 : i1 to i32
    %sign3A_1233 = arith.subi %sign3A_1229, %sign3A_1232 : i32
    %ne3A_1234 = arith.cmpi ne, %sign3A_1226, %sign3A_1233 : i32
    %rem3A_1235 = arith.remsi %sub3A_1217, %jit3A_1218 : i32
    %ne3A_1236 = arith.constant 0 : i32
    %ne3A_1237 = arith.cmpi ne, %rem3A_1235, %ne3A_1236 : i32
    %and3A_1238 = arith.andi %ne3A_1234, %ne3A_1237 : i1
    %sub3A_1239 = arith.constant 1 : i32
    %sub3A_1240 = arith.subi %div3A_1219, %sub3A_1239 : i32
    %select_n3A_1241 = arith.select %and3A_1238, %sub3A_1240, %div3A_1219 : i32
    %jit3A_1242 = arith.constant 16 : i32
    %eq3A_1243 = arith.constant 0 : i32
    %eq3A_1244 = arith.cmpi eq, %jit3A_1242, %eq3A_1243 : i32
    %jit3A_1245 = arith.constant 1 : i32
    %select_n3A_1246 = arith.select %eq3A_1244, %jit3A_1245, %jit3A_1242 : i32
    %rem3A_1247 = arith.remsi %select_n3A_1241, %select_n3A_1246 : i32
    %ne3A_1248 = arith.constant 0 : i32
    %ne3A_1249 = arith.cmpi ne, %rem3A_1247, %ne3A_1248 : i32
    %lt3A_1250 = arith.constant 0 : i32
    %lt3A_1251 = arith.cmpi slt, %rem3A_1247, %lt3A_1250 : i32
    %lt3A_1252 = arith.constant 0 : i32
    %lt3A_1253 = arith.cmpi slt, %select_n3A_1246, %lt3A_1252 : i32
    %ne3A_1254 = arith.xori %lt3A_1251, %lt3A_1253 : i1
    %and3A_1255 = arith.andi %ne3A_1254, %ne3A_1249 : i1
    %add3A_1256 = arith.addi %rem3A_1247, %select_n3A_1246 : i32
    %select_n3A_1257 = arith.select %and3A_1255, %add3A_1256, %rem3A_1247 : i32
    %jit3A_1258 = arith.constant 0 : i32
    %select_n3A_1259 = arith.select %gt3A_1213, %select_n3A_1257, %jit3A_1258 : i32
    %gt3A_1260 = arith.constant 0 : i32
    %gt3A_1261 = arith.cmpi sgt, %sub3A_1211, %gt3A_1260 : i32
    %mul3A_1262 = arith.constant 256 : i32
    %mul3A_1263 = arith.muli %select_n3A_1259, %mul3A_1262 : i32
    %sub3A_1264 = arith.constant 799744 : i32
    %sub3A_1265 = arith.subi %sub3A_1264, %mul3A_1263 : i32
    %select_n3A_1266 = arith.select %gt3A_1261, %sub3A_1265, %add3A_1209 : i32
    %dma_wait3A_1267 = arith.constant 0 : i32
    %dma_wait3A_1268 = arith.constant 0 : i32
    %dma_wait3A_1269 = tpu.memref_slice %arg12[%dma_wait3A_1267, %dma_wait3A_1268] : memref<256x128xf32, #tpu.memory_space<vmem>> -> memref<256x128xf32, #tpu.memory_space<vmem>>
    %dma_wait3A_1270 = arith.constant 0 : i32
    %dma_wait3A_1271 = tpu.memref_slice %arg7[%select_n3A_1266, %dma_wait3A_1270] : memref<800000x128xf32, #tpu.memory_space<hbm>> -> memref<256x128xf32, #tpu.memory_space<hbm>>
    %dma_wait3A_1272 = arith.constant 0 : i32
    %dma_wait3A_1273 = tpu.memref_slice %arg7[%select_n3A_1266, %dma_wait3A_1272] : memref<800000x128xf32, #tpu.memory_space<hbm>> -> memref<256x128xf32, #tpu.memory_space<hbm>>
    %dma_wait3A_1274 = arith.constant 0 : i32
    %dma_wait3A_1275 = arith.constant 0 : i32
    %dma_wait3A_1276 = tpu.memref_slice %arg12[%dma_wait3A_1274, %dma_wait3A_1275] : memref<256x128xf32, #tpu.memory_space<vmem>> -> memref<256x128xf32, #tpu.memory_space<vmem>>
    tpu.wait_dma2 semaphore(%arg21 : memref<!tpu.dma_semaphore, #tpu.memory_space<semaphore_mem>>) src(%dma_wait3A_1276 : memref<256x128xf32, #tpu.memory_space<vmem>>) dst(%dma_wait3A_1273 : memref<256x128xf32, #tpu.memory_space<hbm>>)
    %dma_start3A_1277 = arith.constant 0 : i32
    %dma_start3A_1278 = arith.constant 0 : i32
    %dma_start3A_1279 = tpu.memref_slice %arg12[%dma_start3A_1277, %dma_start3A_1278] : memref<256x128xf32, #tpu.memory_space<vmem>> -> memref<128x128xf32, #tpu.memory_space<vmem>>
    %dma_start3A_1280 = arith.constant 0 : i32
    %dma_start3A_1281 = tpu.memref_slice %arg9[%dma_start3A_1280] : memref<1024xi32, #tpu.memory_space<vmem>> -> memref<128xi32, #tpu.memory_space<vmem>>
    %dma_start3A_1282 = arith.constant 0 : i32
    %dma_start3A_1283 = arith.constant 0 : i32
    %dma_start3A_1284 = tpu.memref_slice %arg23[%dma_start3A_1282, %dma_start3A_1283] : memref<1000x128xf32, #tpu.memory_space<vmem_shared>> -> memref<1000x128xf32, #tpu.memory_space<vmem_shared>>
    tpu.enqueue_indirect_dma source(%dma_start3A_1284 : memref<1000x128xf32, #tpu.memory_space<vmem_shared>>) target(%dma_start3A_1279 : memref<128x128xf32, #tpu.memory_space<vmem>>) offsets(%dma_start3A_1281 : memref<128xi32, #tpu.memory_space<vmem>>) semaphore(%arg15 : memref<!tpu.dma_semaphore, #tpu.memory_space<semaphore_mem>>)
    %dma_start3A_1285 = arith.constant 128 : i32
    %dma_start3A_1286 = arith.constant 0 : i32
    %dma_start3A_1287 = tpu.memref_slice %arg12[%dma_start3A_1285, %dma_start3A_1286] : memref<256x128xf32, #tpu.memory_space<vmem>> -> memref<128x128xf32, #tpu.memory_space<vmem>>
    %dma_start3A_1288 = arith.constant 128 : i32
    %dma_start3A_1289 = tpu.memref_slice %arg9[%dma_start3A_1288] : memref<1024xi32, #tpu.memory_space<vmem>> -> memref<128xi32, #tpu.memory_space<vmem>>
    %dma_start3A_1290 = arith.constant 0 : i32
    %dma_start3A_1291 = arith.constant 0 : i32
    %dma_start3A_1292 = tpu.memref_slice %arg23[%dma_start3A_1290, %dma_start3A_1291] : memref<1000x128xf32, #tpu.memory_space<vmem_shared>> -> memref<1000x128xf32, #tpu.memory_space<vmem_shared>>
    tpu.enqueue_indirect_dma source(%dma_start3A_1292 : memref<1000x128xf32, #tpu.memory_space<vmem_shared>>) target(%dma_start3A_1287 : memref<128x128xf32, #tpu.memory_space<vmem>>) offsets(%dma_start3A_1289 : memref<128xi32, #tpu.memory_space<vmem>>) semaphore(%arg15 : memref<!tpu.dma_semaphore, #tpu.memory_space<semaphore_mem>>)
    %dma_wait3A_1293 = arith.constant 0 : i32
    %dma_wait3A_1294 = arith.constant 0 : i32
    %dma_wait3A_1295 = tpu.memref_slice %arg11[%dma_wait3A_1293, %dma_wait3A_1294] : memref<256x128xf32, #tpu.memory_space<vmem>> -> memref<128x128xf32, #tpu.memory_space<vmem>>
    %dma_wait3A_1296 = arith.constant 256 : i32
    %dma_wait3A_1297 = tpu.memref_slice %arg8[%dma_wait3A_1296] : memref<1024xi32, #tpu.memory_space<vmem>> -> memref<128xi32, #tpu.memory_space<vmem>>
    %dma_wait3A_1298 = arith.constant 0 : i32
    %dma_wait3A_1299 = arith.constant 0 : i32
    %dma_wait3A_1300 = tpu.memref_slice %arg23[%dma_wait3A_1298, %dma_wait3A_1299] : memref<1000x128xf32, #tpu.memory_space<vmem_shared>> -> memref<1000x128xf32, #tpu.memory_space<vmem_shared>>
    tpu.wait_indirect_dma semaphore(%arg14 : memref<!tpu.dma_semaphore, #tpu.memory_space<semaphore_mem>>) src(%dma_wait3A_1300 : memref<1000x128xf32, #tpu.memory_space<vmem_shared>>) dst(%dma_wait3A_1295 : memref<128x128xf32, #tpu.memory_space<vmem>>)
    %dma_wait3A_1301 = arith.constant 128 : i32
    %dma_wait3A_1302 = arith.constant 0 : i32
    %dma_wait3A_1303 = tpu.memref_slice %arg11[%dma_wait3A_1301, %dma_wait3A_1302] : memref<256x128xf32, #tpu.memory_space<vmem>> -> memref<128x128xf32, #tpu.memory_space<vmem>>
    %dma_wait3A_1304 = arith.constant 384 : i32
    %dma_wait3A_1305 = tpu.memref_slice %arg8[%dma_wait3A_1304] : memref<1024xi32, #tpu.memory_space<vmem>> -> memref<128xi32, #tpu.memory_space<vmem>>
    %dma_wait3A_1306 = arith.constant 0 : i32
    %dma_wait3A_1307 = arith.constant 0 : i32
    %dma_wait3A_1308 = tpu.memref_slice %arg23[%dma_wait3A_1306, %dma_wait3A_1307] : memref<1000x128xf32, #tpu.memory_space<vmem_shared>> -> memref<1000x128xf32, #tpu.memory_space<vmem_shared>>
    tpu.wait_indirect_dma semaphore(%arg14 : memref<!tpu.dma_semaphore, #tpu.memory_space<semaphore_mem>>) src(%dma_wait3A_1308 : memref<1000x128xf32, #tpu.memory_space<vmem_shared>>) dst(%dma_wait3A_1303 : memref<128x128xf32, #tpu.memory_space<vmem>>)
    %add3A_1309 = arith.constant 24576 : i32
    %add3A_1310 = arith.addi %mul3A_777, %add3A_1309 : i32
    %sub3A_1311 = arith.constant 799744 : i32
    %sub3A_1312 = arith.subi %add3A_1310, %sub3A_1311 : i32
    %gt3A_1313 = arith.constant 0 : i32
    %gt3A_1314 = arith.cmpi sgt, %sub3A_1312, %gt3A_1313 : i32
    %add3A_1315 = arith.constant 256 : i32
    %add3A_1316 = arith.addi %sub3A_1312, %add3A_1315 : i32
    %sub3A_1317 = arith.constant 1 : i32
    %sub3A_1318 = arith.subi %add3A_1316, %sub3A_1317 : i32
    %jit3A_1319 = arith.constant 256 : i32
    %div3A_1320 = arith.divsi %sub3A_1318, %jit3A_1319 : i32
    %sign3A_1321 = arith.constant 0 : i32
    %sign3A_1322 = arith.cmpi sgt, %sub3A_1318, %sign3A_1321 : i32
    %sign3A_1323 = arith.extui %sign3A_1322 : i1 to i32
    %sign3A_1324 = arith.constant 0 : i32
    %sign3A_1325 = arith.cmpi slt, %sub3A_1318, %sign3A_1324 : i32
    %sign3A_1326 = arith.extui %sign3A_1325 : i1 to i32
    %sign3A_1327 = arith.subi %sign3A_1323, %sign3A_1326 : i32
    %sign3A_1328 = arith.constant 0 : i32
    %sign3A_1329 = arith.cmpi sgt, %jit3A_1319, %sign3A_1328 : i32
    %sign3A_1330 = arith.extui %sign3A_1329 : i1 to i32
    %sign3A_1331 = arith.constant 0 : i32
    %sign3A_1332 = arith.cmpi slt, %jit3A_1319, %sign3A_1331 : i32
    %sign3A_1333 = arith.extui %sign3A_1332 : i1 to i32
    %sign3A_1334 = arith.subi %sign3A_1330, %sign3A_1333 : i32
    %ne3A_1335 = arith.cmpi ne, %sign3A_1327, %sign3A_1334 : i32
    %rem3A_1336 = arith.remsi %sub3A_1318, %jit3A_1319 : i32
    %ne3A_1337 = arith.constant 0 : i32
    %ne3A_1338 = arith.cmpi ne, %rem3A_1336, %ne3A_1337 : i32
    %and3A_1339 = arith.andi %ne3A_1335, %ne3A_1338 : i1
    %sub3A_1340 = arith.constant 1 : i32
    %sub3A_1341 = arith.subi %div3A_1320, %sub3A_1340 : i32
    %select_n3A_1342 = arith.select %and3A_1339, %sub3A_1341, %div3A_1320 : i32
    %jit3A_1343 = arith.constant 16 : i32
    %eq3A_1344 = arith.constant 0 : i32
    %eq3A_1345 = arith.cmpi eq, %jit3A_1343, %eq3A_1344 : i32
    %jit3A_1346 = arith.constant 1 : i32
    %select_n3A_1347 = arith.select %eq3A_1345, %jit3A_1346, %jit3A_1343 : i32
    %rem3A_1348 = arith.remsi %select_n3A_1342, %select_n3A_1347 : i32
    %ne3A_1349 = arith.constant 0 : i32
    %ne3A_1350 = arith.cmpi ne, %rem3A_1348, %ne3A_1349 : i32
    %lt3A_1351 = arith.constant 0 : i32
    %lt3A_1352 = arith.cmpi slt, %rem3A_1348, %lt3A_1351 : i32
    %lt3A_1353 = arith.constant 0 : i32
    %lt3A_1354 = arith.cmpi slt, %select_n3A_1347, %lt3A_1353 : i32
    %ne3A_1355 = arith.xori %lt3A_1352, %lt3A_1354 : i1
    %and3A_1356 = arith.andi %ne3A_1355, %ne3A_1350 : i1
    %add3A_1357 = arith.addi %rem3A_1348, %select_n3A_1347 : i32
    %select_n3A_1358 = arith.select %and3A_1356, %add3A_1357, %rem3A_1348 : i32
    %jit3A_1359 = arith.constant 0 : i32
    %select_n3A_1360 = arith.select %gt3A_1314, %select_n3A_1358, %jit3A_1359 : i32
    %gt3A_1361 = arith.constant 0 : i32
    %gt3A_1362 = arith.cmpi sgt, %sub3A_1312, %gt3A_1361 : i32
    %mul3A_1363 = arith.constant 256 : i32
    %mul3A_1364 = arith.muli %select_n3A_1360, %mul3A_1363 : i32
    %sub3A_1365 = arith.constant 799744 : i32
    %sub3A_1366 = arith.subi %sub3A_1365, %mul3A_1364 : i32
    %select_n3A_1367 = arith.select %gt3A_1362, %sub3A_1366, %add3A_1310 : i32
    %dma_start3A_1368 = arith.constant 0 : i32
    %dma_start3A_1369 = arith.constant 0 : i32
    %dma_start3A_1370 = tpu.memref_slice %arg11[%dma_start3A_1368, %dma_start3A_1369] : memref<256x128xf32, #tpu.memory_space<vmem>> -> memref<256x128xf32, #tpu.memory_space<vmem>>
    %dma_start3A_1371 = arith.constant 0 : i32
    %dma_start3A_1372 = tpu.memref_slice %arg7[%select_n3A_1367, %dma_start3A_1371] : memref<800000x128xf32, #tpu.memory_space<hbm>> -> memref<256x128xf32, #tpu.memory_space<hbm>>
    %dma_start3A_1373 = arith.constant 0 : i32
    %dma_start3A_1374 = tpu.memref_slice %arg7[%select_n3A_1367, %dma_start3A_1373] : memref<800000x128xf32, #tpu.memory_space<hbm>> -> memref<256x128xf32, #tpu.memory_space<hbm>>
    %dma_start3A_1375 = arith.constant 0 : i32
    %dma_start3A_1376 = arith.constant 0 : i32
    %dma_start3A_1377 = tpu.memref_slice %arg11[%dma_start3A_1375, %dma_start3A_1376] : memref<256x128xf32, #tpu.memory_space<vmem>> -> memref<256x128xf32, #tpu.memory_space<vmem>>
    tpu.enqueue_dma source(%dma_start3A_1377 : memref<256x128xf32, #tpu.memory_space<vmem>>) target(%dma_start3A_1374 : memref<256x128xf32, #tpu.memory_space<hbm>>) target_semaphore(%arg20 : memref<!tpu.dma_semaphore, #tpu.memory_space<semaphore_mem>>)
    %dma_wait3A_1378 = arith.constant 0 : i32
    %dma_wait3A_1379 = arith.constant 0 : i32
    %dma_wait3A_1380 = tpu.memref_slice %arg12[%dma_wait3A_1378, %dma_wait3A_1379] : memref<256x128xf32, #tpu.memory_space<vmem>> -> memref<128x128xf32, #tpu.memory_space<vmem>>
    %dma_wait3A_1381 = arith.constant 0 : i32
    %dma_wait3A_1382 = tpu.memref_slice %arg9[%dma_wait3A_1381] : memref<1024xi32, #tpu.memory_space<vmem>> -> memref<128xi32, #tpu.memory_space<vmem>>
    %dma_wait3A_1383 = arith.constant 0 : i32
    %dma_wait3A_1384 = arith.constant 0 : i32
    %dma_wait3A_1385 = tpu.memref_slice %arg23[%dma_wait3A_1383, %dma_wait3A_1384] : memref<1000x128xf32, #tpu.memory_space<vmem_shared>> -> memref<1000x128xf32, #tpu.memory_space<vmem_shared>>
    tpu.wait_indirect_dma semaphore(%arg15 : memref<!tpu.dma_semaphore, #tpu.memory_space<semaphore_mem>>) src(%dma_wait3A_1385 : memref<1000x128xf32, #tpu.memory_space<vmem_shared>>) dst(%dma_wait3A_1380 : memref<128x128xf32, #tpu.memory_space<vmem>>)
    %dma_wait3A_1386 = arith.constant 128 : i32
    %dma_wait3A_1387 = arith.constant 0 : i32
    %dma_wait3A_1388 = tpu.memref_slice %arg12[%dma_wait3A_1386, %dma_wait3A_1387] : memref<256x128xf32, #tpu.memory_space<vmem>> -> memref<128x128xf32, #tpu.memory_space<vmem>>
    %dma_wait3A_1389 = arith.constant 128 : i32
    %dma_wait3A_1390 = tpu.memref_slice %arg9[%dma_wait3A_1389] : memref<1024xi32, #tpu.memory_space<vmem>> -> memref<128xi32, #tpu.memory_space<vmem>>
    %dma_wait3A_1391 = arith.constant 0 : i32
    %dma_wait3A_1392 = arith.constant 0 : i32
    %dma_wait3A_1393 = tpu.memref_slice %arg23[%dma_wait3A_1391, %dma_wait3A_1392] : memref<1000x128xf32, #tpu.memory_space<vmem_shared>> -> memref<1000x128xf32, #tpu.memory_space<vmem_shared>>
    tpu.wait_indirect_dma semaphore(%arg15 : memref<!tpu.dma_semaphore, #tpu.memory_space<semaphore_mem>>) src(%dma_wait3A_1393 : memref<1000x128xf32, #tpu.memory_space<vmem_shared>>) dst(%dma_wait3A_1388 : memref<128x128xf32, #tpu.memory_space<vmem>>)
    %dma_start3A_1394 = arith.constant 0 : i32
    %dma_start3A_1395 = arith.constant 0 : i32
    %dma_start3A_1396 = tpu.memref_slice %arg12[%dma_start3A_1394, %dma_start3A_1395] : memref<256x128xf32, #tpu.memory_space<vmem>> -> memref<128x128xf32, #tpu.memory_space<vmem>>
    %dma_start3A_1397 = arith.constant 256 : i32
    %dma_start3A_1398 = tpu.memref_slice %arg9[%dma_start3A_1397] : memref<1024xi32, #tpu.memory_space<vmem>> -> memref<128xi32, #tpu.memory_space<vmem>>
    %dma_start3A_1399 = arith.constant 0 : i32
    %dma_start3A_1400 = arith.constant 0 : i32
    %dma_start3A_1401 = tpu.memref_slice %arg23[%dma_start3A_1399, %dma_start3A_1400] : memref<1000x128xf32, #tpu.memory_space<vmem_shared>> -> memref<1000x128xf32, #tpu.memory_space<vmem_shared>>
    tpu.enqueue_indirect_dma source(%dma_start3A_1401 : memref<1000x128xf32, #tpu.memory_space<vmem_shared>>) target(%dma_start3A_1396 : memref<128x128xf32, #tpu.memory_space<vmem>>) offsets(%dma_start3A_1398 : memref<128xi32, #tpu.memory_space<vmem>>) semaphore(%arg15 : memref<!tpu.dma_semaphore, #tpu.memory_space<semaphore_mem>>) {add = true}
    %dma_start3A_1402 = arith.constant 128 : i32
    %dma_start3A_1403 = arith.constant 0 : i32
    %dma_start3A_1404 = tpu.memref_slice %arg12[%dma_start3A_1402, %dma_start3A_1403] : memref<256x128xf32, #tpu.memory_space<vmem>> -> memref<128x128xf32, #tpu.memory_space<vmem>>
    %dma_start3A_1405 = arith.constant 384 : i32
    %dma_start3A_1406 = tpu.memref_slice %arg9[%dma_start3A_1405] : memref<1024xi32, #tpu.memory_space<vmem>> -> memref<128xi32, #tpu.memory_space<vmem>>
    %dma_start3A_1407 = arith.constant 0 : i32
    %dma_start3A_1408 = arith.constant 0 : i32
    %dma_start3A_1409 = tpu.memref_slice %arg23[%dma_start3A_1407, %dma_start3A_1408] : memref<1000x128xf32, #tpu.memory_space<vmem_shared>> -> memref<1000x128xf32, #tpu.memory_space<vmem_shared>>
    tpu.enqueue_indirect_dma source(%dma_start3A_1409 : memref<1000x128xf32, #tpu.memory_space<vmem_shared>>) target(%dma_start3A_1404 : memref<128x128xf32, #tpu.memory_space<vmem>>) offsets(%dma_start3A_1406 : memref<128xi32, #tpu.memory_space<vmem>>) semaphore(%arg15 : memref<!tpu.dma_semaphore, #tpu.memory_space<semaphore_mem>>) {add = true}
    %dma_wait3A_1410 = arith.constant 0 : i32
    %dma_wait3A_1411 = arith.constant 0 : i32
    %dma_wait3A_1412 = tpu.memref_slice %arg12[%dma_wait3A_1410, %dma_wait3A_1411] : memref<256x128xf32, #tpu.memory_space<vmem>> -> memref<128x128xf32, #tpu.memory_space<vmem>>
    %dma_wait3A_1413 = arith.constant 256 : i32
    %dma_wait3A_1414 = tpu.memref_slice %arg9[%dma_wait3A_1413] : memref<1024xi32, #tpu.memory_space<vmem>> -> memref<128xi32, #tpu.memory_space<vmem>>
    %dma_wait3A_1415 = arith.constant 0 : i32
    %dma_wait3A_1416 = arith.constant 0 : i32
    %dma_wait3A_1417 = tpu.memref_slice %arg23[%dma_wait3A_1415, %dma_wait3A_1416] : memref<1000x128xf32, #tpu.memory_space<vmem_shared>> -> memref<1000x128xf32, #tpu.memory_space<vmem_shared>>
    tpu.wait_indirect_dma semaphore(%arg15 : memref<!tpu.dma_semaphore, #tpu.memory_space<semaphore_mem>>) src(%dma_wait3A_1417 : memref<1000x128xf32, #tpu.memory_space<vmem_shared>>) dst(%dma_wait3A_1412 : memref<128x128xf32, #tpu.memory_space<vmem>>)
    %dma_wait3A_1418 = arith.constant 128 : i32
    %dma_wait3A_1419 = arith.constant 0 : i32
    %dma_wait3A_1420 = tpu.memref_slice %arg12[%dma_wait3A_1418, %dma_wait3A_1419] : memref<256x128xf32, #tpu.memory_space<vmem>> -> memref<128x128xf32, #tpu.memory_space<vmem>>
    %dma_wait3A_1421 = arith.constant 384 : i32
    %dma_wait3A_1422 = tpu.memref_slice %arg9[%dma_wait3A_1421] : memref<1024xi32, #tpu.memory_space<vmem>> -> memref<128xi32, #tpu.memory_space<vmem>>
    %dma_wait3A_1423 = arith.constant 0 : i32
    %dma_wait3A_1424 = arith.constant 0 : i32
    %dma_wait3A_1425 = tpu.memref_slice %arg23[%dma_wait3A_1423, %dma_wait3A_1424] : memref<1000x128xf32, #tpu.memory_space<vmem_shared>> -> memref<1000x128xf32, #tpu.memory_space<vmem_shared>>
    tpu.wait_indirect_dma semaphore(%arg15 : memref<!tpu.dma_semaphore, #tpu.memory_space<semaphore_mem>>) src(%dma_wait3A_1425 : memref<1000x128xf32, #tpu.memory_space<vmem_shared>>) dst(%dma_wait3A_1420 : memref<128x128xf32, #tpu.memory_space<vmem>>)
    %add3A_1426 = arith.constant 24832 : i32
    %add3A_1427 = arith.addi %mul3A_777, %add3A_1426 : i32
    %sub3A_1428 = arith.constant 799744 : i32
    %sub3A_1429 = arith.subi %add3A_1427, %sub3A_1428 : i32
    %gt3A_1430 = arith.constant 0 : i32
    %gt3A_1431 = arith.cmpi sgt, %sub3A_1429, %gt3A_1430 : i32
    %add3A_1432 = arith.constant 256 : i32
    %add3A_1433 = arith.addi %sub3A_1429, %add3A_1432 : i32
    %sub3A_1434 = arith.constant 1 : i32
    %sub3A_1435 = arith.subi %add3A_1433, %sub3A_1434 : i32
    %jit3A_1436 = arith.constant 256 : i32
    %div3A_1437 = arith.divsi %sub3A_1435, %jit3A_1436 : i32
    %sign3A_1438 = arith.constant 0 : i32
    %sign3A_1439 = arith.cmpi sgt, %sub3A_1435, %sign3A_1438 : i32
    %sign3A_1440 = arith.extui %sign3A_1439 : i1 to i32
    %sign3A_1441 = arith.constant 0 : i32
    %sign3A_1442 = arith.cmpi slt, %sub3A_1435, %sign3A_1441 : i32
    %sign3A_1443 = arith.extui %sign3A_1442 : i1 to i32
    %sign3A_1444 = arith.subi %sign3A_1440, %sign3A_1443 : i32
    %sign3A_1445 = arith.constant 0 : i32
    %sign3A_1446 = arith.cmpi sgt, %jit3A_1436, %sign3A_1445 : i32
    %sign3A_1447 = arith.extui %sign3A_1446 : i1 to i32
    %sign3A_1448 = arith.constant 0 : i32
    %sign3A_1449 = arith.cmpi slt, %jit3A_1436, %sign3A_1448 : i32
    %sign3A_1450 = arith.extui %sign3A_1449 : i1 to i32
    %sign3A_1451 = arith.subi %sign3A_1447, %sign3A_1450 : i32
    %ne3A_1452 = arith.cmpi ne, %sign3A_1444, %sign3A_1451 : i32
    %rem3A_1453 = arith.remsi %sub3A_1435, %jit3A_1436 : i32
    %ne3A_1454 = arith.constant 0 : i32
    %ne3A_1455 = arith.cmpi ne, %rem3A_1453, %ne3A_1454 : i32
    %and3A_1456 = arith.andi %ne3A_1452, %ne3A_1455 : i1
    %sub3A_1457 = arith.constant 1 : i32
    %sub3A_1458 = arith.subi %div3A_1437, %sub3A_1457 : i32
    %select_n3A_1459 = arith.select %and3A_1456, %sub3A_1458, %div3A_1437 : i32
    %jit3A_1460 = arith.constant 16 : i32
    %eq3A_1461 = arith.constant 0 : i32
    %eq3A_1462 = arith.cmpi eq, %jit3A_1460, %eq3A_1461 : i32
    %jit3A_1463 = arith.constant 1 : i32
    %select_n3A_1464 = arith.select %eq3A_1462, %jit3A_1463, %jit3A_1460 : i32
    %rem3A_1465 = arith.remsi %select_n3A_1459, %select_n3A_1464 : i32
    %ne3A_1466 = arith.constant 0 : i32
    %ne3A_1467 = arith.cmpi ne, %rem3A_1465, %ne3A_1466 : i32
    %lt3A_1468 = arith.constant 0 : i32
    %lt3A_1469 = arith.cmpi slt, %rem3A_1465, %lt3A_1468 : i32
    %lt3A_1470 = arith.constant 0 : i32
    %lt3A_1471 = arith.cmpi slt, %select_n3A_1464, %lt3A_1470 : i32
    %ne3A_1472 = arith.xori %lt3A_1469, %lt3A_1471 : i1
    %and3A_1473 = arith.andi %ne3A_1472, %ne3A_1467 : i1
    %add3A_1474 = arith.addi %rem3A_1465, %select_n3A_1464 : i32
    %select_n3A_1475 = arith.select %and3A_1473, %add3A_1474, %rem3A_1465 : i32
    %jit3A_1476 = arith.constant 0 : i32
    %select_n3A_1477 = arith.select %gt3A_1431, %select_n3A_1475, %jit3A_1476 : i32
    %gt3A_1478 = arith.constant 0 : i32
    %gt3A_1479 = arith.cmpi sgt, %sub3A_1429, %gt3A_1478 : i32
    %mul3A_1480 = arith.constant 256 : i32
    %mul3A_1481 = arith.muli %select_n3A_1477, %mul3A_1480 : i32
    %sub3A_1482 = arith.constant 799744 : i32
    %sub3A_1483 = arith.subi %sub3A_1482, %mul3A_1481 : i32
    %select_n3A_1484 = arith.select %gt3A_1479, %sub3A_1483, %add3A_1427 : i32
    %dma_start3A_1485 = arith.constant 0 : i32
    %dma_start3A_1486 = arith.constant 0 : i32
    %dma_start3A_1487 = tpu.memref_slice %arg12[%dma_start3A_1485, %dma_start3A_1486] : memref<256x128xf32, #tpu.memory_space<vmem>> -> memref<256x128xf32, #tpu.memory_space<vmem>>
    %dma_start3A_1488 = arith.constant 0 : i32
    %dma_start3A_1489 = tpu.memref_slice %arg7[%select_n3A_1484, %dma_start3A_1488] : memref<800000x128xf32, #tpu.memory_space<hbm>> -> memref<256x128xf32, #tpu.memory_space<hbm>>
    %dma_start3A_1490 = arith.constant 0 : i32
    %dma_start3A_1491 = tpu.memref_slice %arg7[%select_n3A_1484, %dma_start3A_1490] : memref<800000x128xf32, #tpu.memory_space<hbm>> -> memref<256x128xf32, #tpu.memory_space<hbm>>
    %dma_start3A_1492 = arith.constant 0 : i32
    %dma_start3A_1493 = arith.constant 0 : i32
    %dma_start3A_1494 = tpu.memref_slice %arg12[%dma_start3A_1492, %dma_start3A_1493] : memref<256x128xf32, #tpu.memory_space<vmem>> -> memref<256x128xf32, #tpu.memory_space<vmem>>
    tpu.enqueue_dma source(%dma_start3A_1494 : memref<256x128xf32, #tpu.memory_space<vmem>>) target(%dma_start3A_1491 : memref<256x128xf32, #tpu.memory_space<hbm>>) target_semaphore(%arg21 : memref<!tpu.dma_semaphore, #tpu.memory_space<semaphore_mem>>)
    %add3A_1495 = arith.constant 24320 : i32
    %add3A_1496 = arith.addi %mul3A_777, %add3A_1495 : i32
    %sub3A_1497 = arith.constant 799744 : i32
    %sub3A_1498 = arith.subi %add3A_1496, %sub3A_1497 : i32
    %gt3A_1499 = arith.constant 0 : i32
    %gt3A_1500 = arith.cmpi sgt, %sub3A_1498, %gt3A_1499 : i32
    %add3A_1501 = arith.constant 256 : i32
    %add3A_1502 = arith.addi %sub3A_1498, %add3A_1501 : i32
    %sub3A_1503 = arith.constant 1 : i32
    %sub3A_1504 = arith.subi %add3A_1502, %sub3A_1503 : i32
    %jit3A_1505 = arith.constant 256 : i32
    %div3A_1506 = arith.divsi %sub3A_1504, %jit3A_1505 : i32
    %sign3A_1507 = arith.constant 0 : i32
    %sign3A_1508 = arith.cmpi sgt, %sub3A_1504, %sign3A_1507 : i32
    %sign3A_1509 = arith.extui %sign3A_1508 : i1 to i32
    %sign3A_1510 = arith.constant 0 : i32
    %sign3A_1511 = arith.cmpi slt, %sub3A_1504, %sign3A_1510 : i32
    %sign3A_1512 = arith.extui %sign3A_1511 : i1 to i32
    %sign3A_1513 = arith.subi %sign3A_1509, %sign3A_1512 : i32
    %sign3A_1514 = arith.constant 0 : i32
    %sign3A_1515 = arith.cmpi sgt, %jit3A_1505, %sign3A_1514 : i32
    %sign3A_1516 = arith.extui %sign3A_1515 : i1 to i32
    %sign3A_1517 = arith.constant 0 : i32
    %sign3A_1518 = arith.cmpi slt, %jit3A_1505, %sign3A_1517 : i32
    %sign3A_1519 = arith.extui %sign3A_1518 : i1 to i32
    %sign3A_1520 = arith.subi %sign3A_1516, %sign3A_1519 : i32
    %ne3A_1521 = arith.cmpi ne, %sign3A_1513, %sign3A_1520 : i32
    %rem3A_1522 = arith.remsi %sub3A_1504, %jit3A_1505 : i32
    %ne3A_1523 = arith.constant 0 : i32
    %ne3A_1524 = arith.cmpi ne, %rem3A_1522, %ne3A_1523 : i32
    %and3A_1525 = arith.andi %ne3A_1521, %ne3A_1524 : i1
    %sub3A_1526 = arith.constant 1 : i32
    %sub3A_1527 = arith.subi %div3A_1506, %sub3A_1526 : i32
    %select_n3A_1528 = arith.select %and3A_1525, %sub3A_1527, %div3A_1506 : i32
    %jit3A_1529 = arith.constant 16 : i32
    %eq3A_1530 = arith.constant 0 : i32
    %eq3A_1531 = arith.cmpi eq, %jit3A_1529, %eq3A_1530 : i32
    %jit3A_1532 = arith.constant 1 : i32
    %select_n3A_1533 = arith.select %eq3A_1531, %jit3A_1532, %jit3A_1529 : i32
    %rem3A_1534 = arith.remsi %select_n3A_1528, %select_n3A_1533 : i32
    %ne3A_1535 = arith.constant 0 : i32
    %ne3A_1536 = arith.cmpi ne, %rem3A_1534, %ne3A_1535 : i32
    %lt3A_1537 = arith.constant 0 : i32
    %lt3A_1538 = arith.cmpi slt, %rem3A_1534, %lt3A_1537 : i32
    %lt3A_1539 = arith.constant 0 : i32
    %lt3A_1540 = arith.cmpi slt, %select_n3A_1533, %lt3A_1539 : i32
    %ne3A_1541 = arith.xori %lt3A_1538, %lt3A_1540 : i1
    %and3A_1542 = arith.andi %ne3A_1541, %ne3A_1536 : i1
    %add3A_1543 = arith.addi %rem3A_1534, %select_n3A_1533 : i32
    %select_n3A_1544 = arith.select %and3A_1542, %add3A_1543, %rem3A_1534 : i32
    %jit3A_1545 = arith.constant 0 : i32
    %select_n3A_1546 = arith.select %gt3A_1500, %select_n3A_1544, %jit3A_1545 : i32
    %gt3A_1547 = arith.constant 0 : i32
    %gt3A_1548 = arith.cmpi sgt, %sub3A_1498, %gt3A_1547 : i32
    %mul3A_1549 = arith.constant 256 : i32
    %mul3A_1550 = arith.muli %select_n3A_1546, %mul3A_1549 : i32
    %sub3A_1551 = arith.constant 799744 : i32
    %sub3A_1552 = arith.subi %sub3A_1551, %mul3A_1550 : i32
    %select_n3A_1553 = arith.select %gt3A_1548, %sub3A_1552, %add3A_1496 : i32
    %dma_wait3A_1554 = arith.constant 0 : i32
    %dma_wait3A_1555 = arith.constant 0 : i32
    %dma_wait3A_1556 = tpu.memref_slice %arg13[%dma_wait3A_1554, %dma_wait3A_1555] : memref<256x128xf32, #tpu.memory_space<vmem>> -> memref<256x128xf32, #tpu.memory_space<vmem>>
    %dma_wait3A_1557 = arith.constant 0 : i32
    %dma_wait3A_1558 = tpu.memref_slice %arg7[%select_n3A_1553, %dma_wait3A_1557] : memref<800000x128xf32, #tpu.memory_space<hbm>> -> memref<256x128xf32, #tpu.memory_space<hbm>>
    %dma_wait3A_1559 = arith.constant 0 : i32
    %dma_wait3A_1560 = tpu.memref_slice %arg7[%select_n3A_1553, %dma_wait3A_1559] : memref<800000x128xf32, #tpu.memory_space<hbm>> -> memref<256x128xf32, #tpu.memory_space<hbm>>
    %dma_wait3A_1561 = arith.constant 0 : i32
    %dma_wait3A_1562 = arith.constant 0 : i32
    %dma_wait3A_1563 = tpu.memref_slice %arg13[%dma_wait3A_1561, %dma_wait3A_1562] : memref<256x128xf32, #tpu.memory_space<vmem>> -> memref<256x128xf32, #tpu.memory_space<vmem>>
    tpu.wait_dma2 semaphore(%arg22 : memref<!tpu.dma_semaphore, #tpu.memory_space<semaphore_mem>>) src(%dma_wait3A_1563 : memref<256x128xf32, #tpu.memory_space<vmem>>) dst(%dma_wait3A_1560 : memref<256x128xf32, #tpu.memory_space<hbm>>)
    %add3A_1564 = arith.constant 24576 : i32
    %add3A_1565 = arith.addi %mul3A_777, %add3A_1564 : i32
    %sub3A_1566 = arith.constant 799744 : i32
    %sub3A_1567 = arith.subi %add3A_1565, %sub3A_1566 : i32
    %gt3A_1568 = arith.constant 0 : i32
    %gt3A_1569 = arith.cmpi sgt, %sub3A_1567, %gt3A_1568 : i32
    %add3A_1570 = arith.constant 256 : i32
    %add3A_1571 = arith.addi %sub3A_1567, %add3A_1570 : i32
    %sub3A_1572 = arith.constant 1 : i32
    %sub3A_1573 = arith.subi %add3A_1571, %sub3A_1572 : i32
    %jit3A_1574 = arith.constant 256 : i32
    %div3A_1575 = arith.divsi %sub3A_1573, %jit3A_1574 : i32
    %sign3A_1576 = arith.constant 0 : i32
    %sign3A_1577 = arith.cmpi sgt, %sub3A_1573, %sign3A_1576 : i32
    %sign3A_1578 = arith.extui %sign3A_1577 : i1 to i32
    %sign3A_1579 = arith.constant 0 : i32
    %sign3A_1580 = arith.cmpi slt, %sub3A_1573, %sign3A_1579 : i32
    %sign3A_1581 = arith.extui %sign3A_1580 : i1 to i32
    %sign3A_1582 = arith.subi %sign3A_1578, %sign3A_1581 : i32
    %sign3A_1583 = arith.constant 0 : i32
    %sign3A_1584 = arith.cmpi sgt, %jit3A_1574, %sign3A_1583 : i32
    %sign3A_1585 = arith.extui %sign3A_1584 : i1 to i32
    %sign3A_1586 = arith.constant 0 : i32
    %sign3A_1587 = arith.cmpi slt, %jit3A_1574, %sign3A_1586 : i32
    %sign3A_1588 = arith.extui %sign3A_1587 : i1 to i32
    %sign3A_1589 = arith.subi %sign3A_1585, %sign3A_1588 : i32
    %ne3A_1590 = arith.cmpi ne, %sign3A_1582, %sign3A_1589 : i32
    %rem3A_1591 = arith.remsi %sub3A_1573, %jit3A_1574 : i32
    %ne3A_1592 = arith.constant 0 : i32
    %ne3A_1593 = arith.cmpi ne, %rem3A_1591, %ne3A_1592 : i32
    %and3A_1594 = arith.andi %ne3A_1590, %ne3A_1593 : i1
    %sub3A_1595 = arith.constant 1 : i32
    %sub3A_1596 = arith.subi %div3A_1575, %sub3A_1595 : i32
    %select_n3A_1597 = arith.select %and3A_1594, %sub3A_1596, %div3A_1575 : i32
    %jit3A_1598 = arith.constant 16 : i32
    %eq3A_1599 = arith.constant 0 : i32
    %eq3A_1600 = arith.cmpi eq, %jit3A_1598, %eq3A_1599 : i32
    %jit3A_1601 = arith.constant 1 : i32
    %select_n3A_1602 = arith.select %eq3A_1600, %jit3A_1601, %jit3A_1598 : i32
    %rem3A_1603 = arith.remsi %select_n3A_1597, %select_n3A_1602 : i32
    %ne3A_1604 = arith.constant 0 : i32
    %ne3A_1605 = arith.cmpi ne, %rem3A_1603, %ne3A_1604 : i32
    %lt3A_1606 = arith.constant 0 : i32
    %lt3A_1607 = arith.cmpi slt, %rem3A_1603, %lt3A_1606 : i32
    %lt3A_1608 = arith.constant 0 : i32
    %lt3A_1609 = arith.cmpi slt, %select_n3A_1602, %lt3A_1608 : i32
    %ne3A_1610 = arith.xori %lt3A_1607, %lt3A_1609 : i1
    %and3A_1611 = arith.andi %ne3A_1610, %ne3A_1605 : i1
    %add3A_1612 = arith.addi %rem3A_1603, %select_n3A_1602 : i32
    %select_n3A_1613 = arith.select %and3A_1611, %add3A_1612, %rem3A_1603 : i32
    %jit3A_1614 = arith.constant 0 : i32
    %select_n3A_1615 = arith.select %gt3A_1569, %select_n3A_1613, %jit3A_1614 : i32
    %gt3A_1616 = arith.constant 0 : i32
    %gt3A_1617 = arith.cmpi sgt, %sub3A_1567, %gt3A_1616 : i32
    %mul3A_1618 = arith.constant 256 : i32
    %mul3A_1619 = arith.muli %select_n3A_1615, %mul3A_1618 : i32
    %sub3A_1620 = arith.constant 799744 : i32
    %sub3A_1621 = arith.subi %sub3A_1620, %mul3A_1619 : i32
    %select_n3A_1622 = arith.select %gt3A_1617, %sub3A_1621, %add3A_1565 : i32
    %dma_wait3A_1623 = arith.constant 0 : i32
    %dma_wait3A_1624 = arith.constant 0 : i32
    %dma_wait3A_1625 = tpu.memref_slice %arg11[%dma_wait3A_1623, %dma_wait3A_1624] : memref<256x128xf32, #tpu.memory_space<vmem>> -> memref<256x128xf32, #tpu.memory_space<vmem>>
    %dma_wait3A_1626 = arith.constant 0 : i32
    %dma_wait3A_1627 = tpu.memref_slice %arg7[%select_n3A_1622, %dma_wait3A_1626] : memref<800000x128xf32, #tpu.memory_space<hbm>> -> memref<256x128xf32, #tpu.memory_space<hbm>>
    %dma_wait3A_1628 = arith.constant 0 : i32
    %dma_wait3A_1629 = tpu.memref_slice %arg7[%select_n3A_1622, %dma_wait3A_1628] : memref<800000x128xf32, #tpu.memory_space<hbm>> -> memref<256x128xf32, #tpu.memory_space<hbm>>
    %dma_wait3A_1630 = arith.constant 0 : i32
    %dma_wait3A_1631 = arith.constant 0 : i32
    %dma_wait3A_1632 = tpu.memref_slice %arg11[%dma_wait3A_1630, %dma_wait3A_1631] : memref<256x128xf32, #tpu.memory_space<vmem>> -> memref<256x128xf32, #tpu.memory_space<vmem>>
    tpu.wait_dma2 semaphore(%arg20 : memref<!tpu.dma_semaphore, #tpu.memory_space<semaphore_mem>>) src(%dma_wait3A_1632 : memref<256x128xf32, #tpu.memory_space<vmem>>) dst(%dma_wait3A_1629 : memref<256x128xf32, #tpu.memory_space<hbm>>)
    %add3A_1633 = arith.constant 24832 : i32
    %add3A_1634 = arith.addi %mul3A_777, %add3A_1633 : i32
    %sub3A_1635 = arith.constant 799744 : i32
    %sub3A_1636 = arith.subi %add3A_1634, %sub3A_1635 : i32
    %gt3A_1637 = arith.constant 0 : i32
    %gt3A_1638 = arith.cmpi sgt, %sub3A_1636, %gt3A_1637 : i32
    %add3A_1639 = arith.constant 256 : i32
    %add3A_1640 = arith.addi %sub3A_1636, %add3A_1639 : i32
    %sub3A_1641 = arith.constant 1 : i32
    %sub3A_1642 = arith.subi %add3A_1640, %sub3A_1641 : i32
    %jit3A_1643 = arith.constant 256 : i32
    %div3A_1644 = arith.divsi %sub3A_1642, %jit3A_1643 : i32
    %sign3A_1645 = arith.constant 0 : i32
    %sign3A_1646 = arith.cmpi sgt, %sub3A_1642, %sign3A_1645 : i32
    %sign3A_1647 = arith.extui %sign3A_1646 : i1 to i32
    %sign3A_1648 = arith.constant 0 : i32
    %sign3A_1649 = arith.cmpi slt, %sub3A_1642, %sign3A_1648 : i32
    %sign3A_1650 = arith.extui %sign3A_1649 : i1 to i32
    %sign3A_1651 = arith.subi %sign3A_1647, %sign3A_1650 : i32
    %sign3A_1652 = arith.constant 0 : i32
    %sign3A_1653 = arith.cmpi sgt, %jit3A_1643, %sign3A_1652 : i32
    %sign3A_1654 = arith.extui %sign3A_1653 : i1 to i32
    %sign3A_1655 = arith.constant 0 : i32
    %sign3A_1656 = arith.cmpi slt, %jit3A_1643, %sign3A_1655 : i32
    %sign3A_1657 = arith.extui %sign3A_1656 : i1 to i32
    %sign3A_1658 = arith.subi %sign3A_1654, %sign3A_1657 : i32
    %ne3A_1659 = arith.cmpi ne, %sign3A_1651, %sign3A_1658 : i32
    %rem3A_1660 = arith.remsi %sub3A_1642, %jit3A_1643 : i32
    %ne3A_1661 = arith.constant 0 : i32
    %ne3A_1662 = arith.cmpi ne, %rem3A_1660, %ne3A_1661 : i32
    %and3A_1663 = arith.andi %ne3A_1659, %ne3A_1662 : i1
    %sub3A_1664 = arith.constant 1 : i32
    %sub3A_1665 = arith.subi %div3A_1644, %sub3A_1664 : i32
    %select_n3A_1666 = arith.select %and3A_1663, %sub3A_1665, %div3A_1644 : i32
    %jit3A_1667 = arith.constant 16 : i32
    %eq3A_1668 = arith.constant 0 : i32
    %eq3A_1669 = arith.cmpi eq, %jit3A_1667, %eq3A_1668 : i32
    %jit3A_1670 = arith.constant 1 : i32
    %select_n3A_1671 = arith.select %eq3A_1669, %jit3A_1670, %jit3A_1667 : i32
    %rem3A_1672 = arith.remsi %select_n3A_1666, %select_n3A_1671 : i32
    %ne3A_1673 = arith.constant 0 : i32
    %ne3A_1674 = arith.cmpi ne, %rem3A_1672, %ne3A_1673 : i32
    %lt3A_1675 = arith.constant 0 : i32
    %lt3A_1676 = arith.cmpi slt, %rem3A_1672, %lt3A_1675 : i32
    %lt3A_1677 = arith.constant 0 : i32
    %lt3A_1678 = arith.cmpi slt, %select_n3A_1671, %lt3A_1677 : i32
    %ne3A_1679 = arith.xori %lt3A_1676, %lt3A_1678 : i1
    %and3A_1680 = arith.andi %ne3A_1679, %ne3A_1674 : i1
    %add3A_1681 = arith.addi %rem3A_1672, %select_n3A_1671 : i32
    %select_n3A_1682 = arith.select %and3A_1680, %add3A_1681, %rem3A_1672 : i32
    %jit3A_1683 = arith.constant 0 : i32
    %select_n3A_1684 = arith.select %gt3A_1638, %select_n3A_1682, %jit3A_1683 : i32
    %gt3A_1685 = arith.constant 0 : i32
    %gt3A_1686 = arith.cmpi sgt, %sub3A_1636, %gt3A_1685 : i32
    %mul3A_1687 = arith.constant 256 : i32
    %mul3A_1688 = arith.muli %select_n3A_1684, %mul3A_1687 : i32
    %sub3A_1689 = arith.constant 799744 : i32
    %sub3A_1690 = arith.subi %sub3A_1689, %mul3A_1688 : i32
    %select_n3A_1691 = arith.select %gt3A_1686, %sub3A_1690, %add3A_1634 : i32
    %dma_wait3A_1692 = arith.constant 0 : i32
    %dma_wait3A_1693 = arith.constant 0 : i32
    %dma_wait3A_1694 = tpu.memref_slice %arg12[%dma_wait3A_1692, %dma_wait3A_1693] : memref<256x128xf32, #tpu.memory_space<vmem>> -> memref<256x128xf32, #tpu.memory_space<vmem>>
    %dma_wait3A_1695 = arith.constant 0 : i32
    %dma_wait3A_1696 = tpu.memref_slice %arg7[%select_n3A_1691, %dma_wait3A_1695] : memref<800000x128xf32, #tpu.memory_space<hbm>> -> memref<256x128xf32, #tpu.memory_space<hbm>>
    %dma_wait3A_1697 = arith.constant 0 : i32
    %dma_wait3A_1698 = tpu.memref_slice %arg7[%select_n3A_1691, %dma_wait3A_1697] : memref<800000x128xf32, #tpu.memory_space<hbm>> -> memref<256x128xf32, #tpu.memory_space<hbm>>
    %dma_wait3A_1699 = arith.constant 0 : i32
    %dma_wait3A_1700 = arith.constant 0 : i32
    %dma_wait3A_1701 = tpu.memref_slice %arg12[%dma_wait3A_1699, %dma_wait3A_1700] : memref<256x128xf32, #tpu.memory_space<vmem>> -> memref<256x128xf32, #tpu.memory_space<vmem>>
    tpu.wait_dma2 semaphore(%arg21 : memref<!tpu.dma_semaphore, #tpu.memory_space<semaphore_mem>>) src(%dma_wait3A_1701 : memref<256x128xf32, #tpu.memory_space<vmem>>) dst(%dma_wait3A_1698 : memref<256x128xf32, #tpu.memory_space<hbm>>)
    return
  }
}

</mosaic_0001>

<sc_bundles>
// kernel: kernel.3.cloned.1.call-start
scs
__scs_entry_jumppad:
0x0: {  	(pc) =	sbr.rel $0x88, $3  }
0x1: {  	(tag) =	ssettag $0x0;
	lr =	simm.s32 $0x1  }
0x2: {  	[smem:$0x3F9D] =	sst lr;
	_ =	strace $0xD0000000  }
0x3: {  	_ = 	snop  }
0x4: {  	_ = 	snop  }
0x5: {  	_ = 	snop  }
0x6: {  	_ = 	snop  }
0x7: {  	_ = 	snop  }
__scs_overlays_trampoline_lowered:
0x8: {  	[smem:$0x3FAC] =	sst s0  }
0x9: {  	[smem:$0x3FAD] =	sst s1  }
0xa: {  	[smem:$0x3FAE] =	sst s2  }
0xb: {  	[smem:$0x3FAF] =	sst s3  }
0xc: {  	[smem:$0x3FB0] =	sst s4  }
0xd: {  	[smem:$0x3FB1] =	sst s5  }
0xe: {  	[smem:$0x3FB2] =	sst s6  }
0xf: {  	[smem:$0x3FB3] =	sst s7  }
0x10: {  	[smem:$0x3FB4] =	sst s8  }
0x11: {  	[smem:$0x3FB5] =	sst s9;
	s0 =	simm.s32 @!p0 $0x0  }
0x12: {  	s1 =	sld [smem:$0x3F9B];
	s0 =	simm.s32 @p0 $0x1  }
0x13: {  	[smem:$0x3FB6] =	sst s0;
	s0 =	simm.s32 @!p1 $0x0  }
0x14: {  	s2 =	sld [smem:$0x3F9A];
	s0 =	simm.s32 @p1 $0x1  }
0x15: {  	[smem:$0x3FB7] =	sst s0;
	s0 =	simm.s32 @!p2 $0x0  }
0x16: {  	s3 =	sld [smem:$0x3FDB];
	s0 =	simm.s32 @p2 $0x1  }
0x17: {  	s4 =	simm.s32 $0x1BF5;
	[smem:$0x3FB9] =	sst s0  }
0x18: {  	s0 =	sld [smem:$0x3F9C];
	_ =	swait.ge [sflag:s4], $0x0  }
0x19: {  	s7 =	sld [smem:$0x3F9D]  }
0x1a: {  	s8 =	sadd.s32 $0xFFFFE003, lr  }
0x1b: {  	s9 =	sadd.s32 $0xFFFFFEF7, lr;
	s5 =	simm.s32 $0xFFFFFFFF;
	p2 =	slt.u32 s8, $0xFFFFF086  }
0x1c: {  	p1 =	slt.u32 s9, $0xF7A;
	s5 =	simm.s32 @!p2 $0x0  }
0x1d: {  	s5 =	simm.s32 @p1 $0x1;
	p0 =	seq.s32 s7, s2  }
0x1e: {  	s7 =	smul.u32 @!p0 $0xF7A, s2;
	p2 =	seq.s32 @!p0 s5, $0x0  }
0x1f: {  	s9 =	smul.u32 $0xF7A, s1;
	s8 =	simm.s32 @!p0 $0x1BF5;
	p2 =	por !p2, p0  }
0x20: {  	[sflag:s8] =	ssyncset.s32 @!p0 $0xFFFFF086;
	s6 =	sadd.s32 @!p0 s3, s7;
	s7 =	simm.s32 @!p0 $0x108  }
0x21: {  	s3 =	sadd.s32 s3, s9;
	s6 =	sadd.s32 @!p0 $0x88, s6;
	s7 =	simm.s32 @p2 $0x1082  }
0x22: {  	[simem:s7], [sflag:s8] =	dma.local @!p0 [hbm:s6], $0xF7A  }
0x23: {  	s9 =	sor.u32 $0xD0000000, s2;
	s6 =	simm.s32 $0x108;
	_ =	swait.ge @!p0 [sflag:s8], $0x0  }
0x24: {  	s3 =	sadd.s32 $0x88, s3;
	s6 =	simm.s32 @!p1 $0x1082;
	[sflag:s4] =	ssyncset.s32 $0xFFFFF086  }
0x25: {  	[simem:s6], [sflag:s4] =	dma.local [hbm:s3], $0xF7A  }
0x26: {  	[smem:$0x3F9D] =	sst s1;
	(tag) =	ssettag s2;
	_ =	strace s9  }
0x27: {  	s1 =	sld [smem:$0x3FAD]  }
0x28: {  	s2 =	sld [smem:$0x3FAE]  }
0x29: {  	s4 =	sld [smem:$0x3FB0]  }
0x2a: {  	p0 =	seq.s32 s5, $0x0;
	s5 =	sld [smem:$0x3FB1]  }
0x2b: {  	s6 =	sld [smem:$0x3FB2]  }
0x2c: {  	s7 =	sld [smem:$0x3FB3]  }
0x2d: {  	s3 =	simm.s32 $0x108;
	s8 =	sld [smem:$0x3FB4]  }
0x2e: {  	s3 =	simm.s32 @!p0 $0x1082;
	s9 =	sld [smem:$0x3FB5]  }
0x2f: {  	lr =	sadd.s32 s0, s3;
	s0 =	sld [smem:$0x3FAC]  }
0x30: {  	s3 =	sld [smem:$0x3FAF]  }
0x31: {  	[smem:$0x3FB8] =	sst s10  }
0x32: {  	s10 =	sld [smem:$0x3FB6];
	_ =	sdelay $0x3  }
0x33: {  	p0 =	seq.s32 s10, $0x1;
	s10 =	sld [smem:$0x3FB8];
	_ =	sdelay $0x3  }
0x34: {  	[smem:$0x3FB8] =	sst s10  }
0x35: {  	s10 =	sld [smem:$0x3FB7];
	_ =	sdelay $0x3  }
0x36: {  	p1 =	seq.s32 s10, $0x1;
	s10 =	sld [smem:$0x3FB8];
	_ =	sdelay $0x3  }
0x37: {  	[smem:$0x3FB8] =	sst s10  }
0x38: {  	s10 =	sld [smem:$0x3FB9]  }
0x39: {  	_ = 	snop;
	(pc) =	sbr.ind lr, $3  }
0x3a: {  	_ = 	snop  }
0x3b: {  	_ = 	snop  }
0x3c: {  	p2 =	seq.s32 s10, $0x1;
	s10 =	sld [smem:$0x3FB8]  }
0x3d: {  	_ =	shalt  }
0x3e: {  	_ =	shalt  }
0x3f: {  	_ =	shalt  }
0x40: {  	_ =	shalt  }
0x41: {  	_ =	shalt  }
0x42: {  	_ =	shalt  }
0x43: {  	_ =	shalt  }
0x44: {  	_ =	shalt  }
0x45: {  	_ =	shalt  }
0x46: {  	_ =	shalt  }
0x47: {  	_ =	shalt  }
0x48: {  	_ =	shalt  }
0x49: {  	_ =	shalt  }
0x4a: {  	_ =	shalt  }
0x4b: {  	_ =	shalt  }
0x4c: {  	_ =	shalt  }
0x4d: {  	_ =	shalt  }
0x4e: {  	_ =	shalt  }
0x4f: {  	_ =	shalt  }
0x50: {  	_ =	shalt  }
0x51: {  	_ =	shalt  }
0x52: {  	_ =	shalt  }
0x53: {  	_ =	shalt  }
0x54: {  	_ =	shalt  }
0x55: {  	_ =	shalt  }
0x56: {  	_ =	shalt  }
0x57: {  	_ =	shalt  }
0x58: {  	_ =	shalt  }
0x59: {  	_ =	shalt  }
0x5a: {  	_ =	shalt  }
0x5b: {  	_ =	shalt  }
0x5c: {  	_ =	shalt  }
0x5d: {  	_ =	shalt  }
0x5e: {  	_ =	shalt  }
0x5f: {  	_ =	shalt  }
0x60: {  	_ =	shalt  }
0x61: {  	_ =	shalt  }
0x62: {  	_ =	shalt  }
0x63: {  	_ =	shalt  }
0x64: {  	_ =	shalt  }
0x65: {  	_ =	shalt  }
0x66: {  	_ =	shalt  }
0x67: {  	_ =	shalt  }
0x68: {  	_ =	shalt  }
0x69: {  	_ =	shalt  }
0x6a: {  	_ =	shalt  }
0x6b: {  	_ =	shalt  }
0x6c: {  	_ =	shalt  }
0x6d: {  	_ =	shalt  }
0x6e: {  	_ =	shalt  }
0x6f: {  	_ =	shalt  }
0x70: {  	_ =	shalt  }
0x71: {  	_ =	shalt  }
0x72: {  	_ =	shalt  }
0x73: {  	_ =	shalt  }
0x74: {  	_ =	shalt  }
0x75: {  	_ =	shalt  }
0x76: {  	_ =	shalt  }
0x77: {  	_ =	shalt  }
0x78: {  	_ =	shalt  }
0x79: {  	_ =	shalt  }
0x7a: {  	_ =	shalt  }
0x7b: {  	_ =	shalt  }
0x7c: {  	_ =	shalt  }
0x7d: {  	_ =	shalt  }
0x7e: {  	_ =	shalt  }
0x7f: {  	_ =	shalt  }
0x80: {  	_ =	shalt  }
0x81: {  	_ =	shalt  }
0x82: {  	_ =	shalt  }
0x83: {  	_ =	shalt  }
0x84: {  	_ =	shalt  }
0x85: {  	_ =	shalt  }
0x86: {  	_ =	shalt  }
0x87: {  	_ =	shalt  }
.Lfunc_end0:
.L_simem_size_0:
called_computation_lowered:
.L_overlay_start_0:
0x88: {  	s2 =	sld [smem:$0x3FD9]  }
0x89: {  	s3 =	sld [smem:$0x3FFE];
	_ =	sdelay $0x1  }
0x8a: {  	s1 =	srdreg.scid  }
0x8b: {  	s0 =	sand.u32 $0x1, s1  }
0x8c: {  	s14 =	sshll.u32 s0, $0xA;
	s2 =	sadd.s32 s3, s2  }
0x8d: {  	s2 =	sadd.s32 s2, s14  }
0x8e: {  	[smem:$0x3FC4] =	sst s2  }
0x8f: {  	_ = 	snop  }
0x90: {  	s2 =	sld [smem:$0x3FD0];
	_ =	sdelay $0x1  }
0x91: {  	s15 =	sld [smem:$0x3FC7]  }
0x92: {  	s5 =	simm.s32 $0xA;
	s6 =	simm.s32 $0x10;
	s4 =	sld [smem:$0x3FC6]  }
0x93: {  	[smem:s6], [sflag:s5] =	dma.local [hbm:s2], $0x1  }
0x94: {  	_ =	swait.eq [sflag:s5], $0x1  }
0x95: {  	[sflag:s5] =	ssyncset.done $0x0  }
0x96: {  	s16 =	sld [smem:$0x10];
	[sflag:s5] =	ssyncadd.s32 $0xFFFFFFFF  }
0x97: {  	s17 =	sld [smem:$0x11];
	(tm) =	ssettm $0x1  }
0x98: {  	s18 =	sld [smem:$0x3FFB];
	_ =	sdelay $0x3  }
0x99: {  	_ =	strace s18  }
0x9a: {  	s6 =	sld [smem:$0x3FFC];
	_ =	sdelay $0x3  }
0x9b: {  	_ =	strace s6  }
0x9c: {  	s6 =	sld [smem:$0x3FFD];
	_ =	sdelay $0x3  }
0x9d: {  	_ =	strace s6  }
0x9e: {  	_ =	strace $0x8FFFFFFF  }
0x9f: {  	s19 =	sld [smem:$0x3FDB];
	_ =	sdelay $0x1  }
0xa0: {  	s7 =	simm.s32 $_scs_section_size  }
0xa1: {  	s8 =	simm.s32 $_size__tile_overlayer_lowered;
	s9 =	simm.s32 $_tile_overlayer_lowered  }
0xa2: {  	s22 =	simm.s32 $0x1BFF;
	s21 =	sshll.u32 s9, $0x1;
	s6 =	sadd.s32 s7, s19  }
0xa3: {  	s10 =	simm.s32 $0x0;
	s20 =	sshll.u32 s8, $0x1;
	s8 =	sadd.s32 s21, s6  }
0xa4: {  	[timem:s10], [sflag:s22] =	dma.local [hbm:s8], s20  }
0xa5: {  	_ =	swait.ge [sflag:s22], s20  }
0xa6: {  	s7 =	ssub.s32 $0x0, s20;
	[sflag:s22] =	ssyncset.done $0x0  }
0xa7: {  	[sflag:s22] =	ssyncadd.s32 s7;
	_ =	sdelay $0x1  }
0xa8: {  	s23 =	simm.s32 $0x1B8B  }
0xa9: {  	_ =	swait.ge [sflag:s23], $0x1  }
0xaa: {  	[sflag:s23] =	ssyncset.done $0x0  }
0xab: {  	s25 =	simm.s32 $0x1B8E;
	s24 =	sld [smem:$0x3FFE];
	[sflag:s23] =	ssyncadd.s32 $0xFFFFFFFF  }
0xac: {  	s26 =	simm.s32 $execute0_lowered;
	[smem:$0x3FD2] =	sst s25  }
0xad: {  	s8 =	sshll.u32 s26, $0x1;
	_ =	strace $0x80000046;
	[dreg:$0x1] =	wrdreg $0xFFFFFFFF  }
0xae: {  	s28 =	simm.s32 $_size_execute0_lowered;
	s6 =	sadd.s32 s6, s8;
	[dreg:$0x0] =	wrdreg $0x0  }
0xaf: {  	s8 =	sshll.u32 s28, $0x1;
	[dreg:$0x2] =	wrdreg s6  }
0xb0: {  	[dreg:$0x3] =	wrdreg s8  }
0xb1: {  	[dreg:$0x4] =	wrdreg $0xC0  }
0xb2: {  	_ =	task [dreg:s10], $0x5FFFF  }
0xb3: {  	[dreg:$0x1] =	wrdreg $0xFFFFFFFF  }
0xb4: {  	[dreg:$0x0] =	wrdreg $0x60  }
0xb5: {  	[dreg:$0x2] =	wrdreg s24  }
0xb6: {  	[dreg:$0x3] =	wrdreg s15  }
0xb7: {  	[dreg:$0x4] =	wrdreg s4  }
0xb8: {  	[dreg:$0x5] =	wrdreg s16  }
0xb9: {  	[dreg:$0x6] =	wrdreg s17  }
0xba: {  	[dreg:$0x7] =	wrdreg $0x18C000  }
0xbb: {  	[dreg:$0x8] =	wrdreg $0x9  }
0xbc: {  	_ =	task.clear_ibuf [dreg:s10], $0x9FFFF;
	_ =	strace $0x90000046  }
0xbd: {  	s29 =	simm.s32 $0x9;
	_ =	strace $0x80000048  }
0xbe: {  	_ =	swait.ge [sflag:s29], $0x1  }
0xbf: {  	[sflag:s29] =	ssyncadd.s32 $0xFFFFFFFF  }
0xc0: {  	_ =	strace $0x90000048  }
0xc1: {  	_ =	sfence  }
0xc2: {  	s30 =	sld [smem:$0x0];
	_ =	sdelay $0x2  }
0xc3: {  	s31 =	sshll.u32 s1, $0xD;
	s1 =	sshrl.u32 s1, $0x2  }
0xc4: {  	s3 =	sand.u32 $0x4000, s31;
	s1 =	sadd.s32 s1, s30  }
0xc5: {  	s0 =	sor.u32 s3, s0;
	s1 =	sshll.u32 s1, $0x11  }
0xc6: {  	s0 =	sor.u32 s1, s0  }
0xc7: {  	s0 =	sadd.s32 $0x8F2B, s0  }
0xc8: {  	[sflag:s0] =	ssyncadd.remote.s32 $0x1  }
0xc9: {  	_ =	sfence.sel $0xFFFF  }
0xca: {  	[dreg:$0x0] =	wrdreg $0xFFFFFFFF;
	(pc) =	sbr.abs _section_cstart, $3  }
0xcb: {  	[dreg:$0x1] =	wrdreg $0xFFFFFFFF  }
0xcc: {  	_ =	task.clear_ibuf [dreg:s10], $0x2FFFF;
	_ =	strace $0x9FFFFFFF  }
0xcd: {  	(tm) =	ssettm $0x7FFFFFFF  }
tec
execute0_lowered:
.L_overlay_start_1:
0x0: {  	(tag) =	ssettag $0x1  }
0x1: {  	s20 =	rddreg [dreg:$0x0]  }
0x2: {  	s6 =	rddreg [dreg:$0x1]  }
0x3: {  	s19 =	rddreg [dreg:$0x3]  }
0x4: {  	s0 =	srdreg.scid;
	s24 =	rddreg [dreg:$0x4]  }
0x5: {  	s1 =	stileid.u32;
	s8 =	rddreg [dreg:$0x5];
	s7 =	simm.s32 $0x0  }
0x6: {  	s2 =	sand.u32 $0x1, s0;
	s3 =	sshll.u32 s1, $0x1;
	s0 =	rddreg [dreg:$0x2]  }
0x7: {  	[smem:$0x7FF] =	sst s7;
	s9 =	sor.u32 s2, s3  }
0x8: {  	p0 =	sgt.u32 s1, $0xD;
	s12 =	ssub.s32 $0x2, s2;
	s22 =	smul.u32 $0x700, s9  }
0x9: {  	_ =	strace $0x80000047;
	s2 =	smul.u32 $0x6200, s2;
	s17 =	sshrl.u32 s12, $0x1  }
0xa: {  	p1 =	sgt.u32 s9, $0x1A;
	s14 =	sadd.s32 $0xFFFF3EAF, s22;
	s10 =	sadd.s32 $0xFFFF3FAF, s22  }
0xb: {  	s25 =	sadd.s32 $0x100, s22;
	s26 =	sadd.s32 $0xFFFF40AF, s22;
	s4 =	sshra.s32 s14, $0x1F  }
0xc: {  	s13 =	sadd.s32 $0xFFFF43AF, s22;
	s15 =	sshra.s32 s10, $0x1F;
	s5 =	sshrl.u32 s4, $0x18  }
0xd: {  	s7 =	sadd.s32 $0x200, s22;
	s11 =	sshrl.u32 s15, $0x18;
	s3 =	sadd.s32 s5, s14  }
0xe: {  	[dreg:$0x8] =	wrdreg s25;
	s16 =	sadd.s32 s11, s10;
	s3 =	sshrl.u32 s3, $0x8  }
0xf: {  	s29 =	sshra.s32 s26, $0x1F;
	s3 =	sadd.s32 s4, s3;
	s4 =	sshrl.u32 s16, $0x8  }
0x10: {  	s16 =	sshra.s32 s13, $0x1F;
	s18 =	sshll.u32 s3, $0x8;
	s3 =	ssub.s32 s12, s17  }
0x11: {  	s4 =	sadd.s32 s15, s4;
	s15 =	sshrl.u32 s29, $0x18;
	s14 =	sshrl.u32 s16, $0x18  }
0x12: {  	s21 =	sand.u32 $0xF00, s18;
	s23 =	sshll.u32 s4, $0x8;
	s4 =	smov.u32 s22  }
0x13: {  	s17 =	sadd.s32 s14, s13;
	s13 =	smov.u32 s7;
	s5 =	ssub.s32 $0xC250, s21  }
0x14: {  	s10 =	sand.u32 $0xF00, s23;
	s12 =	sshrl.u32 s17, $0x8;
	s4 =	smov.u32 @p0 s5  }
0x15: {  	s10 =	ssub.s32 $0xC250, s10;
	s5 =	smov.u32 s25;
	s11 =	sadd.s32 s16, s12  }
0x16: {  	s5 =	smov.u32 @p0 s10;
	s10 =	sadd.s32 s15, s26;
	s15 =	sadd.s32 $0xFFFF44AF, s22  }
0x17: {  	s11 =	sshll.u32 s11, $0x8;
	s10 =	sshrl.u32 s10, $0x8;
	s18 =	sshra.s32 s15, $0x1F  }
0x18: {  	s11 =	sand.u32 $0xF00, s11;
	s10 =	sadd.s32 s29, s10;
	s21 =	sshrl.u32 s18, $0x18  }
0x19: {  	s11 =	ssub.s32 $0xC250, s11;
	s10 =	sshll.u32 s10, $0x8;
	s23 =	sadd.s32 s21, s15  }
0x1a: {  	s15 =	smul.u32 $0x6200, s9;
	s10 =	sand.u32 $0xF00, s10;
	s12 =	sshrl.u32 s23, $0x8  }
0x1b: {  	s14 =	ssub.s32 $0xC250, s10;
	s10 =	sadd.s32 $0x500, s22;
	s12 =	sadd.s32 s18, s12  }
0x1c: {  	s26 =	sadd.s32 $0xFFF42DFF, s15;
	s17 =	sadd.s32 $0xFFF42CFF, s15;
	s12 =	sshll.u32 s12, $0x8  }
0x1d: {  	s13 =	smov.u32 @p0 s14;
	s10 =	smov.u32 @p0 s11;
	s14 =	sadd.s32 $0x600, s22  }
0x1e: {  	s16 =	sshra.s32 s26, $0x1F;
	s18 =	sshra.s32 s17, $0x1F;
	s25 =	sand.u32 $0xF00, s12  }
0x1f: {  	s29 =	sshrl.u32 s16, $0x18;
	s23 =	sshrl.u32 s18, $0x18;
	s11 =	ssub.s32 $0xC250, s25  }
0x20: {  	s21 =	sadd.s32 s29, s26;
	s25 =	sadd.s32 $0xFFFF42AF, s22;
	s14 =	smov.u32 @p1 s11  }
0x21: {  	p1 =	seq.s32 s9, $0x1F;
	s9 =	sshrl.u32 s21, $0x8;
	s11 =	sadd.s32 s23, s17  }
0x22: {  	s26 =	sshra.s32 s25, $0x1F;
	s9 =	sadd.s32 s16, s9;
	s11 =	sshrl.u32 s11, $0x8  }
0x23: {  	s29 =	sshrl.u32 s26, $0x18;
	s16 =	sadd.s32 $0x6000, s15;
	s9 =	sshll.u32 s9, $0x8  }
0x24: {  	s11 =	sadd.s32 s18, s11;
	s18 =	sadd.s32 $0x6100, s15;
	s12 =	sadd.s32 s29, s25  }
0x25: {  	s25 =	smul.u32 $0xC400, s1;
	s9 =	sand.u32 $0xF00, s9;
	s11 =	sshll.u32 s11, $0x8  }
0x26: {  	s12 =	sshrl.u32 s12, $0x8;
	s9 =	ssub.s32 $0xC3400, s9;
	s17 =	sand.u32 $0xF00, s11  }
0x27: {  	s21 =	sadd.s32 s26, s12;
	s26 =	sshll.u32 s1, $0xB;
	s12 =	sadd.s32 s2, s25  }
0x28: {  	s25 =	sshrl.u32 s10, $0x3;
	s18 =	smov.u32 @p1 s9;
	s9 =	ssub.s32 $0xC3400, s17  }
0x29: {  	s11 =	sshll.u32 s21, $0x8;
	s17 =	sadd.s32 $0x400, s22;
	s21 =	sadd.s32 $0x30E00, s20  }
0x2a: {  	s16 =	smov.u32 @p1 s9;
	s23 =	sand.u32 $0xF00, s11;
	s11 =	sshrl.u32 s5, $0x3  }
0x2b: {  	s10 =	sadd.s32 s21, s25;
	[dreg:$0xa] =	wrdreg s21;
	s9 =	ssub.s32 $0xC250, s23  }
0x2c: {  	s23 =	sshrl.u32 s13, $0x3;
	s5 =	sadd.s32 s21, s11;
	s13 =	sshll.u32 s16, $0x4  }
0x2d: {  	s16 =	smov.u32 s10;
	s10 =	smov.u32 s7;
	[dreg:$0xe] =	wrdreg s5  }
0x2e: {  	s17 =	smov.u32 @p0 s9;
	s9 =	sadd.s32 s0, s26;
	[dreg:$0x9] =	wrdreg s10  }
0x2f: {  	s0 =	sadd.s32 $0x3800, s0;
	[dreg:$0xb] =	wrdreg s9  }
0x30: {  	s29 =	sshll.u32 s1, $0xE;
	s25 =	sadd.s32 $0x186A, s5;
	[dreg:$0xc] =	wrdreg s0  }
0x31: {  	s11 =	sadd.s32 s21, s23;
	s26 =	sshll.u32 s14, $0x4;
	[dreg:$0x1c] =	wrdreg s25  }
0x32: {  	s0 =	sadd.s32 s29, s8;
	s2 =	sadd.s32 s19, s26;
	[dreg:$0xf] =	wrdreg s11  }
0x33: {  	s29 =	sshrl.u32 s15, $0x3;
	s15 =	smax.u32 s3, $0x1;
	[dreg:$0x11] =	wrdreg s2  }
0x34: {  	s7 =	sadd.s32 $0x30D4, s11;
	[dreg:$0x15] =	wrdreg s15  }
0x35: {  	p0 =	sgt.u32 s1, $0x6;
	s2 =	sadd.s32 s24, s13;
	[smem:$0x7F0] =	sst s7  }
0x36: {  	s9 =	sshrl.u32 s4, $0x3;
	s0 =	sshrl.u32 @!p0 s0, $0x3;
	[dreg:$0x13] =	wrdreg s2  }
0x37: {  	s9 =	sadd.s32 s21, s9;
	[dreg:$0x18] =	wrdreg s0  }
0x38: {  	s4 =	sadd.s32 s20, s29;
	s29 =	sadd.s32 $0x30D4, s5;
	[dreg:$0xd] =	wrdreg s9  }
0x39: {  	s13 =	sadd.s32 $0x30D4, s16;
	[dreg:$0x1d] =	wrdreg s29  }
0x3a: {  	s14 =	sshll.u32 s18, $0x4;
	[smem:$0x7F3] =	sst s13  }
0x3b: {  	s17 =	sshrl.u32 s17, $0x3;
	s7 =	sadd.s32 $0x186A, s16;
	[dreg:$0x12] =	wrdreg s4  }
0x3c: {  	s26 =	smov.u32 s8;
	s2 =	sadd.s32 s24, s14;
	[smem:$0x7FD] =	sst s7  }
0x3d: {  	s3 =	sadd.s32 $0x1C000, s8;
	s18 =	sadd.s32 $0x186A, s9;
	[dreg:$0x14] =	wrdreg s2  }
0x3e: {  	s8 =	sadd.s32 s21, s17;
	s21 =	sadd.s32 $0x30D4, s9;
	[dreg:$0x19] =	wrdreg s18  }
0x3f: {  	s23 =	sadd.s32 $0x493E, s9;
	[dreg:$0x1a] =	wrdreg s21  }
0x40: {  	s9 =	sadd.s32 $0x493E, s11;
	[dreg:$0x1b] =	wrdreg s23  }
0x41: {  	s28 =	simm.s32 $0x800;
	s14 =	sadd.s32 $0x493E, s16;
	[smem:$0x7F1] =	sst s9  }
0x42: {  	s31 =	simm.s32 $0x80;
	s15 =	sadd.s32 $0x186A0, s4;
	[smem:$0x7F4] =	sst s14  }
0x43: {  	s30 =	simm.s32 $0x580;
	s17 =	sadd.s32 $0x186C0, s4;
	[smem:$0x7F5] =	sst s15  }
0x44: {  	p1 =	sne.s32 @p0 s1, $0x7;
	s25 =	sadd.s32 $0x493E, s8;
	[smem:$0x7F7] =	sst s17  }
0x45: {  	p1 =	por p1, !p0;
	s29 =	smov.u32 s22;
	[smem:$0x7FC] =	sst s25  }
0x46: {  	s1 =	simm.s32 $0x200;
	s2 =	sshrl.u32 @!p1 s3, $0x3;
	[dreg:$0x7] =	wrdreg s29  }
0x47: {  	s3 =	smov.u32 s16;
	s16 =	sadd.s32 $0x20, s4;
	[dreg:$0x17] =	wrdreg s2  }
0x48: {  	s13 =	simm.s32 $0x3;
	s18 =	sadd.s32 $0x40, s4;
	[smem:$0x7F6] =	sst s16  }
0x49: {  	s21 =	sadd.s32 $0x186E0, s4;
	s23 =	sadd.s32 $0x30D4, s8;
	[smem:$0x7F8] =	sst s18  }
0x4a: {  	s14 =	simm.s32 $0x100;
	s4 =	simm.s32 $0x300;
	[smem:$0x7F9] =	sst s21  }
0x4b: {  	s17 =	simm.s32 $0x400;
	s9 =	simm.s32 $0x700;
	[smem:$0x7FB] =	sst s23  }
0x4c: {  	s15 =	simm.s32 $0xA00;
	s2 =	sadd.s32 $0x493E, s5;
	[dreg:$0x10] =	wrdreg s3  }
0x4d: {  	s25 =	simm.s32 $0x8C00;
	s5 =	sadd.s32 $0x186A, s11;
	[dreg:$0x1e] =	wrdreg s2  }
0x4e: {  	s11 =	sadd.s32 $0x300, s22;
	s22 =	sadd.s32 $0x186A, s8;
	[dreg:$0x1f] =	wrdreg s5  }
0x4f: {  	s16 =	simm.s32 $0xB00;
	s18 =	simm.s32 $0x4C00;
	[smem:$0x7F2] =	sst s11  }
0x50: {  	s23 =	simm.s32 $0x5;
	s21 =	simm.s32 $0x2;
	[smem:$0x7FA] =	sst s22  }
0x51: {  	s22 =	smov.u32 s8;
	s11 =	simm.s32 $0xC00;
	s5 =	simm.s32 $0x1  }
0x52: {  	s8 =	simm.s32 $0x6;
	s2 =	simm.s32 $0x0;
	[dreg:$0x16] =	wrdreg s22  }
.LBB2_1:
0x53: {  	[smem:$0x7EF] =	sst s2  }
0x54: {  	s0 =	rddreg [dreg:$0xc]  }
0x55: {  	s2 =	simm.s32 @!p1 $0x1DCA;
	s3 =	rddreg [dreg:$0x17]  }
0x56: {  	[spmem:s3], [sflag:s2] =	dma.local @!p1 [hbm:s0], $0x680  }
0x57: {  	s2 =	simm.s32 @!p1 $0xA  }
0x58: {  	s0 =	stileid.u32;
	_ =	swait.ge @!p1 [sflag:s2], $0x680  }
0x59: {  	s3 =	sshll.u32 @!p0 s0, $0x6;
	[sflag:s2] =	ssyncset.done @!p1 $0x0;
	s0 =	rddreg [dreg:$0xb]  }
0x5a: {  	[sflag:s2] =	ssyncadd.s32 @!p1 $0xFFFFF980;
	s2 =	sor.u32 @!p0 $0x1C0A, s3;
	s3 =	rddreg [dreg:$0x18]  }
0x5b: {  	[spmem:s3], [sflag:s2] =	dma.local @!p0 [hbm:s0], $0x800  }
0x5c: {  	s2 =	simm.s32 @!p0 $0xA  }
0x5d: {  	_ =	swait.ge @!p0 [sflag:s2], $0x800  }
0x5e: {  	[sflag:s2] =	ssyncset.done @!p0 $0x0;
	s22 =	rddreg [dreg:$0xd]  }
0x5f: {  	s29 =	rddreg [dreg:$0x19];
	[sflag:s2] =	ssyncadd.s32 @!p0 $0xFFFFF800;
	s2 =	simm.s32 $0x0  }
0x60: {  	[tilespmem:s2], [sflag:$0x4] =	stream.linear.gather [hbm4b:s22+s2], $0x100, $0x38;
	[tilespmem:$0x1AB40] =	vst v63  }
0x61: {  	s3 =	rddreg [dreg:$0x1a]  }
0x62: {  	[tilespmem:s14], [sflag:$0x4] =	stream.linear.gather [hbm4b:s29+s2], $0x100, $0x38;
	[tilespmem:$0x1AB40] =	vst v63  }
0x63: {  	s7 =	rddreg [dreg:$0x1b]  }
0x64: {  	[tilespmem:s1], [sflag:$0x4] =	stream.linear.gather [hbm4b:s3+s2], $0x100, $0x38;
	[tilespmem:$0x1AB40] =	vst v63  }
0x65: {  	s22 =	rddreg [dreg:$0x1c]  }
0x66: {  	[tilespmem:s4], [sflag:$0x4] =	stream.linear.gather [hbm4b:s7+s2], $0x100, $0x38;
	[tilespmem:$0x1AB40] =	vst v63  }
0x67: {  	s14 =	rddreg [dreg:$0xe]  }
0x68: {  	[tilespmem:s17], [sflag:$0x5] =	stream.linear.gather [hbm4b:s14+s2], $0x100, $0x38;
	[tilespmem:$0x1AB40] =	vst v63  }
0x69: {  	s29 =	simm.s32 $0x500;
	s1 =	rddreg [dreg:$0x1d]  }
0x6a: {  	[tilespmem:s29], [sflag:$0x5] =	stream.linear.gather [hbm4b:s22+s2], $0x100, $0x38;
	[tilespmem:$0x1AB40] =	vst v63  }
0x6b: {  	s3 =	simm.s32 $0x600;
	s4 =	rddreg [dreg:$0x1e]  }
0x6c: {  	[tilespmem:s3], [sflag:$0x5] =	stream.linear.gather [hbm4b:s1+s2], $0x100, $0x38;
	[tilespmem:$0x1AB40] =	vst v63  }
0x6d: {  	s7 =	rddreg [dreg:$0xf]  }
0x6e: {  	[tilespmem:s9], [sflag:$0x5] =	stream.linear.gather [hbm4b:s4+s2], $0x100, $0x38;
	[tilespmem:$0x1AB40] =	vst v63  }
0x6f: {  	s22 =	sld [smem:$0x7F0]  }
0x70: {  	[tilespmem:s28], [sflag:$0x6] =	stream.linear.gather [hbm4b:s7+s2], $0x100, $0x38;
	[tilespmem:$0x1AB40] =	vst v63  }
0x71: {  	s14 =	simm.s32 $0x900;
	s9 =	rddreg [dreg:$0x1f]  }
0x72: {  	[tilespmem:s14], [sflag:$0x6] =	stream.linear.gather [hbm4b:s9+s2], $0x100, $0x38;
	[tilespmem:$0x1AB40] =	vst v63  }
0x73: {  	s28 =	sld [smem:$0x7F1]  }
0x74: {  	[tilespmem:s15], [sflag:$0x6] =	stream.linear.gather [hbm4b:s22+s2], $0x100, $0x38;
	[tilespmem:$0x1AB40] =	vst v63  }
0x75: {  	s29 =	simm.s32 $0x4  }
0x76: {  	[tilespmem:s16], [sflag:$0x6] =	stream.linear.gather [hbm4b:s28+s2], $0x100, $0x38;
	[tilespmem:$0x1AB40] =	vst v63  }
0x77: {  	_ =	swait.ge [sflag:s29], $0x100  }
0x78: {  	[sflag:s29] =	ssyncset.done $0x0  }
0x79: {  	[sflag:s29] =	ssyncadd.s32 $0xFFFFFF00  }
0x7a: {  	_ =	swait.ge [sflag:s29], $0x100  }
0x7b: {  	[sflag:s29] =	ssyncset.done $0x0  }
0x7c: {  	[sflag:s29] =	ssyncadd.s32 $0xFFFFFF00  }
0x7d: {  	_ =	swait.ge [sflag:s29], $0x100  }
0x7e: {  	[sflag:s29] =	ssyncset.done $0x0  }
0x7f: {  	[sflag:s29] =	ssyncadd.s32 $0xFFFFFF00  }
0x80: {  	_ =	swait.ge [sflag:s29], $0x100  }
0x81: {  	[sflag:s29] =	ssyncset.done $0x0  }
0x82: {  	[sflag:s29] =	ssyncadd.s32 $0xFFFFFF00  }
0x83: {  	[tilespmem:s11], [sflag:$0x1] =	stream.indirect.gather [hbm4b:s6+s31], $0x80, s2, s31, $0xb8;
	[tilespmem:$0x1AB40] =	vst v63  }
0x84: {  	p3 =	por $0x1, $0x1;
	p4 =	por $0x0, $0x0  }
0x85: {  	[tilespmem:s18], [sflag:$0x1] =	stream.indirect.gather [hbm4b:s6+s31], $0x80, s31, s31, $0xb8;
	[tilespmem:$0x1AB40] =	vst v63  }
0x86: {  	s22 =	simm.s32 $0x14C00;
	s2 =	simm.s32 $0x0;
	s18 =	simm.s32 $0x10C00  }
.LBB2_2:
0x87: {  	_ =	swait.ge [sflag:s5], $0x4000  }
0x88: {  	[sflag:s5] =	ssyncset.done $0x0  }
0x89: {  	[sflag:s5] =	ssyncadd.s32 $0xFFFFC000  }
0x8a: {  	_ =	swait.ge [sflag:s5], $0x4000  }
0x8b: {  	s16 =	simm.s32 $0x100;
	[sflag:s5] =	ssyncset.done $0x0  }
0x8c: {  	s1 =	smov.u32 s10;
	s10 =	simm.s32 $0xC00;
	[sflag:s5] =	ssyncadd.s32 $0xFFFFC000  }
0x8d: {  	[tilespmem:s10], [sflag:$0x1] =	stream.indirect.gather.add.f32 [hbm:s6], $0x80, s16, s31, $0xb8;
	[tilespmem:$0x1AB40] =	vst v63  }
0x8e: {  	s11 =	simm.s32 $0x4C00;
	s0 =	simm.s32 $0x180  }
0x8f: {  	[tilespmem:s11], [sflag:$0x1] =	stream.indirect.gather.add.f32 [hbm:s6], $0x80, s0, s31, $0xb8;
	[tilespmem:$0x1AB40] =	vst v63  }
0x90: {  	s29 =	simm.s32 $0x200  }
0x91: {  	[tilespmem:s10], [sflag:$0x1] =	stream.indirect.gather.add.f32 [hbm:s6], $0x80, s29, s31, $0xb8;
	[tilespmem:$0x1AB40] =	vst v63  }
0x92: {  	s4 =	simm.s32 $0x280  }
0x93: {  	[tilespmem:s11], [sflag:$0x1] =	stream.indirect.gather.add.f32 [hbm:s6], $0x80, s4, s31, $0xb8;
	[tilespmem:$0x1AB40] =	vst v63  }
0x94: {  	s28 =	simm.s32 $0x300  }
0x95: {  	[tilespmem:s10], [sflag:$0x1] =	stream.indirect.gather.add.f32 [hbm:s6], $0x80, s28, s31, $0xb8;
	[tilespmem:$0x1AB40] =	vst v63  }
0x96: {  	s7 =	simm.s32 $0x380  }
0x97: {  	[tilespmem:s11], [sflag:$0x1] =	stream.indirect.gather.add.f32 [hbm:s6], $0x80, s7, s31, $0xb8;
	[tilespmem:$0x1AB40] =	vst v63  }
0x98: {  	_ =	swait.ge [sflag:s23], $0x100  }
0x99: {  	[sflag:s23] =	ssyncset.done $0x0  }
0x9a: {  	[sflag:s23] =	ssyncadd.s32 $0xFFFFFF00  }
0x9b: {  	_ =	swait.ge [sflag:s23], $0x100  }
0x9c: {  	[sflag:s23] =	ssyncset.done $0x0  }
0x9d: {  	[sflag:s23] =	ssyncadd.s32 $0xFFFFFF00  }
0x9e: {  	_ =	swait.ge [sflag:s23], $0x100  }
0x9f: {  	[sflag:s23] =	ssyncset.done $0x0  }
0xa0: {  	[sflag:s23] =	ssyncadd.s32 $0xFFFFFF00  }
0xa1: {  	_ =	swait.ge [sflag:s23], $0x100  }
0xa2: {  	[sflag:s23] =	ssyncset.done $0x0  }
0xa3: {  	s3 =	simm.s32 @p4 $0x8;
	[sflag:s23] =	ssyncadd.s32 $0xFFFFFF00  }
0xa4: {  	_ =	swait.ge @p4 [sflag:s3], $0x8000  }
0xa5: {  	[sflag:s3] =	ssyncset.done @p4 $0x0  }
0xa6: {  	[sflag:s3] =	ssyncadd.s32 @p4 $0xFFFF8000  }
0xa7: {  	[tilespmem:s25], [sflag:$0x2] =	stream.indirect.gather [hbm4b:s6+s31], $0x80, s17, s31, $0xb8;
	[tilespmem:$0x1AB40] =	vst v63  }
0xa8: {  	s9 =	simm.s32 $0x480;
	s0 =	simm.s32 $0xCC00  }
0xa9: {  	[tilespmem:s0], [sflag:$0x2] =	stream.indirect.gather [hbm4b:s6+s31], $0x80, s9, s31, $0xb8;
	[tilespmem:$0x1AB40] =	vst v63  }
0xaa: {  	_ =	swait.ge [sflag:s5], $0x4000  }
0xab: {  	[sflag:s5] =	ssyncset.done $0x0  }
0xac: {  	[sflag:s5] =	ssyncadd.s32 $0xFFFFC000  }
0xad: {  	_ =	swait.ge [sflag:s5], $0x4000  }
0xae: {  	s14 =	sld [smem:$0x7F2];
	_ =	sdelay $0x1  }
0xaf: {  	[sflag:s5] =	ssyncset.done $0x0  }
0xb0: {  	[sflag:s5] =	ssyncadd.s32 $0xFFFFC000;
	s3 =	sadd.s32 s2, s14  }
0xb1: {  	_ =	swait.ge [sflag:s5], $0x4000;
	s4 =	sadd.s32 $0xFFFF3EAF, s3  }
0xb2: {  	[sflag:s5] =	ssyncset.done $0x0;
	s9 =	sshra.s32 s4, $0x1F  }
0xb3: {  	[sflag:s5] =	ssyncadd.s32 $0xFFFFC000;
	s15 =	sshrl.u32 s9, $0x18  }
0xb4: {  	_ =	swait.ge [sflag:s5], $0x4000;
	s4 =	sadd.s32 s15, s4  }
0xb5: {  	[sflag:s5] =	ssyncset.done $0x0;
	s4 =	sshrl.u32 s4, $0x8  }
0xb6: {  	[sflag:s5] =	ssyncadd.s32 $0xFFFFC000;
	s4 =	sadd.s32 s9, s4  }
0xb7: {  	_ =	swait.ge [sflag:s5], $0x4000;
	s4 =	sshll.u32 s4, $0x8  }
0xb8: {  	[sflag:s5] =	ssyncset.done $0x0;
	s4 =	sand.u32 $0xF00, s4  }
0xb9: {  	p2 =	sgt.u32 s3, $0xC250;
	[sflag:s5] =	ssyncadd.s32 $0xFFFFC000;
	s4 =	ssub.s32 $0xC250, s4  }
0xba: {  	_ =	swait.ge [sflag:s5], $0x4000;
	s3 =	smov.u32 @p2 s4  }
0xbb: {  	[sflag:s5] =	ssyncset.done $0x0;
	s15 =	rddreg [dreg:$0xa];
	s3 =	sshrl.u32 s3, $0x3  }
0xbc: {  	s7 =	simm.s32 $0x0;
	[sflag:s5] =	ssyncadd.s32 $0xFFFFC000;
	s3 =	sadd.s32 s15, s3  }
0xbd: {  	[tilespmem:s7], [sflag:$0x4] =	stream.linear.gather [hbm4b:s3+s7], $0x100, $0x38;
	[tilespmem:$0x1AB40] =	vst v63  }
0xbe: {  	s4 =	sadd.s32 $0x186A, s3  }
0xbf: {  	[tilespmem:s16], [sflag:$0x4] =	stream.linear.gather [hbm4b:s4+s7], $0x100, $0x38;
	[tilespmem:$0x1AB40] =	vst v63  }
0xc0: {  	s16 =	sadd.s32 $0x30D4, s3  }
0xc1: {  	[tilespmem:s29], [sflag:$0x4] =	stream.linear.gather [hbm4b:s16+s7], $0x100, $0x38;
	[tilespmem:$0x1AB40] =	vst v63  }
0xc2: {  	s9 =	rddreg [dreg:$0x7];
	s3 =	sadd.s32 $0x493E, s3  }
0xc3: {  	[tilespmem:s28], [sflag:$0x4] =	stream.linear.gather [hbm4b:s3+s7], $0x100, $0x38;
	[tilespmem:$0x1AB40] =	vst v63  }
0xc4: {  	s3 =	sadd.s32 s9, s2  }
0xc5: {  	s15 =	sadd.s32 $0xFFFF3EAF, s3  }
0xc6: {  	s16 =	sshra.s32 s15, $0x1F  }
0xc7: {  	s28 =	sshrl.u32 s16, $0x18  }
0xc8: {  	s4 =	sadd.s32 s28, s15  }
0xc9: {  	s4 =	sshrl.u32 s4, $0x8  }
0xca: {  	s4 =	sadd.s32 s16, s4  }
0xcb: {  	s4 =	sshll.u32 s4, $0x8  }
0xcc: {  	s4 =	sand.u32 $0xF00, s4  }
0xcd: {  	p2 =	sgt.u32 s3, $0xC250;
	s4 =	ssub.s32 $0xC250, s4  }
0xce: {  	s3 =	smov.u32 @p2 s4  }
0xcf: {  	s3 =	sshll.u32 s3, $0x4  }
0xd0: {  	s3 =	sadd.s32 s19, s3  }
0xd1: {  	[hbm4b:s3+s7] =	stream.linear.scatter [tilespmem:s10], [sflag:$0x7], $0x8000, $0x38;
	[tilespmem:$0x1AB40] =	vst v63  }
0xd2: {  	_ =	swait.ge [sflag:s21], $0x4000  }
0xd3: {  	[sflag:s21] =	ssyncset.done $0x0  }
0xd4: {  	[sflag:s21] =	ssyncadd.s32 $0xFFFFC000  }
0xd5: {  	_ =	swait.ge [sflag:s21], $0x4000  }
0xd6: {  	[sflag:s21] =	ssyncset.done $0x0  }
0xd7: {  	s4 =	simm.s32 $0x500;
	[sflag:s21] =	ssyncadd.s32 $0xFFFFC000  }
0xd8: {  	[tilespmem:s25], [sflag:$0x2] =	stream.indirect.gather.add.f32 [hbm:s6], $0x80, s4, s31, $0xb8;
	[tilespmem:$0x1AB40] =	vst v63  }
0xd9: {  	_ = 	snop  }
0xda: {  	[tilespmem:s0], [sflag:$0x2] =	stream.indirect.gather.add.f32 [hbm:s6], $0x80, s30, s31, $0xb8;
	[tilespmem:$0x1AB40] =	vst v63  }
0xdb: {  	s9 =	simm.s32 $0x600  }
0xdc: {  	[tilespmem:s25], [sflag:$0x2] =	stream.indirect.gather.add.f32 [hbm:s6], $0x80, s9, s31, $0xb8;
	[tilespmem:$0x1AB40] =	vst v63  }
0xdd: {  	s15 =	simm.s32 $0x680  }
0xde: {  	[tilespmem:s0], [sflag:$0x2] =	stream.indirect.gather.add.f32 [hbm:s6], $0x80, s15, s31, $0xb8;
	[tilespmem:$0x1AB40] =	vst v63  }
0xdf: {  	s16 =	simm.s32 $0x700  }
0xe0: {  	[tilespmem:s25], [sflag:$0x2] =	stream.indirect.gather.add.f32 [hbm:s6], $0x80, s16, s31, $0xb8;
	[tilespmem:$0x1AB40] =	vst v63  }
0xe1: {  	s28 =	simm.s32 $0x780  }
0xe2: {  	[tilespmem:s0], [sflag:$0x2] =	stream.indirect.gather.add.f32 [hbm:s6], $0x80, s28, s31, $0xb8;
	[tilespmem:$0x1AB40] =	vst v63  }
0xe3: {  	_ =	swait.ge [sflag:s8], $0x100  }
0xe4: {  	[sflag:s8] =	ssyncset.done $0x0  }
0xe5: {  	[sflag:s8] =	ssyncadd.s32 $0xFFFFFF00  }
0xe6: {  	_ =	swait.ge [sflag:s8], $0x100  }
0xe7: {  	[sflag:s8] =	ssyncset.done $0x0  }
0xe8: {  	[sflag:s8] =	ssyncadd.s32 $0xFFFFFF00  }
0xe9: {  	_ =	swait.ge [sflag:s8], $0x100  }
0xea: {  	[sflag:s8] =	ssyncset.done $0x0  }
0xeb: {  	[sflag:s8] =	ssyncadd.s32 $0xFFFFFF00  }
0xec: {  	_ =	swait.ge [sflag:s8], $0x100  }
0xed: {  	[sflag:s8] =	ssyncset.done $0x0  }
0xee: {  	s3 =	simm.s32 @!p3 $0x9;
	[sflag:s8] =	ssyncadd.s32 $0xFFFFFF00  }
0xef: {  	_ =	swait.ge @!p3 [sflag:s3], $0x8000  }
0xf0: {  	[sflag:s3] =	ssyncset.done @!p3 $0x0  }
0xf1: {  	s4 =	simm.s32 $0x800;
	[sflag:s3] =	ssyncadd.s32 @!p3 $0xFFFF8000  }
0xf2: {  	[tilespmem:s18], [sflag:$0x3] =	stream.indirect.gather [hbm4b:s6+s31], $0x80, s4, s31, $0xb8;
	[tilespmem:$0x1AB40] =	vst v63  }
0xf3: {  	s9 =	simm.s32 $0x880  }
0xf4: {  	[tilespmem:s22], [sflag:$0x3] =	stream.indirect.gather [hbm4b:s6+s31], $0x80, s9, s31, $0xb8;
	[tilespmem:$0x1AB40] =	vst v63  }
0xf5: {  	_ =	swait.ge [sflag:s21], $0x4000  }
0xf6: {  	[sflag:s21] =	ssyncset.done $0x0  }
0xf7: {  	[sflag:s21] =	ssyncadd.s32 $0xFFFFC000  }
0xf8: {  	_ =	swait.ge [sflag:s21], $0x4000  }
0xf9: {  	[sflag:s21] =	ssyncset.done $0x0  }
0xfa: {  	[sflag:s21] =	ssyncadd.s32 $0xFFFFC000  }
0xfb: {  	_ =	swait.ge [sflag:s21], $0x4000  }
0xfc: {  	[sflag:s21] =	ssyncset.done $0x0  }
0xfd: {  	[sflag:s21] =	ssyncadd.s32 $0xFFFFC000  }
0xfe: {  	_ =	swait.ge [sflag:s21], $0x4000  }
0xff: {  	[sflag:s21] =	ssyncset.done $0x0  }
0x100: {  	[sflag:s21] =	ssyncadd.s32 $0xFFFFC000  }
0x101: {  	_ =	swait.ge [sflag:s21], $0x4000  }
0x102: {  	[sflag:s21] =	ssyncset.done $0x0  }
0x103: {  	[sflag:s21] =	ssyncadd.s32 $0xFFFFC000  }
0x104: {  	_ =	swait.ge [sflag:s21], $0x4000  }
0x105: {  	s3 =	simm.s32 @p3 $0x400;
	[sflag:s21] =	ssyncset.done $0x0  }
0x106: {  	s4 =	simm.s32 @p3 $0x0;
	s0 =	rddreg [dreg:$0x16];
	[sflag:s21] =	ssyncadd.s32 $0xFFFFC000  }
0x107: {  	[tilespmem:s3], [sflag:$0x5] =	stream.linear.gather @p3 [hbm4b:s0+s4], $0x100, $0x38;
	[tilespmem:$0x1AB40] =	vst v63  }
0x108: {  	s0 =	sld [smem:$0x7FA];
	_ =	sdelay $0x1  }
0x109: {  	s3 =	simm.s32 @p3 $0x500  }
0x10a: {  	[tilespmem:s3], [sflag:$0x5] =	stream.linear.gather @p3 [hbm4b:s0+s4], $0x100, $0x38;
	[tilespmem:$0x1AB40] =	vst v63  }
0x10b: {  	s0 =	sld [smem:$0x7FB];
	_ =	sdelay $0x1  }
0x10c: {  	s3 =	simm.s32 @p3 $0x600  }
0x10d: {  	[tilespmem:s3], [sflag:$0x5] =	stream.linear.gather @p3 [hbm4b:s0+s4], $0x100, $0x38;
	[tilespmem:$0x1AB40] =	vst v63  }
0x10e: {  	s0 =	sld [smem:$0x7FC];
	_ =	sdelay $0x1  }
0x10f: {  	s15 =	rddreg [dreg:$0x8];
	s3 =	simm.s32 @p3 $0x700  }
0x110: {  	[tilespmem:s3], [sflag:$0x5] =	stream.linear.gather @p3 [hbm4b:s0+s4], $0x100, $0x38;
	[tilespmem:$0x1AB40] =	vst v63  }
0x111: {  	s3 =	sadd.s32 s2, s15  }
0x112: {  	s16 =	sadd.s32 $0xFFFF3EAF, s3  }
0x113: {  	s0 =	sshra.s32 s16, $0x1F  }
0x114: {  	s28 =	sshrl.u32 s0, $0x18  }
0x115: {  	s9 =	sadd.s32 s28, s16  }
0x116: {  	s9 =	sshrl.u32 s9, $0x8  }
0x117: {  	s9 =	sadd.s32 s0, s9  }
0x118: {  	s9 =	sshll.u32 s9, $0x8  }
0x119: {  	s9 =	sand.u32 $0xF00, s9  }
0x11a: {  	p2 =	por p3, p3;
	p3 =	sgt.u32 s3, $0xC250;
	s9 =	ssub.s32 $0xC250, s9  }
0x11b: {  	s3 =	smov.u32 @p3 s9  }
0x11c: {  	s3 =	sshll.u32 s3, $0x4  }
0x11d: {  	s3 =	sadd.s32 s19, s3  }
0x11e: {  	[hbm4b:s3+s7] =	stream.linear.scatter [tilespmem:s25], [sflag:$0x8], $0x8000, $0x38;
	[tilespmem:$0x1AB40] =	vst v63  }
0x11f: {  	_ =	swait.ge [sflag:s13], $0x4000  }
0x120: {  	[sflag:s13] =	ssyncset.done $0x0  }
0x121: {  	[sflag:s13] =	ssyncadd.s32 $0xFFFFC000  }
0x122: {  	_ =	swait.ge [sflag:s13], $0x4000  }
0x123: {  	[sflag:s13] =	ssyncset.done $0x0  }
0x124: {  	s0 =	simm.s32 $0x900;
	[sflag:s13] =	ssyncadd.s32 $0xFFFFC000  }
0x125: {  	[tilespmem:s18], [sflag:$0x3] =	stream.indirect.gather.add.f32 [hbm:s6], $0x80, s0, s31, $0xb8;
	[tilespmem:$0x1AB40] =	vst v63  }
0x126: {  	s3 =	simm.s32 $0x980  }
0x127: {  	[tilespmem:s22], [sflag:$0x3] =	stream.indirect.gather.add.f32 [hbm:s6], $0x80, s3, s31, $0xb8;
	[tilespmem:$0x1AB40] =	vst v63  }
0x128: {  	s9 =	simm.s32 $0xA00  }
0x129: {  	[tilespmem:s18], [sflag:$0x3] =	stream.indirect.gather.add.f32 [hbm:s6], $0x80, s9, s31, $0xb8;
	[tilespmem:$0x1AB40] =	vst v63  }
0x12a: {  	s15 =	simm.s32 $0xA80  }
0x12b: {  	[tilespmem:s22], [sflag:$0x3] =	stream.indirect.gather.add.f32 [hbm:s6], $0x80, s15, s31, $0xb8;
	[tilespmem:$0x1AB40] =	vst v63  }
0x12c: {  	s16 =	simm.s32 $0xB00  }
0x12d: {  	[tilespmem:s18], [sflag:$0x3] =	stream.indirect.gather.add.f32 [hbm:s6], $0x80, s16, s31, $0xb8;
	[tilespmem:$0x1AB40] =	vst v63  }
0x12e: {  	s28 =	simm.s32 $0xB80;
	s0 =	simm.s32 $0x4  }
0x12f: {  	[tilespmem:s22], [sflag:$0x3] =	stream.indirect.gather.add.f32 [hbm:s6], $0x80, s28, s31, $0xb8;
	[tilespmem:$0x1AB40] =	vst v63  }
0x130: {  	_ =	swait.ge [sflag:s0], $0x100  }
0x131: {  	[sflag:s0] =	ssyncset.done $0x0  }
0x132: {  	[sflag:s0] =	ssyncadd.s32 $0xFFFFFF00  }
0x133: {  	_ =	swait.ge [sflag:s0], $0x100  }
0x134: {  	[sflag:s0] =	ssyncset.done $0x0  }
0x135: {  	[sflag:s0] =	ssyncadd.s32 $0xFFFFFF00  }
0x136: {  	_ =	swait.ge [sflag:s0], $0x100  }
0x137: {  	[sflag:s0] =	ssyncset.done $0x0  }
0x138: {  	[sflag:s0] =	ssyncadd.s32 $0xFFFFFF00  }
0x139: {  	_ =	swait.ge [sflag:s0], $0x100  }
0x13a: {  	[sflag:s0] =	ssyncset.done $0x0  }
0x13b: {  	s9 =	simm.s32 $0x7;
	[sflag:s0] =	ssyncadd.s32 $0xFFFFFF00  }
0x13c: {  	_ =	swait.ge [sflag:s9], $0x8000  }
0x13d: {  	[sflag:s9] =	ssyncset.done $0x0  }
0x13e: {  	[sflag:s9] =	ssyncadd.s32 $0xFFFF8000  }
0x13f: {  	[tilespmem:s10], [sflag:$0x1] =	stream.indirect.gather [hbm4b:s6+s31], $0x80, s7, s31, $0xb8;
	[tilespmem:$0x1AB40] =	vst v63  }
0x140: {  	_ = 	snop  }
0x141: {  	[tilespmem:s11], [sflag:$0x1] =	stream.indirect.gather [hbm4b:s6+s31], $0x80, s31, s31, $0xb8;
	[tilespmem:$0x1AB40] =	vst v63  }
0x142: {  	_ =	swait.ge [sflag:s13], $0x4000  }
0x143: {  	[sflag:s13] =	ssyncset.done $0x0  }
0x144: {  	[sflag:s13] =	ssyncadd.s32 $0xFFFFC000  }
0x145: {  	_ =	swait.ge [sflag:s13], $0x4000  }
0x146: {  	[sflag:s13] =	ssyncset.done $0x0  }
0x147: {  	[sflag:s13] =	ssyncadd.s32 $0xFFFFC000  }
0x148: {  	_ =	swait.ge [sflag:s13], $0x4000  }
0x149: {  	[sflag:s13] =	ssyncset.done $0x0  }
0x14a: {  	[sflag:s13] =	ssyncadd.s32 $0xFFFFC000  }
0x14b: {  	_ =	swait.ge [sflag:s13], $0x4000  }
0x14c: {  	[sflag:s13] =	ssyncset.done $0x0  }
0x14d: {  	[sflag:s13] =	ssyncadd.s32 $0xFFFFC000  }
0x14e: {  	_ =	swait.ge [sflag:s13], $0x4000  }
0x14f: {  	[sflag:s13] =	ssyncset.done $0x0  }
0x150: {  	[sflag:s13] =	ssyncadd.s32 $0xFFFFC000  }
0x151: {  	_ =	swait.ge [sflag:s13], $0x4000  }
0x152: {  	[sflag:s13] =	ssyncset.done $0x0  }
0x153: {  	s3 =	simm.s32 @p2 $0x800;
	s0 =	rddreg [dreg:$0x10];
	[sflag:s13] =	ssyncadd.s32 $0xFFFFC000  }
0x154: {  	[tilespmem:s3], [sflag:$0x6] =	stream.linear.gather @p2 [hbm4b:s0+s4], $0x100, $0x38;
	[tilespmem:$0x1AB40] =	vst v63  }
0x155: {  	s0 =	sld [smem:$0x7FD];
	_ =	sdelay $0x1  }
0x156: {  	s3 =	simm.s32 @p2 $0x900  }
0x157: {  	[tilespmem:s3], [sflag:$0x6] =	stream.linear.gather @p2 [hbm4b:s0+s4], $0x100, $0x38;
	[tilespmem:$0x1AB40] =	vst v63  }
0x158: {  	s0 =	sld [smem:$0x7F3];
	_ =	sdelay $0x1  }
0x159: {  	s2 =	sadd.s32 s2, s1;
	s3 =	simm.s32 @p2 $0xA00  }
0x15a: {  	[tilespmem:s3], [sflag:$0x6] =	stream.linear.gather @p2 [hbm4b:s0+s4], $0x100, $0x38;
	[tilespmem:$0x1AB40] =	vst v63  }
0x15b: {  	s15 =	sadd.s32 $0xFFFF3EAF, s2;
	s0 =	sld [smem:$0x7F4]  }
0x15c: {  	s16 =	sshra.s32 s15, $0x1F  }
0x15d: {  	s28 =	sshrl.u32 s16, $0x18;
	s3 =	simm.s32 @p2 $0xB00  }
0x15e: {  	[tilespmem:s3], [sflag:$0x6] =	stream.linear.gather @p2 [hbm4b:s0+s4], $0x100, $0x38;
	[tilespmem:$0x1AB40] =	vst v63  }
0x15f: {  	s3 =	sadd.s32 s28, s15  }
0x160: {  	s3 =	sshrl.u32 s3, $0x8  }
0x161: {  	s3 =	sadd.s32 s16, s3  }
0x162: {  	s3 =	sshll.u32 s3, $0x8  }
0x163: {  	s3 =	sand.u32 $0xF00, s3  }
0x164: {  	p3 =	sgt.u32 s2, $0xC250;
	s3 =	ssub.s32 $0xC250, s3  }
.Ltmp0:
0x165: {  	s2 =	smov.u32 @p3 s3;
	(pc) =	sbr.rel @p2 .LBB2_2-.Ltmp0, $4  }
0x166: {  	p4 =	por $0x1, $0x1;
	s2 =	sshll.u32 s2, $0x4  }
0x167: {  	s14 =	simm.s32 $0x200;
	s29 =	simm.s32 $0x300;
	s2 =	sadd.s32 s19, s2  }
0x168: {  	[hbm4b:s2+s7] =	stream.linear.scatter [tilespmem:s18], [sflag:$0x9], $0x8000, $0x38;
	[tilespmem:$0x1AB40] =	vst v63  }
0x169: {  	s10 =	smov.u32 s1;
	p3 =	por $0x0, $0x0;
	s2 =	simm.s32 $0x300  }
0x16a: {  	_ =	swait.ge [sflag:s5], $0x4000  }
0x16b: {  	[sflag:s5] =	ssyncset.done $0x0  }
0x16c: {  	[sflag:s5] =	ssyncadd.s32 $0xFFFFC000  }
0x16d: {  	_ =	swait.ge [sflag:s5], $0x4000  }
0x16e: {  	[sflag:s5] =	ssyncset.done $0x0  }
0x16f: {  	s1 =	simm.s32 $0x100;
	s11 =	simm.s32 $0xC00;
	[sflag:s5] =	ssyncadd.s32 $0xFFFFC000  }
0x170: {  	[tilespmem:s11], [sflag:$0x1] =	stream.indirect.gather.add.f32 [hbm:s6], $0x80, s1, s31, $0xb8;
	[tilespmem:$0x1AB40] =	vst v63  }
0x171: {  	s3 =	simm.s32 $0x4C00;
	s7 =	simm.s32 $0x180  }
0x172: {  	[tilespmem:s3], [sflag:$0x1] =	stream.indirect.gather.add.f32 [hbm:s6], $0x80, s7, s31, $0xb8;
	[tilespmem:$0x1AB40] =	vst v63  }
0x173: {  	_ = 	snop  }
0x174: {  	[tilespmem:s11], [sflag:$0x1] =	stream.indirect.gather.add.f32 [hbm:s6], $0x80, s14, s31, $0xb8;
	[tilespmem:$0x1AB40] =	vst v63  }
0x175: {  	s0 =	simm.s32 $0x280  }
0x176: {  	[tilespmem:s3], [sflag:$0x1] =	stream.indirect.gather.add.f32 [hbm:s6], $0x80, s0, s31, $0xb8;
	[tilespmem:$0x1AB40] =	vst v63  }
0x177: {  	_ = 	snop  }
0x178: {  	[tilespmem:s11], [sflag:$0x1] =	stream.indirect.gather.add.f32 [hbm:s6], $0x80, s29, s31, $0xb8;
	[tilespmem:$0x1AB40] =	vst v63  }
0x179: {  	s17 =	simm.s32 $0x380  }
0x17a: {  	[tilespmem:s3], [sflag:$0x1] =	stream.indirect.gather.add.f32 [hbm:s6], $0x80, s17, s31, $0xb8;
	[tilespmem:$0x1AB40] =	vst v63  }
0x17b: {  	_ =	swait.ge [sflag:s5], $0x4000  }
0x17c: {  	[sflag:s5] =	ssyncset.done $0x0  }
0x17d: {  	[sflag:s5] =	ssyncadd.s32 $0xFFFFC000  }
0x17e: {  	_ =	swait.ge [sflag:s5], $0x4000  }
0x17f: {  	[sflag:s5] =	ssyncset.done $0x0  }
0x180: {  	[sflag:s5] =	ssyncadd.s32 $0xFFFFC000  }
0x181: {  	_ =	swait.ge [sflag:s5], $0x4000  }
0x182: {  	[sflag:s5] =	ssyncset.done $0x0  }
0x183: {  	[sflag:s5] =	ssyncadd.s32 $0xFFFFC000  }
0x184: {  	_ =	swait.ge [sflag:s5], $0x4000  }
0x185: {  	[sflag:s5] =	ssyncset.done $0x0  }
0x186: {  	[sflag:s5] =	ssyncadd.s32 $0xFFFFC000  }
0x187: {  	_ =	swait.ge [sflag:s5], $0x4000  }
0x188: {  	[sflag:s5] =	ssyncset.done $0x0  }
0x189: {  	[sflag:s5] =	ssyncadd.s32 $0xFFFFC000  }
0x18a: {  	_ =	swait.ge [sflag:s5], $0x4000  }
0x18b: {  	s4 =	simm.s32 $0x0;
	[sflag:s5] =	ssyncset.done $0x0  }
0x18c: {  	s28 =	simm.s32 $0x8;
	s19 =	rddreg [dreg:$0x11];
	[sflag:s5] =	ssyncadd.s32 $0xFFFFC000  }
0x18d: {  	[hbm4b:s19+s4] =	stream.linear.scatter [tilespmem:s11], [sflag:$0x7], $0x8000, $0x38;
	[tilespmem:$0x1AB40] =	vst v63  }
0x18e: {  	_ =	swait.ge [sflag:s28], $0x8000  }
0x18f: {  	[sflag:s28] =	ssyncset.done $0x0  }
0x190: {  	s29 =	simm.s32 $0x9;
	[sflag:s28] =	ssyncadd.s32 $0xFFFF8000  }
0x191: {  	_ =	swait.ge [sflag:s29], $0x8000  }
0x192: {  	[sflag:s29] =	ssyncset.done $0x0  }
0x193: {  	s2 =	simm.s32 $0x7;
	[sflag:s29] =	ssyncadd.s32 $0xFFFF8000  }
0x194: {  	_ =	swait.ge [sflag:s2], $0x8000  }
0x195: {  	[sflag:s2] =	ssyncset.done $0x0  }
0x196: {  	[sflag:s2] =	ssyncadd.s32 $0xFFFF8000  }
0x197: {  	[bflag:$0x0] =	sbarrier.arrive $0xFFFF  }
0x198: {  	s6 =	rddreg [dreg:$0x12]  }
0x199: {  	s8 =	sld [smem:$0x7F5]  }
0x19a: {  	[tilespmem:s4], [sflag:$0x4] =	stream.linear.gather [hbm4b:s6+s4], $0x100, $0x38;
	[tilespmem:$0x1AB40] =	vst v63  }
0x19b: {  	s9 =	sld [smem:$0x7F6]  }
0x19c: {  	[tilespmem:s1], [sflag:$0x4] =	stream.linear.gather [hbm4b:s8+s4], $0x100, $0x38;
	[tilespmem:$0x1AB40] =	vst v63  }
0x19d: {  	s10 =	sld [smem:$0x7F7];
	s6 =	simm.s32 $0x400  }
0x19e: {  	[tilespmem:s6], [sflag:$0x5] =	stream.linear.gather [hbm4b:s9+s4], $0x100, $0x38;
	[tilespmem:$0x1AB40] =	vst v63  }
0x19f: {  	s14 =	simm.s32 $0x500;
	s15 =	sld [smem:$0x7F8]  }
0x1a0: {  	[tilespmem:s14], [sflag:$0x5] =	stream.linear.gather [hbm4b:s10+s4], $0x100, $0x38;
	[tilespmem:$0x1AB40] =	vst v63  }
0x1a1: {  	s17 =	simm.s32 $0x800;
	s16 =	sld [smem:$0x7F9]  }
0x1a2: {  	[tilespmem:s17], [sflag:$0x6] =	stream.linear.gather [hbm4b:s15+s4], $0x100, $0x38;
	[tilespmem:$0x1AB40] =	vst v63  }
0x1a3: {  	s19 =	simm.s32 $0x4;
	s2 =	simm.s32 $0x900  }
0x1a4: {  	[tilespmem:s2], [sflag:$0x6] =	stream.linear.gather [hbm4b:s16+s4], $0x100, $0x38;
	[tilespmem:$0x1AB40] =	vst v63  }
0x1a5: {  	_ =	swait.ge [sflag:s19], $0x100  }
0x1a6: {  	[sflag:s19] =	ssyncset.done $0x0  }
0x1a7: {  	[sflag:s19] =	ssyncadd.s32 $0xFFFFFF00  }
0x1a8: {  	_ =	swait.ge [sflag:s19], $0x100  }
0x1a9: {  	[sflag:s19] =	ssyncset.done $0x0  }
0x1aa: {  	[sflag:s19] =	ssyncadd.s32 $0xFFFFFF00  }
0x1ab: {  	[tilespmem:s11], [sflag:$0x1] =	stream.indirect.gather [spmem:s26], $0x80, s4, s31, $0xb8;
	[tilespmem:$0x1AB40] =	vst v63  }
0x1ac: {  	_ = 	snop  }
0x1ad: {  	[tilespmem:s3], [sflag:$0x1] =	stream.indirect.gather [spmem:s26], $0x80, s31, s31, $0xb8;
	[tilespmem:$0x1AB40] =	vst v63  }
0x1ae: {  	_ =	swait.ge [sflag:s5], $0x4000  }
0x1af: {  	[sflag:s5] =	ssyncset.done $0x0  }
0x1b0: {  	[sflag:s5] =	ssyncadd.s32 $0xFFFFC000  }
0x1b1: {  	_ =	swait.ge [sflag:s5], $0x4000  }
0x1b2: {  	[sflag:s5] =	ssyncset.done $0x0  }
0x1b3: {  	[sflag:s5] =	ssyncadd.s32 $0xFFFFC000  }
0x1b4: {  	[tilespmem:s11], [sflag:$0x1] =	stream.indirect.gather.add.f32 [spmem:s26], $0x80, s1, s31, $0xb8;
	[tilespmem:$0x1AB40] =	vst v63  }
0x1b5: {  	_ = 	snop  }
0x1b6: {  	[tilespmem:s3], [sflag:$0x1] =	stream.indirect.gather.add.f32 [spmem:s26], $0x80, s7, s31, $0xb8;
	[tilespmem:$0x1AB40] =	vst v63  }
0x1b7: {  	p2 =	por $0x1, $0x1;
	_ =	swait.ge [sflag:s23], $0x100  }
0x1b8: {  	s0 =	simm.s32 $0xCC00;
	s2 =	sadd.s32 $0x0, s12;
	[sflag:s23] =	ssyncset.done $0x0  }
0x1b9: {  	s16 =	simm.s32 @!p2 $0x8;
	s28 =	sadd.s32 $0xFFF3CFFF, s2;
	[sflag:s23] =	ssyncadd.s32 $0xFFFFFF00  }
0x1ba: {  	p3 =	sgt.u32 s2, $0xC3400;
	s9 =	sshra.s32 s28, $0x1F;
	_ =	swait.ge [sflag:s23], $0x100  }
0x1bb: {  	s15 =	sadd.s32 $0xFFF3CCFF, s2;
	s29 =	sshrl.u32 s9, $0x18;
	[sflag:s23] =	ssyncset.done $0x0  }
0x1bc: {  	s7 =	sshra.s32 s15, $0x1F;
	s3 =	sadd.s32 s29, s28;
	[sflag:s23] =	ssyncadd.s32 $0xFFFFFF00  }
0x1bd: {  	s19 =	sshrl.u32 s7, $0x18;
	s3 =	sshrl.u32 s3, $0x8;
	_ =	swait.ge @!p2 [sflag:s16], $0x8000  }
0x1be: {  	s15 =	sadd.s32 s19, s15;
	s3 =	sadd.s32 s9, s3;
	[sflag:s16] =	ssyncset.done @!p2 $0x0  }
0x1bf: {  	s28 =	sshrl.u32 s15, $0x8;
	s3 =	sshll.u32 s3, $0x8;
	[sflag:s16] =	ssyncadd.s32 @!p2 $0xFFFF8000  }
0x1c0: {  	[tilespmem:s25], [sflag:$0x2] =	stream.indirect.gather [spmem:s26], $0x80, s6, s31, $0xb8;
	[tilespmem:$0x1AB40] =	vst v63  }
0x1c1: {  	s29 =	simm.s32 $0x480;
	s9 =	sadd.s32 s7, s28;
	s3 =	sand.u32 $0xF00, s3  }
0x1c2: {  	[tilespmem:s0], [sflag:$0x2] =	stream.indirect.gather [spmem:s26], $0x80, s29, s31, $0xb8;
	[tilespmem:$0x1AB40] =	vst v63  }
0x1c3: {  	s7 =	simm.s32 $0x0;
	s9 =	sshll.u32 s9, $0x8;
	_ =	swait.ge [sflag:s5], $0x4000  }
0x1c4: {  	s3 =	ssub.s32 $0xC3400, s3;
	s16 =	sadd.s32 $0x300, s2;
	[sflag:s5] =	ssyncset.done $0x0  }
0x1c5: {  	s15 =	sand.u32 $0xF00, s9;
	p4 =	sgt.u32 s16, $0xC3400;
	[sflag:s5] =	ssyncadd.s32 $0xFFFFC000  }
0x1c6: {  	s16 =	smov.u32 @p4 s3;
	s3 =	ssub.s32 $0xC3400, s15;
	_ =	swait.ge [sflag:s5], $0x4000  }
0x1c7: {  	s15 =	smov.u32 s2;
	s19 =	sshrl.u32 s16, $0x3;
	[sflag:s5] =	ssyncset.done $0x0  }
0x1c8: {  	s15 =	smov.u32 @p3 s3;
	s28 =	sadd.s32 s20, s19;
	[sflag:s5] =	ssyncadd.s32 $0xFFFFC000  }
0x1c9: {  	[tilespmem:s7], [sflag:$0x4] =	stream.linear.gather [hbm4b:s28+s7], $0x100, $0x38;
	[tilespmem:$0x1AB40] =	vst v63  }
0x1ca: {  	s29 =	sshll.u32 s15, $0x4;
	s3 =	sadd.s32 $0x186A0, s28  }
0x1cb: {  	[tilespmem:s1], [sflag:$0x4] =	stream.linear.gather [hbm4b:s3+s7], $0x100, $0x38;
	[tilespmem:$0x1AB40] =	vst v63  }
0x1cc: {  	s1 =	sadd.s32 s24, s29  }
0x1cd: {  	[hbm4b:s1+s7] =	stream.linear.scatter [tilespmem:s11], [sflag:$0x7], $0x8000, $0x38;
	[tilespmem:$0x1AB40] =	vst v63  }
0x1ce: {  	s9 =	sadd.s32 $0xFFF3D0FF, s2;
	_ =	swait.ge [sflag:s21], $0x4000  }
0x1cf: {  	s8 =	simm.s32 $0x6;
	s11 =	sshra.s32 s9, $0x1F;
	[sflag:s21] =	ssyncset.done $0x0  }
0x1d0: {  	s10 =	smov.u32 s26;
	s19 =	sshrl.u32 s11, $0x18;
	[sflag:s21] =	ssyncadd.s32 $0xFFFFC000  }
0x1d1: {  	s23 =	simm.s32 $0x5;
	s3 =	sadd.s32 s19, s9;
	_ =	swait.ge [sflag:s21], $0x4000  }
0x1d2: {  	p4 =	por $0x0, $0x0;
	s3 =	sshrl.u32 s3, $0x8;
	[sflag:s21] =	ssyncset.done $0x0  }
0x1d3: {  	s16 =	sadd.s32 $0x100, s2;
	s3 =	sadd.s32 s11, s3;
	[sflag:s21] =	ssyncadd.s32 $0xFFFFC000  }
0x1d4: {  	[tilespmem:s25], [sflag:$0x2] =	stream.indirect.gather.add.f32 [spmem:s26], $0x80, s14, s31, $0xb8;
	[tilespmem:$0x1AB40] =	vst v63  }
0x1d5: {  	s1 =	simm.s32 @!p2 $0x9;
	s3 =	sshll.u32 s3, $0x8;
	s14 =	sadd.s32 $0xFFF3CDFF, s2  }
0x1d6: {  	[tilespmem:s0], [sflag:$0x2] =	stream.indirect.gather.add.f32 [spmem:s26], $0x80, s30, s31, $0xb8;
	[tilespmem:$0x1AB40] =	vst v63  }
0x1d7: {  	s3 =	sand.u32 $0xF00, s3;
	s28 =	sshra.s32 s14, $0x1F;
	_ =	swait.ge [sflag:s8], $0x100  }
0x1d8: {  	s3 =	ssub.s32 $0xC3400, s3;
	s29 =	sshrl.u32 s28, $0x18;
	[sflag:s8] =	ssyncset.done $0x0  }
0x1d9: {  	s0 =	sadd.s32 $0xFFF3CEFF, s2;
	s30 =	sadd.s32 s29, s14;
	[sflag:s8] =	ssyncadd.s32 $0xFFFFFF00  }
0x1da: {  	s11 =	sshra.s32 s0, $0x1F;
	s9 =	sshrl.u32 s30, $0x8;
	_ =	swait.ge [sflag:s8], $0x100  }
0x1db: {  	s14 =	sshrl.u32 s11, $0x18;
	s9 =	sadd.s32 s28, s9;
	[sflag:s8] =	ssyncset.done $0x0  }
0x1dc: {  	s15 =	sadd.s32 s14, s0;
	s28 =	simm.s32 $0x880;
	[sflag:s8] =	ssyncadd.s32 $0xFFFFFF00  }
0x1dd: {  	s9 =	sshll.u32 s9, $0x8;
	s19 =	sshrl.u32 s15, $0x8;
	_ =	swait.ge @!p2 [sflag:s1], $0x8000  }
0x1de: {  	s15 =	sadd.s32 $0x400, s2;
	s9 =	sand.u32 $0xF00, s9;
	[sflag:s1] =	ssyncset.done @!p2 $0x0  }
0x1df: {  	s9 =	ssub.s32 $0xC3400, s9;
	[sflag:s1] =	ssyncadd.s32 @!p2 $0xFFFF8000;
	p2 =	sgt.u32 s16, $0xC3400  }
0x1e0: {  	[tilespmem:s18], [sflag:$0x3] =	stream.indirect.gather [spmem:s26], $0x80, s17, s31, $0xb8;
	[tilespmem:$0x1AB40] =	vst v63  }
0x1e1: {  	s1 =	simm.s32 $0x14C00;
	s16 =	smov.u32 @p2 s9;
	p2 =	sgt.u32 s15, $0xC3400  }
0x1e2: {  	s9 =	sadd.s32 s11, s19;
	s15 =	smov.u32 @p2 s3;
	s3 =	sadd.s32 $0x200, s2  }
0x1e3: {  	[tilespmem:s22], [sflag:$0x3] =	stream.indirect.gather [spmem:s26], $0x80, s28, s31, $0xb8;
	[tilespmem:$0x1AB40] =	vst v63  }
0x1e4: {  	s29 =	sshll.u32 s9, $0x8;
	s16 =	sshll.u32 s16, $0x4;
	_ =	swait.ge [sflag:s21], $0x4000  }
0x1e5: {  	s30 =	sshrl.u32 s15, $0x3;
	s2 =	sand.u32 $0xF00, s29;
	[sflag:s21] =	ssyncset.done $0x0  }
0x1e6: {  	p2 =	sgt.u32 s3, $0xC3400;
	s22 =	simm.s32 $0x10C00;
	[sflag:s21] =	ssyncadd.s32 $0xFFFFC000  }
0x1e7: {  	s2 =	ssub.s32 $0xC3400, s2;
	s9 =	sadd.s32 s20, s30;
	_ =	swait.ge [sflag:s21], $0x4000  }
0x1e8: {  	s3 =	smov.u32 @p2 s2;
	s2 =	simm.s32 $0x300;
	[sflag:s21] =	ssyncset.done $0x0  }
0x1e9: {  	s15 =	sshll.u32 s3, $0x4;
	s3 =	sadd.s32 $0x186A0, s9;
	[sflag:s21] =	ssyncadd.s32 $0xFFFFC000  }
0x1ea: {  	[tilespmem:s6], [sflag:$0x5] =	stream.linear.gather [hbm4b:s9+s7], $0x100, $0x38;
	[tilespmem:$0x1AB40] =	vst v63  }
.LBB2_4:
0x1eb: {  	s9 =	sadd.s32 @!p4 s4, s12;
	s4 =	smov.u32 s2  }
0x1ec: {  	s2 =	sadd.s32 $0x300, s2;
	s0 =	simm.s32 $0x500;
	s7 =	simm.s32 $0x0  }
0x1ed: {  	s30 =	simm.s32 $0x10C00;
	s6 =	smov.u32 s20;
	s11 =	simm.s32 $0x7  }
0x1ee: {  	[tilespmem:s0], [sflag:$0x5] =	stream.linear.gather [hbm4b:s3+s7], $0x100, $0x38;
	[tilespmem:$0x1AB40] =	vst v63  }
0x1ef: {  	s17 =	smov.u32 s24;
	s3 =	sadd.s32 s24, s16;
	s18 =	sadd.s32 @!p4 $0x500, s9  }
0x1f0: {  	s9 =	sadd.s32 @!p4 $0xFFF3D1FF, s9;
	p2 =	sne.s32 s2, $0x6000;
	s0 =	simm.s32 $0x900  }
0x1f1: {  	[hbm4b:s3+s7] =	stream.linear.scatter [tilespmem:s25], [sflag:$0x8], $0x8000, $0x38;
	[tilespmem:$0x1AB40] =	vst v63  }
0x1f2: {  	p3 =	sgt.u32 @!p4 s18, $0xC3400;
	s3 =	sshra.s32 @!p4 s9, $0x1F;
	_ =	swait.ge [sflag:s13], $0x4000  }
0x1f3: {  	p5 =	por !p3, p4;
	s16 =	sshrl.u32 @!p4 s3, $0x18;
	[sflag:s13] =	ssyncset.done $0x0  }
0x1f4: {  	p3 =	seq.s32 s4, $0x0;
	s9 =	sadd.s32 @!p4 s16, s9;
	[sflag:s13] =	ssyncadd.s32 $0xFFFFC000  }
0x1f5: {  	s16 =	sadd.s32 s24, s15;
	s9 =	sshrl.u32 @!p4 s9, $0x8;
	_ =	swait.ge [sflag:s13], $0x4000  }
0x1f6: {  	s15 =	sadd.s32 s4, s12;
	s3 =	sadd.s32 @!p4 s3, s9;
	[sflag:s13] =	ssyncset.done $0x0  }
0x1f7: {  	s9 =	simm.s32 @!p4 $0x900;
	s3 =	sshll.u32 @!p4 s3, $0x8;
	[sflag:s13] =	ssyncadd.s32 $0xFFFFC000  }
0x1f8: {  	[tilespmem:s22], [sflag:$0x3] =	stream.indirect.gather.add.f32 [spmem:s10], $0x80, s0, s31, $0xb8;
	[tilespmem:$0x1AB40] =	vst v63  }
0x1f9: {  	s3 =	sand.u32 @!p4 $0xF00, s3;
	s22 =	simm.s32 @!p4 $0x800;
	s0 =	simm.s32 $0x980  }
0x1fa: {  	[tilespmem:s1], [sflag:$0x3] =	stream.indirect.gather.add.f32 [spmem:s10], $0x80, s0, s31, $0xb8;
	[tilespmem:$0x1AB40] =	vst v63  }
0x1fb: {  	s25 =	simm.s32 $0x4C00;
	s29 =	sadd.s32 $0x300, s15;
	s0 =	simm.s32 $0x4  }
0x1fc: {  	s24 =	sadd.s32 $0xFFF3CCFF, s15;
	s19 =	ssub.s32 @!p4 $0xC3400, s3;
	_ =	swait.ge [sflag:s0], $0x100  }
0x1fd: {  	s3 =	sadd.s32 $0xFFF3CDFF, s15;
	s19 =	smov.u32 @p5 s18;
	[sflag:s0] =	ssyncset.done $0x0  }
0x1fe: {  	p5 =	sgt.u32 s15, $0xC3400;
	s18 =	sshrl.u32 @!p4 s19, $0x3;
	[sflag:s0] =	ssyncadd.s32 $0xFFFFFF00  }
0x1ff: {  	s19 =	sadd.s32 $0xFFF3D0FF, s15;
	s28 =	sadd.s32 @!p4 s20, s18;
	_ =	swait.ge [sflag:s0], $0x100  }
0x200: {  	s10 =	simm.s32 $0x14C00;
	s18 =	sshra.s32 s19, $0x1F;
	[sflag:s0] =	ssyncset.done $0x0  }
0x201: {  	s1 =	sshra.s32 s24, $0x1F;
	s14 =	sshrl.u32 s18, $0x18;
	[sflag:s0] =	ssyncadd.s32 $0xFFFFFF00  }
0x202: {  	s20 =	sadd.s32 $0xFFF3CFFF, s15;
	s14 =	sadd.s32 s14, s19;
	_ =	swait.ge [sflag:s11], $0x8000  }
0x203: {  	s19 =	sshra.s32 s20, $0x1F;
	s14 =	sshrl.u32 s14, $0x8;
	[sflag:s11] =	ssyncset.done $0x0  }
0x204: {  	s0 =	sshrl.u32 s19, $0x18;
	[sflag:s11] =	ssyncadd.s32 $0xFFFF8000;
	s11 =	simm.s32 $0xC00  }
0x205: {  	[tilespmem:s11], [sflag:$0x1] =	stream.indirect.gather [spmem:s26], $0x80, s7, s31, $0xb8;
	[tilespmem:$0x1AB40] =	vst v63  }
0x206: {  	s18 =	sadd.s32 s18, s14;
	s0 =	sadd.s32 s0, s20;
	s20 =	sshrl.u32 s1, $0x18  }
0x207: {  	[tilespmem:s25], [sflag:$0x1] =	stream.indirect.gather [spmem:s26], $0x80, s31, s31, $0xb8;
	[tilespmem:$0x1AB40] =	vst v63  }
0x208: {  	s0 =	sshrl.u32 s0, $0x8;
	s14 =	sadd.s32 s20, s24;
	_ =	swait.ge [sflag:s13], $0x4000  }
0x209: {  	s24 =	smov.u32 s17;
	s0 =	sadd.s32 s19, s0;
	[sflag:s13] =	ssyncset.done $0x0  }
0x20a: {  	s14 =	sshrl.u32 s14, $0x8;
	s0 =	sshll.u32 s0, $0x8;
	[sflag:s13] =	ssyncadd.s32 $0xFFFFC000  }
0x20b: {  	s19 =	sadd.s32 @!p4 $0x186A0, s28;
	s0 =	sand.u32 $0xF00, s0;
	_ =	swait.ge [sflag:s13], $0x4000  }
0x20c: {  	s1 =	sadd.s32 s1, s14;
	s14 =	simm.s32 @!p4 $0x0;
	[sflag:s13] =	ssyncset.done $0x0  }
0x20d: {  	s20 =	sshra.s32 s3, $0x1F;
	s1 =	sshll.u32 s1, $0x8;
	[sflag:s13] =	ssyncadd.s32 $0xFFFFC000  }
0x20e: {  	[tilespmem:s22], [sflag:$0x6] =	stream.linear.gather @!p4 [hbm4b:s28+s14], $0x100, $0x38;
	[tilespmem:$0x1AB40] =	vst v63  }
0x20f: {  	p6 =	sgt.u32 s29, $0xC3400;
	s0 =	ssub.s32 $0xC3400, s0;
	s28 =	simm.s32 $0x800  }
0x210: {  	s29 =	smov.u32 @p6 s0;
	s0 =	sand.u32 $0xF00, s1;
	s22 =	sshrl.u32 s20, $0x18  }
0x211: {  	s0 =	ssub.s32 $0xC3400, s0;
	s1 =	sadd.s32 s22, s3;
	s22 =	sshrl.u32 s29, $0x3  }
0x212: {  	[tilespmem:s9], [sflag:$0x6] =	stream.linear.gather @!p4 [hbm4b:s19+s14], $0x100, $0x38;
	[tilespmem:$0x1AB40] =	vst v63  }
0x213: {  	s29 =	simm.s32 $0x180;
	s3 =	smov.u32 s15;
	s1 =	sshrl.u32 s1, $0x8  }
0x214: {  	[hbm4b:s16+s7] =	stream.linear.scatter [tilespmem:s30], [sflag:$0x9], $0x8000, $0x38;
	[tilespmem:$0x1AB40] =	vst v63  }
0x215: {  	s3 =	smov.u32 @p5 s0;
	s0 =	sadd.s32 s20, s1;
	s30 =	simm.s32 $0x580  }
0x216: {  	s20 =	smov.u32 s6;
	s9 =	sshll.u32 s3, $0x4;
	_ =	swait.ge [sflag:s5], $0x4000  }
0x217: {  	s1 =	sadd.s32 $0x100, s15;
	s0 =	sshll.u32 s0, $0x8;
	[sflag:s5] =	ssyncset.done $0x0  }
0x218: {  	s6 =	simm.s32 $0x100;
	s0 =	sand.u32 $0xF00, s0;
	[sflag:s5] =	ssyncadd.s32 $0xFFFFC000  }
0x219: {  	p4 =	sgt.u32 s1, $0xC3400;
	s0 =	ssub.s32 $0xC3400, s0;
	_ =	swait.ge [sflag:s5], $0x4000  }
0x21a: {  	s1 =	smov.u32 @p4 s0;
	s0 =	sadd.s32 $0xFFF3CEFF, s15;
	[sflag:s5] =	ssyncset.done $0x0  }
0x21b: {  	s16 =	sshll.u32 s1, $0x4;
	s1 =	sshra.s32 s0, $0x1F;
	[sflag:s5] =	ssyncadd.s32 $0xFFFFC000  }
0x21c: {  	[tilespmem:s11], [sflag:$0x1] =	stream.indirect.gather.add.f32 [spmem:s26], $0x80, s6, s31, $0xb8;
	[tilespmem:$0x1AB40] =	vst v63  }
0x21d: {  	s3 =	sshrl.u32 s1, $0x18  }
0x21e: {  	[tilespmem:s25], [sflag:$0x1] =	stream.indirect.gather.add.f32 [spmem:s26], $0x80, s29, s31, $0xb8;
	[tilespmem:$0x1AB40] =	vst v63  }
0x21f: {  	s25 =	simm.s32 $0x8C00  }
0x220: {  	s14 =	sshll.u32 s18, $0x8;
	s0 =	sadd.s32 s3, s0;
	_ =	swait.ge [sflag:s23], $0x100  }
0x221: {  	s3 =	sand.u32 $0xF00, s14;
	s0 =	sshrl.u32 s0, $0x8;
	[sflag:s23] =	ssyncset.done $0x0  }
0x222: {  	s14 =	sadd.s32 $0x200, s15;
	s0 =	sadd.s32 s1, s0;
	[sflag:s23] =	ssyncadd.s32 $0xFFFFFF00  }
0x223: {  	s3 =	ssub.s32 $0xC3400, s3;
	s1 =	sadd.s32 $0x400, s15;
	_ =	swait.ge [sflag:s23], $0x100  }
0x224: {  	p4 =	sgt.u32 s1, $0xC3400;
	s0 =	sshll.u32 s0, $0x8;
	[sflag:s23] =	ssyncset.done $0x0  }
0x225: {  	s15 =	simm.s32 @!p3 $0x8;
	s1 =	smov.u32 @p4 s3;
	[sflag:s23] =	ssyncadd.s32 $0xFFFFFF00  }
0x226: {  	s0 =	sand.u32 $0xF00, s0;
	s18 =	sshrl.u32 s1, $0x3;
	_ =	swait.ge @!p3 [sflag:s15], $0x8000  }
0x227: {  	p4 =	sgt.u32 s14, $0xC3400;
	s0 =	ssub.s32 $0xC3400, s0;
	[sflag:s15] =	ssyncset.done @!p3 $0x0  }
0x228: {  	s19 =	simm.s32 $0x400;
	s14 =	smov.u32 @p4 s0;
	[sflag:s15] =	ssyncadd.s32 @!p3 $0xFFFF8000  }
0x229: {  	[tilespmem:s25], [sflag:$0x2] =	stream.indirect.gather [spmem:s26], $0x80, s19, s31, $0xb8;
	[tilespmem:$0x1AB40] =	vst v63  }
0x22a: {  	s3 =	simm.s32 $0xCC00;
	s0 =	simm.s32 $0x480;
	s15 =	sshll.u32 s14, $0x4  }
0x22b: {  	[tilespmem:s3], [sflag:$0x2] =	stream.indirect.gather [spmem:s26], $0x80, s0, s31, $0xb8;
	[tilespmem:$0x1AB40] =	vst v63  }
0x22c: {  	s0 =	sadd.s32 s20, s22;
	s22 =	simm.s32 $0x10C00;
	_ =	swait.ge [sflag:s5], $0x4000  }
0x22d: {  	s1 =	sadd.s32 $0x186A0, s0;
	[sflag:s5] =	ssyncset.done $0x0  }
0x22e: {  	[sflag:s5] =	ssyncadd.s32 $0xFFFFC000  }
0x22f: {  	_ =	swait.ge [sflag:s5], $0x4000  }
0x230: {  	[sflag:s5] =	ssyncset.done $0x0  }
0x231: {  	[sflag:s5] =	ssyncadd.s32 $0xFFFFC000  }
0x232: {  	[tilespmem:s7], [sflag:$0x4] =	stream.linear.gather [hbm4b:s0+s7], $0x100, $0x38;
	[tilespmem:$0x1AB40] =	vst v63  }
0x233: {  	s14 =	simm.s32 $0x100  }
0x234: {  	[tilespmem:s6], [sflag:$0x4] =	stream.linear.gather [hbm4b:s1+s7], $0x100, $0x38;
	[tilespmem:$0x1AB40] =	vst v63  }
0x235: {  	s0 =	sadd.s32 s17, s9  }
0x236: {  	[hbm4b:s0+s7] =	stream.linear.scatter [tilespmem:s11], [sflag:$0x7], $0x8000, $0x38;
	[tilespmem:$0x1AB40] =	vst v63  }
0x237: {  	_ =	swait.ge [sflag:s21], $0x4000  }
0x238: {  	[sflag:s21] =	ssyncset.done $0x0  }
0x239: {  	[sflag:s21] =	ssyncadd.s32 $0xFFFFC000  }
0x23a: {  	_ =	swait.ge [sflag:s21], $0x4000  }
0x23b: {  	[sflag:s21] =	ssyncset.done $0x0  }
0x23c: {  	s1 =	simm.s32 $0x880;
	s0 =	simm.s32 $0x500;
	[sflag:s21] =	ssyncadd.s32 $0xFFFFC000  }
0x23d: {  	[tilespmem:s25], [sflag:$0x2] =	stream.indirect.gather.add.f32 [spmem:s26], $0x80, s0, s31, $0xb8;
	[tilespmem:$0x1AB40] =	vst v63  }
0x23e: {  	_ = 	snop  }
0x23f: {  	[tilespmem:s3], [sflag:$0x2] =	stream.indirect.gather.add.f32 [spmem:s26], $0x80, s30, s31, $0xb8;
	[tilespmem:$0x1AB40] =	vst v63  }
0x240: {  	_ =	swait.ge [sflag:s8], $0x100  }
0x241: {  	[sflag:s8] =	ssyncset.done $0x0  }
0x242: {  	[sflag:s8] =	ssyncadd.s32 $0xFFFFFF00  }
0x243: {  	_ =	swait.ge [sflag:s8], $0x100  }
0x244: {  	[sflag:s8] =	ssyncset.done $0x0  }
0x245: {  	s0 =	simm.s32 @!p3 $0x9;
	[sflag:s8] =	ssyncadd.s32 $0xFFFFFF00  }
0x246: {  	_ =	swait.ge @!p3 [sflag:s0], $0x8000  }
0x247: {  	[sflag:s0] =	ssyncset.done @!p3 $0x0  }
0x248: {  	[sflag:s0] =	ssyncadd.s32 @!p3 $0xFFFF8000  }
0x249: {  	[tilespmem:s22], [sflag:$0x3] =	stream.indirect.gather [spmem:s26], $0x80, s28, s31, $0xb8;
	[tilespmem:$0x1AB40] =	vst v63  }
0x24a: {  	_ = 	snop  }
0x24b: {  	[tilespmem:s10], [sflag:$0x3] =	stream.indirect.gather [spmem:s26], $0x80, s1, s31, $0xb8;
	[tilespmem:$0x1AB40] =	vst v63  }
0x24c: {  	s10 =	smov.u32 s26;
	s1 =	simm.s32 $0x14C00  }
0x24d: {  	s0 =	sadd.s32 s20, s18;
	_ =	swait.ge [sflag:s21], $0x4000  }
0x24e: {  	s3 =	sadd.s32 $0x186A0, s0;
	[sflag:s21] =	ssyncset.done $0x0  }
.Ltmp1:
0x24f: {  	[sflag:s21] =	ssyncadd.s32 $0xFFFFC000;
	(pc) =	sbr.rel @p2 .LBB2_4-.Ltmp1, $4  }
0x250: {  	_ =	swait.ge [sflag:s21], $0x4000  }
0x251: {  	[sflag:s21] =	ssyncset.done $0x0  }
0x252: {  	p4 =	seq.s32 s4, $0x5D00;
	s17 =	simm.s32 $0x400;
	[sflag:s21] =	ssyncadd.s32 $0xFFFFC000  }
0x253: {  	[tilespmem:s19], [sflag:$0x5] =	stream.linear.gather [hbm4b:s0+s7], $0x100, $0x38;
	[tilespmem:$0x1AB40] =	vst v63  }
0x254: {  	s6 =	simm.s32 $0x500;
	s7 =	simm.s32 $0x0  }
0x255: {  	[tilespmem:s6], [sflag:$0x5] =	stream.linear.gather [hbm4b:s3+s7], $0x100, $0x38;
	[tilespmem:$0x1AB40] =	vst v63  }
0x256: {  	s0 =	sadd.s32 s24, s16  }
0x257: {  	[hbm4b:s0+s7] =	stream.linear.scatter [tilespmem:s25], [sflag:$0x8], $0x8000, $0x38;
	[tilespmem:$0x1AB40] =	vst v63  }
0x258: {  	_ =	swait.ge [sflag:s13], $0x4000  }
0x259: {  	[sflag:s13] =	ssyncset.done $0x0  }
0x25a: {  	[sflag:s13] =	ssyncadd.s32 $0xFFFFC000  }
0x25b: {  	_ =	swait.ge [sflag:s13], $0x4000  }
0x25c: {  	[sflag:s13] =	ssyncset.done $0x0  }
0x25d: {  	s11 =	simm.s32 $0x900;
	[sflag:s13] =	ssyncadd.s32 $0xFFFFC000  }
0x25e: {  	[tilespmem:s22], [sflag:$0x3] =	stream.indirect.gather.add.f32 [spmem:s10], $0x80, s11, s31, $0xb8;
	[tilespmem:$0x1AB40] =	vst v63  }
0x25f: {  	s16 =	simm.s32 $0x980;
	s18 =	simm.s32 $0x4  }
0x260: {  	[tilespmem:s1], [sflag:$0x3] =	stream.indirect.gather.add.f32 [spmem:s10], $0x80, s16, s31, $0xb8;
	[tilespmem:$0x1AB40] =	vst v63  }
0x261: {  	_ =	swait.ge [sflag:s18], $0x100  }
0x262: {  	[sflag:s18] =	ssyncset.done $0x0  }
0x263: {  	[sflag:s18] =	ssyncadd.s32 $0xFFFFFF00  }
0x264: {  	s0 =	sadd.s32 @!p4 s4, s12;
	_ =	swait.ge [sflag:s18], $0x100  }
0x265: {  	s1 =	sadd.s32 @!p4 $0xFFF3D1FF, s0;
	[sflag:s18] =	ssyncset.done $0x0  }
0x266: {  	s8 =	simm.s32 $0x7;
	s2 =	sshra.s32 @!p4 s1, $0x1F;
	[sflag:s18] =	ssyncadd.s32 $0xFFFFFF00  }
0x267: {  	s3 =	sshrl.u32 @!p4 s2, $0x18;
	_ =	swait.ge [sflag:s8], $0x8000  }
0x268: {  	s1 =	sadd.s32 @!p4 s3, s1;
	[sflag:s8] =	ssyncset.done $0x0  }
0x269: {  	s3 =	simm.s32 $0xC00;
	s1 =	sshrl.u32 @!p4 s1, $0x8;
	[sflag:s8] =	ssyncadd.s32 $0xFFFF8000  }
0x26a: {  	[tilespmem:s3], [sflag:$0x1] =	stream.indirect.gather [spmem:s10], $0x80, s7, s31, $0xb8;
	[tilespmem:$0x1AB40] =	vst v63  }
0x26b: {  	s19 =	simm.s32 $0x4C00;
	s1 =	sadd.s32 @!p4 s2, s1  }
0x26c: {  	[tilespmem:s19], [sflag:$0x1] =	stream.indirect.gather [spmem:s10], $0x80, s31, s31, $0xb8;
	[tilespmem:$0x1AB40] =	vst v63  }
0x26d: {  	s0 =	sadd.s32 @!p4 $0x500, s0;
	s1 =	sshll.u32 @!p4 s1, $0x8;
	_ =	swait.ge [sflag:s13], $0x4000  }
0x26e: {  	p2 =	sgt.u32 @!p4 s0, $0xC3400;
	s1 =	sand.u32 @!p4 $0xF00, s1;
	[sflag:s13] =	ssyncset.done $0x0  }
0x26f: {  	p2 =	por !p2, p4;
	s1 =	ssub.s32 @!p4 $0xC3400, s1;
	[sflag:s13] =	ssyncadd.s32 $0xFFFFC000  }
0x270: {  	s1 =	smov.u32 @p2 s0;
	_ =	swait.ge [sflag:s13], $0x4000  }
0x271: {  	s2 =	simm.s32 @!p4 $0x0;
	s1 =	sshrl.u32 @!p4 s1, $0x3;
	[sflag:s13] =	ssyncset.done $0x0  }
0x272: {  	s0 =	simm.s32 @!p4 $0x800;
	s1 =	sadd.s32 @!p4 s20, s1;
	[sflag:s13] =	ssyncadd.s32 $0xFFFFC000  }
0x273: {  	[tilespmem:s0], [sflag:$0x6] =	stream.linear.gather @!p4 [hbm4b:s1+s2], $0x100, $0x38;
	[tilespmem:$0x1AB40] =	vst v63  }
0x274: {  	s0 =	simm.s32 @!p4 $0x900;
	s1 =	sadd.s32 @!p4 $0x186A0, s1  }
0x275: {  	[tilespmem:s0], [sflag:$0x6] =	stream.linear.gather @!p4 [hbm4b:s1+s2], $0x100, $0x38;
	[tilespmem:$0x1AB40] =	vst v63  }
0x276: {  	s2 =	sadd.s32 s24, s15  }
0x277: {  	[hbm4b:s2+s7] =	stream.linear.scatter [tilespmem:s22], [sflag:$0x9], $0x8000, $0x38;
	[tilespmem:$0x1AB40] =	vst v63  }
0x278: {  	_ =	swait.ge [sflag:s5], $0x4000  }
0x279: {  	[sflag:s5] =	ssyncset.done $0x0  }
0x27a: {  	[sflag:s5] =	ssyncadd.s32 $0xFFFFC000  }
0x27b: {  	_ =	swait.ge [sflag:s5], $0x4000  }
0x27c: {  	[sflag:s5] =	ssyncset.done $0x0  }
0x27d: {  	[sflag:s5] =	ssyncadd.s32 $0xFFFFC000  }
0x27e: {  	[tilespmem:s3], [sflag:$0x1] =	stream.indirect.gather.add.f32 [spmem:s10], $0x80, s14, s31, $0xb8;
	[tilespmem:$0x1AB40] =	vst v63  }
0x27f: {  	_ = 	snop  }
0x280: {  	[tilespmem:s19], [sflag:$0x1] =	stream.indirect.gather.add.f32 [spmem:s10], $0x80, s29, s31, $0xb8;
	[tilespmem:$0x1AB40] =	vst v63  }
0x281: {  	_ =	swait.ge [sflag:s23], $0x100  }
0x282: {  	[sflag:s23] =	ssyncset.done $0x0  }
0x283: {  	[sflag:s23] =	ssyncadd.s32 $0xFFFFFF00  }
0x284: {  	_ =	swait.ge [sflag:s23], $0x100  }
0x285: {  	[sflag:s23] =	ssyncset.done $0x0  }
0x286: {  	s4 =	simm.s32 $0x8;
	[sflag:s23] =	ssyncadd.s32 $0xFFFFFF00  }
0x287: {  	_ =	swait.ge [sflag:s4], $0x8000  }
0x288: {  	[sflag:s4] =	ssyncset.done $0x0  }
0x289: {  	[sflag:s4] =	ssyncadd.s32 $0xFFFF8000  }
0x28a: {  	[tilespmem:s25], [sflag:$0x2] =	stream.indirect.gather [spmem:s10], $0x80, s17, s31, $0xb8;
	[tilespmem:$0x1AB40] =	vst v63  }
0x28b: {  	s9 =	simm.s32 $0xCC00;
	s15 =	simm.s32 $0x480  }
0x28c: {  	[tilespmem:s9], [sflag:$0x2] =	stream.indirect.gather [spmem:s10], $0x80, s15, s31, $0xb8;
	[tilespmem:$0x1AB40] =	vst v63  }
0x28d: {  	_ =	swait.ge [sflag:s5], $0x4000  }
0x28e: {  	[sflag:s5] =	ssyncset.done $0x0  }
0x28f: {  	[sflag:s5] =	ssyncadd.s32 $0xFFFFC000  }
0x290: {  	_ =	swait.ge [sflag:s5], $0x4000  }
0x291: {  	[sflag:s5] =	ssyncset.done $0x0  }
0x292: {  	s16 =	rddreg [dreg:$0x13];
	[sflag:s5] =	ssyncadd.s32 $0xFFFFC000  }
0x293: {  	[hbm4b:s16+s7] =	stream.linear.scatter [tilespmem:s3], [sflag:$0x7], $0x8000, $0x38;
	[tilespmem:$0x1AB40] =	vst v63  }
0x294: {  	_ =	swait.ge [sflag:s21], $0x4000  }
0x295: {  	[sflag:s21] =	ssyncset.done $0x0  }
0x296: {  	[sflag:s21] =	ssyncadd.s32 $0xFFFFC000  }
0x297: {  	_ =	swait.ge [sflag:s21], $0x4000  }
0x298: {  	[sflag:s21] =	ssyncset.done $0x0  }
0x299: {  	[sflag:s21] =	ssyncadd.s32 $0xFFFFC000  }
0x29a: {  	[tilespmem:s25], [sflag:$0x2] =	stream.indirect.gather.add.f32 [spmem:s10], $0x80, s6, s31, $0xb8;
	[tilespmem:$0x1AB40] =	vst v63  }
0x29b: {  	_ = 	snop  }
0x29c: {  	[tilespmem:s9], [sflag:$0x2] =	stream.indirect.gather.add.f32 [spmem:s10], $0x80, s30, s31, $0xb8;
	[tilespmem:$0x1AB40] =	vst v63  }
0x29d: {  	_ =	swait.ge [sflag:s21], $0x4000  }
0x29e: {  	[sflag:s21] =	ssyncset.done $0x0  }
0x29f: {  	[sflag:s21] =	ssyncadd.s32 $0xFFFFC000  }
0x2a0: {  	_ =	swait.ge [sflag:s21], $0x4000  }
0x2a1: {  	[sflag:s21] =	ssyncset.done $0x0  }
0x2a2: {  	s22 =	simm.s32 $0x9;
	s19 =	rddreg [dreg:$0x14];
	[sflag:s21] =	ssyncadd.s32 $0xFFFFC000  }
0x2a3: {  	[hbm4b:s19+s7] =	stream.linear.scatter [tilespmem:s25], [sflag:$0x8], $0x8000, $0x38;
	[tilespmem:$0x1AB40] =	vst v63  }
0x2a4: {  	_ =	swait.ge [sflag:s22], $0x8000  }
0x2a5: {  	[sflag:s22] =	ssyncset.done $0x0  }
0x2a6: {  	[sflag:s22] =	ssyncadd.s32 $0xFFFF8000  }
0x2a7: {  	_ =	swait.ge [sflag:s8], $0x8000  }
0x2a8: {  	[sflag:s8] =	ssyncset.done $0x0  }
0x2a9: {  	[sflag:s8] =	ssyncadd.s32 $0xFFFF8000  }
0x2aa: {  	_ =	swait.ge [sflag:s4], $0x8000  }
0x2ab: {  	s23 =	sld [smem:$0x7EF];
	_ =	sdelay $0x2  }
0x2ac: {  	s29 =	rddreg [dreg:$0x15];
	s2 =	sadd.s32 $0x1, s23  }
0x2ad: {  	p2 =	sne.s32 s2, s29  }
.Ltmp2:
0x2ae: {  	s11 =	simm.s32 $0xC00;
	s18 =	simm.s32 $0x4C00;
	(pc) =	sbr.rel @p2 .LBB2_1-.Ltmp2, $4  }
0x2af: {  	s1 =	simm.s32 $0x200;
	s15 =	simm.s32 $0xA00;
	[sflag:s4] =	ssyncset.done $0x0  }
0x2b0: {  	s16 =	simm.s32 $0xB00;
	s10 =	rddreg [dreg:$0x9];
	[sflag:s4] =	ssyncadd.s32 $0xFFFF8000  }
0x2b1: {  	s9 =	simm.s32 $0x700;
	s8 =	simm.s32 $0x6;
	s6 =	rddreg [dreg:$0x1]  }
0x2b2: {  	s4 =	simm.s32 $0x300;
	s19 =	rddreg [dreg:$0x3];
	s23 =	simm.s32 $0x5  }
0x2b3: {  	_ =	sfence.sel $0x180000  }
0x2b4: {  	[bflag:$0x0] =	sbarrier.arrive $0xFFFF  }
0x2b5: {  	_ =	strace $0x90000047  }
0x2b6: {  	s0 =	stileid.u32;
	[bflag:$0x2] =	sbarrier.arrive $0xFFFF  }
0x2b7: {  	p0 =	sne.s32 s0, $0x0;
	s0 =	rddreg [dreg:$0x6]  }
0x2b8: {  	s0 =	sadd.s32 @!p0 $0x100000, s0  }
0x2b9: {  	[sflag:s0] =	ssyncadd.tile.s32 @!p0 $0x1;
	_ =	shalt  }
.Lfunc_end2:
_tile_overlayer_lowered:
.L_overlay_start_2:
0x2ba: {  	(tag) =	ssettag $0x2  }
0x2bb: {  	s0 =	rddreg [dreg:$0x0];
	s2 =	stileid.u32  }
0x2bc: {  	s1 =	rddreg [dreg:$0x1];
	p0 =	sne.s32 s2, $0x0  }
0x2bd: {  	s3 =	rddreg [dreg:$0x2];
	[bflag:$0x3] =	sbarrier.arrive $0xFFFF;
	s2 =	simm.s32 @!p0 $0x1C0A  }
0x2be: {  	[timem:s3], [sflag:s2] =	dma.local @!p0 [hbm:s0], s1  }
0x2bf: {  	s0 =	simm.s32 @!p0 $0xA  }
0x2c0: {  	_ =	swait.ge @!p0 [sflag:s0], s1  }
0x2c1: {  	s1 =	ssub.s32 @!p0 $0x0, s1;
	[sflag:s0] =	ssyncset.done @!p0 $0x0  }
0x2c2: {  	[sflag:s0] =	ssyncadd.s32 @!p0 s1  }
0x2c3: {  	[bflag:$0x3] =	sbarrier.arrive $0xFFFF  }
0x2c4: {  	_ =	shalt  }

</sc_bundles>
